<compile_context>
chip_gen: v7x
topology: tpu7x:2x2x1
jax: 0.10.2.dev20260603
libtpu: 0.0.44.dev20260713+nightly
codegen_flags: <defaults>
</compile_context>

<pallas_src>
import functools

import jax
import jax.numpy as jnp
from jax import lax
from jax.experimental import pallas as pl
from jax.experimental.pallas import tpu as pltpu
from jax.experimental.pallas import tpu_sc as plsc

B = 16384
MAX_LEN = 50
VOCAB = 1000000
EMBED = 32

N = B * MAX_LEN
NW = 32
NPW = N // NW
BCH = 16
CH = BCH * MAX_LEN
NCHUNK = NPW // CH
NBUF = 4
BPW = B // NW

_mesh = plsc.VectorSubcoreMesh(core_axis_name="c", subcore_axis_name="s")


@functools.partial(
    pl.kernel,
    mesh=_mesh,
    compiler_params=pltpu.CompilerParams(use_tc_tiling_on_sc=False),
    out_type=jax.ShapeDtypeStruct((N, EMBED), jnp.float32),
    scratch_types=[
        pltpu.VMEM((NPW,), jnp.int32),
        pltpu.VMEM((NBUF, CH, EMBED), jnp.float32),
        pltpu.VMEM((BPW + 16,), jnp.int32),
        pltpu.SemaphoreType.DMA,
        pltpu.SemaphoreType.DMA,
        pltpu.SemaphoreType.DMA,
        pltpu.SemaphoreType.DMA,
        pltpu.SemaphoreType.DMA,
        pltpu.SemaphoreType.DMA,
        pltpu.SemaphoreType.DMA,
        pltpu.SemaphoreType.DMA,
    ],
)
def _embed_sc(
    idx_hbm, seq_hbm, table_hbm, out_hbm, idx_v, rows_v, seq_v,
    gsem0, gsem1, gsem2, gsem3, osem0, osem1, osem2, osem3,
):
    wid = lax.axis_index("s") * 2 + lax.axis_index("c")
    base = wid * NPW
    pltpu.sync_copy(seq_hbm.at[pl.ds(wid * BPW, BPW)], seq_v.at[pl.ds(0, BPW)])
    pltpu.sync_copy(idx_hbm.at[pl.ds(base, NPW)], idx_v)
    zvec = jnp.zeros((16,), jnp.float32)
    gsems = (gsem0, gsem1, gsem2, gsem3)
    osems = (osem0, osem1, osem2, osem3)

    def fire_gather(g):
        return pltpu.async_copy(
            table_hbm.at[idx_v.at[pl.ds(g * CH, CH)]],
            rows_v.at[(g % NBUF)],
            gsems[g % NBUF],
        )

    def zero_chunk(g):
        s = g % NBUF

        def zero_b(brel, _):
            sl = seq_v[pl.ds(g * BCH + brel, 16)][0]

            def zero_row(r, _):
                rows_v[s, brel * MAX_LEN + r, pl.ds(0, 16)] = zvec
                rows_v[s, brel * MAX_LEN + r, pl.ds(16, 16)] = zvec
                return 0

            lax.fori_loop(sl, MAX_LEN, zero_row, 0)
            return 0

        lax.fori_loop(0, BCH, zero_b, 0)

    out_copies = [None] * NBUF
    gathers = [None] * NBUF
    for g in range(NBUF - 1):
        gathers[g] = fire_gather(g)
    for g in range(NCHUNK):
        s = g % NBUF
        f = g + NBUF - 1
        if f < NCHUNK:
            sf = f % NBUF
            if out_copies[sf] is not None:
                out_copies[sf].wait()
            gathers[sf] = fire_gather(f)
        gathers[s].wait()
        zero_chunk(g)
        out_copies[s] = pltpu.async_copy(
            rows_v.at[s], out_hbm.at[pl.ds(base + g * CH, CH)], osems[s]
        )
    for c in out_copies:
        if c is not None:
            c.wait()


def kernel(indices, seq_lens, table):
    idx = indices.astype(jnp.int32).reshape(-1)
    seq = seq_lens.astype(jnp.int32)
    out = _embed_sc(idx, seq, table)
    return out.reshape(B, MAX_LEN * EMBED)

# --- scband reference (transcript-rebuilt; emitter-appended) ---
"""Pipeline reference for scband-baseline-embed-79310866088491 (READ-ONLY COPY).

The authoritative reference and input builder live on the scoring server;
editing this copy changes nothing except your own understanding.
"""

import jax, jax.numpy as jnp
import numpy as np

B = 16384
MAX_LEN = 50
VOCAB = 1000000
EMBED = 32

def setup_inputs(seed: int = 0) -> dict:
    key = jax.random.key(seed)
    k1, k2, k3 = jax.random.split(key, 3)
    indices = jax.random.randint(k1, (B, MAX_LEN), 0, VOCAB, dtype=jnp.int64)
    seq_lens = jax.random.randint(k2, (B,), 0, MAX_LEN, dtype=jnp.int64)
    table = jax.random.normal(k3, (VOCAB, EMBED), dtype=jnp.float32) * 0.02
    return {"indices": indices, "seq_lens": seq_lens, "table": table}

def reference(indices, seq_lens, table):
    # Faithful to BaselineEmbed.forward: each key yields an embed buffer of
    # shape [max_len, embed_size], with the first len(token_idxs) rows filled
    # by embedding lookups and the rest left as zeros; buffers are stacked
    # and flattened to [B, max_len * embed_size].
    emb = jnp.take(table, indices, axis=0)  # gather: [B, MAX_LEN, EMBED]
    pos = jnp.arange(MAX_LEN, dtype=seq_lens.dtype)[None, :]
    mask = (pos < seq_lens[:, None]).astype(emb.dtype)[:, :, None]
    emb = emb * mask  # zero out rows beyond the token count (padding)
    return emb.reshape(emb.shape[0], -1)

if __name__ == "__main__":
    import jax
    _d = setup_inputs()
    print(jax.jit(kernel)(*tuple(_d.values())))

</pallas_src>

<mosaic_0001>
#map = affine_map<(d0, d1) -> (0)>
#map1 = affine_map<(d0, d1) -> (0, 0)>
module attributes {stable_mosaic.version = 14 : i64} {
  func.func @_embed_sc(%arg0: i32, %arg1: i32, %arg2: memref<819200xi32, #tpu.memory_space<hbm>>, %arg3: memref<16384xi32, #tpu.memory_space<hbm>>, %arg4: memref<1000000x32xf32, #tpu.memory_space<hbm>>, %arg5: memref<819200x32xf32, #tpu.memory_space<hbm>>, %arg6: memref<25600xi32, #tpu.memory_space<vmem>>, %arg7: memref<4x800x32xf32, #tpu.memory_space<vmem>>, %arg8: memref<528xi32, #tpu.memory_space<vmem>>, %arg9: memref<!tpu.dma_semaphore, #tpu.memory_space<semaphore_mem>>, %arg10: memref<!tpu.dma_semaphore, #tpu.memory_space<semaphore_mem>>, %arg11: memref<!tpu.dma_semaphore, #tpu.memory_space<semaphore_mem>>, %arg12: memref<!tpu.dma_semaphore, #tpu.memory_space<semaphore_mem>>, %arg13: memref<!tpu.dma_semaphore, #tpu.memory_space<semaphore_mem>>, %arg14: memref<!tpu.dma_semaphore, #tpu.memory_space<semaphore_mem>>, %arg15: memref<!tpu.dma_semaphore, #tpu.memory_space<semaphore_mem>>, %arg16: memref<!tpu.dma_semaphore, #tpu.memory_space<semaphore_mem>>) attributes {dimension_semantics = [#tpu.dimension_semantics<core_parallel>, #tpu.dimension_semantics<subcore_parallel>], iteration_bounds = array<i64: 2, 16>, scalar_prefetch = 0 : i64, scratch_operands = 11 : i64, tpu.core_type = #tpu.core_type<sc_vector_subcore>, window_params = [{transform_indices = #map}, {transform_indices = #map}, {transform_indices = #map1}, {transform_indices = #map1}]} {
    %mul3A = arith.constant 2 : i32
    %mul3A_0 = arith.muli %arg1, %mul3A : i32
    %add3A = arith.addi %mul3A_0, %arg0 : i32
    %mul3A_1 = arith.constant 25600 : i32
    %mul3A_2 = arith.muli %add3A, %mul3A_1 : i32
    %mul3A_3 = arith.constant 512 : i32
    %mul3A_4 = arith.muli %add3A, %mul3A_3 : i32
    "tpu.region"() ({
      %run_scoped3A = tpu.sem_alloc : memref<!tpu.dma_semaphore, #tpu.memory_space<semaphore_mem>>
      %dma_start3A_1763 = arith.constant 0 : i32
      %dma_start3A_1764 = tpu.memref_slice %arg8[%dma_start3A_1763] : memref<528xi32, #tpu.memory_space<vmem>> -> memref<512xi32, #tpu.memory_space<vmem>>
      %dma_start3A_1765 = tpu.memref_slice %arg3[%mul3A_4] : memref<16384xi32, #tpu.memory_space<hbm>> -> memref<512xi32, #tpu.memory_space<hbm>>
      %dma_start3A_1766 = arith.constant 0 : i32
      %dma_start3A_1767 = tpu.memref_slice %arg8[%dma_start3A_1766] : memref<528xi32, #tpu.memory_space<vmem>> -> memref<512xi32, #tpu.memory_space<vmem>>
      %dma_start3A_1768 = tpu.memref_slice %arg3[%mul3A_4] : memref<16384xi32, #tpu.memory_space<hbm>> -> memref<512xi32, #tpu.memory_space<hbm>>
      tpu.enqueue_dma source(%dma_start3A_1768 : memref<512xi32, #tpu.memory_space<hbm>>) target(%dma_start3A_1767 : memref<512xi32, #tpu.memory_space<vmem>>) target_semaphore(%run_scoped3A : memref<!tpu.dma_semaphore, #tpu.memory_space<semaphore_mem>>)
      %dma_wait3A_1769 = arith.constant 0 : i32
      %dma_wait3A_1770 = tpu.memref_slice %arg8[%dma_wait3A_1769] : memref<528xi32, #tpu.memory_space<vmem>> -> memref<512xi32, #tpu.memory_space<vmem>>
      %dma_wait3A_1771 = tpu.memref_slice %arg3[%mul3A_4] : memref<16384xi32, #tpu.memory_space<hbm>> -> memref<512xi32, #tpu.memory_space<hbm>>
      %dma_wait3A_1772 = arith.constant 0 : i32
      %dma_wait3A_1773 = tpu.memref_slice %arg8[%dma_wait3A_1772] : memref<528xi32, #tpu.memory_space<vmem>> -> memref<512xi32, #tpu.memory_space<vmem>>
      %dma_wait3A_1774 = tpu.memref_slice %arg3[%mul3A_4] : memref<16384xi32, #tpu.memory_space<hbm>> -> memref<512xi32, #tpu.memory_space<hbm>>
      tpu.wait_dma2 semaphore(%run_scoped3A : memref<!tpu.dma_semaphore, #tpu.memory_space<semaphore_mem>>) src(%dma_wait3A_1774 : memref<512xi32, #tpu.memory_space<hbm>>) dst(%dma_wait3A_1773 : memref<512xi32, #tpu.memory_space<vmem>>)
      tpu.yield
    }) : () -> ()
    "tpu.region"() ({
      %run_scoped3A = tpu.sem_alloc : memref<!tpu.dma_semaphore, #tpu.memory_space<semaphore_mem>>
      %dma_start3A_1763 = tpu.memref_slice %arg2[%mul3A_2] : memref<819200xi32, #tpu.memory_space<hbm>> -> memref<25600xi32, #tpu.memory_space<hbm>>
      %dma_start3A_1764 = tpu.memref_slice %arg2[%mul3A_2] : memref<819200xi32, #tpu.memory_space<hbm>> -> memref<25600xi32, #tpu.memory_space<hbm>>
      tpu.enqueue_dma source(%dma_start3A_1764 : memref<25600xi32, #tpu.memory_space<hbm>>) target(%arg6 : memref<25600xi32, #tpu.memory_space<vmem>>) target_semaphore(%run_scoped3A : memref<!tpu.dma_semaphore, #tpu.memory_space<semaphore_mem>>)
      %dma_wait3A_1765 = tpu.memref_slice %arg2[%mul3A_2] : memref<819200xi32, #tpu.memory_space<hbm>> -> memref<25600xi32, #tpu.memory_space<hbm>>
      %dma_wait3A_1766 = tpu.memref_slice %arg2[%mul3A_2] : memref<819200xi32, #tpu.memory_space<hbm>> -> memref<25600xi32, #tpu.memory_space<hbm>>
      tpu.wait_dma2 semaphore(%run_scoped3A : memref<!tpu.dma_semaphore, #tpu.memory_space<semaphore_mem>>) src(%dma_wait3A_1766 : memref<25600xi32, #tpu.memory_space<hbm>>) dst(%arg6 : memref<25600xi32, #tpu.memory_space<vmem>>)
      tpu.yield
    }) : () -> ()
    %broadcast_in_dim3A = arith.constant 0.000000e+00 : f32
    %broadcast_in_dim3A_5 = vector.broadcast %broadcast_in_dim3A : f32 to vector<16xf32>
    %dma_start3A = arith.constant 0 : i32
    %dma_start3A_6 = arith.constant 0 : i32
    %dma_start3A_7 = arith.constant 0 : i32
    %dma_start3A_8 = tpu.memref_slice %arg7[%dma_start3A, %dma_start3A_6, %dma_start3A_7] : memref<4x800x32xf32, #tpu.memory_space<vmem>> -> memref<1x800x32xf32, #tpu.memory_space<vmem>>
    %dma_start3A_9 = tpu.memref_squeeze %dma_start3A_8 : memref<1x800x32xf32, #tpu.memory_space<vmem>> -> memref<800x32xf32, #tpu.memory_space<vmem>>
    %dma_start3A_10 = arith.constant 0 : i32
    %dma_start3A_11 = tpu.memref_slice %arg6[%dma_start3A_10] : memref<25600xi32, #tpu.memory_space<vmem>> -> memref<800xi32, #tpu.memory_space<vmem>>
    %dma_start3A_12 = arith.constant 0 : i32
    %dma_start3A_13 = arith.constant 0 : i32
    %dma_start3A_14 = tpu.memref_slice %arg4[%dma_start3A_12, %dma_start3A_13] : memref<1000000x32xf32, #tpu.memory_space<hbm>> -> memref<1000000x32xf32, #tpu.memory_space<hbm>>
    tpu.enqueue_indirect_dma source(%dma_start3A_14 : memref<1000000x32xf32, #tpu.memory_space<hbm>>) target(%dma_start3A_9 : memref<800x32xf32, #tpu.memory_space<vmem>>) offsets(%dma_start3A_11 : memref<800xi32, #tpu.memory_space<vmem>>) semaphore(%arg9 : memref<!tpu.dma_semaphore, #tpu.memory_space<semaphore_mem>>)
    %dma_start3A_15 = arith.constant 1 : i32
    %dma_start3A_16 = arith.constant 0 : i32
    %dma_start3A_17 = arith.constant 0 : i32
    %dma_start3A_18 = tpu.memref_slice %arg7[%dma_start3A_15, %dma_start3A_16, %dma_start3A_17] : memref<4x800x32xf32, #tpu.memory_space<vmem>> -> memref<1x800x32xf32, #tpu.memory_space<vmem>>
    %dma_start3A_19 = tpu.memref_squeeze %dma_start3A_18 : memref<1x800x32xf32, #tpu.memory_space<vmem>> -> memref<800x32xf32, #tpu.memory_space<vmem>>
    %dma_start3A_20 = arith.constant 800 : i32
    %dma_start3A_21 = tpu.memref_slice %arg6[%dma_start3A_20] : memref<25600xi32, #tpu.memory_space<vmem>> -> memref<800xi32, #tpu.memory_space<vmem>>
    %dma_start3A_22 = arith.constant 0 : i32
    %dma_start3A_23 = arith.constant 0 : i32
    %dma_start3A_24 = tpu.memref_slice %arg4[%dma_start3A_22, %dma_start3A_23] : memref<1000000x32xf32, #tpu.memory_space<hbm>> -> memref<1000000x32xf32, #tpu.memory_space<hbm>>
    tpu.enqueue_indirect_dma source(%dma_start3A_24 : memref<1000000x32xf32, #tpu.memory_space<hbm>>) target(%dma_start3A_19 : memref<800x32xf32, #tpu.memory_space<vmem>>) offsets(%dma_start3A_21 : memref<800xi32, #tpu.memory_space<vmem>>) semaphore(%arg10 : memref<!tpu.dma_semaphore, #tpu.memory_space<semaphore_mem>>)
    %dma_start3A_25 = arith.constant 2 : i32
    %dma_start3A_26 = arith.constant 0 : i32
    %dma_start3A_27 = arith.constant 0 : i32
    %dma_start3A_28 = tpu.memref_slice %arg7[%dma_start3A_25, %dma_start3A_26, %dma_start3A_27] : memref<4x800x32xf32, #tpu.memory_space<vmem>> -> memref<1x800x32xf32, #tpu.memory_space<vmem>>
    %dma_start3A_29 = tpu.memref_squeeze %dma_start3A_28 : memref<1x800x32xf32, #tpu.memory_space<vmem>> -> memref<800x32xf32, #tpu.memory_space<vmem>>
    %dma_start3A_30 = arith.constant 1600 : i32
    %dma_start3A_31 = tpu.memref_slice %arg6[%dma_start3A_30] : memref<25600xi32, #tpu.memory_space<vmem>> -> memref<800xi32, #tpu.memory_space<vmem>>
    %dma_start3A_32 = arith.constant 0 : i32
    %dma_start3A_33 = arith.constant 0 : i32
    %dma_start3A_34 = tpu.memref_slice %arg4[%dma_start3A_32, %dma_start3A_33] : memref<1000000x32xf32, #tpu.memory_space<hbm>> -> memref<1000000x32xf32, #tpu.memory_space<hbm>>
    tpu.enqueue_indirect_dma source(%dma_start3A_34 : memref<1000000x32xf32, #tpu.memory_space<hbm>>) target(%dma_start3A_29 : memref<800x32xf32, #tpu.memory_space<vmem>>) offsets(%dma_start3A_31 : memref<800xi32, #tpu.memory_space<vmem>>) semaphore(%arg11 : memref<!tpu.dma_semaphore, #tpu.memory_space<semaphore_mem>>)
    %dma_start3A_35 = arith.constant 3 : i32
    %dma_start3A_36 = arith.constant 0 : i32
    %dma_start3A_37 = arith.constant 0 : i32
    %dma_start3A_38 = tpu.memref_slice %arg7[%dma_start3A_35, %dma_start3A_36, %dma_start3A_37] : memref<4x800x32xf32, #tpu.memory_space<vmem>> -> memref<1x800x32xf32, #tpu.memory_space<vmem>>
    %dma_start3A_39 = tpu.memref_squeeze %dma_start3A_38 : memref<1x800x32xf32, #tpu.memory_space<vmem>> -> memref<800x32xf32, #tpu.memory_space<vmem>>
    %dma_start3A_40 = arith.constant 2400 : i32
    %dma_start3A_41 = tpu.memref_slice %arg6[%dma_start3A_40] : memref<25600xi32, #tpu.memory_space<vmem>> -> memref<800xi32, #tpu.memory_space<vmem>>
    %dma_start3A_42 = arith.constant 0 : i32
    %dma_start3A_43 = arith.constant 0 : i32
    %dma_start3A_44 = tpu.memref_slice %arg4[%dma_start3A_42, %dma_start3A_43] : memref<1000000x32xf32, #tpu.memory_space<hbm>> -> memref<1000000x32xf32, #tpu.memory_space<hbm>>
    tpu.enqueue_indirect_dma source(%dma_start3A_44 : memref<1000000x32xf32, #tpu.memory_space<hbm>>) target(%dma_start3A_39 : memref<800x32xf32, #tpu.memory_space<vmem>>) offsets(%dma_start3A_41 : memref<800xi32, #tpu.memory_space<vmem>>) semaphore(%arg12 : memref<!tpu.dma_semaphore, #tpu.memory_space<semaphore_mem>>)
    %dma_wait3A = arith.constant 0 : i32
    %dma_wait3A_45 = arith.constant 0 : i32
    %dma_wait3A_46 = arith.constant 0 : i32
    %dma_wait3A_47 = tpu.memref_slice %arg7[%dma_wait3A, %dma_wait3A_45, %dma_wait3A_46] : memref<4x800x32xf32, #tpu.memory_space<vmem>> -> memref<1x800x32xf32, #tpu.memory_space<vmem>>
    %dma_wait3A_48 = tpu.memref_squeeze %dma_wait3A_47 : memref<1x800x32xf32, #tpu.memory_space<vmem>> -> memref<800x32xf32, #tpu.memory_space<vmem>>
    %dma_wait3A_49 = arith.constant 0 : i32
    %dma_wait3A_50 = tpu.memref_slice %arg6[%dma_wait3A_49] : memref<25600xi32, #tpu.memory_space<vmem>> -> memref<800xi32, #tpu.memory_space<vmem>>
    %dma_wait3A_51 = arith.constant 0 : i32
    %dma_wait3A_52 = arith.constant 0 : i32
    %dma_wait3A_53 = tpu.memref_slice %arg4[%dma_wait3A_51, %dma_wait3A_52] : memref<1000000x32xf32, #tpu.memory_space<hbm>> -> memref<1000000x32xf32, #tpu.memory_space<hbm>>
    tpu.wait_indirect_dma semaphore(%arg9 : memref<!tpu.dma_semaphore, #tpu.memory_space<semaphore_mem>>) src(%dma_wait3A_53 : memref<1000000x32xf32, #tpu.memory_space<hbm>>) dst(%dma_wait3A_48 : memref<800x32xf32, #tpu.memory_space<vmem>>)
    %scan3A = arith.constant 0 : i32
    %scan3A_54 = arith.constant 0 : i32
    %scan3A_55 = arith.constant 16 : i32
    %scan3A_56 = arith.addi %scan3A_54, %scan3A_55 : i32
    %scan3A_57 = arith.constant 1 : i32
    %scan3A_58 = scf.for %scan3A_1763 = %scan3A_54 to %scan3A_56 step %scan3A_57 iter_args(%scan3A_1764 = %scan3A) -> (i32)  : i32 {
      %add3A_1765 = arith.constant 0 : i32
      %add3A_1766 = arith.addi %add3A_1765, %scan3A_1763 : i32
      %get3A = arith.index_cast %add3A_1766 : i32 to index
      %get3A_1767 = tpu.vector_load %arg8[%get3A] {strides = array<i32>} : memref<528xi32, #tpu.memory_space<vmem>>, vector<16xi32>,
      %get3A_1768 = vector.shape_cast %get3A_1767 : vector<16xi32> to vector<16xi32>
      %slice3A = vector.extract_strided_slice %get3A_1768 {offsets = [0], sizes = [1], strides = [1]} : vector<16xi32> to vector<1xi32>
      %squeeze3A = vector.extract %slice3A[0] : i32 from vector<1xi32>
      %while3A = arith.constant 50 : i32
      %while3A_1769 = arith.constant 0 : i32
      %while3A_1770 = arith.subi %while3A, %squeeze3A : i32
      %while3A_1771 = arith.addi %squeeze3A, %while3A_1770 : i32
      %while3A_1772 = arith.constant 1 : i32
      %while3A_1773 = arith.divsi %while3A_1770, %while3A_1772 : i32
      %while3A_1774 = arith.muli %while3A_1773, %while3A_1772 : i32
      %while3A_1775 = arith.addi %squeeze3A, %while3A_1774 : i32
      %while3A_1776 = arith.constant 1 : i32
      %while3A_1777 = scf.for %while3A_1781 = %squeeze3A to %while3A_1775 step %while3A_1776 iter_args(%while3A_1782 = %while3A_1769) -> (i32)  : i32 {
        %mul3A_1783 = arith.constant 50 : i32
        %mul3A_1784 = arith.muli %scan3A_1763, %mul3A_1783 : i32
        %add3A_1785 = arith.addi %mul3A_1784, %while3A_1781 : i32
        %swap3A = arith.constant 0 : i32
        %swap3A_1786 = arith.index_cast %swap3A : i32 to index
        %swap3A_1787 = arith.index_cast %add3A_1785 : i32 to index
        %swap3A_1788 = arith.constant 0 : index
        %swap3A_1789 = tpu.vector_load %arg7[%swap3A_1786, %swap3A_1787, %swap3A_1788] {strides = array<i32>} : memref<4x800x32xf32, #tpu.memory_space<vmem>>, vector<1x1x16xf32>,
        %swap3A_1790 = vector.shape_cast %swap3A_1789 : vector<1x1x16xf32> to vector<16xf32>
        %swap3A_1791 = vector.shape_cast %broadcast_in_dim3A_5 : vector<16xf32> to vector<1x1x16xf32>
        tpu.vector_store %arg7[%swap3A_1786, %swap3A_1787, %swap3A_1788], %swap3A_1791 {strides = array<i32>} : memref<4x800x32xf32, #tpu.memory_space<vmem>>, vector<1x1x16xf32>,
        %mul3A_1792 = arith.constant 50 : i32
        %mul3A_1793 = arith.muli %scan3A_1763, %mul3A_1792 : i32
        %add3A_1794 = arith.addi %mul3A_1793, %while3A_1781 : i32
        %swap3A_1795 = arith.constant 0 : i32
        %swap3A_1796 = arith.index_cast %swap3A_1795 : i32 to index
        %swap3A_1797 = arith.index_cast %add3A_1794 : i32 to index
        %swap3A_1798 = arith.constant 16 : index
        %swap3A_1799 = tpu.vector_load %arg7[%swap3A_1796, %swap3A_1797, %swap3A_1798] {strides = array<i32>} : memref<4x800x32xf32, #tpu.memory_space<vmem>>, vector<1x1x16xf32>,
        %swap3A_1800 = vector.shape_cast %swap3A_1799 : vector<1x1x16xf32> to vector<16xf32>
        %swap3A_1801 = vector.shape_cast %broadcast_in_dim3A_5 : vector<16xf32> to vector<1x1x16xf32>
        tpu.vector_store %arg7[%swap3A_1796, %swap3A_1797, %swap3A_1798], %swap3A_1801 {strides = array<i32>} : memref<4x800x32xf32, #tpu.memory_space<vmem>>, vector<1x1x16xf32>,
        %while3A_1802 = arith.constant 0 : i32
        scf.yield %while3A_1802 : i32
      }
      %while3A_1778 = arith.constant 1 : i32
      %while3A_1779 = scf.for %while3A_1781 = %while3A_1775 to %while3A_1771 step %while3A_1778 iter_args(%while3A_1782 = %while3A_1777) -> (i32)  : i32 {
        %mul3A_1783 = arith.constant 50 : i32
        %mul3A_1784 = arith.muli %scan3A_1763, %mul3A_1783 : i32
        %add3A_1785 = arith.addi %mul3A_1784, %while3A_1781 : i32
        %swap3A = arith.constant 0 : i32
        %swap3A_1786 = arith.index_cast %swap3A : i32 to index
        %swap3A_1787 = arith.index_cast %add3A_1785 : i32 to index
        %swap3A_1788 = arith.constant 0 : index
        %swap3A_1789 = tpu.vector_load %arg7[%swap3A_1786, %swap3A_1787, %swap3A_1788] {strides = array<i32>} : memref<4x800x32xf32, #tpu.memory_space<vmem>>, vector<1x1x16xf32>,
        %swap3A_1790 = vector.shape_cast %swap3A_1789 : vector<1x1x16xf32> to vector<16xf32>
        %swap3A_1791 = vector.shape_cast %broadcast_in_dim3A_5 : vector<16xf32> to vector<1x1x16xf32>
        tpu.vector_store %arg7[%swap3A_1786, %swap3A_1787, %swap3A_1788], %swap3A_1791 {strides = array<i32>} : memref<4x800x32xf32, #tpu.memory_space<vmem>>, vector<1x1x16xf32>,
        %mul3A_1792 = arith.constant 50 : i32
        %mul3A_1793 = arith.muli %scan3A_1763, %mul3A_1792 : i32
        %add3A_1794 = arith.addi %mul3A_1793, %while3A_1781 : i32
        %swap3A_1795 = arith.constant 0 : i32
        %swap3A_1796 = arith.index_cast %swap3A_1795 : i32 to index
        %swap3A_1797 = arith.index_cast %add3A_1794 : i32 to index
        %swap3A_1798 = arith.constant 16 : index
        %swap3A_1799 = tpu.vector_load %arg7[%swap3A_1796, %swap3A_1797, %swap3A_1798] {strides = array<i32>} : memref<4x800x32xf32, #tpu.memory_space<vmem>>, vector<1x1x16xf32>,
        %swap3A_1800 = vector.shape_cast %swap3A_1799 : vector<1x1x16xf32> to vector<16xf32>
        %swap3A_1801 = vector.shape_cast %broadcast_in_dim3A_5 : vector<16xf32> to vector<1x1x16xf32>
        tpu.vector_store %arg7[%swap3A_1796, %swap3A_1797, %swap3A_1798], %swap3A_1801 {strides = array<i32>} : memref<4x800x32xf32, #tpu.memory_space<vmem>>, vector<1x1x16xf32>,
        %while3A_1802 = arith.constant 0 : i32
        scf.yield %while3A_1802 : i32
      }
      %scan3A_1780 = arith.constant 0 : i32
      scf.yield %scan3A_1780 : i32
    }
    %scan3A_59 = arith.constant 16 : i32
    %add3A_60 = arith.constant 0 : i32
    %add3A_61 = arith.addi %mul3A_2, %add3A_60 : i32
    %dma_start3A_62 = arith.constant 0 : i32
    %dma_start3A_63 = arith.constant 0 : i32
    %dma_start3A_64 = arith.constant 0 : i32
    %dma_start3A_65 = tpu.memref_slice %arg7[%dma_start3A_62, %dma_start3A_63, %dma_start3A_64] : memref<4x800x32xf32, #tpu.memory_space<vmem>> -> memref<1x800x32xf32, #tpu.memory_space<vmem>>
    %dma_start3A_66 = tpu.memref_squeeze %dma_start3A_65 : memref<1x800x32xf32, #tpu.memory_space<vmem>> -> memref<800x32xf32, #tpu.memory_space<vmem>>
    %dma_start3A_67 = arith.constant 0 : i32
    %dma_start3A_68 = tpu.memref_slice %arg5[%add3A_61, %dma_start3A_67] : memref<819200x32xf32, #tpu.memory_space<hbm>> -> memref<800x32xf32, #tpu.memory_space<hbm>>
    %dma_start3A_69 = arith.constant 0 : i32
    %dma_start3A_70 = tpu.memref_slice %arg5[%add3A_61, %dma_start3A_69] : memref<819200x32xf32, #tpu.memory_space<hbm>> -> memref<800x32xf32, #tpu.memory_space<hbm>>
    %dma_start3A_71 = arith.constant 0 : i32
    %dma_start3A_72 = arith.constant 0 : i32
    %dma_start3A_73 = tpu.memref_slice %arg7[%dma_start3A_62, %dma_start3A_71, %dma_start3A_72] : memref<4x800x32xf32, #tpu.memory_space<vmem>> -> memref<1x800x32xf32, #tpu.memory_space<vmem>>
    %dma_start3A_74 = tpu.memref_squeeze %dma_start3A_73 : memref<1x800x32xf32, #tpu.memory_space<vmem>> -> memref<800x32xf32, #tpu.memory_space<vmem>>
    tpu.enqueue_dma source(%dma_start3A_74 : memref<800x32xf32, #tpu.memory_space<vmem>>) target(%dma_start3A_70 : memref<800x32xf32, #tpu.memory_space<hbm>>) target_semaphore(%arg13 : memref<!tpu.dma_semaphore, #tpu.memory_space<semaphore_mem>>)
    %dma_wait3A_75 = arith.constant 0 : i32
    %dma_wait3A_76 = arith.constant 0 : i32
    %dma_wait3A_77 = arith.constant 0 : i32
    %dma_wait3A_78 = tpu.memref_slice %arg7[%dma_wait3A_75, %dma_wait3A_76, %dma_wait3A_77] : memref<4x800x32xf32, #tpu.memory_space<vmem>> -> memref<1x800x32xf32, #tpu.memory_space<vmem>>
    %dma_wait3A_79 = tpu.memref_squeeze %dma_wait3A_78 : memref<1x800x32xf32, #tpu.memory_space<vmem>> -> memref<800x32xf32, #tpu.memory_space<vmem>>
    %dma_wait3A_80 = arith.constant 0 : i32
    %dma_wait3A_81 = tpu.memref_slice %arg5[%add3A_61, %dma_wait3A_80] : memref<819200x32xf32, #tpu.memory_space<hbm>> -> memref<800x32xf32, #tpu.memory_space<hbm>>
    %dma_wait3A_82 = arith.constant 0 : i32
    %dma_wait3A_83 = tpu.memref_slice %arg5[%add3A_61, %dma_wait3A_82] : memref<819200x32xf32, #tpu.memory_space<hbm>> -> memref<800x32xf32, #tpu.memory_space<hbm>>
    %dma_wait3A_84 = arith.constant 0 : i32
    %dma_wait3A_85 = arith.constant 0 : i32
    %dma_wait3A_86 = tpu.memref_slice %arg7[%dma_wait3A_75, %dma_wait3A_84, %dma_wait3A_85] : memref<4x800x32xf32, #tpu.memory_space<vmem>> -> memref<1x800x32xf32, #tpu.memory_space<vmem>>
    %dma_wait3A_87 = tpu.memref_squeeze %dma_wait3A_86 : memref<1x800x32xf32, #tpu.memory_space<vmem>> -> memref<800x32xf32, #tpu.memory_space<vmem>>
    tpu.wait_dma2 semaphore(%arg13 : memref<!tpu.dma_semaphore, #tpu.memory_space<semaphore_mem>>) src(%dma_wait3A_87 : memref<800x32xf32, #tpu.memory_space<vmem>>) dst(%dma_wait3A_83 : memref<800x32xf32, #tpu.memory_space<hbm>>)
    %dma_start3A_88 = arith.constant 0 : i32
    %dma_start3A_89 = arith.constant 0 : i32
    %dma_start3A_90 = arith.constant 0 : i32
    %dma_start3A_91 = tpu.memref_slice %arg7[%dma_start3A_88, %dma_start3A_89, %dma_start3A_90] : memref<4x800x32xf32, #tpu.memory_space<vmem>> -> memref<1x800x32xf32, #tpu.memory_space<vmem>>
    %dma_start3A_92 = tpu.memref_squeeze %dma_start3A_91 : memref<1x800x32xf32, #tpu.memory_space<vmem>> -> memref<800x32xf32, #tpu.memory_space<vmem>>
    %dma_start3A_93 = arith.constant 3200 : i32
    %dma_start3A_94 = tpu.memref_slice %arg6[%dma_start3A_93] : memref<25600xi32, #tpu.memory_space<vmem>> -> memref<800xi32, #tpu.memory_space<vmem>>
    %dma_start3A_95 = arith.constant 0 : i32
    %dma_start3A_96 = arith.constant 0 : i32
    %dma_start3A_97 = tpu.memref_slice %arg4[%dma_start3A_95, %dma_start3A_96] : memref<1000000x32xf32, #tpu.memory_space<hbm>> -> memref<1000000x32xf32, #tpu.memory_space<hbm>>
    tpu.enqueue_indirect_dma source(%dma_start3A_97 : memref<1000000x32xf32, #tpu.memory_space<hbm>>) target(%dma_start3A_92 : memref<800x32xf32, #tpu.memory_space<vmem>>) offsets(%dma_start3A_94 : memref<800xi32, #tpu.memory_space<vmem>>) semaphore(%arg9 : memref<!tpu.dma_semaphore, #tpu.memory_space<semaphore_mem>>)
    %dma_wait3A_98 = arith.constant 1 : i32
    %dma_wait3A_99 = arith.constant 0 : i32
    %dma_wait3A_100 = arith.constant 0 : i32
    %dma_wait3A_101 = tpu.memref_slice %arg7[%dma_wait3A_98, %dma_wait3A_99, %dma_wait3A_100] : memref<4x800x32xf32, #tpu.memory_space<vmem>> -> memref<1x800x32xf32, #tpu.memory_space<vmem>>
    %dma_wait3A_102 = tpu.memref_squeeze %dma_wait3A_101 : memref<1x800x32xf32, #tpu.memory_space<vmem>> -> memref<800x32xf32, #tpu.memory_space<vmem>>
    %dma_wait3A_103 = arith.constant 800 : i32
    %dma_wait3A_104 = tpu.memref_slice %arg6[%dma_wait3A_103] : memref<25600xi32, #tpu.memory_space<vmem>> -> memref<800xi32, #tpu.memory_space<vmem>>
    %dma_wait3A_105 = arith.constant 0 : i32
    %dma_wait3A_106 = arith.constant 0 : i32
    %dma_wait3A_107 = tpu.memref_slice %arg4[%dma_wait3A_105, %dma_wait3A_106] : memref<1000000x32xf32, #tpu.memory_space<hbm>> -> memref<1000000x32xf32, #tpu.memory_space<hbm>>
    tpu.wait_indirect_dma semaphore(%arg10 : memref<!tpu.dma_semaphore, #tpu.memory_space<semaphore_mem>>) src(%dma_wait3A_107 : memref<1000000x32xf32, #tpu.memory_space<hbm>>) dst(%dma_wait3A_102 : memref<800x32xf32, #tpu.memory_space<vmem>>)
    %scan3A_108 = arith.constant 0 : i32
    %scan3A_109 = arith.constant 0 : i32
    %scan3A_110 = arith.constant 16 : i32
    %scan3A_111 = arith.addi %scan3A_109, %scan3A_110 : i32
    %scan3A_112 = arith.constant 1 : i32
    %scan3A_113 = scf.for %scan3A_1763 = %scan3A_109 to %scan3A_111 step %scan3A_112 iter_args(%scan3A_1764 = %scan3A_108) -> (i32)  : i32 {
      %add3A_1765 = arith.constant 16 : i32
      %add3A_1766 = arith.addi %add3A_1765, %scan3A_1763 : i32
      %get3A = arith.index_cast %add3A_1766 : i32 to index
      %get3A_1767 = tpu.vector_load %arg8[%get3A] {strides = array<i32>} : memref<528xi32, #tpu.memory_space<vmem>>, vector<16xi32>,
      %get3A_1768 = vector.shape_cast %get3A_1767 : vector<16xi32> to vector<16xi32>
      %slice3A = vector.extract_strided_slice %get3A_1768 {offsets = [0], sizes = [1], strides = [1]} : vector<16xi32> to vector<1xi32>
      %squeeze3A = vector.extract %slice3A[0] : i32 from vector<1xi32>
      %while3A = arith.constant 50 : i32
      %while3A_1769 = arith.constant 0 : i32
      %while3A_1770 = arith.subi %while3A, %squeeze3A : i32
      %while3A_1771 = arith.addi %squeeze3A, %while3A_1770 : i32
      %while3A_1772 = arith.constant 1 : i32
      %while3A_1773 = arith.divsi %while3A_1770, %while3A_1772 : i32
      %while3A_1774 = arith.muli %while3A_1773, %while3A_1772 : i32
      %while3A_1775 = arith.addi %squeeze3A, %while3A_1774 : i32
      %while3A_1776 = arith.constant 1 : i32
      %while3A_1777 = scf.for %while3A_1781 = %squeeze3A to %while3A_1775 step %while3A_1776 iter_args(%while3A_1782 = %while3A_1769) -> (i32)  : i32 {
        %mul3A_1783 = arith.constant 50 : i32
        %mul3A_1784 = arith.muli %scan3A_1763, %mul3A_1783 : i32
        %add3A_1785 = arith.addi %mul3A_1784, %while3A_1781 : i32
        %swap3A = arith.constant 1 : i32
        %swap3A_1786 = arith.index_cast %swap3A : i32 to index
        %swap3A_1787 = arith.index_cast %add3A_1785 : i32 to index
        %swap3A_1788 = arith.constant 0 : index
        %swap3A_1789 = tpu.vector_load %arg7[%swap3A_1786, %swap3A_1787, %swap3A_1788] {strides = array<i32>} : memref<4x800x32xf32, #tpu.memory_space<vmem>>, vector<1x1x16xf32>,
        %swap3A_1790 = vector.shape_cast %swap3A_1789 : vector<1x1x16xf32> to vector<16xf32>
        %swap3A_1791 = vector.shape_cast %broadcast_in_dim3A_5 : vector<16xf32> to vector<1x1x16xf32>
        tpu.vector_store %arg7[%swap3A_1786, %swap3A_1787, %swap3A_1788], %swap3A_1791 {strides = array<i32>} : memref<4x800x32xf32, #tpu.memory_space<vmem>>, vector<1x1x16xf32>,
        %mul3A_1792 = arith.constant 50 : i32
        %mul3A_1793 = arith.muli %scan3A_1763, %mul3A_1792 : i32
        %add3A_1794 = arith.addi %mul3A_1793, %while3A_1781 : i32
        %swap3A_1795 = arith.constant 1 : i32
        %swap3A_1796 = arith.index_cast %swap3A_1795 : i32 to index
        %swap3A_1797 = arith.index_cast %add3A_1794 : i32 to index
        %swap3A_1798 = arith.constant 16 : index
        %swap3A_1799 = tpu.vector_load %arg7[%swap3A_1796, %swap3A_1797, %swap3A_1798] {strides = array<i32>} : memref<4x800x32xf32, #tpu.memory_space<vmem>>, vector<1x1x16xf32>,
        %swap3A_1800 = vector.shape_cast %swap3A_1799 : vector<1x1x16xf32> to vector<16xf32>
        %swap3A_1801 = vector.shape_cast %broadcast_in_dim3A_5 : vector<16xf32> to vector<1x1x16xf32>
        tpu.vector_store %arg7[%swap3A_1796, %swap3A_1797, %swap3A_1798], %swap3A_1801 {strides = array<i32>} : memref<4x800x32xf32, #tpu.memory_space<vmem>>, vector<1x1x16xf32>,
        %while3A_1802 = arith.constant 0 : i32
        scf.yield %while3A_1802 : i32
      }
      %while3A_1778 = arith.constant 1 : i32
      %while3A_1779 = scf.for %while3A_1781 = %while3A_1775 to %while3A_1771 step %while3A_1778 iter_args(%while3A_1782 = %while3A_1777) -> (i32)  : i32 {
        %mul3A_1783 = arith.constant 50 : i32
        %mul3A_1784 = arith.muli %scan3A_1763, %mul3A_1783 : i32
        %add3A_1785 = arith.addi %mul3A_1784, %while3A_1781 : i32
        %swap3A = arith.constant 1 : i32
        %swap3A_1786 = arith.index_cast %swap3A : i32 to index
        %swap3A_1787 = arith.index_cast %add3A_1785 : i32 to index
        %swap3A_1788 = arith.constant 0 : index
        %swap3A_1789 = tpu.vector_load %arg7[%swap3A_1786, %swap3A_1787, %swap3A_1788] {strides = array<i32>} : memref<4x800x32xf32, #tpu.memory_space<vmem>>, vector<1x1x16xf32>,
        %swap3A_1790 = vector.shape_cast %swap3A_1789 : vector<1x1x16xf32> to vector<16xf32>
        %swap3A_1791 = vector.shape_cast %broadcast_in_dim3A_5 : vector<16xf32> to vector<1x1x16xf32>
        tpu.vector_store %arg7[%swap3A_1786, %swap3A_1787, %swap3A_1788], %swap3A_1791 {strides = array<i32>} : memref<4x800x32xf32, #tpu.memory_space<vmem>>, vector<1x1x16xf32>,
        %mul3A_1792 = arith.constant 50 : i32
        %mul3A_1793 = arith.muli %scan3A_1763, %mul3A_1792 : i32
        %add3A_1794 = arith.addi %mul3A_1793, %while3A_1781 : i32
        %swap3A_1795 = arith.constant 1 : i32
        %swap3A_1796 = arith.index_cast %swap3A_1795 : i32 to index
        %swap3A_1797 = arith.index_cast %add3A_1794 : i32 to index
        %swap3A_1798 = arith.constant 16 : index
        %swap3A_1799 = tpu.vector_load %arg7[%swap3A_1796, %swap3A_1797, %swap3A_1798] {strides = array<i32>} : memref<4x800x32xf32, #tpu.memory_space<vmem>>, vector<1x1x16xf32>,
        %swap3A_1800 = vector.shape_cast %swap3A_1799 : vector<1x1x16xf32> to vector<16xf32>
        %swap3A_1801 = vector.shape_cast %broadcast_in_dim3A_5 : vector<16xf32> to vector<1x1x16xf32>
        tpu.vector_store %arg7[%swap3A_1796, %swap3A_1797, %swap3A_1798], %swap3A_1801 {strides = array<i32>} : memref<4x800x32xf32, #tpu.memory_space<vmem>>, vector<1x1x16xf32>,
        %while3A_1802 = arith.constant 0 : i32
        scf.yield %while3A_1802 : i32
      }
      %scan3A_1780 = arith.constant 0 : i32
      scf.yield %scan3A_1780 : i32
    }
    %scan3A_114 = arith.constant 16 : i32
    %add3A_115 = arith.constant 800 : i32
    %add3A_116 = arith.addi %mul3A_2, %add3A_115 : i32
    %dma_start3A_117 = arith.constant 1 : i32
    %dma_start3A_118 = arith.constant 0 : i32
    %dma_start3A_119 = arith.constant 0 : i32
    %dma_start3A_120 = tpu.memref_slice %arg7[%dma_start3A_117, %dma_start3A_118, %dma_start3A_119] : memref<4x800x32xf32, #tpu.memory_space<vmem>> -> memref<1x800x32xf32, #tpu.memory_space<vmem>>
    %dma_start3A_121 = tpu.memref_squeeze %dma_start3A_120 : memref<1x800x32xf32, #tpu.memory_space<vmem>> -> memref<800x32xf32, #tpu.memory_space<vmem>>
    %dma_start3A_122 = arith.constant 0 : i32
    %dma_start3A_123 = tpu.memref_slice %arg5[%add3A_116, %dma_start3A_122] : memref<819200x32xf32, #tpu.memory_space<hbm>> -> memref<800x32xf32, #tpu.memory_space<hbm>>
    %dma_start3A_124 = arith.constant 0 : i32
    %dma_start3A_125 = tpu.memref_slice %arg5[%add3A_116, %dma_start3A_124] : memref<819200x32xf32, #tpu.memory_space<hbm>> -> memref<800x32xf32, #tpu.memory_space<hbm>>
    %dma_start3A_126 = arith.constant 0 : i32
    %dma_start3A_127 = arith.constant 0 : i32
    %dma_start3A_128 = tpu.memref_slice %arg7[%dma_start3A_117, %dma_start3A_126, %dma_start3A_127] : memref<4x800x32xf32, #tpu.memory_space<vmem>> -> memref<1x800x32xf32, #tpu.memory_space<vmem>>
    %dma_start3A_129 = tpu.memref_squeeze %dma_start3A_128 : memref<1x800x32xf32, #tpu.memory_space<vmem>> -> memref<800x32xf32, #tpu.memory_space<vmem>>
    tpu.enqueue_dma source(%dma_start3A_129 : memref<800x32xf32, #tpu.memory_space<vmem>>) target(%dma_start3A_125 : memref<800x32xf32, #tpu.memory_space<hbm>>) target_semaphore(%arg14 : memref<!tpu.dma_semaphore, #tpu.memory_space<semaphore_mem>>)
    %dma_wait3A_130 = arith.constant 1 : i32
    %dma_wait3A_131 = arith.constant 0 : i32
    %dma_wait3A_132 = arith.constant 0 : i32
    %dma_wait3A_133 = tpu.memref_slice %arg7[%dma_wait3A_130, %dma_wait3A_131, %dma_wait3A_132] : memref<4x800x32xf32, #tpu.memory_space<vmem>> -> memref<1x800x32xf32, #tpu.memory_space<vmem>>
    %dma_wait3A_134 = tpu.memref_squeeze %dma_wait3A_133 : memref<1x800x32xf32, #tpu.memory_space<vmem>> -> memref<800x32xf32, #tpu.memory_space<vmem>>
    %dma_wait3A_135 = arith.constant 0 : i32
    %dma_wait3A_136 = tpu.memref_slice %arg5[%add3A_116, %dma_wait3A_135] : memref<819200x32xf32, #tpu.memory_space<hbm>> -> memref<800x32xf32, #tpu.memory_space<hbm>>
    %dma_wait3A_137 = arith.constant 0 : i32
    %dma_wait3A_138 = tpu.memref_slice %arg5[%add3A_116, %dma_wait3A_137] : memref<819200x32xf32, #tpu.memory_space<hbm>> -> memref<800x32xf32, #tpu.memory_space<hbm>>
    %dma_wait3A_139 = arith.constant 0 : i32
    %dma_wait3A_140 = arith.constant 0 : i32
    %dma_wait3A_141 = tpu.memref_slice %arg7[%dma_wait3A_130, %dma_wait3A_139, %dma_wait3A_140] : memref<4x800x32xf32, #tpu.memory_space<vmem>> -> memref<1x800x32xf32, #tpu.memory_space<vmem>>
    %dma_wait3A_142 = tpu.memref_squeeze %dma_wait3A_141 : memref<1x800x32xf32, #tpu.memory_space<vmem>> -> memref<800x32xf32, #tpu.memory_space<vmem>>
    tpu.wait_dma2 semaphore(%arg14 : memref<!tpu.dma_semaphore, #tpu.memory_space<semaphore_mem>>) src(%dma_wait3A_142 : memref<800x32xf32, #tpu.memory_space<vmem>>) dst(%dma_wait3A_138 : memref<800x32xf32, #tpu.memory_space<hbm>>)
    %dma_start3A_143 = arith.constant 1 : i32
    %dma_start3A_144 = arith.constant 0 : i32
    %dma_start3A_145 = arith.constant 0 : i32
    %dma_start3A_146 = tpu.memref_slice %arg7[%dma_start3A_143, %dma_start3A_144, %dma_start3A_145] : memref<4x800x32xf32, #tpu.memory_space<vmem>> -> memref<1x800x32xf32, #tpu.memory_space<vmem>>
    %dma_start3A_147 = tpu.memref_squeeze %dma_start3A_146 : memref<1x800x32xf32, #tpu.memory_space<vmem>> -> memref<800x32xf32, #tpu.memory_space<vmem>>
    %dma_start3A_148 = arith.constant 4000 : i32
    %dma_start3A_149 = tpu.memref_slice %arg6[%dma_start3A_148] : memref<25600xi32, #tpu.memory_space<vmem>> -> memref<800xi32, #tpu.memory_space<vmem>>
    %dma_start3A_150 = arith.constant 0 : i32
    %dma_start3A_151 = arith.constant 0 : i32
    %dma_start3A_152 = tpu.memref_slice %arg4[%dma_start3A_150, %dma_start3A_151] : memref<1000000x32xf32, #tpu.memory_space<hbm>> -> memref<1000000x32xf32, #tpu.memory_space<hbm>>
    tpu.enqueue_indirect_dma source(%dma_start3A_152 : memref<1000000x32xf32, #tpu.memory_space<hbm>>) target(%dma_start3A_147 : memref<800x32xf32, #tpu.memory_space<vmem>>) offsets(%dma_start3A_149 : memref<800xi32, #tpu.memory_space<vmem>>) semaphore(%arg10 : memref<!tpu.dma_semaphore, #tpu.memory_space<semaphore_mem>>)
    %dma_wait3A_153 = arith.constant 2 : i32
    %dma_wait3A_154 = arith.constant 0 : i32
    %dma_wait3A_155 = arith.constant 0 : i32
    %dma_wait3A_156 = tpu.memref_slice %arg7[%dma_wait3A_153, %dma_wait3A_154, %dma_wait3A_155] : memref<4x800x32xf32, #tpu.memory_space<vmem>> -> memref<1x800x32xf32, #tpu.memory_space<vmem>>
    %dma_wait3A_157 = tpu.memref_squeeze %dma_wait3A_156 : memref<1x800x32xf32, #tpu.memory_space<vmem>> -> memref<800x32xf32, #tpu.memory_space<vmem>>
    %dma_wait3A_158 = arith.constant 1600 : i32
    %dma_wait3A_159 = tpu.memref_slice %arg6[%dma_wait3A_158] : memref<25600xi32, #tpu.memory_space<vmem>> -> memref<800xi32, #tpu.memory_space<vmem>>
    %dma_wait3A_160 = arith.constant 0 : i32
    %dma_wait3A_161 = arith.constant 0 : i32
    %dma_wait3A_162 = tpu.memref_slice %arg4[%dma_wait3A_160, %dma_wait3A_161] : memref<1000000x32xf32, #tpu.memory_space<hbm>> -> memref<1000000x32xf32, #tpu.memory_space<hbm>>
    tpu.wait_indirect_dma semaphore(%arg11 : memref<!tpu.dma_semaphore, #tpu.memory_space<semaphore_mem>>) src(%dma_wait3A_162 : memref<1000000x32xf32, #tpu.memory_space<hbm>>) dst(%dma_wait3A_157 : memref<800x32xf32, #tpu.memory_space<vmem>>)
    %scan3A_163 = arith.constant 0 : i32
    %scan3A_164 = arith.constant 0 : i32
    %scan3A_165 = arith.constant 16 : i32
    %scan3A_166 = arith.addi %scan3A_164, %scan3A_165 : i32
    %scan3A_167 = arith.constant 1 : i32
    %scan3A_168 = scf.for %scan3A_1763 = %scan3A_164 to %scan3A_166 step %scan3A_167 iter_args(%scan3A_1764 = %scan3A_163) -> (i32)  : i32 {
      %add3A_1765 = arith.constant 32 : i32
      %add3A_1766 = arith.addi %add3A_1765, %scan3A_1763 : i32
      %get3A = arith.index_cast %add3A_1766 : i32 to index
      %get3A_1767 = tpu.vector_load %arg8[%get3A] {strides = array<i32>} : memref<528xi32, #tpu.memory_space<vmem>>, vector<16xi32>,
      %get3A_1768 = vector.shape_cast %get3A_1767 : vector<16xi32> to vector<16xi32>
      %slice3A = vector.extract_strided_slice %get3A_1768 {offsets = [0], sizes = [1], strides = [1]} : vector<16xi32> to vector<1xi32>
      %squeeze3A = vector.extract %slice3A[0] : i32 from vector<1xi32>
      %while3A = arith.constant 50 : i32
      %while3A_1769 = arith.constant 0 : i32
      %while3A_1770 = arith.subi %while3A, %squeeze3A : i32
      %while3A_1771 = arith.addi %squeeze3A, %while3A_1770 : i32
      %while3A_1772 = arith.constant 1 : i32
      %while3A_1773 = arith.divsi %while3A_1770, %while3A_1772 : i32
      %while3A_1774 = arith.muli %while3A_1773, %while3A_1772 : i32
      %while3A_1775 = arith.addi %squeeze3A, %while3A_1774 : i32
      %while3A_1776 = arith.constant 1 : i32
      %while3A_1777 = scf.for %while3A_1781 = %squeeze3A to %while3A_1775 step %while3A_1776 iter_args(%while3A_1782 = %while3A_1769) -> (i32)  : i32 {
        %mul3A_1783 = arith.constant 50 : i32
        %mul3A_1784 = arith.muli %scan3A_1763, %mul3A_1783 : i32
        %add3A_1785 = arith.addi %mul3A_1784, %while3A_1781 : i32
        %swap3A = arith.constant 2 : i32
        %swap3A_1786 = arith.index_cast %swap3A : i32 to index
        %swap3A_1787 = arith.index_cast %add3A_1785 : i32 to index
        %swap3A_1788 = arith.constant 0 : index
        %swap3A_1789 = tpu.vector_load %arg7[%swap3A_1786, %swap3A_1787, %swap3A_1788] {strides = array<i32>} : memref<4x800x32xf32, #tpu.memory_space<vmem>>, vector<1x1x16xf32>,
        %swap3A_1790 = vector.shape_cast %swap3A_1789 : vector<1x1x16xf32> to vector<16xf32>
        %swap3A_1791 = vector.shape_cast %broadcast_in_dim3A_5 : vector<16xf32> to vector<1x1x16xf32>
        tpu.vector_store %arg7[%swap3A_1786, %swap3A_1787, %swap3A_1788], %swap3A_1791 {strides = array<i32>} : memref<4x800x32xf32, #tpu.memory_space<vmem>>, vector<1x1x16xf32>,
        %mul3A_1792 = arith.constant 50 : i32
        %mul3A_1793 = arith.muli %scan3A_1763, %mul3A_1792 : i32
        %add3A_1794 = arith.addi %mul3A_1793, %while3A_1781 : i32
        %swap3A_1795 = arith.constant 2 : i32
        %swap3A_1796 = arith.index_cast %swap3A_1795 : i32 to index
        %swap3A_1797 = arith.index_cast %add3A_1794 : i32 to index
        %swap3A_1798 = arith.constant 16 : index
        %swap3A_1799 = tpu.vector_load %arg7[%swap3A_1796, %swap3A_1797, %swap3A_1798] {strides = array<i32>} : memref<4x800x32xf32, #tpu.memory_space<vmem>>, vector<1x1x16xf32>,
        %swap3A_1800 = vector.shape_cast %swap3A_1799 : vector<1x1x16xf32> to vector<16xf32>
        %swap3A_1801 = vector.shape_cast %broadcast_in_dim3A_5 : vector<16xf32> to vector<1x1x16xf32>
        tpu.vector_store %arg7[%swap3A_1796, %swap3A_1797, %swap3A_1798], %swap3A_1801 {strides = array<i32>} : memref<4x800x32xf32, #tpu.memory_space<vmem>>, vector<1x1x16xf32>,
        %while3A_1802 = arith.constant 0 : i32
        scf.yield %while3A_1802 : i32
      }
      %while3A_1778 = arith.constant 1 : i32
      %while3A_1779 = scf.for %while3A_1781 = %while3A_1775 to %while3A_1771 step %while3A_1778 iter_args(%while3A_1782 = %while3A_1777) -> (i32)  : i32 {
        %mul3A_1783 = arith.constant 50 : i32
        %mul3A_1784 = arith.muli %scan3A_1763, %mul3A_1783 : i32
        %add3A_1785 = arith.addi %mul3A_1784, %while3A_1781 : i32
        %swap3A = arith.constant 2 : i32
        %swap3A_1786 = arith.index_cast %swap3A : i32 to index
        %swap3A_1787 = arith.index_cast %add3A_1785 : i32 to index
        %swap3A_1788 = arith.constant 0 : index
        %swap3A_1789 = tpu.vector_load %arg7[%swap3A_1786, %swap3A_1787, %swap3A_1788] {strides = array<i32>} : memref<4x800x32xf32, #tpu.memory_space<vmem>>, vector<1x1x16xf32>,
        %swap3A_1790 = vector.shape_cast %swap3A_1789 : vector<1x1x16xf32> to vector<16xf32>
        %swap3A_1791 = vector.shape_cast %broadcast_in_dim3A_5 : vector<16xf32> to vector<1x1x16xf32>
        tpu.vector_store %arg7[%swap3A_1786, %swap3A_1787, %swap3A_1788], %swap3A_1791 {strides = array<i32>} : memref<4x800x32xf32, #tpu.memory_space<vmem>>, vector<1x1x16xf32>,
        %mul3A_1792 = arith.constant 50 : i32
        %mul3A_1793 = arith.muli %scan3A_1763, %mul3A_1792 : i32
        %add3A_1794 = arith.addi %mul3A_1793, %while3A_1781 : i32
        %swap3A_1795 = arith.constant 2 : i32
        %swap3A_1796 = arith.index_cast %swap3A_1795 : i32 to index
        %swap3A_1797 = arith.index_cast %add3A_1794 : i32 to index
        %swap3A_1798 = arith.constant 16 : index
        %swap3A_1799 = tpu.vector_load %arg7[%swap3A_1796, %swap3A_1797, %swap3A_1798] {strides = array<i32>} : memref<4x800x32xf32, #tpu.memory_space<vmem>>, vector<1x1x16xf32>,
        %swap3A_1800 = vector.shape_cast %swap3A_1799 : vector<1x1x16xf32> to vector<16xf32>
        %swap3A_1801 = vector.shape_cast %broadcast_in_dim3A_5 : vector<16xf32> to vector<1x1x16xf32>
        tpu.vector_store %arg7[%swap3A_1796, %swap3A_1797, %swap3A_1798], %swap3A_1801 {strides = array<i32>} : memref<4x800x32xf32, #tpu.memory_space<vmem>>, vector<1x1x16xf32>,
        %while3A_1802 = arith.constant 0 : i32
        scf.yield %while3A_1802 : i32
      }
      %scan3A_1780 = arith.constant 0 : i32
      scf.yield %scan3A_1780 : i32
    }
    %scan3A_169 = arith.constant 16 : i32
    %add3A_170 = arith.constant 1600 : i32
    %add3A_171 = arith.addi %mul3A_2, %add3A_170 : i32
    %dma_start3A_172 = arith.constant 2 : i32
    %dma_start3A_173 = arith.constant 0 : i32
    %dma_start3A_174 = arith.constant 0 : i32
    %dma_start3A_175 = tpu.memref_slice %arg7[%dma_start3A_172, %dma_start3A_173, %dma_start3A_174] : memref<4x800x32xf32, #tpu.memory_space<vmem>> -> memref<1x800x32xf32, #tpu.memory_space<vmem>>
    %dma_start3A_176 = tpu.memref_squeeze %dma_start3A_175 : memref<1x800x32xf32, #tpu.memory_space<vmem>> -> memref<800x32xf32, #tpu.memory_space<vmem>>
    %dma_start3A_177 = arith.constant 0 : i32
    %dma_start3A_178 = tpu.memref_slice %arg5[%add3A_171, %dma_start3A_177] : memref<819200x32xf32, #tpu.memory_space<hbm>> -> memref<800x32xf32, #tpu.memory_space<hbm>>
    %dma_start3A_179 = arith.constant 0 : i32
    %dma_start3A_180 = tpu.memref_slice %arg5[%add3A_171, %dma_start3A_179] : memref<819200x32xf32, #tpu.memory_space<hbm>> -> memref<800x32xf32, #tpu.memory_space<hbm>>
    %dma_start3A_181 = arith.constant 0 : i32
    %dma_start3A_182 = arith.constant 0 : i32
    %dma_start3A_183 = tpu.memref_slice %arg7[%dma_start3A_172, %dma_start3A_181, %dma_start3A_182] : memref<4x800x32xf32, #tpu.memory_space<vmem>> -> memref<1x800x32xf32, #tpu.memory_space<vmem>>
    %dma_start3A_184 = tpu.memref_squeeze %dma_start3A_183 : memref<1x800x32xf32, #tpu.memory_space<vmem>> -> memref<800x32xf32, #tpu.memory_space<vmem>>
    tpu.enqueue_dma source(%dma_start3A_184 : memref<800x32xf32, #tpu.memory_space<vmem>>) target(%dma_start3A_180 : memref<800x32xf32, #tpu.memory_space<hbm>>) target_semaphore(%arg15 : memref<!tpu.dma_semaphore, #tpu.memory_space<semaphore_mem>>)
    %dma_wait3A_185 = arith.constant 2 : i32
    %dma_wait3A_186 = arith.constant 0 : i32
    %dma_wait3A_187 = arith.constant 0 : i32
    %dma_wait3A_188 = tpu.memref_slice %arg7[%dma_wait3A_185, %dma_wait3A_186, %dma_wait3A_187] : memref<4x800x32xf32, #tpu.memory_space<vmem>> -> memref<1x800x32xf32, #tpu.memory_space<vmem>>
    %dma_wait3A_189 = tpu.memref_squeeze %dma_wait3A_188 : memref<1x800x32xf32, #tpu.memory_space<vmem>> -> memref<800x32xf32, #tpu.memory_space<vmem>>
    %dma_wait3A_190 = arith.constant 0 : i32
    %dma_wait3A_191 = tpu.memref_slice %arg5[%add3A_171, %dma_wait3A_190] : memref<819200x32xf32, #tpu.memory_space<hbm>> -> memref<800x32xf32, #tpu.memory_space<hbm>>
    %dma_wait3A_192 = arith.constant 0 : i32
    %dma_wait3A_193 = tpu.memref_slice %arg5[%add3A_171, %dma_wait3A_192] : memref<819200x32xf32, #tpu.memory_space<hbm>> -> memref<800x32xf32, #tpu.memory_space<hbm>>
    %dma_wait3A_194 = arith.constant 0 : i32
    %dma_wait3A_195 = arith.constant 0 : i32
    %dma_wait3A_196 = tpu.memref_slice %arg7[%dma_wait3A_185, %dma_wait3A_194, %dma_wait3A_195] : memref<4x800x32xf32, #tpu.memory_space<vmem>> -> memref<1x800x32xf32, #tpu.memory_space<vmem>>
    %dma_wait3A_197 = tpu.memref_squeeze %dma_wait3A_196 : memref<1x800x32xf32, #tpu.memory_space<vmem>> -> memref<800x32xf32, #tpu.memory_space<vmem>>
    tpu.wait_dma2 semaphore(%arg15 : memref<!tpu.dma_semaphore, #tpu.memory_space<semaphore_mem>>) src(%dma_wait3A_197 : memref<800x32xf32, #tpu.memory_space<vmem>>) dst(%dma_wait3A_193 : memref<800x32xf32, #tpu.memory_space<hbm>>)
    %dma_start3A_198 = arith.constant 2 : i32
    %dma_start3A_199 = arith.constant 0 : i32
    %dma_start3A_200 = arith.constant 0 : i32
    %dma_start3A_201 = tpu.memref_slice %arg7[%dma_start3A_198, %dma_start3A_199, %dma_start3A_200] : memref<4x800x32xf32, #tpu.memory_space<vmem>> -> memref<1x800x32xf32, #tpu.memory_space<vmem>>
    %dma_start3A_202 = tpu.memref_squeeze %dma_start3A_201 : memref<1x800x32xf32, #tpu.memory_space<vmem>> -> memref<800x32xf32, #tpu.memory_space<vmem>>
    %dma_start3A_203 = arith.constant 4800 : i32
    %dma_start3A_204 = tpu.memref_slice %arg6[%dma_start3A_203] : memref<25600xi32, #tpu.memory_space<vmem>> -> memref<800xi32, #tpu.memory_space<vmem>>
    %dma_start3A_205 = arith.constant 0 : i32
    %dma_start3A_206 = arith.constant 0 : i32
    %dma_start3A_207 = tpu.memref_slice %arg4[%dma_start3A_205, %dma_start3A_206] : memref<1000000x32xf32, #tpu.memory_space<hbm>> -> memref<1000000x32xf32, #tpu.memory_space<hbm>>
    tpu.enqueue_indirect_dma source(%dma_start3A_207 : memref<1000000x32xf32, #tpu.memory_space<hbm>>) target(%dma_start3A_202 : memref<800x32xf32, #tpu.memory_space<vmem>>) offsets(%dma_start3A_204 : memref<800xi32, #tpu.memory_space<vmem>>) semaphore(%arg11 : memref<!tpu.dma_semaphore, #tpu.memory_space<semaphore_mem>>)
    %dma_wait3A_208 = arith.constant 3 : i32
    %dma_wait3A_209 = arith.constant 0 : i32
    %dma_wait3A_210 = arith.constant 0 : i32
    %dma_wait3A_211 = tpu.memref_slice %arg7[%dma_wait3A_208, %dma_wait3A_209, %dma_wait3A_210] : memref<4x800x32xf32, #tpu.memory_space<vmem>> -> memref<1x800x32xf32, #tpu.memory_space<vmem>>
    %dma_wait3A_212 = tpu.memref_squeeze %dma_wait3A_211 : memref<1x800x32xf32, #tpu.memory_space<vmem>> -> memref<800x32xf32, #tpu.memory_space<vmem>>
    %dma_wait3A_213 = arith.constant 2400 : i32
    %dma_wait3A_214 = tpu.memref_slice %arg6[%dma_wait3A_213] : memref<25600xi32, #tpu.memory_space<vmem>> -> memref<800xi32, #tpu.memory_space<vmem>>
    %dma_wait3A_215 = arith.constant 0 : i32
    %dma_wait3A_216 = arith.constant 0 : i32
    %dma_wait3A_217 = tpu.memref_slice %arg4[%dma_wait3A_215, %dma_wait3A_216] : memref<1000000x32xf32, #tpu.memory_space<hbm>> -> memref<1000000x32xf32, #tpu.memory_space<hbm>>
    tpu.wait_indirect_dma semaphore(%arg12 : memref<!tpu.dma_semaphore, #tpu.memory_space<semaphore_mem>>) src(%dma_wait3A_217 : memref<1000000x32xf32, #tpu.memory_space<hbm>>) dst(%dma_wait3A_212 : memref<800x32xf32, #tpu.memory_space<vmem>>)
    %scan3A_218 = arith.constant 0 : i32
    %scan3A_219 = arith.constant 0 : i32
    %scan3A_220 = arith.constant 16 : i32
    %scan3A_221 = arith.addi %scan3A_219, %scan3A_220 : i32
    %scan3A_222 = arith.constant 1 : i32
    %scan3A_223 = scf.for %scan3A_1763 = %scan3A_219 to %scan3A_221 step %scan3A_222 iter_args(%scan3A_1764 = %scan3A_218) -> (i32)  : i32 {
      %add3A_1765 = arith.constant 48 : i32
      %add3A_1766 = arith.addi %add3A_1765, %scan3A_1763 : i32
      %get3A = arith.index_cast %add3A_1766 : i32 to index
      %get3A_1767 = tpu.vector_load %arg8[%get3A] {strides = array<i32>} : memref<528xi32, #tpu.memory_space<vmem>>, vector<16xi32>,
      %get3A_1768 = vector.shape_cast %get3A_1767 : vector<16xi32> to vector<16xi32>
      %slice3A = vector.extract_strided_slice %get3A_1768 {offsets = [0], sizes = [1], strides = [1]} : vector<16xi32> to vector<1xi32>
      %squeeze3A = vector.extract %slice3A[0] : i32 from vector<1xi32>
      %while3A = arith.constant 50 : i32
      %while3A_1769 = arith.constant 0 : i32
      %while3A_1770 = arith.subi %while3A, %squeeze3A : i32
      %while3A_1771 = arith.addi %squeeze3A, %while3A_1770 : i32
      %while3A_1772 = arith.constant 1 : i32
      %while3A_1773 = arith.divsi %while3A_1770, %while3A_1772 : i32
      %while3A_1774 = arith.muli %while3A_1773, %while3A_1772 : i32
      %while3A_1775 = arith.addi %squeeze3A, %while3A_1774 : i32
      %while3A_1776 = arith.constant 1 : i32
      %while3A_1777 = scf.for %while3A_1781 = %squeeze3A to %while3A_1775 step %while3A_1776 iter_args(%while3A_1782 = %while3A_1769) -> (i32)  : i32 {
        %mul3A_1783 = arith.constant 50 : i32
        %mul3A_1784 = arith.muli %scan3A_1763, %mul3A_1783 : i32
        %add3A_1785 = arith.addi %mul3A_1784, %while3A_1781 : i32
        %swap3A = arith.constant 3 : i32
        %swap3A_1786 = arith.index_cast %swap3A : i32 to index
        %swap3A_1787 = arith.index_cast %add3A_1785 : i32 to index
        %swap3A_1788 = arith.constant 0 : index
        %swap3A_1789 = tpu.vector_load %arg7[%swap3A_1786, %swap3A_1787, %swap3A_1788] {strides = array<i32>} : memref<4x800x32xf32, #tpu.memory_space<vmem>>, vector<1x1x16xf32>,
        %swap3A_1790 = vector.shape_cast %swap3A_1789 : vector<1x1x16xf32> to vector<16xf32>
        %swap3A_1791 = vector.shape_cast %broadcast_in_dim3A_5 : vector<16xf32> to vector<1x1x16xf32>
        tpu.vector_store %arg7[%swap3A_1786, %swap3A_1787, %swap3A_1788], %swap3A_1791 {strides = array<i32>} : memref<4x800x32xf32, #tpu.memory_space<vmem>>, vector<1x1x16xf32>,
        %mul3A_1792 = arith.constant 50 : i32
        %mul3A_1793 = arith.muli %scan3A_1763, %mul3A_1792 : i32
        %add3A_1794 = arith.addi %mul3A_1793, %while3A_1781 : i32
        %swap3A_1795 = arith.constant 3 : i32
        %swap3A_1796 = arith.index_cast %swap3A_1795 : i32 to index
        %swap3A_1797 = arith.index_cast %add3A_1794 : i32 to index
        %swap3A_1798 = arith.constant 16 : index
        %swap3A_1799 = tpu.vector_load %arg7[%swap3A_1796, %swap3A_1797, %swap3A_1798] {strides = array<i32>} : memref<4x800x32xf32, #tpu.memory_space<vmem>>, vector<1x1x16xf32>,
        %swap3A_1800 = vector.shape_cast %swap3A_1799 : vector<1x1x16xf32> to vector<16xf32>
        %swap3A_1801 = vector.shape_cast %broadcast_in_dim3A_5 : vector<16xf32> to vector<1x1x16xf32>
        tpu.vector_store %arg7[%swap3A_1796, %swap3A_1797, %swap3A_1798], %swap3A_1801 {strides = array<i32>} : memref<4x800x32xf32, #tpu.memory_space<vmem>>, vector<1x1x16xf32>,
        %while3A_1802 = arith.constant 0 : i32
        scf.yield %while3A_1802 : i32
      }
      %while3A_1778 = arith.constant 1 : i32
      %while3A_1779 = scf.for %while3A_1781 = %while3A_1775 to %while3A_1771 step %while3A_1778 iter_args(%while3A_1782 = %while3A_1777) -> (i32)  : i32 {
        %mul3A_1783 = arith.constant 50 : i32
        %mul3A_1784 = arith.muli %scan3A_1763, %mul3A_1783 : i32
        %add3A_1785 = arith.addi %mul3A_1784, %while3A_1781 : i32
        %swap3A = arith.constant 3 : i32
        %swap3A_1786 = arith.index_cast %swap3A : i32 to index
        %swap3A_1787 = arith.index_cast %add3A_1785 : i32 to index
        %swap3A_1788 = arith.constant 0 : index
        %swap3A_1789 = tpu.vector_load %arg7[%swap3A_1786, %swap3A_1787, %swap3A_1788] {strides = array<i32>} : memref<4x800x32xf32, #tpu.memory_space<vmem>>, vector<1x1x16xf32>,
        %swap3A_1790 = vector.shape_cast %swap3A_1789 : vector<1x1x16xf32> to vector<16xf32>
        %swap3A_1791 = vector.shape_cast %broadcast_in_dim3A_5 : vector<16xf32> to vector<1x1x16xf32>
        tpu.vector_store %arg7[%swap3A_1786, %swap3A_1787, %swap3A_1788], %swap3A_1791 {strides = array<i32>} : memref<4x800x32xf32, #tpu.memory_space<vmem>>, vector<1x1x16xf32>,
        %mul3A_1792 = arith.constant 50 : i32
        %mul3A_1793 = arith.muli %scan3A_1763, %mul3A_1792 : i32
        %add3A_1794 = arith.addi %mul3A_1793, %while3A_1781 : i32
        %swap3A_1795 = arith.constant 3 : i32
        %swap3A_1796 = arith.index_cast %swap3A_1795 : i32 to index
        %swap3A_1797 = arith.index_cast %add3A_1794 : i32 to index
        %swap3A_1798 = arith.constant 16 : index
        %swap3A_1799 = tpu.vector_load %arg7[%swap3A_1796, %swap3A_1797, %swap3A_1798] {strides = array<i32>} : memref<4x800x32xf32, #tpu.memory_space<vmem>>, vector<1x1x16xf32>,
        %swap3A_1800 = vector.shape_cast %swap3A_1799 : vector<1x1x16xf32> to vector<16xf32>
        %swap3A_1801 = vector.shape_cast %broadcast_in_dim3A_5 : vector<16xf32> to vector<1x1x16xf32>
        tpu.vector_store %arg7[%swap3A_1796, %swap3A_1797, %swap3A_1798], %swap3A_1801 {strides = array<i32>} : memref<4x800x32xf32, #tpu.memory_space<vmem>>, vector<1x1x16xf32>,
        %while3A_1802 = arith.constant 0 : i32
        scf.yield %while3A_1802 : i32
      }
      %scan3A_1780 = arith.constant 0 : i32
      scf.yield %scan3A_1780 : i32
    }
    %scan3A_224 = arith.constant 16 : i32
    %add3A_225 = arith.constant 2400 : i32
    %add3A_226 = arith.addi %mul3A_2, %add3A_225 : i32
    %dma_start3A_227 = arith.constant 3 : i32
    %dma_start3A_228 = arith.constant 0 : i32
    %dma_start3A_229 = arith.constant 0 : i32
    %dma_start3A_230 = tpu.memref_slice %arg7[%dma_start3A_227, %dma_start3A_228, %dma_start3A_229] : memref<4x800x32xf32, #tpu.memory_space<vmem>> -> memref<1x800x32xf32, #tpu.memory_space<vmem>>
    %dma_start3A_231 = tpu.memref_squeeze %dma_start3A_230 : memref<1x800x32xf32, #tpu.memory_space<vmem>> -> memref<800x32xf32, #tpu.memory_space<vmem>>
    %dma_start3A_232 = arith.constant 0 : i32
    %dma_start3A_233 = tpu.memref_slice %arg5[%add3A_226, %dma_start3A_232] : memref<819200x32xf32, #tpu.memory_space<hbm>> -> memref<800x32xf32, #tpu.memory_space<hbm>>
    %dma_start3A_234 = arith.constant 0 : i32
    %dma_start3A_235 = tpu.memref_slice %arg5[%add3A_226, %dma_start3A_234] : memref<819200x32xf32, #tpu.memory_space<hbm>> -> memref<800x32xf32, #tpu.memory_space<hbm>>
    %dma_start3A_236 = arith.constant 0 : i32
    %dma_start3A_237 = arith.constant 0 : i32
    %dma_start3A_238 = tpu.memref_slice %arg7[%dma_start3A_227, %dma_start3A_236, %dma_start3A_237] : memref<4x800x32xf32, #tpu.memory_space<vmem>> -> memref<1x800x32xf32, #tpu.memory_space<vmem>>
    %dma_start3A_239 = tpu.memref_squeeze %dma_start3A_238 : memref<1x800x32xf32, #tpu.memory_space<vmem>> -> memref<800x32xf32, #tpu.memory_space<vmem>>
    tpu.enqueue_dma source(%dma_start3A_239 : memref<800x32xf32, #tpu.memory_space<vmem>>) target(%dma_start3A_235 : memref<800x32xf32, #tpu.memory_space<hbm>>) target_semaphore(%arg16 : memref<!tpu.dma_semaphore, #tpu.memory_space<semaphore_mem>>)
    %dma_wait3A_240 = arith.constant 3 : i32
    %dma_wait3A_241 = arith.constant 0 : i32
    %dma_wait3A_242 = arith.constant 0 : i32
    %dma_wait3A_243 = tpu.memref_slice %arg7[%dma_wait3A_240, %dma_wait3A_241, %dma_wait3A_242] : memref<4x800x32xf32, #tpu.memory_space<vmem>> -> memref<1x800x32xf32, #tpu.memory_space<vmem>>
    %dma_wait3A_244 = tpu.memref_squeeze %dma_wait3A_243 : memref<1x800x32xf32, #tpu.memory_space<vmem>> -> memref<800x32xf32, #tpu.memory_space<vmem>>
    %dma_wait3A_245 = arith.constant 0 : i32
    %dma_wait3A_246 = tpu.memref_slice %arg5[%add3A_226, %dma_wait3A_245] : memref<819200x32xf32, #tpu.memory_space<hbm>> -> memref<800x32xf32, #tpu.memory_space<hbm>>
    %dma_wait3A_247 = arith.constant 0 : i32
    %dma_wait3A_248 = tpu.memref_slice %arg5[%add3A_226, %dma_wait3A_247] : memref<819200x32xf32, #tpu.memory_space<hbm>> -> memref<800x32xf32, #tpu.memory_space<hbm>>
    %dma_wait3A_249 = arith.constant 0 : i32
    %dma_wait3A_250 = arith.constant 0 : i32
    %dma_wait3A_251 = tpu.memref_slice %arg7[%dma_wait3A_240, %dma_wait3A_249, %dma_wait3A_250] : memref<4x800x32xf32, #tpu.memory_space<vmem>> -> memref<1x800x32xf32, #tpu.memory_space<vmem>>
    %dma_wait3A_252 = tpu.memref_squeeze %dma_wait3A_251 : memref<1x800x32xf32, #tpu.memory_space<vmem>> -> memref<800x32xf32, #tpu.memory_space<vmem>>
    tpu.wait_dma2 semaphore(%arg16 : memref<!tpu.dma_semaphore, #tpu.memory_space<semaphore_mem>>) src(%dma_wait3A_252 : memref<800x32xf32, #tpu.memory_space<vmem>>) dst(%dma_wait3A_248 : memref<800x32xf32, #tpu.memory_space<hbm>>)
    %dma_start3A_253 = arith.constant 3 : i32
    %dma_start3A_254 = arith.constant 0 : i32
    %dma_start3A_255 = arith.constant 0 : i32
    %dma_start3A_256 = tpu.memref_slice %arg7[%dma_start3A_253, %dma_start3A_254, %dma_start3A_255] : memref<4x800x32xf32, #tpu.memory_space<vmem>> -> memref<1x800x32xf32, #tpu.memory_space<vmem>>
    %dma_start3A_257 = tpu.memref_squeeze %dma_start3A_256 : memref<1x800x32xf32, #tpu.memory_space<vmem>> -> memref<800x32xf32, #tpu.memory_space<vmem>>
    %dma_start3A_258 = arith.constant 5600 : i32
    %dma_start3A_259 = tpu.memref_slice %arg6[%dma_start3A_258] : memref<25600xi32, #tpu.memory_space<vmem>> -> memref<800xi32, #tpu.memory_space<vmem>>
    %dma_start3A_260 = arith.constant 0 : i32
    %dma_start3A_261 = arith.constant 0 : i32
    %dma_start3A_262 = tpu.memref_slice %arg4[%dma_start3A_260, %dma_start3A_261] : memref<1000000x32xf32, #tpu.memory_space<hbm>> -> memref<1000000x32xf32, #tpu.memory_space<hbm>>
    tpu.enqueue_indirect_dma source(%dma_start3A_262 : memref<1000000x32xf32, #tpu.memory_space<hbm>>) target(%dma_start3A_257 : memref<800x32xf32, #tpu.memory_space<vmem>>) offsets(%dma_start3A_259 : memref<800xi32, #tpu.memory_space<vmem>>) semaphore(%arg12 : memref<!tpu.dma_semaphore, #tpu.memory_space<semaphore_mem>>)
    %dma_wait3A_263 = arith.constant 0 : i32
    %dma_wait3A_264 = arith.constant 0 : i32
    %dma_wait3A_265 = arith.constant 0 : i32
    %dma_wait3A_266 = tpu.memref_slice %arg7[%dma_wait3A_263, %dma_wait3A_264, %dma_wait3A_265] : memref<4x800x32xf32, #tpu.memory_space<vmem>> -> memref<1x800x32xf32, #tpu.memory_space<vmem>>
    %dma_wait3A_267 = tpu.memref_squeeze %dma_wait3A_266 : memref<1x800x32xf32, #tpu.memory_space<vmem>> -> memref<800x32xf32, #tpu.memory_space<vmem>>
    %dma_wait3A_268 = arith.constant 3200 : i32
    %dma_wait3A_269 = tpu.memref_slice %arg6[%dma_wait3A_268] : memref<25600xi32, #tpu.memory_space<vmem>> -> memref<800xi32, #tpu.memory_space<vmem>>
    %dma_wait3A_270 = arith.constant 0 : i32
    %dma_wait3A_271 = arith.constant 0 : i32
    %dma_wait3A_272 = tpu.memref_slice %arg4[%dma_wait3A_270, %dma_wait3A_271] : memref<1000000x32xf32, #tpu.memory_space<hbm>> -> memref<1000000x32xf32, #tpu.memory_space<hbm>>
    tpu.wait_indirect_dma semaphore(%arg9 : memref<!tpu.dma_semaphore, #tpu.memory_space<semaphore_mem>>) src(%dma_wait3A_272 : memref<1000000x32xf32, #tpu.memory_space<hbm>>) dst(%dma_wait3A_267 : memref<800x32xf32, #tpu.memory_space<vmem>>)
    %scan3A_273 = arith.constant 0 : i32
    %scan3A_274 = arith.constant 0 : i32
    %scan3A_275 = arith.constant 16 : i32
    %scan3A_276 = arith.addi %scan3A_274, %scan3A_275 : i32
    %scan3A_277 = arith.constant 1 : i32
    %scan3A_278 = scf.for %scan3A_1763 = %scan3A_274 to %scan3A_276 step %scan3A_277 iter_args(%scan3A_1764 = %scan3A_273) -> (i32)  : i32 {
      %add3A_1765 = arith.constant 64 : i32
      %add3A_1766 = arith.addi %add3A_1765, %scan3A_1763 : i32
      %get3A = arith.index_cast %add3A_1766 : i32 to index
      %get3A_1767 = tpu.vector_load %arg8[%get3A] {strides = array<i32>} : memref<528xi32, #tpu.memory_space<vmem>>, vector<16xi32>,
      %get3A_1768 = vector.shape_cast %get3A_1767 : vector<16xi32> to vector<16xi32>
      %slice3A = vector.extract_strided_slice %get3A_1768 {offsets = [0], sizes = [1], strides = [1]} : vector<16xi32> to vector<1xi32>
      %squeeze3A = vector.extract %slice3A[0] : i32 from vector<1xi32>
      %while3A = arith.constant 50 : i32
      %while3A_1769 = arith.constant 0 : i32
      %while3A_1770 = arith.subi %while3A, %squeeze3A : i32
      %while3A_1771 = arith.addi %squeeze3A, %while3A_1770 : i32
      %while3A_1772 = arith.constant 1 : i32
      %while3A_1773 = arith.divsi %while3A_1770, %while3A_1772 : i32
      %while3A_1774 = arith.muli %while3A_1773, %while3A_1772 : i32
      %while3A_1775 = arith.addi %squeeze3A, %while3A_1774 : i32
      %while3A_1776 = arith.constant 1 : i32
      %while3A_1777 = scf.for %while3A_1781 = %squeeze3A to %while3A_1775 step %while3A_1776 iter_args(%while3A_1782 = %while3A_1769) -> (i32)  : i32 {
        %mul3A_1783 = arith.constant 50 : i32
        %mul3A_1784 = arith.muli %scan3A_1763, %mul3A_1783 : i32
        %add3A_1785 = arith.addi %mul3A_1784, %while3A_1781 : i32
        %swap3A = arith.constant 0 : i32
        %swap3A_1786 = arith.index_cast %swap3A : i32 to index
        %swap3A_1787 = arith.index_cast %add3A_1785 : i32 to index
        %swap3A_1788 = arith.constant 0 : index
        %swap3A_1789 = tpu.vector_load %arg7[%swap3A_1786, %swap3A_1787, %swap3A_1788] {strides = array<i32>} : memref<4x800x32xf32, #tpu.memory_space<vmem>>, vector<1x1x16xf32>,
        %swap3A_1790 = vector.shape_cast %swap3A_1789 : vector<1x1x16xf32> to vector<16xf32>
        %swap3A_1791 = vector.shape_cast %broadcast_in_dim3A_5 : vector<16xf32> to vector<1x1x16xf32>
        tpu.vector_store %arg7[%swap3A_1786, %swap3A_1787, %swap3A_1788], %swap3A_1791 {strides = array<i32>} : memref<4x800x32xf32, #tpu.memory_space<vmem>>, vector<1x1x16xf32>,
        %mul3A_1792 = arith.constant 50 : i32
        %mul3A_1793 = arith.muli %scan3A_1763, %mul3A_1792 : i32
        %add3A_1794 = arith.addi %mul3A_1793, %while3A_1781 : i32
        %swap3A_1795 = arith.constant 0 : i32
        %swap3A_1796 = arith.index_cast %swap3A_1795 : i32 to index
        %swap3A_1797 = arith.index_cast %add3A_1794 : i32 to index
        %swap3A_1798 = arith.constant 16 : index
        %swap3A_1799 = tpu.vector_load %arg7[%swap3A_1796, %swap3A_1797, %swap3A_1798] {strides = array<i32>} : memref<4x800x32xf32, #tpu.memory_space<vmem>>, vector<1x1x16xf32>,
        %swap3A_1800 = vector.shape_cast %swap3A_1799 : vector<1x1x16xf32> to vector<16xf32>
        %swap3A_1801 = vector.shape_cast %broadcast_in_dim3A_5 : vector<16xf32> to vector<1x1x16xf32>
        tpu.vector_store %arg7[%swap3A_1796, %swap3A_1797, %swap3A_1798], %swap3A_1801 {strides = array<i32>} : memref<4x800x32xf32, #tpu.memory_space<vmem>>, vector<1x1x16xf32>,
        %while3A_1802 = arith.constant 0 : i32
        scf.yield %while3A_1802 : i32
      }
      %while3A_1778 = arith.constant 1 : i32
      %while3A_1779 = scf.for %while3A_1781 = %while3A_1775 to %while3A_1771 step %while3A_1778 iter_args(%while3A_1782 = %while3A_1777) -> (i32)  : i32 {
        %mul3A_1783 = arith.constant 50 : i32
        %mul3A_1784 = arith.muli %scan3A_1763, %mul3A_1783 : i32
        %add3A_1785 = arith.addi %mul3A_1784, %while3A_1781 : i32
        %swap3A = arith.constant 0 : i32
        %swap3A_1786 = arith.index_cast %swap3A : i32 to index
        %swap3A_1787 = arith.index_cast %add3A_1785 : i32 to index
        %swap3A_1788 = arith.constant 0 : index
        %swap3A_1789 = tpu.vector_load %arg7[%swap3A_1786, %swap3A_1787, %swap3A_1788] {strides = array<i32>} : memref<4x800x32xf32, #tpu.memory_space<vmem>>, vector<1x1x16xf32>,
        %swap3A_1790 = vector.shape_cast %swap3A_1789 : vector<1x1x16xf32> to vector<16xf32>
        %swap3A_1791 = vector.shape_cast %broadcast_in_dim3A_5 : vector<16xf32> to vector<1x1x16xf32>
        tpu.vector_store %arg7[%swap3A_1786, %swap3A_1787, %swap3A_1788], %swap3A_1791 {strides = array<i32>} : memref<4x800x32xf32, #tpu.memory_space<vmem>>, vector<1x1x16xf32>,
        %mul3A_1792 = arith.constant 50 : i32
        %mul3A_1793 = arith.muli %scan3A_1763, %mul3A_1792 : i32
        %add3A_1794 = arith.addi %mul3A_1793, %while3A_1781 : i32
        %swap3A_1795 = arith.constant 0 : i32
        %swap3A_1796 = arith.index_cast %swap3A_1795 : i32 to index
        %swap3A_1797 = arith.index_cast %add3A_1794 : i32 to index
        %swap3A_1798 = arith.constant 16 : index
        %swap3A_1799 = tpu.vector_load %arg7[%swap3A_1796, %swap3A_1797, %swap3A_1798] {strides = array<i32>} : memref<4x800x32xf32, #tpu.memory_space<vmem>>, vector<1x1x16xf32>,
        %swap3A_1800 = vector.shape_cast %swap3A_1799 : vector<1x1x16xf32> to vector<16xf32>
        %swap3A_1801 = vector.shape_cast %broadcast_in_dim3A_5 : vector<16xf32> to vector<1x1x16xf32>
        tpu.vector_store %arg7[%swap3A_1796, %swap3A_1797, %swap3A_1798], %swap3A_1801 {strides = array<i32>} : memref<4x800x32xf32, #tpu.memory_space<vmem>>, vector<1x1x16xf32>,
        %while3A_1802 = arith.constant 0 : i32
        scf.yield %while3A_1802 : i32
      }
      %scan3A_1780 = arith.constant 0 : i32
      scf.yield %scan3A_1780 : i32
    }
    %scan3A_279 = arith.constant 16 : i32
    %add3A_280 = arith.constant 3200 : i32
    %add3A_281 = arith.addi %mul3A_2, %add3A_280 : i32
    %dma_start3A_282 = arith.constant 0 : i32
    %dma_start3A_283 = arith.constant 0 : i32
    %dma_start3A_284 = arith.constant 0 : i32
    %dma_start3A_285 = tpu.memref_slice %arg7[%dma_start3A_282, %dma_start3A_283, %dma_start3A_284] : memref<4x800x32xf32, #tpu.memory_space<vmem>> -> memref<1x800x32xf32, #tpu.memory_space<vmem>>
    %dma_start3A_286 = tpu.memref_squeeze %dma_start3A_285 : memref<1x800x32xf32, #tpu.memory_space<vmem>> -> memref<800x32xf32, #tpu.memory_space<vmem>>
    %dma_start3A_287 = arith.constant 0 : i32
    %dma_start3A_288 = tpu.memref_slice %arg5[%add3A_281, %dma_start3A_287] : memref<819200x32xf32, #tpu.memory_space<hbm>> -> memref<800x32xf32, #tpu.memory_space<hbm>>
    %dma_start3A_289 = arith.constant 0 : i32
    %dma_start3A_290 = tpu.memref_slice %arg5[%add3A_281, %dma_start3A_289] : memref<819200x32xf32, #tpu.memory_space<hbm>> -> memref<800x32xf32, #tpu.memory_space<hbm>>
    %dma_start3A_291 = arith.constant 0 : i32
    %dma_start3A_292 = arith.constant 0 : i32
    %dma_start3A_293 = tpu.memref_slice %arg7[%dma_start3A_282, %dma_start3A_291, %dma_start3A_292] : memref<4x800x32xf32, #tpu.memory_space<vmem>> -> memref<1x800x32xf32, #tpu.memory_space<vmem>>
    %dma_start3A_294 = tpu.memref_squeeze %dma_start3A_293 : memref<1x800x32xf32, #tpu.memory_space<vmem>> -> memref<800x32xf32, #tpu.memory_space<vmem>>
    tpu.enqueue_dma source(%dma_start3A_294 : memref<800x32xf32, #tpu.memory_space<vmem>>) target(%dma_start3A_290 : memref<800x32xf32, #tpu.memory_space<hbm>>) target_semaphore(%arg13 : memref<!tpu.dma_semaphore, #tpu.memory_space<semaphore_mem>>)
    %dma_wait3A_295 = arith.constant 0 : i32
    %dma_wait3A_296 = arith.constant 0 : i32
    %dma_wait3A_297 = arith.constant 0 : i32
    %dma_wait3A_298 = tpu.memref_slice %arg7[%dma_wait3A_295, %dma_wait3A_296, %dma_wait3A_297] : memref<4x800x32xf32, #tpu.memory_space<vmem>> -> memref<1x800x32xf32, #tpu.memory_space<vmem>>
    %dma_wait3A_299 = tpu.memref_squeeze %dma_wait3A_298 : memref<1x800x32xf32, #tpu.memory_space<vmem>> -> memref<800x32xf32, #tpu.memory_space<vmem>>
    %dma_wait3A_300 = arith.constant 0 : i32
    %dma_wait3A_301 = tpu.memref_slice %arg5[%add3A_281, %dma_wait3A_300] : memref<819200x32xf32, #tpu.memory_space<hbm>> -> memref<800x32xf32, #tpu.memory_space<hbm>>
    %dma_wait3A_302 = arith.constant 0 : i32
    %dma_wait3A_303 = tpu.memref_slice %arg5[%add3A_281, %dma_wait3A_302] : memref<819200x32xf32, #tpu.memory_space<hbm>> -> memref<800x32xf32, #tpu.memory_space<hbm>>
    %dma_wait3A_304 = arith.constant 0 : i32
    %dma_wait3A_305 = arith.constant 0 : i32
    %dma_wait3A_306 = tpu.memref_slice %arg7[%dma_wait3A_295, %dma_wait3A_304, %dma_wait3A_305] : memref<4x800x32xf32, #tpu.memory_space<vmem>> -> memref<1x800x32xf32, #tpu.memory_space<vmem>>
    %dma_wait3A_307 = tpu.memref_squeeze %dma_wait3A_306 : memref<1x800x32xf32, #tpu.memory_space<vmem>> -> memref<800x32xf32, #tpu.memory_space<vmem>>
    tpu.wait_dma2 semaphore(%arg13 : memref<!tpu.dma_semaphore, #tpu.memory_space<semaphore_mem>>) src(%dma_wait3A_307 : memref<800x32xf32, #tpu.memory_space<vmem>>) dst(%dma_wait3A_303 : memref<800x32xf32, #tpu.memory_space<hbm>>)
    %dma_start3A_308 = arith.constant 0 : i32
    %dma_start3A_309 = arith.constant 0 : i32
    %dma_start3A_310 = arith.constant 0 : i32
    %dma_start3A_311 = tpu.memref_slice %arg7[%dma_start3A_308, %dma_start3A_309, %dma_start3A_310] : memref<4x800x32xf32, #tpu.memory_space<vmem>> -> memref<1x800x32xf32, #tpu.memory_space<vmem>>
    %dma_start3A_312 = tpu.memref_squeeze %dma_start3A_311 : memref<1x800x32xf32, #tpu.memory_space<vmem>> -> memref<800x32xf32, #tpu.memory_space<vmem>>
    %dma_start3A_313 = arith.constant 6400 : i32
    %dma_start3A_314 = tpu.memref_slice %arg6[%dma_start3A_313] : memref<25600xi32, #tpu.memory_space<vmem>> -> memref<800xi32, #tpu.memory_space<vmem>>
    %dma_start3A_315 = arith.constant 0 : i32
    %dma_start3A_316 = arith.constant 0 : i32
    %dma_start3A_317 = tpu.memref_slice %arg4[%dma_start3A_315, %dma_start3A_316] : memref<1000000x32xf32, #tpu.memory_space<hbm>> -> memref<1000000x32xf32, #tpu.memory_space<hbm>>
    tpu.enqueue_indirect_dma source(%dma_start3A_317 : memref<1000000x32xf32, #tpu.memory_space<hbm>>) target(%dma_start3A_312 : memref<800x32xf32, #tpu.memory_space<vmem>>) offsets(%dma_start3A_314 : memref<800xi32, #tpu.memory_space<vmem>>) semaphore(%arg9 : memref<!tpu.dma_semaphore, #tpu.memory_space<semaphore_mem>>)
    %dma_wait3A_318 = arith.constant 1 : i32
    %dma_wait3A_319 = arith.constant 0 : i32
    %dma_wait3A_320 = arith.constant 0 : i32
    %dma_wait3A_321 = tpu.memref_slice %arg7[%dma_wait3A_318, %dma_wait3A_319, %dma_wait3A_320] : memref<4x800x32xf32, #tpu.memory_space<vmem>> -> memref<1x800x32xf32, #tpu.memory_space<vmem>>
    %dma_wait3A_322 = tpu.memref_squeeze %dma_wait3A_321 : memref<1x800x32xf32, #tpu.memory_space<vmem>> -> memref<800x32xf32, #tpu.memory_space<vmem>>
    %dma_wait3A_323 = arith.constant 4000 : i32
    %dma_wait3A_324 = tpu.memref_slice %arg6[%dma_wait3A_323] : memref<25600xi32, #tpu.memory_space<vmem>> -> memref<800xi32, #tpu.memory_space<vmem>>
    %dma_wait3A_325 = arith.constant 0 : i32
    %dma_wait3A_326 = arith.constant 0 : i32
    %dma_wait3A_327 = tpu.memref_slice %arg4[%dma_wait3A_325, %dma_wait3A_326] : memref<1000000x32xf32, #tpu.memory_space<hbm>> -> memref<1000000x32xf32, #tpu.memory_space<hbm>>
    tpu.wait_indirect_dma semaphore(%arg10 : memref<!tpu.dma_semaphore, #tpu.memory_space<semaphore_mem>>) src(%dma_wait3A_327 : memref<1000000x32xf32, #tpu.memory_space<hbm>>) dst(%dma_wait3A_322 : memref<800x32xf32, #tpu.memory_space<vmem>>)
    %scan3A_328 = arith.constant 0 : i32
    %scan3A_329 = arith.constant 0 : i32
    %scan3A_330 = arith.constant 16 : i32
    %scan3A_331 = arith.addi %scan3A_329, %scan3A_330 : i32
    %scan3A_332 = arith.constant 1 : i32
    %scan3A_333 = scf.for %scan3A_1763 = %scan3A_329 to %scan3A_331 step %scan3A_332 iter_args(%scan3A_1764 = %scan3A_328) -> (i32)  : i32 {
      %add3A_1765 = arith.constant 80 : i32
      %add3A_1766 = arith.addi %add3A_1765, %scan3A_1763 : i32
      %get3A = arith.index_cast %add3A_1766 : i32 to index
      %get3A_1767 = tpu.vector_load %arg8[%get3A] {strides = array<i32>} : memref<528xi32, #tpu.memory_space<vmem>>, vector<16xi32>,
      %get3A_1768 = vector.shape_cast %get3A_1767 : vector<16xi32> to vector<16xi32>
      %slice3A = vector.extract_strided_slice %get3A_1768 {offsets = [0], sizes = [1], strides = [1]} : vector<16xi32> to vector<1xi32>
      %squeeze3A = vector.extract %slice3A[0] : i32 from vector<1xi32>
      %while3A = arith.constant 50 : i32
      %while3A_1769 = arith.constant 0 : i32
      %while3A_1770 = arith.subi %while3A, %squeeze3A : i32
      %while3A_1771 = arith.addi %squeeze3A, %while3A_1770 : i32
      %while3A_1772 = arith.constant 1 : i32
      %while3A_1773 = arith.divsi %while3A_1770, %while3A_1772 : i32
      %while3A_1774 = arith.muli %while3A_1773, %while3A_1772 : i32
      %while3A_1775 = arith.addi %squeeze3A, %while3A_1774 : i32
      %while3A_1776 = arith.constant 1 : i32
      %while3A_1777 = scf.for %while3A_1781 = %squeeze3A to %while3A_1775 step %while3A_1776 iter_args(%while3A_1782 = %while3A_1769) -> (i32)  : i32 {
        %mul3A_1783 = arith.constant 50 : i32
        %mul3A_1784 = arith.muli %scan3A_1763, %mul3A_1783 : i32
        %add3A_1785 = arith.addi %mul3A_1784, %while3A_1781 : i32
        %swap3A = arith.constant 1 : i32
        %swap3A_1786 = arith.index_cast %swap3A : i32 to index
        %swap3A_1787 = arith.index_cast %add3A_1785 : i32 to index
        %swap3A_1788 = arith.constant 0 : index
        %swap3A_1789 = tpu.vector_load %arg7[%swap3A_1786, %swap3A_1787, %swap3A_1788] {strides = array<i32>} : memref<4x800x32xf32, #tpu.memory_space<vmem>>, vector<1x1x16xf32>,
        %swap3A_1790 = vector.shape_cast %swap3A_1789 : vector<1x1x16xf32> to vector<16xf32>
        %swap3A_1791 = vector.shape_cast %broadcast_in_dim3A_5 : vector<16xf32> to vector<1x1x16xf32>
        tpu.vector_store %arg7[%swap3A_1786, %swap3A_1787, %swap3A_1788], %swap3A_1791 {strides = array<i32>} : memref<4x800x32xf32, #tpu.memory_space<vmem>>, vector<1x1x16xf32>,
        %mul3A_1792 = arith.constant 50 : i32
        %mul3A_1793 = arith.muli %scan3A_1763, %mul3A_1792 : i32
        %add3A_1794 = arith.addi %mul3A_1793, %while3A_1781 : i32
        %swap3A_1795 = arith.constant 1 : i32
        %swap3A_1796 = arith.index_cast %swap3A_1795 : i32 to index
        %swap3A_1797 = arith.index_cast %add3A_1794 : i32 to index
        %swap3A_1798 = arith.constant 16 : index
        %swap3A_1799 = tpu.vector_load %arg7[%swap3A_1796, %swap3A_1797, %swap3A_1798] {strides = array<i32>} : memref<4x800x32xf32, #tpu.memory_space<vmem>>, vector<1x1x16xf32>,
        %swap3A_1800 = vector.shape_cast %swap3A_1799 : vector<1x1x16xf32> to vector<16xf32>
        %swap3A_1801 = vector.shape_cast %broadcast_in_dim3A_5 : vector<16xf32> to vector<1x1x16xf32>
        tpu.vector_store %arg7[%swap3A_1796, %swap3A_1797, %swap3A_1798], %swap3A_1801 {strides = array<i32>} : memref<4x800x32xf32, #tpu.memory_space<vmem>>, vector<1x1x16xf32>,
        %while3A_1802 = arith.constant 0 : i32
        scf.yield %while3A_1802 : i32
      }
      %while3A_1778 = arith.constant 1 : i32
      %while3A_1779 = scf.for %while3A_1781 = %while3A_1775 to %while3A_1771 step %while3A_1778 iter_args(%while3A_1782 = %while3A_1777) -> (i32)  : i32 {
        %mul3A_1783 = arith.constant 50 : i32
        %mul3A_1784 = arith.muli %scan3A_1763, %mul3A_1783 : i32
        %add3A_1785 = arith.addi %mul3A_1784, %while3A_1781 : i32
        %swap3A = arith.constant 1 : i32
        %swap3A_1786 = arith.index_cast %swap3A : i32 to index
        %swap3A_1787 = arith.index_cast %add3A_1785 : i32 to index
        %swap3A_1788 = arith.constant 0 : index
        %swap3A_1789 = tpu.vector_load %arg7[%swap3A_1786, %swap3A_1787, %swap3A_1788] {strides = array<i32>} : memref<4x800x32xf32, #tpu.memory_space<vmem>>, vector<1x1x16xf32>,
        %swap3A_1790 = vector.shape_cast %swap3A_1789 : vector<1x1x16xf32> to vector<16xf32>
        %swap3A_1791 = vector.shape_cast %broadcast_in_dim3A_5 : vector<16xf32> to vector<1x1x16xf32>
        tpu.vector_store %arg7[%swap3A_1786, %swap3A_1787, %swap3A_1788], %swap3A_1791 {strides = array<i32>} : memref<4x800x32xf32, #tpu.memory_space<vmem>>, vector<1x1x16xf32>,
        %mul3A_1792 = arith.constant 50 : i32
        %mul3A_1793 = arith.muli %scan3A_1763, %mul3A_1792 : i32
        %add3A_1794 = arith.addi %mul3A_1793, %while3A_1781 : i32
        %swap3A_1795 = arith.constant 1 : i32
        %swap3A_1796 = arith.index_cast %swap3A_1795 : i32 to index
        %swap3A_1797 = arith.index_cast %add3A_1794 : i32 to index
        %swap3A_1798 = arith.constant 16 : index
        %swap3A_1799 = tpu.vector_load %arg7[%swap3A_1796, %swap3A_1797, %swap3A_1798] {strides = array<i32>} : memref<4x800x32xf32, #tpu.memory_space<vmem>>, vector<1x1x16xf32>,
        %swap3A_1800 = vector.shape_cast %swap3A_1799 : vector<1x1x16xf32> to vector<16xf32>
        %swap3A_1801 = vector.shape_cast %broadcast_in_dim3A_5 : vector<16xf32> to vector<1x1x16xf32>
        tpu.vector_store %arg7[%swap3A_1796, %swap3A_1797, %swap3A_1798], %swap3A_1801 {strides = array<i32>} : memref<4x800x32xf32, #tpu.memory_space<vmem>>, vector<1x1x16xf32>,
        %while3A_1802 = arith.constant 0 : i32
        scf.yield %while3A_1802 : i32
      }
      %scan3A_1780 = arith.constant 0 : i32
      scf.yield %scan3A_1780 : i32
    }
    %scan3A_334 = arith.constant 16 : i32
    %add3A_335 = arith.constant 4000 : i32
    %add3A_336 = arith.addi %mul3A_2, %add3A_335 : i32
    %dma_start3A_337 = arith.constant 1 : i32
    %dma_start3A_338 = arith.constant 0 : i32
    %dma_start3A_339 = arith.constant 0 : i32
    %dma_start3A_340 = tpu.memref_slice %arg7[%dma_start3A_337, %dma_start3A_338, %dma_start3A_339] : memref<4x800x32xf32, #tpu.memory_space<vmem>> -> memref<1x800x32xf32, #tpu.memory_space<vmem>>
    %dma_start3A_341 = tpu.memref_squeeze %dma_start3A_340 : memref<1x800x32xf32, #tpu.memory_space<vmem>> -> memref<800x32xf32, #tpu.memory_space<vmem>>
    %dma_start3A_342 = arith.constant 0 : i32
    %dma_start3A_343 = tpu.memref_slice %arg5[%add3A_336, %dma_start3A_342] : memref<819200x32xf32, #tpu.memory_space<hbm>> -> memref<800x32xf32, #tpu.memory_space<hbm>>
    %dma_start3A_344 = arith.constant 0 : i32
    %dma_start3A_345 = tpu.memref_slice %arg5[%add3A_336, %dma_start3A_344] : memref<819200x32xf32, #tpu.memory_space<hbm>> -> memref<800x32xf32, #tpu.memory_space<hbm>>
    %dma_start3A_346 = arith.constant 0 : i32
    %dma_start3A_347 = arith.constant 0 : i32
    %dma_start3A_348 = tpu.memref_slice %arg7[%dma_start3A_337, %dma_start3A_346, %dma_start3A_347] : memref<4x800x32xf32, #tpu.memory_space<vmem>> -> memref<1x800x32xf32, #tpu.memory_space<vmem>>
    %dma_start3A_349 = tpu.memref_squeeze %dma_start3A_348 : memref<1x800x32xf32, #tpu.memory_space<vmem>> -> memref<800x32xf32, #tpu.memory_space<vmem>>
    tpu.enqueue_dma source(%dma_start3A_349 : memref<800x32xf32, #tpu.memory_space<vmem>>) target(%dma_start3A_345 : memref<800x32xf32, #tpu.memory_space<hbm>>) target_semaphore(%arg14 : memref<!tpu.dma_semaphore, #tpu.memory_space<semaphore_mem>>)
    %dma_wait3A_350 = arith.constant 1 : i32
    %dma_wait3A_351 = arith.constant 0 : i32
    %dma_wait3A_352 = arith.constant 0 : i32
    %dma_wait3A_353 = tpu.memref_slice %arg7[%dma_wait3A_350, %dma_wait3A_351, %dma_wait3A_352] : memref<4x800x32xf32, #tpu.memory_space<vmem>> -> memref<1x800x32xf32, #tpu.memory_space<vmem>>
    %dma_wait3A_354 = tpu.memref_squeeze %dma_wait3A_353 : memref<1x800x32xf32, #tpu.memory_space<vmem>> -> memref<800x32xf32, #tpu.memory_space<vmem>>
    %dma_wait3A_355 = arith.constant 0 : i32
    %dma_wait3A_356 = tpu.memref_slice %arg5[%add3A_336, %dma_wait3A_355] : memref<819200x32xf32, #tpu.memory_space<hbm>> -> memref<800x32xf32, #tpu.memory_space<hbm>>
    %dma_wait3A_357 = arith.constant 0 : i32
    %dma_wait3A_358 = tpu.memref_slice %arg5[%add3A_336, %dma_wait3A_357] : memref<819200x32xf32, #tpu.memory_space<hbm>> -> memref<800x32xf32, #tpu.memory_space<hbm>>
    %dma_wait3A_359 = arith.constant 0 : i32
    %dma_wait3A_360 = arith.constant 0 : i32
    %dma_wait3A_361 = tpu.memref_slice %arg7[%dma_wait3A_350, %dma_wait3A_359, %dma_wait3A_360] : memref<4x800x32xf32, #tpu.memory_space<vmem>> -> memref<1x800x32xf32, #tpu.memory_space<vmem>>
    %dma_wait3A_362 = tpu.memref_squeeze %dma_wait3A_361 : memref<1x800x32xf32, #tpu.memory_space<vmem>> -> memref<800x32xf32, #tpu.memory_space<vmem>>
    tpu.wait_dma2 semaphore(%arg14 : memref<!tpu.dma_semaphore, #tpu.memory_space<semaphore_mem>>) src(%dma_wait3A_362 : memref<800x32xf32, #tpu.memory_space<vmem>>) dst(%dma_wait3A_358 : memref<800x32xf32, #tpu.memory_space<hbm>>)
    %dma_start3A_363 = arith.constant 1 : i32
    %dma_start3A_364 = arith.constant 0 : i32
    %dma_start3A_365 = arith.constant 0 : i32
    %dma_start3A_366 = tpu.memref_slice %arg7[%dma_start3A_363, %dma_start3A_364, %dma_start3A_365] : memref<4x800x32xf32, #tpu.memory_space<vmem>> -> memref<1x800x32xf32, #tpu.memory_space<vmem>>
    %dma_start3A_367 = tpu.memref_squeeze %dma_start3A_366 : memref<1x800x32xf32, #tpu.memory_space<vmem>> -> memref<800x32xf32, #tpu.memory_space<vmem>>
    %dma_start3A_368 = arith.constant 7200 : i32
    %dma_start3A_369 = tpu.memref_slice %arg6[%dma_start3A_368] : memref<25600xi32, #tpu.memory_space<vmem>> -> memref<800xi32, #tpu.memory_space<vmem>>
    %dma_start3A_370 = arith.constant 0 : i32
    %dma_start3A_371 = arith.constant 0 : i32
    %dma_start3A_372 = tpu.memref_slice %arg4[%dma_start3A_370, %dma_start3A_371] : memref<1000000x32xf32, #tpu.memory_space<hbm>> -> memref<1000000x32xf32, #tpu.memory_space<hbm>>
    tpu.enqueue_indirect_dma source(%dma_start3A_372 : memref<1000000x32xf32, #tpu.memory_space<hbm>>) target(%dma_start3A_367 : memref<800x32xf32, #tpu.memory_space<vmem>>) offsets(%dma_start3A_369 : memref<800xi32, #tpu.memory_space<vmem>>) semaphore(%arg10 : memref<!tpu.dma_semaphore, #tpu.memory_space<semaphore_mem>>)
    %dma_wait3A_373 = arith.constant 2 : i32
    %dma_wait3A_374 = arith.constant 0 : i32
    %dma_wait3A_375 = arith.constant 0 : i32
    %dma_wait3A_376 = tpu.memref_slice %arg7[%dma_wait3A_373, %dma_wait3A_374, %dma_wait3A_375] : memref<4x800x32xf32, #tpu.memory_space<vmem>> -> memref<1x800x32xf32, #tpu.memory_space<vmem>>
    %dma_wait3A_377 = tpu.memref_squeeze %dma_wait3A_376 : memref<1x800x32xf32, #tpu.memory_space<vmem>> -> memref<800x32xf32, #tpu.memory_space<vmem>>
    %dma_wait3A_378 = arith.constant 4800 : i32
    %dma_wait3A_379 = tpu.memref_slice %arg6[%dma_wait3A_378] : memref<25600xi32, #tpu.memory_space<vmem>> -> memref<800xi32, #tpu.memory_space<vmem>>
    %dma_wait3A_380 = arith.constant 0 : i32
    %dma_wait3A_381 = arith.constant 0 : i32
    %dma_wait3A_382 = tpu.memref_slice %arg4[%dma_wait3A_380, %dma_wait3A_381] : memref<1000000x32xf32, #tpu.memory_space<hbm>> -> memref<1000000x32xf32, #tpu.memory_space<hbm>>
    tpu.wait_indirect_dma semaphore(%arg11 : memref<!tpu.dma_semaphore, #tpu.memory_space<semaphore_mem>>) src(%dma_wait3A_382 : memref<1000000x32xf32, #tpu.memory_space<hbm>>) dst(%dma_wait3A_377 : memref<800x32xf32, #tpu.memory_space<vmem>>)
    %scan3A_383 = arith.constant 0 : i32
    %scan3A_384 = arith.constant 0 : i32
    %scan3A_385 = arith.constant 16 : i32
    %scan3A_386 = arith.addi %scan3A_384, %scan3A_385 : i32
    %scan3A_387 = arith.constant 1 : i32
    %scan3A_388 = scf.for %scan3A_1763 = %scan3A_384 to %scan3A_386 step %scan3A_387 iter_args(%scan3A_1764 = %scan3A_383) -> (i32)  : i32 {
      %add3A_1765 = arith.constant 96 : i32
      %add3A_1766 = arith.addi %add3A_1765, %scan3A_1763 : i32
      %get3A = arith.index_cast %add3A_1766 : i32 to index
      %get3A_1767 = tpu.vector_load %arg8[%get3A] {strides = array<i32>} : memref<528xi32, #tpu.memory_space<vmem>>, vector<16xi32>,
      %get3A_1768 = vector.shape_cast %get3A_1767 : vector<16xi32> to vector<16xi32>
      %slice3A = vector.extract_strided_slice %get3A_1768 {offsets = [0], sizes = [1], strides = [1]} : vector<16xi32> to vector<1xi32>
      %squeeze3A = vector.extract %slice3A[0] : i32 from vector<1xi32>
      %while3A = arith.constant 50 : i32
      %while3A_1769 = arith.constant 0 : i32
      %while3A_1770 = arith.subi %while3A, %squeeze3A : i32
      %while3A_1771 = arith.addi %squeeze3A, %while3A_1770 : i32
      %while3A_1772 = arith.constant 1 : i32
      %while3A_1773 = arith.divsi %while3A_1770, %while3A_1772 : i32
      %while3A_1774 = arith.muli %while3A_1773, %while3A_1772 : i32
      %while3A_1775 = arith.addi %squeeze3A, %while3A_1774 : i32
      %while3A_1776 = arith.constant 1 : i32
      %while3A_1777 = scf.for %while3A_1781 = %squeeze3A to %while3A_1775 step %while3A_1776 iter_args(%while3A_1782 = %while3A_1769) -> (i32)  : i32 {
        %mul3A_1783 = arith.constant 50 : i32
        %mul3A_1784 = arith.muli %scan3A_1763, %mul3A_1783 : i32
        %add3A_1785 = arith.addi %mul3A_1784, %while3A_1781 : i32
        %swap3A = arith.constant 2 : i32
        %swap3A_1786 = arith.index_cast %swap3A : i32 to index
        %swap3A_1787 = arith.index_cast %add3A_1785 : i32 to index
        %swap3A_1788 = arith.constant 0 : index
        %swap3A_1789 = tpu.vector_load %arg7[%swap3A_1786, %swap3A_1787, %swap3A_1788] {strides = array<i32>} : memref<4x800x32xf32, #tpu.memory_space<vmem>>, vector<1x1x16xf32>,
        %swap3A_1790 = vector.shape_cast %swap3A_1789 : vector<1x1x16xf32> to vector<16xf32>
        %swap3A_1791 = vector.shape_cast %broadcast_in_dim3A_5 : vector<16xf32> to vector<1x1x16xf32>
        tpu.vector_store %arg7[%swap3A_1786, %swap3A_1787, %swap3A_1788], %swap3A_1791 {strides = array<i32>} : memref<4x800x32xf32, #tpu.memory_space<vmem>>, vector<1x1x16xf32>,
        %mul3A_1792 = arith.constant 50 : i32
        %mul3A_1793 = arith.muli %scan3A_1763, %mul3A_1792 : i32
        %add3A_1794 = arith.addi %mul3A_1793, %while3A_1781 : i32
        %swap3A_1795 = arith.constant 2 : i32
        %swap3A_1796 = arith.index_cast %swap3A_1795 : i32 to index
        %swap3A_1797 = arith.index_cast %add3A_1794 : i32 to index
        %swap3A_1798 = arith.constant 16 : index
        %swap3A_1799 = tpu.vector_load %arg7[%swap3A_1796, %swap3A_1797, %swap3A_1798] {strides = array<i32>} : memref<4x800x32xf32, #tpu.memory_space<vmem>>, vector<1x1x16xf32>,
        %swap3A_1800 = vector.shape_cast %swap3A_1799 : vector<1x1x16xf32> to vector<16xf32>
        %swap3A_1801 = vector.shape_cast %broadcast_in_dim3A_5 : vector<16xf32> to vector<1x1x16xf32>
        tpu.vector_store %arg7[%swap3A_1796, %swap3A_1797, %swap3A_1798], %swap3A_1801 {strides = array<i32>} : memref<4x800x32xf32, #tpu.memory_space<vmem>>, vector<1x1x16xf32>,
        %while3A_1802 = arith.constant 0 : i32
        scf.yield %while3A_1802 : i32
      }
      %while3A_1778 = arith.constant 1 : i32
      %while3A_1779 = scf.for %while3A_1781 = %while3A_1775 to %while3A_1771 step %while3A_1778 iter_args(%while3A_1782 = %while3A_1777) -> (i32)  : i32 {
        %mul3A_1783 = arith.constant 50 : i32
        %mul3A_1784 = arith.muli %scan3A_1763, %mul3A_1783 : i32
        %add3A_1785 = arith.addi %mul3A_1784, %while3A_1781 : i32
        %swap3A = arith.constant 2 : i32
        %swap3A_1786 = arith.index_cast %swap3A : i32 to index
        %swap3A_1787 = arith.index_cast %add3A_1785 : i32 to index
        %swap3A_1788 = arith.constant 0 : index
        %swap3A_1789 = tpu.vector_load %arg7[%swap3A_1786, %swap3A_1787, %swap3A_1788] {strides = array<i32>} : memref<4x800x32xf32, #tpu.memory_space<vmem>>, vector<1x1x16xf32>,
        %swap3A_1790 = vector.shape_cast %swap3A_1789 : vector<1x1x16xf32> to vector<16xf32>
        %swap3A_1791 = vector.shape_cast %broadcast_in_dim3A_5 : vector<16xf32> to vector<1x1x16xf32>
        tpu.vector_store %arg7[%swap3A_1786, %swap3A_1787, %swap3A_1788], %swap3A_1791 {strides = array<i32>} : memref<4x800x32xf32, #tpu.memory_space<vmem>>, vector<1x1x16xf32>,
        %mul3A_1792 = arith.constant 50 : i32
        %mul3A_1793 = arith.muli %scan3A_1763, %mul3A_1792 : i32
        %add3A_1794 = arith.addi %mul3A_1793, %while3A_1781 : i32
        %swap3A_1795 = arith.constant 2 : i32
        %swap3A_1796 = arith.index_cast %swap3A_1795 : i32 to index
        %swap3A_1797 = arith.index_cast %add3A_1794 : i32 to index
        %swap3A_1798 = arith.constant 16 : index
        %swap3A_1799 = tpu.vector_load %arg7[%swap3A_1796, %swap3A_1797, %swap3A_1798] {strides = array<i32>} : memref<4x800x32xf32, #tpu.memory_space<vmem>>, vector<1x1x16xf32>,
        %swap3A_1800 = vector.shape_cast %swap3A_1799 : vector<1x1x16xf32> to vector<16xf32>
        %swap3A_1801 = vector.shape_cast %broadcast_in_dim3A_5 : vector<16xf32> to vector<1x1x16xf32>
        tpu.vector_store %arg7[%swap3A_1796, %swap3A_1797, %swap3A_1798], %swap3A_1801 {strides = array<i32>} : memref<4x800x32xf32, #tpu.memory_space<vmem>>, vector<1x1x16xf32>,
        %while3A_1802 = arith.constant 0 : i32
        scf.yield %while3A_1802 : i32
      }
      %scan3A_1780 = arith.constant 0 : i32
      scf.yield %scan3A_1780 : i32
    }
    %scan3A_389 = arith.constant 16 : i32
    %add3A_390 = arith.constant 4800 : i32
    %add3A_391 = arith.addi %mul3A_2, %add3A_390 : i32
    %dma_start3A_392 = arith.constant 2 : i32
    %dma_start3A_393 = arith.constant 0 : i32
    %dma_start3A_394 = arith.constant 0 : i32
    %dma_start3A_395 = tpu.memref_slice %arg7[%dma_start3A_392, %dma_start3A_393, %dma_start3A_394] : memref<4x800x32xf32, #tpu.memory_space<vmem>> -> memref<1x800x32xf32, #tpu.memory_space<vmem>>
    %dma_start3A_396 = tpu.memref_squeeze %dma_start3A_395 : memref<1x800x32xf32, #tpu.memory_space<vmem>> -> memref<800x32xf32, #tpu.memory_space<vmem>>
    %dma_start3A_397 = arith.constant 0 : i32
    %dma_start3A_398 = tpu.memref_slice %arg5[%add3A_391, %dma_start3A_397] : memref<819200x32xf32, #tpu.memory_space<hbm>> -> memref<800x32xf32, #tpu.memory_space<hbm>>
    %dma_start3A_399 = arith.constant 0 : i32
    %dma_start3A_400 = tpu.memref_slice %arg5[%add3A_391, %dma_start3A_399] : memref<819200x32xf32, #tpu.memory_space<hbm>> -> memref<800x32xf32, #tpu.memory_space<hbm>>
    %dma_start3A_401 = arith.constant 0 : i32
    %dma_start3A_402 = arith.constant 0 : i32
    %dma_start3A_403 = tpu.memref_slice %arg7[%dma_start3A_392, %dma_start3A_401, %dma_start3A_402] : memref<4x800x32xf32, #tpu.memory_space<vmem>> -> memref<1x800x32xf32, #tpu.memory_space<vmem>>
    %dma_start3A_404 = tpu.memref_squeeze %dma_start3A_403 : memref<1x800x32xf32, #tpu.memory_space<vmem>> -> memref<800x32xf32, #tpu.memory_space<vmem>>
    tpu.enqueue_dma source(%dma_start3A_404 : memref<800x32xf32, #tpu.memory_space<vmem>>) target(%dma_start3A_400 : memref<800x32xf32, #tpu.memory_space<hbm>>) target_semaphore(%arg15 : memref<!tpu.dma_semaphore, #tpu.memory_space<semaphore_mem>>)
    %dma_wait3A_405 = arith.constant 2 : i32
    %dma_wait3A_406 = arith.constant 0 : i32
    %dma_wait3A_407 = arith.constant 0 : i32
    %dma_wait3A_408 = tpu.memref_slice %arg7[%dma_wait3A_405, %dma_wait3A_406, %dma_wait3A_407] : memref<4x800x32xf32, #tpu.memory_space<vmem>> -> memref<1x800x32xf32, #tpu.memory_space<vmem>>
    %dma_wait3A_409 = tpu.memref_squeeze %dma_wait3A_408 : memref<1x800x32xf32, #tpu.memory_space<vmem>> -> memref<800x32xf32, #tpu.memory_space<vmem>>
    %dma_wait3A_410 = arith.constant 0 : i32
    %dma_wait3A_411 = tpu.memref_slice %arg5[%add3A_391, %dma_wait3A_410] : memref<819200x32xf32, #tpu.memory_space<hbm>> -> memref<800x32xf32, #tpu.memory_space<hbm>>
    %dma_wait3A_412 = arith.constant 0 : i32
    %dma_wait3A_413 = tpu.memref_slice %arg5[%add3A_391, %dma_wait3A_412] : memref<819200x32xf32, #tpu.memory_space<hbm>> -> memref<800x32xf32, #tpu.memory_space<hbm>>
    %dma_wait3A_414 = arith.constant 0 : i32
    %dma_wait3A_415 = arith.constant 0 : i32
    %dma_wait3A_416 = tpu.memref_slice %arg7[%dma_wait3A_405, %dma_wait3A_414, %dma_wait3A_415] : memref<4x800x32xf32, #tpu.memory_space<vmem>> -> memref<1x800x32xf32, #tpu.memory_space<vmem>>
    %dma_wait3A_417 = tpu.memref_squeeze %dma_wait3A_416 : memref<1x800x32xf32, #tpu.memory_space<vmem>> -> memref<800x32xf32, #tpu.memory_space<vmem>>
    tpu.wait_dma2 semaphore(%arg15 : memref<!tpu.dma_semaphore, #tpu.memory_space<semaphore_mem>>) src(%dma_wait3A_417 : memref<800x32xf32, #tpu.memory_space<vmem>>) dst(%dma_wait3A_413 : memref<800x32xf32, #tpu.memory_space<hbm>>)
    %dma_start3A_418 = arith.constant 2 : i32
    %dma_start3A_419 = arith.constant 0 : i32
    %dma_start3A_420 = arith.constant 0 : i32
    %dma_start3A_421 = tpu.memref_slice %arg7[%dma_start3A_418, %dma_start3A_419, %dma_start3A_420] : memref<4x800x32xf32, #tpu.memory_space<vmem>> -> memref<1x800x32xf32, #tpu.memory_space<vmem>>
    %dma_start3A_422 = tpu.memref_squeeze %dma_start3A_421 : memref<1x800x32xf32, #tpu.memory_space<vmem>> -> memref<800x32xf32, #tpu.memory_space<vmem>>
    %dma_start3A_423 = arith.constant 8000 : i32
    %dma_start3A_424 = tpu.memref_slice %arg6[%dma_start3A_423] : memref<25600xi32, #tpu.memory_space<vmem>> -> memref<800xi32, #tpu.memory_space<vmem>>
    %dma_start3A_425 = arith.constant 0 : i32
    %dma_start3A_426 = arith.constant 0 : i32
    %dma_start3A_427 = tpu.memref_slice %arg4[%dma_start3A_425, %dma_start3A_426] : memref<1000000x32xf32, #tpu.memory_space<hbm>> -> memref<1000000x32xf32, #tpu.memory_space<hbm>>
    tpu.enqueue_indirect_dma source(%dma_start3A_427 : memref<1000000x32xf32, #tpu.memory_space<hbm>>) target(%dma_start3A_422 : memref<800x32xf32, #tpu.memory_space<vmem>>) offsets(%dma_start3A_424 : memref<800xi32, #tpu.memory_space<vmem>>) semaphore(%arg11 : memref<!tpu.dma_semaphore, #tpu.memory_space<semaphore_mem>>)
    %dma_wait3A_428 = arith.constant 3 : i32
    %dma_wait3A_429 = arith.constant 0 : i32
    %dma_wait3A_430 = arith.constant 0 : i32
    %dma_wait3A_431 = tpu.memref_slice %arg7[%dma_wait3A_428, %dma_wait3A_429, %dma_wait3A_430] : memref<4x800x32xf32, #tpu.memory_space<vmem>> -> memref<1x800x32xf32, #tpu.memory_space<vmem>>
    %dma_wait3A_432 = tpu.memref_squeeze %dma_wait3A_431 : memref<1x800x32xf32, #tpu.memory_space<vmem>> -> memref<800x32xf32, #tpu.memory_space<vmem>>
    %dma_wait3A_433 = arith.constant 5600 : i32
    %dma_wait3A_434 = tpu.memref_slice %arg6[%dma_wait3A_433] : memref<25600xi32, #tpu.memory_space<vmem>> -> memref<800xi32, #tpu.memory_space<vmem>>
    %dma_wait3A_435 = arith.constant 0 : i32
    %dma_wait3A_436 = arith.constant 0 : i32
    %dma_wait3A_437 = tpu.memref_slice %arg4[%dma_wait3A_435, %dma_wait3A_436] : memref<1000000x32xf32, #tpu.memory_space<hbm>> -> memref<1000000x32xf32, #tpu.memory_space<hbm>>
    tpu.wait_indirect_dma semaphore(%arg12 : memref<!tpu.dma_semaphore, #tpu.memory_space<semaphore_mem>>) src(%dma_wait3A_437 : memref<1000000x32xf32, #tpu.memory_space<hbm>>) dst(%dma_wait3A_432 : memref<800x32xf32, #tpu.memory_space<vmem>>)
    %scan3A_438 = arith.constant 0 : i32
    %scan3A_439 = arith.constant 0 : i32
    %scan3A_440 = arith.constant 16 : i32
    %scan3A_441 = arith.addi %scan3A_439, %scan3A_440 : i32
    %scan3A_442 = arith.constant 1 : i32
    %scan3A_443 = scf.for %scan3A_1763 = %scan3A_439 to %scan3A_441 step %scan3A_442 iter_args(%scan3A_1764 = %scan3A_438) -> (i32)  : i32 {
      %add3A_1765 = arith.constant 112 : i32
      %add3A_1766 = arith.addi %add3A_1765, %scan3A_1763 : i32
      %get3A = arith.index_cast %add3A_1766 : i32 to index
      %get3A_1767 = tpu.vector_load %arg8[%get3A] {strides = array<i32>} : memref<528xi32, #tpu.memory_space<vmem>>, vector<16xi32>,
      %get3A_1768 = vector.shape_cast %get3A_1767 : vector<16xi32> to vector<16xi32>
      %slice3A = vector.extract_strided_slice %get3A_1768 {offsets = [0], sizes = [1], strides = [1]} : vector<16xi32> to vector<1xi32>
      %squeeze3A = vector.extract %slice3A[0] : i32 from vector<1xi32>
      %while3A = arith.constant 50 : i32
      %while3A_1769 = arith.constant 0 : i32
      %while3A_1770 = arith.subi %while3A, %squeeze3A : i32
      %while3A_1771 = arith.addi %squeeze3A, %while3A_1770 : i32
      %while3A_1772 = arith.constant 1 : i32
      %while3A_1773 = arith.divsi %while3A_1770, %while3A_1772 : i32
      %while3A_1774 = arith.muli %while3A_1773, %while3A_1772 : i32
      %while3A_1775 = arith.addi %squeeze3A, %while3A_1774 : i32
      %while3A_1776 = arith.constant 1 : i32
      %while3A_1777 = scf.for %while3A_1781 = %squeeze3A to %while3A_1775 step %while3A_1776 iter_args(%while3A_1782 = %while3A_1769) -> (i32)  : i32 {
        %mul3A_1783 = arith.constant 50 : i32
        %mul3A_1784 = arith.muli %scan3A_1763, %mul3A_1783 : i32
        %add3A_1785 = arith.addi %mul3A_1784, %while3A_1781 : i32
        %swap3A = arith.constant 3 : i32
        %swap3A_1786 = arith.index_cast %swap3A : i32 to index
        %swap3A_1787 = arith.index_cast %add3A_1785 : i32 to index
        %swap3A_1788 = arith.constant 0 : index
        %swap3A_1789 = tpu.vector_load %arg7[%swap3A_1786, %swap3A_1787, %swap3A_1788] {strides = array<i32>} : memref<4x800x32xf32, #tpu.memory_space<vmem>>, vector<1x1x16xf32>,
        %swap3A_1790 = vector.shape_cast %swap3A_1789 : vector<1x1x16xf32> to vector<16xf32>
        %swap3A_1791 = vector.shape_cast %broadcast_in_dim3A_5 : vector<16xf32> to vector<1x1x16xf32>
        tpu.vector_store %arg7[%swap3A_1786, %swap3A_1787, %swap3A_1788], %swap3A_1791 {strides = array<i32>} : memref<4x800x32xf32, #tpu.memory_space<vmem>>, vector<1x1x16xf32>,
        %mul3A_1792 = arith.constant 50 : i32
        %mul3A_1793 = arith.muli %scan3A_1763, %mul3A_1792 : i32
        %add3A_1794 = arith.addi %mul3A_1793, %while3A_1781 : i32
        %swap3A_1795 = arith.constant 3 : i32
        %swap3A_1796 = arith.index_cast %swap3A_1795 : i32 to index
        %swap3A_1797 = arith.index_cast %add3A_1794 : i32 to index
        %swap3A_1798 = arith.constant 16 : index
        %swap3A_1799 = tpu.vector_load %arg7[%swap3A_1796, %swap3A_1797, %swap3A_1798] {strides = array<i32>} : memref<4x800x32xf32, #tpu.memory_space<vmem>>, vector<1x1x16xf32>,
        %swap3A_1800 = vector.shape_cast %swap3A_1799 : vector<1x1x16xf32> to vector<16xf32>
        %swap3A_1801 = vector.shape_cast %broadcast_in_dim3A_5 : vector<16xf32> to vector<1x1x16xf32>
        tpu.vector_store %arg7[%swap3A_1796, %swap3A_1797, %swap3A_1798], %swap3A_1801 {strides = array<i32>} : memref<4x800x32xf32, #tpu.memory_space<vmem>>, vector<1x1x16xf32>,
        %while3A_1802 = arith.constant 0 : i32
        scf.yield %while3A_1802 : i32
      }
      %while3A_1778 = arith.constant 1 : i32
      %while3A_1779 = scf.for %while3A_1781 = %while3A_1775 to %while3A_1771 step %while3A_1778 iter_args(%while3A_1782 = %while3A_1777) -> (i32)  : i32 {
        %mul3A_1783 = arith.constant 50 : i32
        %mul3A_1784 = arith.muli %scan3A_1763, %mul3A_1783 : i32
        %add3A_1785 = arith.addi %mul3A_1784, %while3A_1781 : i32
        %swap3A = arith.constant 3 : i32
        %swap3A_1786 = arith.index_cast %swap3A : i32 to index
        %swap3A_1787 = arith.index_cast %add3A_1785 : i32 to index
        %swap3A_1788 = arith.constant 0 : index
        %swap3A_1789 = tpu.vector_load %arg7[%swap3A_1786, %swap3A_1787, %swap3A_1788] {strides = array<i32>} : memref<4x800x32xf32, #tpu.memory_space<vmem>>, vector<1x1x16xf32>,
        %swap3A_1790 = vector.shape_cast %swap3A_1789 : vector<1x1x16xf32> to vector<16xf32>
        %swap3A_1791 = vector.shape_cast %broadcast_in_dim3A_5 : vector<16xf32> to vector<1x1x16xf32>
        tpu.vector_store %arg7[%swap3A_1786, %swap3A_1787, %swap3A_1788], %swap3A_1791 {strides = array<i32>} : memref<4x800x32xf32, #tpu.memory_space<vmem>>, vector<1x1x16xf32>,
        %mul3A_1792 = arith.constant 50 : i32
        %mul3A_1793 = arith.muli %scan3A_1763, %mul3A_1792 : i32
        %add3A_1794 = arith.addi %mul3A_1793, %while3A_1781 : i32
        %swap3A_1795 = arith.constant 3 : i32
        %swap3A_1796 = arith.index_cast %swap3A_1795 : i32 to index
        %swap3A_1797 = arith.index_cast %add3A_1794 : i32 to index
        %swap3A_1798 = arith.constant 16 : index
        %swap3A_1799 = tpu.vector_load %arg7[%swap3A_1796, %swap3A_1797, %swap3A_1798] {strides = array<i32>} : memref<4x800x32xf32, #tpu.memory_space<vmem>>, vector<1x1x16xf32>,
        %swap3A_1800 = vector.shape_cast %swap3A_1799 : vector<1x1x16xf32> to vector<16xf32>
        %swap3A_1801 = vector.shape_cast %broadcast_in_dim3A_5 : vector<16xf32> to vector<1x1x16xf32>
        tpu.vector_store %arg7[%swap3A_1796, %swap3A_1797, %swap3A_1798], %swap3A_1801 {strides = array<i32>} : memref<4x800x32xf32, #tpu.memory_space<vmem>>, vector<1x1x16xf32>,
        %while3A_1802 = arith.constant 0 : i32
        scf.yield %while3A_1802 : i32
      }
      %scan3A_1780 = arith.constant 0 : i32
      scf.yield %scan3A_1780 : i32
    }
    %scan3A_444 = arith.constant 16 : i32
    %add3A_445 = arith.constant 5600 : i32
    %add3A_446 = arith.addi %mul3A_2, %add3A_445 : i32
    %dma_start3A_447 = arith.constant 3 : i32
    %dma_start3A_448 = arith.constant 0 : i32
    %dma_start3A_449 = arith.constant 0 : i32
    %dma_start3A_450 = tpu.memref_slice %arg7[%dma_start3A_447, %dma_start3A_448, %dma_start3A_449] : memref<4x800x32xf32, #tpu.memory_space<vmem>> -> memref<1x800x32xf32, #tpu.memory_space<vmem>>
    %dma_start3A_451 = tpu.memref_squeeze %dma_start3A_450 : memref<1x800x32xf32, #tpu.memory_space<vmem>> -> memref<800x32xf32, #tpu.memory_space<vmem>>
    %dma_start3A_452 = arith.constant 0 : i32
    %dma_start3A_453 = tpu.memref_slice %arg5[%add3A_446, %dma_start3A_452] : memref<819200x32xf32, #tpu.memory_space<hbm>> -> memref<800x32xf32, #tpu.memory_space<hbm>>
    %dma_start3A_454 = arith.constant 0 : i32
    %dma_start3A_455 = tpu.memref_slice %arg5[%add3A_446, %dma_start3A_454] : memref<819200x32xf32, #tpu.memory_space<hbm>> -> memref<800x32xf32, #tpu.memory_space<hbm>>
    %dma_start3A_456 = arith.constant 0 : i32
    %dma_start3A_457 = arith.constant 0 : i32
    %dma_start3A_458 = tpu.memref_slice %arg7[%dma_start3A_447, %dma_start3A_456, %dma_start3A_457] : memref<4x800x32xf32, #tpu.memory_space<vmem>> -> memref<1x800x32xf32, #tpu.memory_space<vmem>>
    %dma_start3A_459 = tpu.memref_squeeze %dma_start3A_458 : memref<1x800x32xf32, #tpu.memory_space<vmem>> -> memref<800x32xf32, #tpu.memory_space<vmem>>
    tpu.enqueue_dma source(%dma_start3A_459 : memref<800x32xf32, #tpu.memory_space<vmem>>) target(%dma_start3A_455 : memref<800x32xf32, #tpu.memory_space<hbm>>) target_semaphore(%arg16 : memref<!tpu.dma_semaphore, #tpu.memory_space<semaphore_mem>>)
    %dma_wait3A_460 = arith.constant 3 : i32
    %dma_wait3A_461 = arith.constant 0 : i32
    %dma_wait3A_462 = arith.constant 0 : i32
    %dma_wait3A_463 = tpu.memref_slice %arg7[%dma_wait3A_460, %dma_wait3A_461, %dma_wait3A_462] : memref<4x800x32xf32, #tpu.memory_space<vmem>> -> memref<1x800x32xf32, #tpu.memory_space<vmem>>
    %dma_wait3A_464 = tpu.memref_squeeze %dma_wait3A_463 : memref<1x800x32xf32, #tpu.memory_space<vmem>> -> memref<800x32xf32, #tpu.memory_space<vmem>>
    %dma_wait3A_465 = arith.constant 0 : i32
    %dma_wait3A_466 = tpu.memref_slice %arg5[%add3A_446, %dma_wait3A_465] : memref<819200x32xf32, #tpu.memory_space<hbm>> -> memref<800x32xf32, #tpu.memory_space<hbm>>
    %dma_wait3A_467 = arith.constant 0 : i32
    %dma_wait3A_468 = tpu.memref_slice %arg5[%add3A_446, %dma_wait3A_467] : memref<819200x32xf32, #tpu.memory_space<hbm>> -> memref<800x32xf32, #tpu.memory_space<hbm>>
    %dma_wait3A_469 = arith.constant 0 : i32
    %dma_wait3A_470 = arith.constant 0 : i32
    %dma_wait3A_471 = tpu.memref_slice %arg7[%dma_wait3A_460, %dma_wait3A_469, %dma_wait3A_470] : memref<4x800x32xf32, #tpu.memory_space<vmem>> -> memref<1x800x32xf32, #tpu.memory_space<vmem>>
    %dma_wait3A_472 = tpu.memref_squeeze %dma_wait3A_471 : memref<1x800x32xf32, #tpu.memory_space<vmem>> -> memref<800x32xf32, #tpu.memory_space<vmem>>
    tpu.wait_dma2 semaphore(%arg16 : memref<!tpu.dma_semaphore, #tpu.memory_space<semaphore_mem>>) src(%dma_wait3A_472 : memref<800x32xf32, #tpu.memory_space<vmem>>) dst(%dma_wait3A_468 : memref<800x32xf32, #tpu.memory_space<hbm>>)
    %dma_start3A_473 = arith.constant 3 : i32
    %dma_start3A_474 = arith.constant 0 : i32
    %dma_start3A_475 = arith.constant 0 : i32
    %dma_start3A_476 = tpu.memref_slice %arg7[%dma_start3A_473, %dma_start3A_474, %dma_start3A_475] : memref<4x800x32xf32, #tpu.memory_space<vmem>> -> memref<1x800x32xf32, #tpu.memory_space<vmem>>
    %dma_start3A_477 = tpu.memref_squeeze %dma_start3A_476 : memref<1x800x32xf32, #tpu.memory_space<vmem>> -> memref<800x32xf32, #tpu.memory_space<vmem>>
    %dma_start3A_478 = arith.constant 8800 : i32
    %dma_start3A_479 = tpu.memref_slice %arg6[%dma_start3A_478] : memref<25600xi32, #tpu.memory_space<vmem>> -> memref<800xi32, #tpu.memory_space<vmem>>
    %dma_start3A_480 = arith.constant 0 : i32
    %dma_start3A_481 = arith.constant 0 : i32
    %dma_start3A_482 = tpu.memref_slice %arg4[%dma_start3A_480, %dma_start3A_481] : memref<1000000x32xf32, #tpu.memory_space<hbm>> -> memref<1000000x32xf32, #tpu.memory_space<hbm>>
    tpu.enqueue_indirect_dma source(%dma_start3A_482 : memref<1000000x32xf32, #tpu.memory_space<hbm>>) target(%dma_start3A_477 : memref<800x32xf32, #tpu.memory_space<vmem>>) offsets(%dma_start3A_479 : memref<800xi32, #tpu.memory_space<vmem>>) semaphore(%arg12 : memref<!tpu.dma_semaphore, #tpu.memory_space<semaphore_mem>>)
    %dma_wait3A_483 = arith.constant 0 : i32
    %dma_wait3A_484 = arith.constant 0 : i32
    %dma_wait3A_485 = arith.constant 0 : i32
    %dma_wait3A_486 = tpu.memref_slice %arg7[%dma_wait3A_483, %dma_wait3A_484, %dma_wait3A_485] : memref<4x800x32xf32, #tpu.memory_space<vmem>> -> memref<1x800x32xf32, #tpu.memory_space<vmem>>
    %dma_wait3A_487 = tpu.memref_squeeze %dma_wait3A_486 : memref<1x800x32xf32, #tpu.memory_space<vmem>> -> memref<800x32xf32, #tpu.memory_space<vmem>>
    %dma_wait3A_488 = arith.constant 6400 : i32
    %dma_wait3A_489 = tpu.memref_slice %arg6[%dma_wait3A_488] : memref<25600xi32, #tpu.memory_space<vmem>> -> memref<800xi32, #tpu.memory_space<vmem>>
    %dma_wait3A_490 = arith.constant 0 : i32
    %dma_wait3A_491 = arith.constant 0 : i32
    %dma_wait3A_492 = tpu.memref_slice %arg4[%dma_wait3A_490, %dma_wait3A_491] : memref<1000000x32xf32, #tpu.memory_space<hbm>> -> memref<1000000x32xf32, #tpu.memory_space<hbm>>
    tpu.wait_indirect_dma semaphore(%arg9 : memref<!tpu.dma_semaphore, #tpu.memory_space<semaphore_mem>>) src(%dma_wait3A_492 : memref<1000000x32xf32, #tpu.memory_space<hbm>>) dst(%dma_wait3A_487 : memref<800x32xf32, #tpu.memory_space<vmem>>)
    %scan3A_493 = arith.constant 0 : i32
    %scan3A_494 = arith.constant 0 : i32
    %scan3A_495 = arith.constant 16 : i32
    %scan3A_496 = arith.addi %scan3A_494, %scan3A_495 : i32
    %scan3A_497 = arith.constant 1 : i32
    %scan3A_498 = scf.for %scan3A_1763 = %scan3A_494 to %scan3A_496 step %scan3A_497 iter_args(%scan3A_1764 = %scan3A_493) -> (i32)  : i32 {
      %add3A_1765 = arith.constant 128 : i32
      %add3A_1766 = arith.addi %add3A_1765, %scan3A_1763 : i32
      %get3A = arith.index_cast %add3A_1766 : i32 to index
      %get3A_1767 = tpu.vector_load %arg8[%get3A] {strides = array<i32>} : memref<528xi32, #tpu.memory_space<vmem>>, vector<16xi32>,
      %get3A_1768 = vector.shape_cast %get3A_1767 : vector<16xi32> to vector<16xi32>
      %slice3A = vector.extract_strided_slice %get3A_1768 {offsets = [0], sizes = [1], strides = [1]} : vector<16xi32> to vector<1xi32>
      %squeeze3A = vector.extract %slice3A[0] : i32 from vector<1xi32>
      %while3A = arith.constant 50 : i32
      %while3A_1769 = arith.constant 0 : i32
      %while3A_1770 = arith.subi %while3A, %squeeze3A : i32
      %while3A_1771 = arith.addi %squeeze3A, %while3A_1770 : i32
      %while3A_1772 = arith.constant 1 : i32
      %while3A_1773 = arith.divsi %while3A_1770, %while3A_1772 : i32
      %while3A_1774 = arith.muli %while3A_1773, %while3A_1772 : i32
      %while3A_1775 = arith.addi %squeeze3A, %while3A_1774 : i32
      %while3A_1776 = arith.constant 1 : i32
      %while3A_1777 = scf.for %while3A_1781 = %squeeze3A to %while3A_1775 step %while3A_1776 iter_args(%while3A_1782 = %while3A_1769) -> (i32)  : i32 {
        %mul3A_1783 = arith.constant 50 : i32
        %mul3A_1784 = arith.muli %scan3A_1763, %mul3A_1783 : i32
        %add3A_1785 = arith.addi %mul3A_1784, %while3A_1781 : i32
        %swap3A = arith.constant 0 : i32
        %swap3A_1786 = arith.index_cast %swap3A : i32 to index
        %swap3A_1787 = arith.index_cast %add3A_1785 : i32 to index
        %swap3A_1788 = arith.constant 0 : index
        %swap3A_1789 = tpu.vector_load %arg7[%swap3A_1786, %swap3A_1787, %swap3A_1788] {strides = array<i32>} : memref<4x800x32xf32, #tpu.memory_space<vmem>>, vector<1x1x16xf32>,
        %swap3A_1790 = vector.shape_cast %swap3A_1789 : vector<1x1x16xf32> to vector<16xf32>
        %swap3A_1791 = vector.shape_cast %broadcast_in_dim3A_5 : vector<16xf32> to vector<1x1x16xf32>
        tpu.vector_store %arg7[%swap3A_1786, %swap3A_1787, %swap3A_1788], %swap3A_1791 {strides = array<i32>} : memref<4x800x32xf32, #tpu.memory_space<vmem>>, vector<1x1x16xf32>,
        %mul3A_1792 = arith.constant 50 : i32
        %mul3A_1793 = arith.muli %scan3A_1763, %mul3A_1792 : i32
        %add3A_1794 = arith.addi %mul3A_1793, %while3A_1781 : i32
        %swap3A_1795 = arith.constant 0 : i32
        %swap3A_1796 = arith.index_cast %swap3A_1795 : i32 to index
        %swap3A_1797 = arith.index_cast %add3A_1794 : i32 to index
        %swap3A_1798 = arith.constant 16 : index
        %swap3A_1799 = tpu.vector_load %arg7[%swap3A_1796, %swap3A_1797, %swap3A_1798] {strides = array<i32>} : memref<4x800x32xf32, #tpu.memory_space<vmem>>, vector<1x1x16xf32>,
        %swap3A_1800 = vector.shape_cast %swap3A_1799 : vector<1x1x16xf32> to vector<16xf32>
        %swap3A_1801 = vector.shape_cast %broadcast_in_dim3A_5 : vector<16xf32> to vector<1x1x16xf32>
        tpu.vector_store %arg7[%swap3A_1796, %swap3A_1797, %swap3A_1798], %swap3A_1801 {strides = array<i32>} : memref<4x800x32xf32, #tpu.memory_space<vmem>>, vector<1x1x16xf32>,
        %while3A_1802 = arith.constant 0 : i32
        scf.yield %while3A_1802 : i32
      }
      %while3A_1778 = arith.constant 1 : i32
      %while3A_1779 = scf.for %while3A_1781 = %while3A_1775 to %while3A_1771 step %while3A_1778 iter_args(%while3A_1782 = %while3A_1777) -> (i32)  : i32 {
        %mul3A_1783 = arith.constant 50 : i32
        %mul3A_1784 = arith.muli %scan3A_1763, %mul3A_1783 : i32
        %add3A_1785 = arith.addi %mul3A_1784, %while3A_1781 : i32
        %swap3A = arith.constant 0 : i32
        %swap3A_1786 = arith.index_cast %swap3A : i32 to index
        %swap3A_1787 = arith.index_cast %add3A_1785 : i32 to index
        %swap3A_1788 = arith.constant 0 : index
        %swap3A_1789 = tpu.vector_load %arg7[%swap3A_1786, %swap3A_1787, %swap3A_1788] {strides = array<i32>} : memref<4x800x32xf32, #tpu.memory_space<vmem>>, vector<1x1x16xf32>,
        %swap3A_1790 = vector.shape_cast %swap3A_1789 : vector<1x1x16xf32> to vector<16xf32>
        %swap3A_1791 = vector.shape_cast %broadcast_in_dim3A_5 : vector<16xf32> to vector<1x1x16xf32>
        tpu.vector_store %arg7[%swap3A_1786, %swap3A_1787, %swap3A_1788], %swap3A_1791 {strides = array<i32>} : memref<4x800x32xf32, #tpu.memory_space<vmem>>, vector<1x1x16xf32>,
        %mul3A_1792 = arith.constant 50 : i32
        %mul3A_1793 = arith.muli %scan3A_1763, %mul3A_1792 : i32
        %add3A_1794 = arith.addi %mul3A_1793, %while3A_1781 : i32
        %swap3A_1795 = arith.constant 0 : i32
        %swap3A_1796 = arith.index_cast %swap3A_1795 : i32 to index
        %swap3A_1797 = arith.index_cast %add3A_1794 : i32 to index
        %swap3A_1798 = arith.constant 16 : index
        %swap3A_1799 = tpu.vector_load %arg7[%swap3A_1796, %swap3A_1797, %swap3A_1798] {strides = array<i32>} : memref<4x800x32xf32, #tpu.memory_space<vmem>>, vector<1x1x16xf32>,
        %swap3A_1800 = vector.shape_cast %swap3A_1799 : vector<1x1x16xf32> to vector<16xf32>
        %swap3A_1801 = vector.shape_cast %broadcast_in_dim3A_5 : vector<16xf32> to vector<1x1x16xf32>
        tpu.vector_store %arg7[%swap3A_1796, %swap3A_1797, %swap3A_1798], %swap3A_1801 {strides = array<i32>} : memref<4x800x32xf32, #tpu.memory_space<vmem>>, vector<1x1x16xf32>,
        %while3A_1802 = arith.constant 0 : i32
        scf.yield %while3A_1802 : i32
      }
      %scan3A_1780 = arith.constant 0 : i32
      scf.yield %scan3A_1780 : i32
    }
    %scan3A_499 = arith.constant 16 : i32
    %add3A_500 = arith.constant 6400 : i32
    %add3A_501 = arith.addi %mul3A_2, %add3A_500 : i32
    %dma_start3A_502 = arith.constant 0 : i32
    %dma_start3A_503 = arith.constant 0 : i32
    %dma_start3A_504 = arith.constant 0 : i32
    %dma_start3A_505 = tpu.memref_slice %arg7[%dma_start3A_502, %dma_start3A_503, %dma_start3A_504] : memref<4x800x32xf32, #tpu.memory_space<vmem>> -> memref<1x800x32xf32, #tpu.memory_space<vmem>>
    %dma_start3A_506 = tpu.memref_squeeze %dma_start3A_505 : memref<1x800x32xf32, #tpu.memory_space<vmem>> -> memref<800x32xf32, #tpu.memory_space<vmem>>
    %dma_start3A_507 = arith.constant 0 : i32
    %dma_start3A_508 = tpu.memref_slice %arg5[%add3A_501, %dma_start3A_507] : memref<819200x32xf32, #tpu.memory_space<hbm>> -> memref<800x32xf32, #tpu.memory_space<hbm>>
    %dma_start3A_509 = arith.constant 0 : i32
    %dma_start3A_510 = tpu.memref_slice %arg5[%add3A_501, %dma_start3A_509] : memref<819200x32xf32, #tpu.memory_space<hbm>> -> memref<800x32xf32, #tpu.memory_space<hbm>>
    %dma_start3A_511 = arith.constant 0 : i32
    %dma_start3A_512 = arith.constant 0 : i32
    %dma_start3A_513 = tpu.memref_slice %arg7[%dma_start3A_502, %dma_start3A_511, %dma_start3A_512] : memref<4x800x32xf32, #tpu.memory_space<vmem>> -> memref<1x800x32xf32, #tpu.memory_space<vmem>>
    %dma_start3A_514 = tpu.memref_squeeze %dma_start3A_513 : memref<1x800x32xf32, #tpu.memory_space<vmem>> -> memref<800x32xf32, #tpu.memory_space<vmem>>
    tpu.enqueue_dma source(%dma_start3A_514 : memref<800x32xf32, #tpu.memory_space<vmem>>) target(%dma_start3A_510 : memref<800x32xf32, #tpu.memory_space<hbm>>) target_semaphore(%arg13 : memref<!tpu.dma_semaphore, #tpu.memory_space<semaphore_mem>>)
    %dma_wait3A_515 = arith.constant 0 : i32
    %dma_wait3A_516 = arith.constant 0 : i32
    %dma_wait3A_517 = arith.constant 0 : i32
    %dma_wait3A_518 = tpu.memref_slice %arg7[%dma_wait3A_515, %dma_wait3A_516, %dma_wait3A_517] : memref<4x800x32xf32, #tpu.memory_space<vmem>> -> memref<1x800x32xf32, #tpu.memory_space<vmem>>
    %dma_wait3A_519 = tpu.memref_squeeze %dma_wait3A_518 : memref<1x800x32xf32, #tpu.memory_space<vmem>> -> memref<800x32xf32, #tpu.memory_space<vmem>>
    %dma_wait3A_520 = arith.constant 0 : i32
    %dma_wait3A_521 = tpu.memref_slice %arg5[%add3A_501, %dma_wait3A_520] : memref<819200x32xf32, #tpu.memory_space<hbm>> -> memref<800x32xf32, #tpu.memory_space<hbm>>
    %dma_wait3A_522 = arith.constant 0 : i32
    %dma_wait3A_523 = tpu.memref_slice %arg5[%add3A_501, %dma_wait3A_522] : memref<819200x32xf32, #tpu.memory_space<hbm>> -> memref<800x32xf32, #tpu.memory_space<hbm>>
    %dma_wait3A_524 = arith.constant 0 : i32
    %dma_wait3A_525 = arith.constant 0 : i32
    %dma_wait3A_526 = tpu.memref_slice %arg7[%dma_wait3A_515, %dma_wait3A_524, %dma_wait3A_525] : memref<4x800x32xf32, #tpu.memory_space<vmem>> -> memref<1x800x32xf32, #tpu.memory_space<vmem>>
    %dma_wait3A_527 = tpu.memref_squeeze %dma_wait3A_526 : memref<1x800x32xf32, #tpu.memory_space<vmem>> -> memref<800x32xf32, #tpu.memory_space<vmem>>
    tpu.wait_dma2 semaphore(%arg13 : memref<!tpu.dma_semaphore, #tpu.memory_space<semaphore_mem>>) src(%dma_wait3A_527 : memref<800x32xf32, #tpu.memory_space<vmem>>) dst(%dma_wait3A_523 : memref<800x32xf32, #tpu.memory_space<hbm>>)
    %dma_start3A_528 = arith.constant 0 : i32
    %dma_start3A_529 = arith.constant 0 : i32
    %dma_start3A_530 = arith.constant 0 : i32
    %dma_start3A_531 = tpu.memref_slice %arg7[%dma_start3A_528, %dma_start3A_529, %dma_start3A_530] : memref<4x800x32xf32, #tpu.memory_space<vmem>> -> memref<1x800x32xf32, #tpu.memory_space<vmem>>
    %dma_start3A_532 = tpu.memref_squeeze %dma_start3A_531 : memref<1x800x32xf32, #tpu.memory_space<vmem>> -> memref<800x32xf32, #tpu.memory_space<vmem>>
    %dma_start3A_533 = arith.constant 9600 : i32
    %dma_start3A_534 = tpu.memref_slice %arg6[%dma_start3A_533] : memref<25600xi32, #tpu.memory_space<vmem>> -> memref<800xi32, #tpu.memory_space<vmem>>
    %dma_start3A_535 = arith.constant 0 : i32
    %dma_start3A_536 = arith.constant 0 : i32
    %dma_start3A_537 = tpu.memref_slice %arg4[%dma_start3A_535, %dma_start3A_536] : memref<1000000x32xf32, #tpu.memory_space<hbm>> -> memref<1000000x32xf32, #tpu.memory_space<hbm>>
    tpu.enqueue_indirect_dma source(%dma_start3A_537 : memref<1000000x32xf32, #tpu.memory_space<hbm>>) target(%dma_start3A_532 : memref<800x32xf32, #tpu.memory_space<vmem>>) offsets(%dma_start3A_534 : memref<800xi32, #tpu.memory_space<vmem>>) semaphore(%arg9 : memref<!tpu.dma_semaphore, #tpu.memory_space<semaphore_mem>>)
    %dma_wait3A_538 = arith.constant 1 : i32
    %dma_wait3A_539 = arith.constant 0 : i32
    %dma_wait3A_540 = arith.constant 0 : i32
    %dma_wait3A_541 = tpu.memref_slice %arg7[%dma_wait3A_538, %dma_wait3A_539, %dma_wait3A_540] : memref<4x800x32xf32, #tpu.memory_space<vmem>> -> memref<1x800x32xf32, #tpu.memory_space<vmem>>
    %dma_wait3A_542 = tpu.memref_squeeze %dma_wait3A_541 : memref<1x800x32xf32, #tpu.memory_space<vmem>> -> memref<800x32xf32, #tpu.memory_space<vmem>>
    %dma_wait3A_543 = arith.constant 7200 : i32
    %dma_wait3A_544 = tpu.memref_slice %arg6[%dma_wait3A_543] : memref<25600xi32, #tpu.memory_space<vmem>> -> memref<800xi32, #tpu.memory_space<vmem>>
    %dma_wait3A_545 = arith.constant 0 : i32
    %dma_wait3A_546 = arith.constant 0 : i32
    %dma_wait3A_547 = tpu.memref_slice %arg4[%dma_wait3A_545, %dma_wait3A_546] : memref<1000000x32xf32, #tpu.memory_space<hbm>> -> memref<1000000x32xf32, #tpu.memory_space<hbm>>
    tpu.wait_indirect_dma semaphore(%arg10 : memref<!tpu.dma_semaphore, #tpu.memory_space<semaphore_mem>>) src(%dma_wait3A_547 : memref<1000000x32xf32, #tpu.memory_space<hbm>>) dst(%dma_wait3A_542 : memref<800x32xf32, #tpu.memory_space<vmem>>)
    %scan3A_548 = arith.constant 0 : i32
    %scan3A_549 = arith.constant 0 : i32
    %scan3A_550 = arith.constant 16 : i32
    %scan3A_551 = arith.addi %scan3A_549, %scan3A_550 : i32
    %scan3A_552 = arith.constant 1 : i32
    %scan3A_553 = scf.for %scan3A_1763 = %scan3A_549 to %scan3A_551 step %scan3A_552 iter_args(%scan3A_1764 = %scan3A_548) -> (i32)  : i32 {
      %add3A_1765 = arith.constant 144 : i32
      %add3A_1766 = arith.addi %add3A_1765, %scan3A_1763 : i32
      %get3A = arith.index_cast %add3A_1766 : i32 to index
      %get3A_1767 = tpu.vector_load %arg8[%get3A] {strides = array<i32>} : memref<528xi32, #tpu.memory_space<vmem>>, vector<16xi32>,
      %get3A_1768 = vector.shape_cast %get3A_1767 : vector<16xi32> to vector<16xi32>
      %slice3A = vector.extract_strided_slice %get3A_1768 {offsets = [0], sizes = [1], strides = [1]} : vector<16xi32> to vector<1xi32>
      %squeeze3A = vector.extract %slice3A[0] : i32 from vector<1xi32>
      %while3A = arith.constant 50 : i32
      %while3A_1769 = arith.constant 0 : i32
      %while3A_1770 = arith.subi %while3A, %squeeze3A : i32
      %while3A_1771 = arith.addi %squeeze3A, %while3A_1770 : i32
      %while3A_1772 = arith.constant 1 : i32
      %while3A_1773 = arith.divsi %while3A_1770, %while3A_1772 : i32
      %while3A_1774 = arith.muli %while3A_1773, %while3A_1772 : i32
      %while3A_1775 = arith.addi %squeeze3A, %while3A_1774 : i32
      %while3A_1776 = arith.constant 1 : i32
      %while3A_1777 = scf.for %while3A_1781 = %squeeze3A to %while3A_1775 step %while3A_1776 iter_args(%while3A_1782 = %while3A_1769) -> (i32)  : i32 {
        %mul3A_1783 = arith.constant 50 : i32
        %mul3A_1784 = arith.muli %scan3A_1763, %mul3A_1783 : i32
        %add3A_1785 = arith.addi %mul3A_1784, %while3A_1781 : i32
        %swap3A = arith.constant 1 : i32
        %swap3A_1786 = arith.index_cast %swap3A : i32 to index
        %swap3A_1787 = arith.index_cast %add3A_1785 : i32 to index
        %swap3A_1788 = arith.constant 0 : index
        %swap3A_1789 = tpu.vector_load %arg7[%swap3A_1786, %swap3A_1787, %swap3A_1788] {strides = array<i32>} : memref<4x800x32xf32, #tpu.memory_space<vmem>>, vector<1x1x16xf32>,
        %swap3A_1790 = vector.shape_cast %swap3A_1789 : vector<1x1x16xf32> to vector<16xf32>
        %swap3A_1791 = vector.shape_cast %broadcast_in_dim3A_5 : vector<16xf32> to vector<1x1x16xf32>
        tpu.vector_store %arg7[%swap3A_1786, %swap3A_1787, %swap3A_1788], %swap3A_1791 {strides = array<i32>} : memref<4x800x32xf32, #tpu.memory_space<vmem>>, vector<1x1x16xf32>,
        %mul3A_1792 = arith.constant 50 : i32
        %mul3A_1793 = arith.muli %scan3A_1763, %mul3A_1792 : i32
        %add3A_1794 = arith.addi %mul3A_1793, %while3A_1781 : i32
        %swap3A_1795 = arith.constant 1 : i32
        %swap3A_1796 = arith.index_cast %swap3A_1795 : i32 to index
        %swap3A_1797 = arith.index_cast %add3A_1794 : i32 to index
        %swap3A_1798 = arith.constant 16 : index
        %swap3A_1799 = tpu.vector_load %arg7[%swap3A_1796, %swap3A_1797, %swap3A_1798] {strides = array<i32>} : memref<4x800x32xf32, #tpu.memory_space<vmem>>, vector<1x1x16xf32>,
        %swap3A_1800 = vector.shape_cast %swap3A_1799 : vector<1x1x16xf32> to vector<16xf32>
        %swap3A_1801 = vector.shape_cast %broadcast_in_dim3A_5 : vector<16xf32> to vector<1x1x16xf32>
        tpu.vector_store %arg7[%swap3A_1796, %swap3A_1797, %swap3A_1798], %swap3A_1801 {strides = array<i32>} : memref<4x800x32xf32, #tpu.memory_space<vmem>>, vector<1x1x16xf32>,
        %while3A_1802 = arith.constant 0 : i32
        scf.yield %while3A_1802 : i32
      }
      %while3A_1778 = arith.constant 1 : i32
      %while3A_1779 = scf.for %while3A_1781 = %while3A_1775 to %while3A_1771 step %while3A_1778 iter_args(%while3A_1782 = %while3A_1777) -> (i32)  : i32 {
        %mul3A_1783 = arith.constant 50 : i32
        %mul3A_1784 = arith.muli %scan3A_1763, %mul3A_1783 : i32
        %add3A_1785 = arith.addi %mul3A_1784, %while3A_1781 : i32
        %swap3A = arith.constant 1 : i32
        %swap3A_1786 = arith.index_cast %swap3A : i32 to index
        %swap3A_1787 = arith.index_cast %add3A_1785 : i32 to index
        %swap3A_1788 = arith.constant 0 : index
        %swap3A_1789 = tpu.vector_load %arg7[%swap3A_1786, %swap3A_1787, %swap3A_1788] {strides = array<i32>} : memref<4x800x32xf32, #tpu.memory_space<vmem>>, vector<1x1x16xf32>,
        %swap3A_1790 = vector.shape_cast %swap3A_1789 : vector<1x1x16xf32> to vector<16xf32>
        %swap3A_1791 = vector.shape_cast %broadcast_in_dim3A_5 : vector<16xf32> to vector<1x1x16xf32>
        tpu.vector_store %arg7[%swap3A_1786, %swap3A_1787, %swap3A_1788], %swap3A_1791 {strides = array<i32>} : memref<4x800x32xf32, #tpu.memory_space<vmem>>, vector<1x1x16xf32>,
        %mul3A_1792 = arith.constant 50 : i32
        %mul3A_1793 = arith.muli %scan3A_1763, %mul3A_1792 : i32
        %add3A_1794 = arith.addi %mul3A_1793, %while3A_1781 : i32
        %swap3A_1795 = arith.constant 1 : i32
        %swap3A_1796 = arith.index_cast %swap3A_1795 : i32 to index
        %swap3A_1797 = arith.index_cast %add3A_1794 : i32 to index
        %swap3A_1798 = arith.constant 16 : index
        %swap3A_1799 = tpu.vector_load %arg7[%swap3A_1796, %swap3A_1797, %swap3A_1798] {strides = array<i32>} : memref<4x800x32xf32, #tpu.memory_space<vmem>>, vector<1x1x16xf32>,
        %swap3A_1800 = vector.shape_cast %swap3A_1799 : vector<1x1x16xf32> to vector<16xf32>
        %swap3A_1801 = vector.shape_cast %broadcast_in_dim3A_5 : vector<16xf32> to vector<1x1x16xf32>
        tpu.vector_store %arg7[%swap3A_1796, %swap3A_1797, %swap3A_1798], %swap3A_1801 {strides = array<i32>} : memref<4x800x32xf32, #tpu.memory_space<vmem>>, vector<1x1x16xf32>,
        %while3A_1802 = arith.constant 0 : i32
        scf.yield %while3A_1802 : i32
      }
      %scan3A_1780 = arith.constant 0 : i32
      scf.yield %scan3A_1780 : i32
    }
    %scan3A_554 = arith.constant 16 : i32
    %add3A_555 = arith.constant 7200 : i32
    %add3A_556 = arith.addi %mul3A_2, %add3A_555 : i32
    %dma_start3A_557 = arith.constant 1 : i32
    %dma_start3A_558 = arith.constant 0 : i32
    %dma_start3A_559 = arith.constant 0 : i32
    %dma_start3A_560 = tpu.memref_slice %arg7[%dma_start3A_557, %dma_start3A_558, %dma_start3A_559] : memref<4x800x32xf32, #tpu.memory_space<vmem>> -> memref<1x800x32xf32, #tpu.memory_space<vmem>>
    %dma_start3A_561 = tpu.memref_squeeze %dma_start3A_560 : memref<1x800x32xf32, #tpu.memory_space<vmem>> -> memref<800x32xf32, #tpu.memory_space<vmem>>
    %dma_start3A_562 = arith.constant 0 : i32
    %dma_start3A_563 = tpu.memref_slice %arg5[%add3A_556, %dma_start3A_562] : memref<819200x32xf32, #tpu.memory_space<hbm>> -> memref<800x32xf32, #tpu.memory_space<hbm>>
    %dma_start3A_564 = arith.constant 0 : i32
    %dma_start3A_565 = tpu.memref_slice %arg5[%add3A_556, %dma_start3A_564] : memref<819200x32xf32, #tpu.memory_space<hbm>> -> memref<800x32xf32, #tpu.memory_space<hbm>>
    %dma_start3A_566 = arith.constant 0 : i32
    %dma_start3A_567 = arith.constant 0 : i32
    %dma_start3A_568 = tpu.memref_slice %arg7[%dma_start3A_557, %dma_start3A_566, %dma_start3A_567] : memref<4x800x32xf32, #tpu.memory_space<vmem>> -> memref<1x800x32xf32, #tpu.memory_space<vmem>>
    %dma_start3A_569 = tpu.memref_squeeze %dma_start3A_568 : memref<1x800x32xf32, #tpu.memory_space<vmem>> -> memref<800x32xf32, #tpu.memory_space<vmem>>
    tpu.enqueue_dma source(%dma_start3A_569 : memref<800x32xf32, #tpu.memory_space<vmem>>) target(%dma_start3A_565 : memref<800x32xf32, #tpu.memory_space<hbm>>) target_semaphore(%arg14 : memref<!tpu.dma_semaphore, #tpu.memory_space<semaphore_mem>>)
    %dma_wait3A_570 = arith.constant 1 : i32
    %dma_wait3A_571 = arith.constant 0 : i32
    %dma_wait3A_572 = arith.constant 0 : i32
    %dma_wait3A_573 = tpu.memref_slice %arg7[%dma_wait3A_570, %dma_wait3A_571, %dma_wait3A_572] : memref<4x800x32xf32, #tpu.memory_space<vmem>> -> memref<1x800x32xf32, #tpu.memory_space<vmem>>
    %dma_wait3A_574 = tpu.memref_squeeze %dma_wait3A_573 : memref<1x800x32xf32, #tpu.memory_space<vmem>> -> memref<800x32xf32, #tpu.memory_space<vmem>>
    %dma_wait3A_575 = arith.constant 0 : i32
    %dma_wait3A_576 = tpu.memref_slice %arg5[%add3A_556, %dma_wait3A_575] : memref<819200x32xf32, #tpu.memory_space<hbm>> -> memref<800x32xf32, #tpu.memory_space<hbm>>
    %dma_wait3A_577 = arith.constant 0 : i32
    %dma_wait3A_578 = tpu.memref_slice %arg5[%add3A_556, %dma_wait3A_577] : memref<819200x32xf32, #tpu.memory_space<hbm>> -> memref<800x32xf32, #tpu.memory_space<hbm>>
    %dma_wait3A_579 = arith.constant 0 : i32
    %dma_wait3A_580 = arith.constant 0 : i32
    %dma_wait3A_581 = tpu.memref_slice %arg7[%dma_wait3A_570, %dma_wait3A_579, %dma_wait3A_580] : memref<4x800x32xf32, #tpu.memory_space<vmem>> -> memref<1x800x32xf32, #tpu.memory_space<vmem>>
    %dma_wait3A_582 = tpu.memref_squeeze %dma_wait3A_581 : memref<1x800x32xf32, #tpu.memory_space<vmem>> -> memref<800x32xf32, #tpu.memory_space<vmem>>
    tpu.wait_dma2 semaphore(%arg14 : memref<!tpu.dma_semaphore, #tpu.memory_space<semaphore_mem>>) src(%dma_wait3A_582 : memref<800x32xf32, #tpu.memory_space<vmem>>) dst(%dma_wait3A_578 : memref<800x32xf32, #tpu.memory_space<hbm>>)
    %dma_start3A_583 = arith.constant 1 : i32
    %dma_start3A_584 = arith.constant 0 : i32
    %dma_start3A_585 = arith.constant 0 : i32
    %dma_start3A_586 = tpu.memref_slice %arg7[%dma_start3A_583, %dma_start3A_584, %dma_start3A_585] : memref<4x800x32xf32, #tpu.memory_space<vmem>> -> memref<1x800x32xf32, #tpu.memory_space<vmem>>
    %dma_start3A_587 = tpu.memref_squeeze %dma_start3A_586 : memref<1x800x32xf32, #tpu.memory_space<vmem>> -> memref<800x32xf32, #tpu.memory_space<vmem>>
    %dma_start3A_588 = arith.constant 10400 : i32
    %dma_start3A_589 = tpu.memref_slice %arg6[%dma_start3A_588] : memref<25600xi32, #tpu.memory_space<vmem>> -> memref<800xi32, #tpu.memory_space<vmem>>
    %dma_start3A_590 = arith.constant 0 : i32
    %dma_start3A_591 = arith.constant 0 : i32
    %dma_start3A_592 = tpu.memref_slice %arg4[%dma_start3A_590, %dma_start3A_591] : memref<1000000x32xf32, #tpu.memory_space<hbm>> -> memref<1000000x32xf32, #tpu.memory_space<hbm>>
    tpu.enqueue_indirect_dma source(%dma_start3A_592 : memref<1000000x32xf32, #tpu.memory_space<hbm>>) target(%dma_start3A_587 : memref<800x32xf32, #tpu.memory_space<vmem>>) offsets(%dma_start3A_589 : memref<800xi32, #tpu.memory_space<vmem>>) semaphore(%arg10 : memref<!tpu.dma_semaphore, #tpu.memory_space<semaphore_mem>>)
    %dma_wait3A_593 = arith.constant 2 : i32
    %dma_wait3A_594 = arith.constant 0 : i32
    %dma_wait3A_595 = arith.constant 0 : i32
    %dma_wait3A_596 = tpu.memref_slice %arg7[%dma_wait3A_593, %dma_wait3A_594, %dma_wait3A_595] : memref<4x800x32xf32, #tpu.memory_space<vmem>> -> memref<1x800x32xf32, #tpu.memory_space<vmem>>
    %dma_wait3A_597 = tpu.memref_squeeze %dma_wait3A_596 : memref<1x800x32xf32, #tpu.memory_space<vmem>> -> memref<800x32xf32, #tpu.memory_space<vmem>>
    %dma_wait3A_598 = arith.constant 8000 : i32
    %dma_wait3A_599 = tpu.memref_slice %arg6[%dma_wait3A_598] : memref<25600xi32, #tpu.memory_space<vmem>> -> memref<800xi32, #tpu.memory_space<vmem>>
    %dma_wait3A_600 = arith.constant 0 : i32
    %dma_wait3A_601 = arith.constant 0 : i32
    %dma_wait3A_602 = tpu.memref_slice %arg4[%dma_wait3A_600, %dma_wait3A_601] : memref<1000000x32xf32, #tpu.memory_space<hbm>> -> memref<1000000x32xf32, #tpu.memory_space<hbm>>
    tpu.wait_indirect_dma semaphore(%arg11 : memref<!tpu.dma_semaphore, #tpu.memory_space<semaphore_mem>>) src(%dma_wait3A_602 : memref<1000000x32xf32, #tpu.memory_space<hbm>>) dst(%dma_wait3A_597 : memref<800x32xf32, #tpu.memory_space<vmem>>)
    %scan3A_603 = arith.constant 0 : i32
    %scan3A_604 = arith.constant 0 : i32
    %scan3A_605 = arith.constant 16 : i32
    %scan3A_606 = arith.addi %scan3A_604, %scan3A_605 : i32
    %scan3A_607 = arith.constant 1 : i32
    %scan3A_608 = scf.for %scan3A_1763 = %scan3A_604 to %scan3A_606 step %scan3A_607 iter_args(%scan3A_1764 = %scan3A_603) -> (i32)  : i32 {
      %add3A_1765 = arith.constant 160 : i32
      %add3A_1766 = arith.addi %add3A_1765, %scan3A_1763 : i32
      %get3A = arith.index_cast %add3A_1766 : i32 to index
      %get3A_1767 = tpu.vector_load %arg8[%get3A] {strides = array<i32>} : memref<528xi32, #tpu.memory_space<vmem>>, vector<16xi32>,
      %get3A_1768 = vector.shape_cast %get3A_1767 : vector<16xi32> to vector<16xi32>
      %slice3A = vector.extract_strided_slice %get3A_1768 {offsets = [0], sizes = [1], strides = [1]} : vector<16xi32> to vector<1xi32>
      %squeeze3A = vector.extract %slice3A[0] : i32 from vector<1xi32>
      %while3A = arith.constant 50 : i32
      %while3A_1769 = arith.constant 0 : i32
      %while3A_1770 = arith.subi %while3A, %squeeze3A : i32
      %while3A_1771 = arith.addi %squeeze3A, %while3A_1770 : i32
      %while3A_1772 = arith.constant 1 : i32
      %while3A_1773 = arith.divsi %while3A_1770, %while3A_1772 : i32
      %while3A_1774 = arith.muli %while3A_1773, %while3A_1772 : i32
      %while3A_1775 = arith.addi %squeeze3A, %while3A_1774 : i32
      %while3A_1776 = arith.constant 1 : i32
      %while3A_1777 = scf.for %while3A_1781 = %squeeze3A to %while3A_1775 step %while3A_1776 iter_args(%while3A_1782 = %while3A_1769) -> (i32)  : i32 {
        %mul3A_1783 = arith.constant 50 : i32
        %mul3A_1784 = arith.muli %scan3A_1763, %mul3A_1783 : i32
        %add3A_1785 = arith.addi %mul3A_1784, %while3A_1781 : i32
        %swap3A = arith.constant 2 : i32
        %swap3A_1786 = arith.index_cast %swap3A : i32 to index
        %swap3A_1787 = arith.index_cast %add3A_1785 : i32 to index
        %swap3A_1788 = arith.constant 0 : index
        %swap3A_1789 = tpu.vector_load %arg7[%swap3A_1786, %swap3A_1787, %swap3A_1788] {strides = array<i32>} : memref<4x800x32xf32, #tpu.memory_space<vmem>>, vector<1x1x16xf32>,
        %swap3A_1790 = vector.shape_cast %swap3A_1789 : vector<1x1x16xf32> to vector<16xf32>
        %swap3A_1791 = vector.shape_cast %broadcast_in_dim3A_5 : vector<16xf32> to vector<1x1x16xf32>
        tpu.vector_store %arg7[%swap3A_1786, %swap3A_1787, %swap3A_1788], %swap3A_1791 {strides = array<i32>} : memref<4x800x32xf32, #tpu.memory_space<vmem>>, vector<1x1x16xf32>,
        %mul3A_1792 = arith.constant 50 : i32
        %mul3A_1793 = arith.muli %scan3A_1763, %mul3A_1792 : i32
        %add3A_1794 = arith.addi %mul3A_1793, %while3A_1781 : i32
        %swap3A_1795 = arith.constant 2 : i32
        %swap3A_1796 = arith.index_cast %swap3A_1795 : i32 to index
        %swap3A_1797 = arith.index_cast %add3A_1794 : i32 to index
        %swap3A_1798 = arith.constant 16 : index
        %swap3A_1799 = tpu.vector_load %arg7[%swap3A_1796, %swap3A_1797, %swap3A_1798] {strides = array<i32>} : memref<4x800x32xf32, #tpu.memory_space<vmem>>, vector<1x1x16xf32>,
        %swap3A_1800 = vector.shape_cast %swap3A_1799 : vector<1x1x16xf32> to vector<16xf32>
        %swap3A_1801 = vector.shape_cast %broadcast_in_dim3A_5 : vector<16xf32> to vector<1x1x16xf32>
        tpu.vector_store %arg7[%swap3A_1796, %swap3A_1797, %swap3A_1798], %swap3A_1801 {strides = array<i32>} : memref<4x800x32xf32, #tpu.memory_space<vmem>>, vector<1x1x16xf32>,
        %while3A_1802 = arith.constant 0 : i32
        scf.yield %while3A_1802 : i32
      }
      %while3A_1778 = arith.constant 1 : i32
      %while3A_1779 = scf.for %while3A_1781 = %while3A_1775 to %while3A_1771 step %while3A_1778 iter_args(%while3A_1782 = %while3A_1777) -> (i32)  : i32 {
        %mul3A_1783 = arith.constant 50 : i32
        %mul3A_1784 = arith.muli %scan3A_1763, %mul3A_1783 : i32
        %add3A_1785 = arith.addi %mul3A_1784, %while3A_1781 : i32
        %swap3A = arith.constant 2 : i32
        %swap3A_1786 = arith.index_cast %swap3A : i32 to index
        %swap3A_1787 = arith.index_cast %add3A_1785 : i32 to index
        %swap3A_1788 = arith.constant 0 : index
        %swap3A_1789 = tpu.vector_load %arg7[%swap3A_1786, %swap3A_1787, %swap3A_1788] {strides = array<i32>} : memref<4x800x32xf32, #tpu.memory_space<vmem>>, vector<1x1x16xf32>,
        %swap3A_1790 = vector.shape_cast %swap3A_1789 : vector<1x1x16xf32> to vector<16xf32>
        %swap3A_1791 = vector.shape_cast %broadcast_in_dim3A_5 : vector<16xf32> to vector<1x1x16xf32>
        tpu.vector_store %arg7[%swap3A_1786, %swap3A_1787, %swap3A_1788], %swap3A_1791 {strides = array<i32>} : memref<4x800x32xf32, #tpu.memory_space<vmem>>, vector<1x1x16xf32>,
        %mul3A_1792 = arith.constant 50 : i32
        %mul3A_1793 = arith.muli %scan3A_1763, %mul3A_1792 : i32
        %add3A_1794 = arith.addi %mul3A_1793, %while3A_1781 : i32
        %swap3A_1795 = arith.constant 2 : i32
        %swap3A_1796 = arith.index_cast %swap3A_1795 : i32 to index
        %swap3A_1797 = arith.index_cast %add3A_1794 : i32 to index
        %swap3A_1798 = arith.constant 16 : index
        %swap3A_1799 = tpu.vector_load %arg7[%swap3A_1796, %swap3A_1797, %swap3A_1798] {strides = array<i32>} : memref<4x800x32xf32, #tpu.memory_space<vmem>>, vector<1x1x16xf32>,
        %swap3A_1800 = vector.shape_cast %swap3A_1799 : vector<1x1x16xf32> to vector<16xf32>
        %swap3A_1801 = vector.shape_cast %broadcast_in_dim3A_5 : vector<16xf32> to vector<1x1x16xf32>
        tpu.vector_store %arg7[%swap3A_1796, %swap3A_1797, %swap3A_1798], %swap3A_1801 {strides = array<i32>} : memref<4x800x32xf32, #tpu.memory_space<vmem>>, vector<1x1x16xf32>,
        %while3A_1802 = arith.constant 0 : i32
        scf.yield %while3A_1802 : i32
      }
      %scan3A_1780 = arith.constant 0 : i32
      scf.yield %scan3A_1780 : i32
    }
    %scan3A_609 = arith.constant 16 : i32
    %add3A_610 = arith.constant 8000 : i32
    %add3A_611 = arith.addi %mul3A_2, %add3A_610 : i32
    %dma_start3A_612 = arith.constant 2 : i32
    %dma_start3A_613 = arith.constant 0 : i32
    %dma_start3A_614 = arith.constant 0 : i32
    %dma_start3A_615 = tpu.memref_slice %arg7[%dma_start3A_612, %dma_start3A_613, %dma_start3A_614] : memref<4x800x32xf32, #tpu.memory_space<vmem>> -> memref<1x800x32xf32, #tpu.memory_space<vmem>>
    %dma_start3A_616 = tpu.memref_squeeze %dma_start3A_615 : memref<1x800x32xf32, #tpu.memory_space<vmem>> -> memref<800x32xf32, #tpu.memory_space<vmem>>
    %dma_start3A_617 = arith.constant 0 : i32
    %dma_start3A_618 = tpu.memref_slice %arg5[%add3A_611, %dma_start3A_617] : memref<819200x32xf32, #tpu.memory_space<hbm>> -> memref<800x32xf32, #tpu.memory_space<hbm>>
    %dma_start3A_619 = arith.constant 0 : i32
    %dma_start3A_620 = tpu.memref_slice %arg5[%add3A_611, %dma_start3A_619] : memref<819200x32xf32, #tpu.memory_space<hbm>> -> memref<800x32xf32, #tpu.memory_space<hbm>>
    %dma_start3A_621 = arith.constant 0 : i32
    %dma_start3A_622 = arith.constant 0 : i32
    %dma_start3A_623 = tpu.memref_slice %arg7[%dma_start3A_612, %dma_start3A_621, %dma_start3A_622] : memref<4x800x32xf32, #tpu.memory_space<vmem>> -> memref<1x800x32xf32, #tpu.memory_space<vmem>>
    %dma_start3A_624 = tpu.memref_squeeze %dma_start3A_623 : memref<1x800x32xf32, #tpu.memory_space<vmem>> -> memref<800x32xf32, #tpu.memory_space<vmem>>
    tpu.enqueue_dma source(%dma_start3A_624 : memref<800x32xf32, #tpu.memory_space<vmem>>) target(%dma_start3A_620 : memref<800x32xf32, #tpu.memory_space<hbm>>) target_semaphore(%arg15 : memref<!tpu.dma_semaphore, #tpu.memory_space<semaphore_mem>>)
    %dma_wait3A_625 = arith.constant 2 : i32
    %dma_wait3A_626 = arith.constant 0 : i32
    %dma_wait3A_627 = arith.constant 0 : i32
    %dma_wait3A_628 = tpu.memref_slice %arg7[%dma_wait3A_625, %dma_wait3A_626, %dma_wait3A_627] : memref<4x800x32xf32, #tpu.memory_space<vmem>> -> memref<1x800x32xf32, #tpu.memory_space<vmem>>
    %dma_wait3A_629 = tpu.memref_squeeze %dma_wait3A_628 : memref<1x800x32xf32, #tpu.memory_space<vmem>> -> memref<800x32xf32, #tpu.memory_space<vmem>>
    %dma_wait3A_630 = arith.constant 0 : i32
    %dma_wait3A_631 = tpu.memref_slice %arg5[%add3A_611, %dma_wait3A_630] : memref<819200x32xf32, #tpu.memory_space<hbm>> -> memref<800x32xf32, #tpu.memory_space<hbm>>
    %dma_wait3A_632 = arith.constant 0 : i32
    %dma_wait3A_633 = tpu.memref_slice %arg5[%add3A_611, %dma_wait3A_632] : memref<819200x32xf32, #tpu.memory_space<hbm>> -> memref<800x32xf32, #tpu.memory_space<hbm>>
    %dma_wait3A_634 = arith.constant 0 : i32
    %dma_wait3A_635 = arith.constant 0 : i32
    %dma_wait3A_636 = tpu.memref_slice %arg7[%dma_wait3A_625, %dma_wait3A_634, %dma_wait3A_635] : memref<4x800x32xf32, #tpu.memory_space<vmem>> -> memref<1x800x32xf32, #tpu.memory_space<vmem>>
    %dma_wait3A_637 = tpu.memref_squeeze %dma_wait3A_636 : memref<1x800x32xf32, #tpu.memory_space<vmem>> -> memref<800x32xf32, #tpu.memory_space<vmem>>
    tpu.wait_dma2 semaphore(%arg15 : memref<!tpu.dma_semaphore, #tpu.memory_space<semaphore_mem>>) src(%dma_wait3A_637 : memref<800x32xf32, #tpu.memory_space<vmem>>) dst(%dma_wait3A_633 : memref<800x32xf32, #tpu.memory_space<hbm>>)
    %dma_start3A_638 = arith.constant 2 : i32
    %dma_start3A_639 = arith.constant 0 : i32
    %dma_start3A_640 = arith.constant 0 : i32
    %dma_start3A_641 = tpu.memref_slice %arg7[%dma_start3A_638, %dma_start3A_639, %dma_start3A_640] : memref<4x800x32xf32, #tpu.memory_space<vmem>> -> memref<1x800x32xf32, #tpu.memory_space<vmem>>
    %dma_start3A_642 = tpu.memref_squeeze %dma_start3A_641 : memref<1x800x32xf32, #tpu.memory_space<vmem>> -> memref<800x32xf32, #tpu.memory_space<vmem>>
    %dma_start3A_643 = arith.constant 11200 : i32
    %dma_start3A_644 = tpu.memref_slice %arg6[%dma_start3A_643] : memref<25600xi32, #tpu.memory_space<vmem>> -> memref<800xi32, #tpu.memory_space<vmem>>
    %dma_start3A_645 = arith.constant 0 : i32
    %dma_start3A_646 = arith.constant 0 : i32
    %dma_start3A_647 = tpu.memref_slice %arg4[%dma_start3A_645, %dma_start3A_646] : memref<1000000x32xf32, #tpu.memory_space<hbm>> -> memref<1000000x32xf32, #tpu.memory_space<hbm>>
    tpu.enqueue_indirect_dma source(%dma_start3A_647 : memref<1000000x32xf32, #tpu.memory_space<hbm>>) target(%dma_start3A_642 : memref<800x32xf32, #tpu.memory_space<vmem>>) offsets(%dma_start3A_644 : memref<800xi32, #tpu.memory_space<vmem>>) semaphore(%arg11 : memref<!tpu.dma_semaphore, #tpu.memory_space<semaphore_mem>>)
    %dma_wait3A_648 = arith.constant 3 : i32
    %dma_wait3A_649 = arith.constant 0 : i32
    %dma_wait3A_650 = arith.constant 0 : i32
    %dma_wait3A_651 = tpu.memref_slice %arg7[%dma_wait3A_648, %dma_wait3A_649, %dma_wait3A_650] : memref<4x800x32xf32, #tpu.memory_space<vmem>> -> memref<1x800x32xf32, #tpu.memory_space<vmem>>
    %dma_wait3A_652 = tpu.memref_squeeze %dma_wait3A_651 : memref<1x800x32xf32, #tpu.memory_space<vmem>> -> memref<800x32xf32, #tpu.memory_space<vmem>>
    %dma_wait3A_653 = arith.constant 8800 : i32
    %dma_wait3A_654 = tpu.memref_slice %arg6[%dma_wait3A_653] : memref<25600xi32, #tpu.memory_space<vmem>> -> memref<800xi32, #tpu.memory_space<vmem>>
    %dma_wait3A_655 = arith.constant 0 : i32
    %dma_wait3A_656 = arith.constant 0 : i32
    %dma_wait3A_657 = tpu.memref_slice %arg4[%dma_wait3A_655, %dma_wait3A_656] : memref<1000000x32xf32, #tpu.memory_space<hbm>> -> memref<1000000x32xf32, #tpu.memory_space<hbm>>
    tpu.wait_indirect_dma semaphore(%arg12 : memref<!tpu.dma_semaphore, #tpu.memory_space<semaphore_mem>>) src(%dma_wait3A_657 : memref<1000000x32xf32, #tpu.memory_space<hbm>>) dst(%dma_wait3A_652 : memref<800x32xf32, #tpu.memory_space<vmem>>)
    %scan3A_658 = arith.constant 0 : i32
    %scan3A_659 = arith.constant 0 : i32
    %scan3A_660 = arith.constant 16 : i32
    %scan3A_661 = arith.addi %scan3A_659, %scan3A_660 : i32
    %scan3A_662 = arith.constant 1 : i32
    %scan3A_663 = scf.for %scan3A_1763 = %scan3A_659 to %scan3A_661 step %scan3A_662 iter_args(%scan3A_1764 = %scan3A_658) -> (i32)  : i32 {
      %add3A_1765 = arith.constant 176 : i32
      %add3A_1766 = arith.addi %add3A_1765, %scan3A_1763 : i32
      %get3A = arith.index_cast %add3A_1766 : i32 to index
      %get3A_1767 = tpu.vector_load %arg8[%get3A] {strides = array<i32>} : memref<528xi32, #tpu.memory_space<vmem>>, vector<16xi32>,
      %get3A_1768 = vector.shape_cast %get3A_1767 : vector<16xi32> to vector<16xi32>
      %slice3A = vector.extract_strided_slice %get3A_1768 {offsets = [0], sizes = [1], strides = [1]} : vector<16xi32> to vector<1xi32>
      %squeeze3A = vector.extract %slice3A[0] : i32 from vector<1xi32>
      %while3A = arith.constant 50 : i32
      %while3A_1769 = arith.constant 0 : i32
      %while3A_1770 = arith.subi %while3A, %squeeze3A : i32
      %while3A_1771 = arith.addi %squeeze3A, %while3A_1770 : i32
      %while3A_1772 = arith.constant 1 : i32
      %while3A_1773 = arith.divsi %while3A_1770, %while3A_1772 : i32
      %while3A_1774 = arith.muli %while3A_1773, %while3A_1772 : i32
      %while3A_1775 = arith.addi %squeeze3A, %while3A_1774 : i32
      %while3A_1776 = arith.constant 1 : i32
      %while3A_1777 = scf.for %while3A_1781 = %squeeze3A to %while3A_1775 step %while3A_1776 iter_args(%while3A_1782 = %while3A_1769) -> (i32)  : i32 {
        %mul3A_1783 = arith.constant 50 : i32
        %mul3A_1784 = arith.muli %scan3A_1763, %mul3A_1783 : i32
        %add3A_1785 = arith.addi %mul3A_1784, %while3A_1781 : i32
        %swap3A = arith.constant 3 : i32
        %swap3A_1786 = arith.index_cast %swap3A : i32 to index
        %swap3A_1787 = arith.index_cast %add3A_1785 : i32 to index
        %swap3A_1788 = arith.constant 0 : index
        %swap3A_1789 = tpu.vector_load %arg7[%swap3A_1786, %swap3A_1787, %swap3A_1788] {strides = array<i32>} : memref<4x800x32xf32, #tpu.memory_space<vmem>>, vector<1x1x16xf32>,
        %swap3A_1790 = vector.shape_cast %swap3A_1789 : vector<1x1x16xf32> to vector<16xf32>
        %swap3A_1791 = vector.shape_cast %broadcast_in_dim3A_5 : vector<16xf32> to vector<1x1x16xf32>
        tpu.vector_store %arg7[%swap3A_1786, %swap3A_1787, %swap3A_1788], %swap3A_1791 {strides = array<i32>} : memref<4x800x32xf32, #tpu.memory_space<vmem>>, vector<1x1x16xf32>,
        %mul3A_1792 = arith.constant 50 : i32
        %mul3A_1793 = arith.muli %scan3A_1763, %mul3A_1792 : i32
        %add3A_1794 = arith.addi %mul3A_1793, %while3A_1781 : i32
        %swap3A_1795 = arith.constant 3 : i32
        %swap3A_1796 = arith.index_cast %swap3A_1795 : i32 to index
        %swap3A_1797 = arith.index_cast %add3A_1794 : i32 to index
        %swap3A_1798 = arith.constant 16 : index
        %swap3A_1799 = tpu.vector_load %arg7[%swap3A_1796, %swap3A_1797, %swap3A_1798] {strides = array<i32>} : memref<4x800x32xf32, #tpu.memory_space<vmem>>, vector<1x1x16xf32>,
        %swap3A_1800 = vector.shape_cast %swap3A_1799 : vector<1x1x16xf32> to vector<16xf32>
        %swap3A_1801 = vector.shape_cast %broadcast_in_dim3A_5 : vector<16xf32> to vector<1x1x16xf32>
        tpu.vector_store %arg7[%swap3A_1796, %swap3A_1797, %swap3A_1798], %swap3A_1801 {strides = array<i32>} : memref<4x800x32xf32, #tpu.memory_space<vmem>>, vector<1x1x16xf32>,
        %while3A_1802 = arith.constant 0 : i32
        scf.yield %while3A_1802 : i32
      }
      %while3A_1778 = arith.constant 1 : i32
      %while3A_1779 = scf.for %while3A_1781 = %while3A_1775 to %while3A_1771 step %while3A_1778 iter_args(%while3A_1782 = %while3A_1777) -> (i32)  : i32 {
        %mul3A_1783 = arith.constant 50 : i32
        %mul3A_1784 = arith.muli %scan3A_1763, %mul3A_1783 : i32
        %add3A_1785 = arith.addi %mul3A_1784, %while3A_1781 : i32
        %swap3A = arith.constant 3 : i32
        %swap3A_1786 = arith.index_cast %swap3A : i32 to index
        %swap3A_1787 = arith.index_cast %add3A_1785 : i32 to index
        %swap3A_1788 = arith.constant 0 : index
        %swap3A_1789 = tpu.vector_load %arg7[%swap3A_1786, %swap3A_1787, %swap3A_1788] {strides = array<i32>} : memref<4x800x32xf32, #tpu.memory_space<vmem>>, vector<1x1x16xf32>,
        %swap3A_1790 = vector.shape_cast %swap3A_1789 : vector<1x1x16xf32> to vector<16xf32>
        %swap3A_1791 = vector.shape_cast %broadcast_in_dim3A_5 : vector<16xf32> to vector<1x1x16xf32>
        tpu.vector_store %arg7[%swap3A_1786, %swap3A_1787, %swap3A_1788], %swap3A_1791 {strides = array<i32>} : memref<4x800x32xf32, #tpu.memory_space<vmem>>, vector<1x1x16xf32>,
        %mul3A_1792 = arith.constant 50 : i32
        %mul3A_1793 = arith.muli %scan3A_1763, %mul3A_1792 : i32
        %add3A_1794 = arith.addi %mul3A_1793, %while3A_1781 : i32
        %swap3A_1795 = arith.constant 3 : i32
        %swap3A_1796 = arith.index_cast %swap3A_1795 : i32 to index
        %swap3A_1797 = arith.index_cast %add3A_1794 : i32 to index
        %swap3A_1798 = arith.constant 16 : index
        %swap3A_1799 = tpu.vector_load %arg7[%swap3A_1796, %swap3A_1797, %swap3A_1798] {strides = array<i32>} : memref<4x800x32xf32, #tpu.memory_space<vmem>>, vector<1x1x16xf32>,
        %swap3A_1800 = vector.shape_cast %swap3A_1799 : vector<1x1x16xf32> to vector<16xf32>
        %swap3A_1801 = vector.shape_cast %broadcast_in_dim3A_5 : vector<16xf32> to vector<1x1x16xf32>
        tpu.vector_store %arg7[%swap3A_1796, %swap3A_1797, %swap3A_1798], %swap3A_1801 {strides = array<i32>} : memref<4x800x32xf32, #tpu.memory_space<vmem>>, vector<1x1x16xf32>,
        %while3A_1802 = arith.constant 0 : i32
        scf.yield %while3A_1802 : i32
      }
      %scan3A_1780 = arith.constant 0 : i32
      scf.yield %scan3A_1780 : i32
    }
    %scan3A_664 = arith.constant 16 : i32
    %add3A_665 = arith.constant 8800 : i32
    %add3A_666 = arith.addi %mul3A_2, %add3A_665 : i32
    %dma_start3A_667 = arith.constant 3 : i32
    %dma_start3A_668 = arith.constant 0 : i32
    %dma_start3A_669 = arith.constant 0 : i32
    %dma_start3A_670 = tpu.memref_slice %arg7[%dma_start3A_667, %dma_start3A_668, %dma_start3A_669] : memref<4x800x32xf32, #tpu.memory_space<vmem>> -> memref<1x800x32xf32, #tpu.memory_space<vmem>>
    %dma_start3A_671 = tpu.memref_squeeze %dma_start3A_670 : memref<1x800x32xf32, #tpu.memory_space<vmem>> -> memref<800x32xf32, #tpu.memory_space<vmem>>
    %dma_start3A_672 = arith.constant 0 : i32
    %dma_start3A_673 = tpu.memref_slice %arg5[%add3A_666, %dma_start3A_672] : memref<819200x32xf32, #tpu.memory_space<hbm>> -> memref<800x32xf32, #tpu.memory_space<hbm>>
    %dma_start3A_674 = arith.constant 0 : i32
    %dma_start3A_675 = tpu.memref_slice %arg5[%add3A_666, %dma_start3A_674] : memref<819200x32xf32, #tpu.memory_space<hbm>> -> memref<800x32xf32, #tpu.memory_space<hbm>>
    %dma_start3A_676 = arith.constant 0 : i32
    %dma_start3A_677 = arith.constant 0 : i32
    %dma_start3A_678 = tpu.memref_slice %arg7[%dma_start3A_667, %dma_start3A_676, %dma_start3A_677] : memref<4x800x32xf32, #tpu.memory_space<vmem>> -> memref<1x800x32xf32, #tpu.memory_space<vmem>>
    %dma_start3A_679 = tpu.memref_squeeze %dma_start3A_678 : memref<1x800x32xf32, #tpu.memory_space<vmem>> -> memref<800x32xf32, #tpu.memory_space<vmem>>
    tpu.enqueue_dma source(%dma_start3A_679 : memref<800x32xf32, #tpu.memory_space<vmem>>) target(%dma_start3A_675 : memref<800x32xf32, #tpu.memory_space<hbm>>) target_semaphore(%arg16 : memref<!tpu.dma_semaphore, #tpu.memory_space<semaphore_mem>>)
    %dma_wait3A_680 = arith.constant 3 : i32
    %dma_wait3A_681 = arith.constant 0 : i32
    %dma_wait3A_682 = arith.constant 0 : i32
    %dma_wait3A_683 = tpu.memref_slice %arg7[%dma_wait3A_680, %dma_wait3A_681, %dma_wait3A_682] : memref<4x800x32xf32, #tpu.memory_space<vmem>> -> memref<1x800x32xf32, #tpu.memory_space<vmem>>
    %dma_wait3A_684 = tpu.memref_squeeze %dma_wait3A_683 : memref<1x800x32xf32, #tpu.memory_space<vmem>> -> memref<800x32xf32, #tpu.memory_space<vmem>>
    %dma_wait3A_685 = arith.constant 0 : i32
    %dma_wait3A_686 = tpu.memref_slice %arg5[%add3A_666, %dma_wait3A_685] : memref<819200x32xf32, #tpu.memory_space<hbm>> -> memref<800x32xf32, #tpu.memory_space<hbm>>
    %dma_wait3A_687 = arith.constant 0 : i32
    %dma_wait3A_688 = tpu.memref_slice %arg5[%add3A_666, %dma_wait3A_687] : memref<819200x32xf32, #tpu.memory_space<hbm>> -> memref<800x32xf32, #tpu.memory_space<hbm>>
    %dma_wait3A_689 = arith.constant 0 : i32
    %dma_wait3A_690 = arith.constant 0 : i32
    %dma_wait3A_691 = tpu.memref_slice %arg7[%dma_wait3A_680, %dma_wait3A_689, %dma_wait3A_690] : memref<4x800x32xf32, #tpu.memory_space<vmem>> -> memref<1x800x32xf32, #tpu.memory_space<vmem>>
    %dma_wait3A_692 = tpu.memref_squeeze %dma_wait3A_691 : memref<1x800x32xf32, #tpu.memory_space<vmem>> -> memref<800x32xf32, #tpu.memory_space<vmem>>
    tpu.wait_dma2 semaphore(%arg16 : memref<!tpu.dma_semaphore, #tpu.memory_space<semaphore_mem>>) src(%dma_wait3A_692 : memref<800x32xf32, #tpu.memory_space<vmem>>) dst(%dma_wait3A_688 : memref<800x32xf32, #tpu.memory_space<hbm>>)
    %dma_start3A_693 = arith.constant 3 : i32
    %dma_start3A_694 = arith.constant 0 : i32
    %dma_start3A_695 = arith.constant 0 : i32
    %dma_start3A_696 = tpu.memref_slice %arg7[%dma_start3A_693, %dma_start3A_694, %dma_start3A_695] : memref<4x800x32xf32, #tpu.memory_space<vmem>> -> memref<1x800x32xf32, #tpu.memory_space<vmem>>
    %dma_start3A_697 = tpu.memref_squeeze %dma_start3A_696 : memref<1x800x32xf32, #tpu.memory_space<vmem>> -> memref<800x32xf32, #tpu.memory_space<vmem>>
    %dma_start3A_698 = arith.constant 12000 : i32
    %dma_start3A_699 = tpu.memref_slice %arg6[%dma_start3A_698] : memref<25600xi32, #tpu.memory_space<vmem>> -> memref<800xi32, #tpu.memory_space<vmem>>
    %dma_start3A_700 = arith.constant 0 : i32
    %dma_start3A_701 = arith.constant 0 : i32
    %dma_start3A_702 = tpu.memref_slice %arg4[%dma_start3A_700, %dma_start3A_701] : memref<1000000x32xf32, #tpu.memory_space<hbm>> -> memref<1000000x32xf32, #tpu.memory_space<hbm>>
    tpu.enqueue_indirect_dma source(%dma_start3A_702 : memref<1000000x32xf32, #tpu.memory_space<hbm>>) target(%dma_start3A_697 : memref<800x32xf32, #tpu.memory_space<vmem>>) offsets(%dma_start3A_699 : memref<800xi32, #tpu.memory_space<vmem>>) semaphore(%arg12 : memref<!tpu.dma_semaphore, #tpu.memory_space<semaphore_mem>>)
    %dma_wait3A_703 = arith.constant 0 : i32
    %dma_wait3A_704 = arith.constant 0 : i32
    %dma_wait3A_705 = arith.constant 0 : i32
    %dma_wait3A_706 = tpu.memref_slice %arg7[%dma_wait3A_703, %dma_wait3A_704, %dma_wait3A_705] : memref<4x800x32xf32, #tpu.memory_space<vmem>> -> memref<1x800x32xf32, #tpu.memory_space<vmem>>
    %dma_wait3A_707 = tpu.memref_squeeze %dma_wait3A_706 : memref<1x800x32xf32, #tpu.memory_space<vmem>> -> memref<800x32xf32, #tpu.memory_space<vmem>>
    %dma_wait3A_708 = arith.constant 9600 : i32
    %dma_wait3A_709 = tpu.memref_slice %arg6[%dma_wait3A_708] : memref<25600xi32, #tpu.memory_space<vmem>> -> memref<800xi32, #tpu.memory_space<vmem>>
    %dma_wait3A_710 = arith.constant 0 : i32
    %dma_wait3A_711 = arith.constant 0 : i32
    %dma_wait3A_712 = tpu.memref_slice %arg4[%dma_wait3A_710, %dma_wait3A_711] : memref<1000000x32xf32, #tpu.memory_space<hbm>> -> memref<1000000x32xf32, #tpu.memory_space<hbm>>
    tpu.wait_indirect_dma semaphore(%arg9 : memref<!tpu.dma_semaphore, #tpu.memory_space<semaphore_mem>>) src(%dma_wait3A_712 : memref<1000000x32xf32, #tpu.memory_space<hbm>>) dst(%dma_wait3A_707 : memref<800x32xf32, #tpu.memory_space<vmem>>)
    %scan3A_713 = arith.constant 0 : i32
    %scan3A_714 = arith.constant 0 : i32
    %scan3A_715 = arith.constant 16 : i32
    %scan3A_716 = arith.addi %scan3A_714, %scan3A_715 : i32
    %scan3A_717 = arith.constant 1 : i32
    %scan3A_718 = scf.for %scan3A_1763 = %scan3A_714 to %scan3A_716 step %scan3A_717 iter_args(%scan3A_1764 = %scan3A_713) -> (i32)  : i32 {
      %add3A_1765 = arith.constant 192 : i32
      %add3A_1766 = arith.addi %add3A_1765, %scan3A_1763 : i32
      %get3A = arith.index_cast %add3A_1766 : i32 to index
      %get3A_1767 = tpu.vector_load %arg8[%get3A] {strides = array<i32>} : memref<528xi32, #tpu.memory_space<vmem>>, vector<16xi32>,
      %get3A_1768 = vector.shape_cast %get3A_1767 : vector<16xi32> to vector<16xi32>
      %slice3A = vector.extract_strided_slice %get3A_1768 {offsets = [0], sizes = [1], strides = [1]} : vector<16xi32> to vector<1xi32>
      %squeeze3A = vector.extract %slice3A[0] : i32 from vector<1xi32>
      %while3A = arith.constant 50 : i32
      %while3A_1769 = arith.constant 0 : i32
      %while3A_1770 = arith.subi %while3A, %squeeze3A : i32
      %while3A_1771 = arith.addi %squeeze3A, %while3A_1770 : i32
      %while3A_1772 = arith.constant 1 : i32
      %while3A_1773 = arith.divsi %while3A_1770, %while3A_1772 : i32
      %while3A_1774 = arith.muli %while3A_1773, %while3A_1772 : i32
      %while3A_1775 = arith.addi %squeeze3A, %while3A_1774 : i32
      %while3A_1776 = arith.constant 1 : i32
      %while3A_1777 = scf.for %while3A_1781 = %squeeze3A to %while3A_1775 step %while3A_1776 iter_args(%while3A_1782 = %while3A_1769) -> (i32)  : i32 {
        %mul3A_1783 = arith.constant 50 : i32
        %mul3A_1784 = arith.muli %scan3A_1763, %mul3A_1783 : i32
        %add3A_1785 = arith.addi %mul3A_1784, %while3A_1781 : i32
        %swap3A = arith.constant 0 : i32
        %swap3A_1786 = arith.index_cast %swap3A : i32 to index
        %swap3A_1787 = arith.index_cast %add3A_1785 : i32 to index
        %swap3A_1788 = arith.constant 0 : index
        %swap3A_1789 = tpu.vector_load %arg7[%swap3A_1786, %swap3A_1787, %swap3A_1788] {strides = array<i32>} : memref<4x800x32xf32, #tpu.memory_space<vmem>>, vector<1x1x16xf32>,
        %swap3A_1790 = vector.shape_cast %swap3A_1789 : vector<1x1x16xf32> to vector<16xf32>
        %swap3A_1791 = vector.shape_cast %broadcast_in_dim3A_5 : vector<16xf32> to vector<1x1x16xf32>
        tpu.vector_store %arg7[%swap3A_1786, %swap3A_1787, %swap3A_1788], %swap3A_1791 {strides = array<i32>} : memref<4x800x32xf32, #tpu.memory_space<vmem>>, vector<1x1x16xf32>,
        %mul3A_1792 = arith.constant 50 : i32
        %mul3A_1793 = arith.muli %scan3A_1763, %mul3A_1792 : i32
        %add3A_1794 = arith.addi %mul3A_1793, %while3A_1781 : i32
        %swap3A_1795 = arith.constant 0 : i32
        %swap3A_1796 = arith.index_cast %swap3A_1795 : i32 to index
        %swap3A_1797 = arith.index_cast %add3A_1794 : i32 to index
        %swap3A_1798 = arith.constant 16 : index
        %swap3A_1799 = tpu.vector_load %arg7[%swap3A_1796, %swap3A_1797, %swap3A_1798] {strides = array<i32>} : memref<4x800x32xf32, #tpu.memory_space<vmem>>, vector<1x1x16xf32>,
        %swap3A_1800 = vector.shape_cast %swap3A_1799 : vector<1x1x16xf32> to vector<16xf32>
        %swap3A_1801 = vector.shape_cast %broadcast_in_dim3A_5 : vector<16xf32> to vector<1x1x16xf32>
        tpu.vector_store %arg7[%swap3A_1796, %swap3A_1797, %swap3A_1798], %swap3A_1801 {strides = array<i32>} : memref<4x800x32xf32, #tpu.memory_space<vmem>>, vector<1x1x16xf32>,
        %while3A_1802 = arith.constant 0 : i32
        scf.yield %while3A_1802 : i32
      }
      %while3A_1778 = arith.constant 1 : i32
      %while3A_1779 = scf.for %while3A_1781 = %while3A_1775 to %while3A_1771 step %while3A_1778 iter_args(%while3A_1782 = %while3A_1777) -> (i32)  : i32 {
        %mul3A_1783 = arith.constant 50 : i32
        %mul3A_1784 = arith.muli %scan3A_1763, %mul3A_1783 : i32
        %add3A_1785 = arith.addi %mul3A_1784, %while3A_1781 : i32
        %swap3A = arith.constant 0 : i32
        %swap3A_1786 = arith.index_cast %swap3A : i32 to index
        %swap3A_1787 = arith.index_cast %add3A_1785 : i32 to index
        %swap3A_1788 = arith.constant 0 : index
        %swap3A_1789 = tpu.vector_load %arg7[%swap3A_1786, %swap3A_1787, %swap3A_1788] {strides = array<i32>} : memref<4x800x32xf32, #tpu.memory_space<vmem>>, vector<1x1x16xf32>,
        %swap3A_1790 = vector.shape_cast %swap3A_1789 : vector<1x1x16xf32> to vector<16xf32>
        %swap3A_1791 = vector.shape_cast %broadcast_in_dim3A_5 : vector<16xf32> to vector<1x1x16xf32>
        tpu.vector_store %arg7[%swap3A_1786, %swap3A_1787, %swap3A_1788], %swap3A_1791 {strides = array<i32>} : memref<4x800x32xf32, #tpu.memory_space<vmem>>, vector<1x1x16xf32>,
        %mul3A_1792 = arith.constant 50 : i32
        %mul3A_1793 = arith.muli %scan3A_1763, %mul3A_1792 : i32
        %add3A_1794 = arith.addi %mul3A_1793, %while3A_1781 : i32
        %swap3A_1795 = arith.constant 0 : i32
        %swap3A_1796 = arith.index_cast %swap3A_1795 : i32 to index
        %swap3A_1797 = arith.index_cast %add3A_1794 : i32 to index
        %swap3A_1798 = arith.constant 16 : index
        %swap3A_1799 = tpu.vector_load %arg7[%swap3A_1796, %swap3A_1797, %swap3A_1798] {strides = array<i32>} : memref<4x800x32xf32, #tpu.memory_space<vmem>>, vector<1x1x16xf32>,
        %swap3A_1800 = vector.shape_cast %swap3A_1799 : vector<1x1x16xf32> to vector<16xf32>
        %swap3A_1801 = vector.shape_cast %broadcast_in_dim3A_5 : vector<16xf32> to vector<1x1x16xf32>
        tpu.vector_store %arg7[%swap3A_1796, %swap3A_1797, %swap3A_1798], %swap3A_1801 {strides = array<i32>} : memref<4x800x32xf32, #tpu.memory_space<vmem>>, vector<1x1x16xf32>,
        %while3A_1802 = arith.constant 0 : i32
        scf.yield %while3A_1802 : i32
      }
      %scan3A_1780 = arith.constant 0 : i32
      scf.yield %scan3A_1780 : i32
    }
    %scan3A_719 = arith.constant 16 : i32
    %add3A_720 = arith.constant 9600 : i32
    %add3A_721 = arith.addi %mul3A_2, %add3A_720 : i32
    %dma_start3A_722 = arith.constant 0 : i32
    %dma_start3A_723 = arith.constant 0 : i32
    %dma_start3A_724 = arith.constant 0 : i32
    %dma_start3A_725 = tpu.memref_slice %arg7[%dma_start3A_722, %dma_start3A_723, %dma_start3A_724] : memref<4x800x32xf32, #tpu.memory_space<vmem>> -> memref<1x800x32xf32, #tpu.memory_space<vmem>>
    %dma_start3A_726 = tpu.memref_squeeze %dma_start3A_725 : memref<1x800x32xf32, #tpu.memory_space<vmem>> -> memref<800x32xf32, #tpu.memory_space<vmem>>
    %dma_start3A_727 = arith.constant 0 : i32
    %dma_start3A_728 = tpu.memref_slice %arg5[%add3A_721, %dma_start3A_727] : memref<819200x32xf32, #tpu.memory_space<hbm>> -> memref<800x32xf32, #tpu.memory_space<hbm>>
    %dma_start3A_729 = arith.constant 0 : i32
    %dma_start3A_730 = tpu.memref_slice %arg5[%add3A_721, %dma_start3A_729] : memref<819200x32xf32, #tpu.memory_space<hbm>> -> memref<800x32xf32, #tpu.memory_space<hbm>>
    %dma_start3A_731 = arith.constant 0 : i32
    %dma_start3A_732 = arith.constant 0 : i32
    %dma_start3A_733 = tpu.memref_slice %arg7[%dma_start3A_722, %dma_start3A_731, %dma_start3A_732] : memref<4x800x32xf32, #tpu.memory_space<vmem>> -> memref<1x800x32xf32, #tpu.memory_space<vmem>>
    %dma_start3A_734 = tpu.memref_squeeze %dma_start3A_733 : memref<1x800x32xf32, #tpu.memory_space<vmem>> -> memref<800x32xf32, #tpu.memory_space<vmem>>
    tpu.enqueue_dma source(%dma_start3A_734 : memref<800x32xf32, #tpu.memory_space<vmem>>) target(%dma_start3A_730 : memref<800x32xf32, #tpu.memory_space<hbm>>) target_semaphore(%arg13 : memref<!tpu.dma_semaphore, #tpu.memory_space<semaphore_mem>>)
    %dma_wait3A_735 = arith.constant 0 : i32
    %dma_wait3A_736 = arith.constant 0 : i32
    %dma_wait3A_737 = arith.constant 0 : i32
    %dma_wait3A_738 = tpu.memref_slice %arg7[%dma_wait3A_735, %dma_wait3A_736, %dma_wait3A_737] : memref<4x800x32xf32, #tpu.memory_space<vmem>> -> memref<1x800x32xf32, #tpu.memory_space<vmem>>
    %dma_wait3A_739 = tpu.memref_squeeze %dma_wait3A_738 : memref<1x800x32xf32, #tpu.memory_space<vmem>> -> memref<800x32xf32, #tpu.memory_space<vmem>>
    %dma_wait3A_740 = arith.constant 0 : i32
    %dma_wait3A_741 = tpu.memref_slice %arg5[%add3A_721, %dma_wait3A_740] : memref<819200x32xf32, #tpu.memory_space<hbm>> -> memref<800x32xf32, #tpu.memory_space<hbm>>
    %dma_wait3A_742 = arith.constant 0 : i32
    %dma_wait3A_743 = tpu.memref_slice %arg5[%add3A_721, %dma_wait3A_742] : memref<819200x32xf32, #tpu.memory_space<hbm>> -> memref<800x32xf32, #tpu.memory_space<hbm>>
    %dma_wait3A_744 = arith.constant 0 : i32
    %dma_wait3A_745 = arith.constant 0 : i32
    %dma_wait3A_746 = tpu.memref_slice %arg7[%dma_wait3A_735, %dma_wait3A_744, %dma_wait3A_745] : memref<4x800x32xf32, #tpu.memory_space<vmem>> -> memref<1x800x32xf32, #tpu.memory_space<vmem>>
    %dma_wait3A_747 = tpu.memref_squeeze %dma_wait3A_746 : memref<1x800x32xf32, #tpu.memory_space<vmem>> -> memref<800x32xf32, #tpu.memory_space<vmem>>
    tpu.wait_dma2 semaphore(%arg13 : memref<!tpu.dma_semaphore, #tpu.memory_space<semaphore_mem>>) src(%dma_wait3A_747 : memref<800x32xf32, #tpu.memory_space<vmem>>) dst(%dma_wait3A_743 : memref<800x32xf32, #tpu.memory_space<hbm>>)
    %dma_start3A_748 = arith.constant 0 : i32
    %dma_start3A_749 = arith.constant 0 : i32
    %dma_start3A_750 = arith.constant 0 : i32
    %dma_start3A_751 = tpu.memref_slice %arg7[%dma_start3A_748, %dma_start3A_749, %dma_start3A_750] : memref<4x800x32xf32, #tpu.memory_space<vmem>> -> memref<1x800x32xf32, #tpu.memory_space<vmem>>
    %dma_start3A_752 = tpu.memref_squeeze %dma_start3A_751 : memref<1x800x32xf32, #tpu.memory_space<vmem>> -> memref<800x32xf32, #tpu.memory_space<vmem>>
    %dma_start3A_753 = arith.constant 12800 : i32
    %dma_start3A_754 = tpu.memref_slice %arg6[%dma_start3A_753] : memref<25600xi32, #tpu.memory_space<vmem>> -> memref<800xi32, #tpu.memory_space<vmem>>
    %dma_start3A_755 = arith.constant 0 : i32
    %dma_start3A_756 = arith.constant 0 : i32
    %dma_start3A_757 = tpu.memref_slice %arg4[%dma_start3A_755, %dma_start3A_756] : memref<1000000x32xf32, #tpu.memory_space<hbm>> -> memref<1000000x32xf32, #tpu.memory_space<hbm>>
    tpu.enqueue_indirect_dma source(%dma_start3A_757 : memref<1000000x32xf32, #tpu.memory_space<hbm>>) target(%dma_start3A_752 : memref<800x32xf32, #tpu.memory_space<vmem>>) offsets(%dma_start3A_754 : memref<800xi32, #tpu.memory_space<vmem>>) semaphore(%arg9 : memref<!tpu.dma_semaphore, #tpu.memory_space<semaphore_mem>>)
    %dma_wait3A_758 = arith.constant 1 : i32
    %dma_wait3A_759 = arith.constant 0 : i32
    %dma_wait3A_760 = arith.constant 0 : i32
    %dma_wait3A_761 = tpu.memref_slice %arg7[%dma_wait3A_758, %dma_wait3A_759, %dma_wait3A_760] : memref<4x800x32xf32, #tpu.memory_space<vmem>> -> memref<1x800x32xf32, #tpu.memory_space<vmem>>
    %dma_wait3A_762 = tpu.memref_squeeze %dma_wait3A_761 : memref<1x800x32xf32, #tpu.memory_space<vmem>> -> memref<800x32xf32, #tpu.memory_space<vmem>>
    %dma_wait3A_763 = arith.constant 10400 : i32
    %dma_wait3A_764 = tpu.memref_slice %arg6[%dma_wait3A_763] : memref<25600xi32, #tpu.memory_space<vmem>> -> memref<800xi32, #tpu.memory_space<vmem>>
    %dma_wait3A_765 = arith.constant 0 : i32
    %dma_wait3A_766 = arith.constant 0 : i32
    %dma_wait3A_767 = tpu.memref_slice %arg4[%dma_wait3A_765, %dma_wait3A_766] : memref<1000000x32xf32, #tpu.memory_space<hbm>> -> memref<1000000x32xf32, #tpu.memory_space<hbm>>
    tpu.wait_indirect_dma semaphore(%arg10 : memref<!tpu.dma_semaphore, #tpu.memory_space<semaphore_mem>>) src(%dma_wait3A_767 : memref<1000000x32xf32, #tpu.memory_space<hbm>>) dst(%dma_wait3A_762 : memref<800x32xf32, #tpu.memory_space<vmem>>)
    %scan3A_768 = arith.constant 0 : i32
    %scan3A_769 = arith.constant 0 : i32
    %scan3A_770 = arith.constant 16 : i32
    %scan3A_771 = arith.addi %scan3A_769, %scan3A_770 : i32
    %scan3A_772 = arith.constant 1 : i32
    %scan3A_773 = scf.for %scan3A_1763 = %scan3A_769 to %scan3A_771 step %scan3A_772 iter_args(%scan3A_1764 = %scan3A_768) -> (i32)  : i32 {
      %add3A_1765 = arith.constant 208 : i32
      %add3A_1766 = arith.addi %add3A_1765, %scan3A_1763 : i32
      %get3A = arith.index_cast %add3A_1766 : i32 to index
      %get3A_1767 = tpu.vector_load %arg8[%get3A] {strides = array<i32>} : memref<528xi32, #tpu.memory_space<vmem>>, vector<16xi32>,
      %get3A_1768 = vector.shape_cast %get3A_1767 : vector<16xi32> to vector<16xi32>
      %slice3A = vector.extract_strided_slice %get3A_1768 {offsets = [0], sizes = [1], strides = [1]} : vector<16xi32> to vector<1xi32>
      %squeeze3A = vector.extract %slice3A[0] : i32 from vector<1xi32>
      %while3A = arith.constant 50 : i32
      %while3A_1769 = arith.constant 0 : i32
      %while3A_1770 = arith.subi %while3A, %squeeze3A : i32
      %while3A_1771 = arith.addi %squeeze3A, %while3A_1770 : i32
      %while3A_1772 = arith.constant 1 : i32
      %while3A_1773 = arith.divsi %while3A_1770, %while3A_1772 : i32
      %while3A_1774 = arith.muli %while3A_1773, %while3A_1772 : i32
      %while3A_1775 = arith.addi %squeeze3A, %while3A_1774 : i32
      %while3A_1776 = arith.constant 1 : i32
      %while3A_1777 = scf.for %while3A_1781 = %squeeze3A to %while3A_1775 step %while3A_1776 iter_args(%while3A_1782 = %while3A_1769) -> (i32)  : i32 {
        %mul3A_1783 = arith.constant 50 : i32
        %mul3A_1784 = arith.muli %scan3A_1763, %mul3A_1783 : i32
        %add3A_1785 = arith.addi %mul3A_1784, %while3A_1781 : i32
        %swap3A = arith.constant 1 : i32
        %swap3A_1786 = arith.index_cast %swap3A : i32 to index
        %swap3A_1787 = arith.index_cast %add3A_1785 : i32 to index
        %swap3A_1788 = arith.constant 0 : index
        %swap3A_1789 = tpu.vector_load %arg7[%swap3A_1786, %swap3A_1787, %swap3A_1788] {strides = array<i32>} : memref<4x800x32xf32, #tpu.memory_space<vmem>>, vector<1x1x16xf32>,
        %swap3A_1790 = vector.shape_cast %swap3A_1789 : vector<1x1x16xf32> to vector<16xf32>
        %swap3A_1791 = vector.shape_cast %broadcast_in_dim3A_5 : vector<16xf32> to vector<1x1x16xf32>
        tpu.vector_store %arg7[%swap3A_1786, %swap3A_1787, %swap3A_1788], %swap3A_1791 {strides = array<i32>} : memref<4x800x32xf32, #tpu.memory_space<vmem>>, vector<1x1x16xf32>,
        %mul3A_1792 = arith.constant 50 : i32
        %mul3A_1793 = arith.muli %scan3A_1763, %mul3A_1792 : i32
        %add3A_1794 = arith.addi %mul3A_1793, %while3A_1781 : i32
        %swap3A_1795 = arith.constant 1 : i32
        %swap3A_1796 = arith.index_cast %swap3A_1795 : i32 to index
        %swap3A_1797 = arith.index_cast %add3A_1794 : i32 to index
        %swap3A_1798 = arith.constant 16 : index
        %swap3A_1799 = tpu.vector_load %arg7[%swap3A_1796, %swap3A_1797, %swap3A_1798] {strides = array<i32>} : memref<4x800x32xf32, #tpu.memory_space<vmem>>, vector<1x1x16xf32>,
        %swap3A_1800 = vector.shape_cast %swap3A_1799 : vector<1x1x16xf32> to vector<16xf32>
        %swap3A_1801 = vector.shape_cast %broadcast_in_dim3A_5 : vector<16xf32> to vector<1x1x16xf32>
        tpu.vector_store %arg7[%swap3A_1796, %swap3A_1797, %swap3A_1798], %swap3A_1801 {strides = array<i32>} : memref<4x800x32xf32, #tpu.memory_space<vmem>>, vector<1x1x16xf32>,
        %while3A_1802 = arith.constant 0 : i32
        scf.yield %while3A_1802 : i32
      }
      %while3A_1778 = arith.constant 1 : i32
      %while3A_1779 = scf.for %while3A_1781 = %while3A_1775 to %while3A_1771 step %while3A_1778 iter_args(%while3A_1782 = %while3A_1777) -> (i32)  : i32 {
        %mul3A_1783 = arith.constant 50 : i32
        %mul3A_1784 = arith.muli %scan3A_1763, %mul3A_1783 : i32
        %add3A_1785 = arith.addi %mul3A_1784, %while3A_1781 : i32
        %swap3A = arith.constant 1 : i32
        %swap3A_1786 = arith.index_cast %swap3A : i32 to index
        %swap3A_1787 = arith.index_cast %add3A_1785 : i32 to index
        %swap3A_1788 = arith.constant 0 : index
        %swap3A_1789 = tpu.vector_load %arg7[%swap3A_1786, %swap3A_1787, %swap3A_1788] {strides = array<i32>} : memref<4x800x32xf32, #tpu.memory_space<vmem>>, vector<1x1x16xf32>,
        %swap3A_1790 = vector.shape_cast %swap3A_1789 : vector<1x1x16xf32> to vector<16xf32>
        %swap3A_1791 = vector.shape_cast %broadcast_in_dim3A_5 : vector<16xf32> to vector<1x1x16xf32>
        tpu.vector_store %arg7[%swap3A_1786, %swap3A_1787, %swap3A_1788], %swap3A_1791 {strides = array<i32>} : memref<4x800x32xf32, #tpu.memory_space<vmem>>, vector<1x1x16xf32>,
        %mul3A_1792 = arith.constant 50 : i32
        %mul3A_1793 = arith.muli %scan3A_1763, %mul3A_1792 : i32
        %add3A_1794 = arith.addi %mul3A_1793, %while3A_1781 : i32
        %swap3A_1795 = arith.constant 1 : i32
        %swap3A_1796 = arith.index_cast %swap3A_1795 : i32 to index
        %swap3A_1797 = arith.index_cast %add3A_1794 : i32 to index
        %swap3A_1798 = arith.constant 16 : index
        %swap3A_1799 = tpu.vector_load %arg7[%swap3A_1796, %swap3A_1797, %swap3A_1798] {strides = array<i32>} : memref<4x800x32xf32, #tpu.memory_space<vmem>>, vector<1x1x16xf32>,
        %swap3A_1800 = vector.shape_cast %swap3A_1799 : vector<1x1x16xf32> to vector<16xf32>
        %swap3A_1801 = vector.shape_cast %broadcast_in_dim3A_5 : vector<16xf32> to vector<1x1x16xf32>
        tpu.vector_store %arg7[%swap3A_1796, %swap3A_1797, %swap3A_1798], %swap3A_1801 {strides = array<i32>} : memref<4x800x32xf32, #tpu.memory_space<vmem>>, vector<1x1x16xf32>,
        %while3A_1802 = arith.constant 0 : i32
        scf.yield %while3A_1802 : i32
      }
      %scan3A_1780 = arith.constant 0 : i32
      scf.yield %scan3A_1780 : i32
    }
    %scan3A_774 = arith.constant 16 : i32
    %add3A_775 = arith.constant 10400 : i32
    %add3A_776 = arith.addi %mul3A_2, %add3A_775 : i32
    %dma_start3A_777 = arith.constant 1 : i32
    %dma_start3A_778 = arith.constant 0 : i32
    %dma_start3A_779 = arith.constant 0 : i32
    %dma_start3A_780 = tpu.memref_slice %arg7[%dma_start3A_777, %dma_start3A_778, %dma_start3A_779] : memref<4x800x32xf32, #tpu.memory_space<vmem>> -> memref<1x800x32xf32, #tpu.memory_space<vmem>>
    %dma_start3A_781 = tpu.memref_squeeze %dma_start3A_780 : memref<1x800x32xf32, #tpu.memory_space<vmem>> -> memref<800x32xf32, #tpu.memory_space<vmem>>
    %dma_start3A_782 = arith.constant 0 : i32
    %dma_start3A_783 = tpu.memref_slice %arg5[%add3A_776, %dma_start3A_782] : memref<819200x32xf32, #tpu.memory_space<hbm>> -> memref<800x32xf32, #tpu.memory_space<hbm>>
    %dma_start3A_784 = arith.constant 0 : i32
    %dma_start3A_785 = tpu.memref_slice %arg5[%add3A_776, %dma_start3A_784] : memref<819200x32xf32, #tpu.memory_space<hbm>> -> memref<800x32xf32, #tpu.memory_space<hbm>>
    %dma_start3A_786 = arith.constant 0 : i32
    %dma_start3A_787 = arith.constant 0 : i32
    %dma_start3A_788 = tpu.memref_slice %arg7[%dma_start3A_777, %dma_start3A_786, %dma_start3A_787] : memref<4x800x32xf32, #tpu.memory_space<vmem>> -> memref<1x800x32xf32, #tpu.memory_space<vmem>>
    %dma_start3A_789 = tpu.memref_squeeze %dma_start3A_788 : memref<1x800x32xf32, #tpu.memory_space<vmem>> -> memref<800x32xf32, #tpu.memory_space<vmem>>
    tpu.enqueue_dma source(%dma_start3A_789 : memref<800x32xf32, #tpu.memory_space<vmem>>) target(%dma_start3A_785 : memref<800x32xf32, #tpu.memory_space<hbm>>) target_semaphore(%arg14 : memref<!tpu.dma_semaphore, #tpu.memory_space<semaphore_mem>>)
    %dma_wait3A_790 = arith.constant 1 : i32
    %dma_wait3A_791 = arith.constant 0 : i32
    %dma_wait3A_792 = arith.constant 0 : i32
    %dma_wait3A_793 = tpu.memref_slice %arg7[%dma_wait3A_790, %dma_wait3A_791, %dma_wait3A_792] : memref<4x800x32xf32, #tpu.memory_space<vmem>> -> memref<1x800x32xf32, #tpu.memory_space<vmem>>
    %dma_wait3A_794 = tpu.memref_squeeze %dma_wait3A_793 : memref<1x800x32xf32, #tpu.memory_space<vmem>> -> memref<800x32xf32, #tpu.memory_space<vmem>>
    %dma_wait3A_795 = arith.constant 0 : i32
    %dma_wait3A_796 = tpu.memref_slice %arg5[%add3A_776, %dma_wait3A_795] : memref<819200x32xf32, #tpu.memory_space<hbm>> -> memref<800x32xf32, #tpu.memory_space<hbm>>
    %dma_wait3A_797 = arith.constant 0 : i32
    %dma_wait3A_798 = tpu.memref_slice %arg5[%add3A_776, %dma_wait3A_797] : memref<819200x32xf32, #tpu.memory_space<hbm>> -> memref<800x32xf32, #tpu.memory_space<hbm>>
    %dma_wait3A_799 = arith.constant 0 : i32
    %dma_wait3A_800 = arith.constant 0 : i32
    %dma_wait3A_801 = tpu.memref_slice %arg7[%dma_wait3A_790, %dma_wait3A_799, %dma_wait3A_800] : memref<4x800x32xf32, #tpu.memory_space<vmem>> -> memref<1x800x32xf32, #tpu.memory_space<vmem>>
    %dma_wait3A_802 = tpu.memref_squeeze %dma_wait3A_801 : memref<1x800x32xf32, #tpu.memory_space<vmem>> -> memref<800x32xf32, #tpu.memory_space<vmem>>
    tpu.wait_dma2 semaphore(%arg14 : memref<!tpu.dma_semaphore, #tpu.memory_space<semaphore_mem>>) src(%dma_wait3A_802 : memref<800x32xf32, #tpu.memory_space<vmem>>) dst(%dma_wait3A_798 : memref<800x32xf32, #tpu.memory_space<hbm>>)
    %dma_start3A_803 = arith.constant 1 : i32
    %dma_start3A_804 = arith.constant 0 : i32
    %dma_start3A_805 = arith.constant 0 : i32
    %dma_start3A_806 = tpu.memref_slice %arg7[%dma_start3A_803, %dma_start3A_804, %dma_start3A_805] : memref<4x800x32xf32, #tpu.memory_space<vmem>> -> memref<1x800x32xf32, #tpu.memory_space<vmem>>
    %dma_start3A_807 = tpu.memref_squeeze %dma_start3A_806 : memref<1x800x32xf32, #tpu.memory_space<vmem>> -> memref<800x32xf32, #tpu.memory_space<vmem>>
    %dma_start3A_808 = arith.constant 13600 : i32
    %dma_start3A_809 = tpu.memref_slice %arg6[%dma_start3A_808] : memref<25600xi32, #tpu.memory_space<vmem>> -> memref<800xi32, #tpu.memory_space<vmem>>
    %dma_start3A_810 = arith.constant 0 : i32
    %dma_start3A_811 = arith.constant 0 : i32
    %dma_start3A_812 = tpu.memref_slice %arg4[%dma_start3A_810, %dma_start3A_811] : memref<1000000x32xf32, #tpu.memory_space<hbm>> -> memref<1000000x32xf32, #tpu.memory_space<hbm>>
    tpu.enqueue_indirect_dma source(%dma_start3A_812 : memref<1000000x32xf32, #tpu.memory_space<hbm>>) target(%dma_start3A_807 : memref<800x32xf32, #tpu.memory_space<vmem>>) offsets(%dma_start3A_809 : memref<800xi32, #tpu.memory_space<vmem>>) semaphore(%arg10 : memref<!tpu.dma_semaphore, #tpu.memory_space<semaphore_mem>>)
    %dma_wait3A_813 = arith.constant 2 : i32
    %dma_wait3A_814 = arith.constant 0 : i32
    %dma_wait3A_815 = arith.constant 0 : i32
    %dma_wait3A_816 = tpu.memref_slice %arg7[%dma_wait3A_813, %dma_wait3A_814, %dma_wait3A_815] : memref<4x800x32xf32, #tpu.memory_space<vmem>> -> memref<1x800x32xf32, #tpu.memory_space<vmem>>
    %dma_wait3A_817 = tpu.memref_squeeze %dma_wait3A_816 : memref<1x800x32xf32, #tpu.memory_space<vmem>> -> memref<800x32xf32, #tpu.memory_space<vmem>>
    %dma_wait3A_818 = arith.constant 11200 : i32
    %dma_wait3A_819 = tpu.memref_slice %arg6[%dma_wait3A_818] : memref<25600xi32, #tpu.memory_space<vmem>> -> memref<800xi32, #tpu.memory_space<vmem>>
    %dma_wait3A_820 = arith.constant 0 : i32
    %dma_wait3A_821 = arith.constant 0 : i32
    %dma_wait3A_822 = tpu.memref_slice %arg4[%dma_wait3A_820, %dma_wait3A_821] : memref<1000000x32xf32, #tpu.memory_space<hbm>> -> memref<1000000x32xf32, #tpu.memory_space<hbm>>
    tpu.wait_indirect_dma semaphore(%arg11 : memref<!tpu.dma_semaphore, #tpu.memory_space<semaphore_mem>>) src(%dma_wait3A_822 : memref<1000000x32xf32, #tpu.memory_space<hbm>>) dst(%dma_wait3A_817 : memref<800x32xf32, #tpu.memory_space<vmem>>)
    %scan3A_823 = arith.constant 0 : i32
    %scan3A_824 = arith.constant 0 : i32
    %scan3A_825 = arith.constant 16 : i32
    %scan3A_826 = arith.addi %scan3A_824, %scan3A_825 : i32
    %scan3A_827 = arith.constant 1 : i32
    %scan3A_828 = scf.for %scan3A_1763 = %scan3A_824 to %scan3A_826 step %scan3A_827 iter_args(%scan3A_1764 = %scan3A_823) -> (i32)  : i32 {
      %add3A_1765 = arith.constant 224 : i32
      %add3A_1766 = arith.addi %add3A_1765, %scan3A_1763 : i32
      %get3A = arith.index_cast %add3A_1766 : i32 to index
      %get3A_1767 = tpu.vector_load %arg8[%get3A] {strides = array<i32>} : memref<528xi32, #tpu.memory_space<vmem>>, vector<16xi32>,
      %get3A_1768 = vector.shape_cast %get3A_1767 : vector<16xi32> to vector<16xi32>
      %slice3A = vector.extract_strided_slice %get3A_1768 {offsets = [0], sizes = [1], strides = [1]} : vector<16xi32> to vector<1xi32>
      %squeeze3A = vector.extract %slice3A[0] : i32 from vector<1xi32>
      %while3A = arith.constant 50 : i32
      %while3A_1769 = arith.constant 0 : i32
      %while3A_1770 = arith.subi %while3A, %squeeze3A : i32
      %while3A_1771 = arith.addi %squeeze3A, %while3A_1770 : i32
      %while3A_1772 = arith.constant 1 : i32
      %while3A_1773 = arith.divsi %while3A_1770, %while3A_1772 : i32
      %while3A_1774 = arith.muli %while3A_1773, %while3A_1772 : i32
      %while3A_1775 = arith.addi %squeeze3A, %while3A_1774 : i32
      %while3A_1776 = arith.constant 1 : i32
      %while3A_1777 = scf.for %while3A_1781 = %squeeze3A to %while3A_1775 step %while3A_1776 iter_args(%while3A_1782 = %while3A_1769) -> (i32)  : i32 {
        %mul3A_1783 = arith.constant 50 : i32
        %mul3A_1784 = arith.muli %scan3A_1763, %mul3A_1783 : i32
        %add3A_1785 = arith.addi %mul3A_1784, %while3A_1781 : i32
        %swap3A = arith.constant 2 : i32
        %swap3A_1786 = arith.index_cast %swap3A : i32 to index
        %swap3A_1787 = arith.index_cast %add3A_1785 : i32 to index
        %swap3A_1788 = arith.constant 0 : index
        %swap3A_1789 = tpu.vector_load %arg7[%swap3A_1786, %swap3A_1787, %swap3A_1788] {strides = array<i32>} : memref<4x800x32xf32, #tpu.memory_space<vmem>>, vector<1x1x16xf32>,
        %swap3A_1790 = vector.shape_cast %swap3A_1789 : vector<1x1x16xf32> to vector<16xf32>
        %swap3A_1791 = vector.shape_cast %broadcast_in_dim3A_5 : vector<16xf32> to vector<1x1x16xf32>
        tpu.vector_store %arg7[%swap3A_1786, %swap3A_1787, %swap3A_1788], %swap3A_1791 {strides = array<i32>} : memref<4x800x32xf32, #tpu.memory_space<vmem>>, vector<1x1x16xf32>,
        %mul3A_1792 = arith.constant 50 : i32
        %mul3A_1793 = arith.muli %scan3A_1763, %mul3A_1792 : i32
        %add3A_1794 = arith.addi %mul3A_1793, %while3A_1781 : i32
        %swap3A_1795 = arith.constant 2 : i32
        %swap3A_1796 = arith.index_cast %swap3A_1795 : i32 to index
        %swap3A_1797 = arith.index_cast %add3A_1794 : i32 to index
        %swap3A_1798 = arith.constant 16 : index
        %swap3A_1799 = tpu.vector_load %arg7[%swap3A_1796, %swap3A_1797, %swap3A_1798] {strides = array<i32>} : memref<4x800x32xf32, #tpu.memory_space<vmem>>, vector<1x1x16xf32>,
        %swap3A_1800 = vector.shape_cast %swap3A_1799 : vector<1x1x16xf32> to vector<16xf32>
        %swap3A_1801 = vector.shape_cast %broadcast_in_dim3A_5 : vector<16xf32> to vector<1x1x16xf32>
        tpu.vector_store %arg7[%swap3A_1796, %swap3A_1797, %swap3A_1798], %swap3A_1801 {strides = array<i32>} : memref<4x800x32xf32, #tpu.memory_space<vmem>>, vector<1x1x16xf32>,
        %while3A_1802 = arith.constant 0 : i32
        scf.yield %while3A_1802 : i32
      }
      %while3A_1778 = arith.constant 1 : i32
      %while3A_1779 = scf.for %while3A_1781 = %while3A_1775 to %while3A_1771 step %while3A_1778 iter_args(%while3A_1782 = %while3A_1777) -> (i32)  : i32 {
        %mul3A_1783 = arith.constant 50 : i32
        %mul3A_1784 = arith.muli %scan3A_1763, %mul3A_1783 : i32
        %add3A_1785 = arith.addi %mul3A_1784, %while3A_1781 : i32
        %swap3A = arith.constant 2 : i32
        %swap3A_1786 = arith.index_cast %swap3A : i32 to index
        %swap3A_1787 = arith.index_cast %add3A_1785 : i32 to index
        %swap3A_1788 = arith.constant 0 : index
        %swap3A_1789 = tpu.vector_load %arg7[%swap3A_1786, %swap3A_1787, %swap3A_1788] {strides = array<i32>} : memref<4x800x32xf32, #tpu.memory_space<vmem>>, vector<1x1x16xf32>,
        %swap3A_1790 = vector.shape_cast %swap3A_1789 : vector<1x1x16xf32> to vector<16xf32>
        %swap3A_1791 = vector.shape_cast %broadcast_in_dim3A_5 : vector<16xf32> to vector<1x1x16xf32>
        tpu.vector_store %arg7[%swap3A_1786, %swap3A_1787, %swap3A_1788], %swap3A_1791 {strides = array<i32>} : memref<4x800x32xf32, #tpu.memory_space<vmem>>, vector<1x1x16xf32>,
        %mul3A_1792 = arith.constant 50 : i32
        %mul3A_1793 = arith.muli %scan3A_1763, %mul3A_1792 : i32
        %add3A_1794 = arith.addi %mul3A_1793, %while3A_1781 : i32
        %swap3A_1795 = arith.constant 2 : i32
        %swap3A_1796 = arith.index_cast %swap3A_1795 : i32 to index
        %swap3A_1797 = arith.index_cast %add3A_1794 : i32 to index
        %swap3A_1798 = arith.constant 16 : index
        %swap3A_1799 = tpu.vector_load %arg7[%swap3A_1796, %swap3A_1797, %swap3A_1798] {strides = array<i32>} : memref<4x800x32xf32, #tpu.memory_space<vmem>>, vector<1x1x16xf32>,
        %swap3A_1800 = vector.shape_cast %swap3A_1799 : vector<1x1x16xf32> to vector<16xf32>
        %swap3A_1801 = vector.shape_cast %broadcast_in_dim3A_5 : vector<16xf32> to vector<1x1x16xf32>
        tpu.vector_store %arg7[%swap3A_1796, %swap3A_1797, %swap3A_1798], %swap3A_1801 {strides = array<i32>} : memref<4x800x32xf32, #tpu.memory_space<vmem>>, vector<1x1x16xf32>,
        %while3A_1802 = arith.constant 0 : i32
        scf.yield %while3A_1802 : i32
      }
      %scan3A_1780 = arith.constant 0 : i32
      scf.yield %scan3A_1780 : i32
    }
    %scan3A_829 = arith.constant 16 : i32
    %add3A_830 = arith.constant 11200 : i32
    %add3A_831 = arith.addi %mul3A_2, %add3A_830 : i32
    %dma_start3A_832 = arith.constant 2 : i32
    %dma_start3A_833 = arith.constant 0 : i32
    %dma_start3A_834 = arith.constant 0 : i32
    %dma_start3A_835 = tpu.memref_slice %arg7[%dma_start3A_832, %dma_start3A_833, %dma_start3A_834] : memref<4x800x32xf32, #tpu.memory_space<vmem>> -> memref<1x800x32xf32, #tpu.memory_space<vmem>>
    %dma_start3A_836 = tpu.memref_squeeze %dma_start3A_835 : memref<1x800x32xf32, #tpu.memory_space<vmem>> -> memref<800x32xf32, #tpu.memory_space<vmem>>
    %dma_start3A_837 = arith.constant 0 : i32
    %dma_start3A_838 = tpu.memref_slice %arg5[%add3A_831, %dma_start3A_837] : memref<819200x32xf32, #tpu.memory_space<hbm>> -> memref<800x32xf32, #tpu.memory_space<hbm>>
    %dma_start3A_839 = arith.constant 0 : i32
    %dma_start3A_840 = tpu.memref_slice %arg5[%add3A_831, %dma_start3A_839] : memref<819200x32xf32, #tpu.memory_space<hbm>> -> memref<800x32xf32, #tpu.memory_space<hbm>>
    %dma_start3A_841 = arith.constant 0 : i32
    %dma_start3A_842 = arith.constant 0 : i32
    %dma_start3A_843 = tpu.memref_slice %arg7[%dma_start3A_832, %dma_start3A_841, %dma_start3A_842] : memref<4x800x32xf32, #tpu.memory_space<vmem>> -> memref<1x800x32xf32, #tpu.memory_space<vmem>>
    %dma_start3A_844 = tpu.memref_squeeze %dma_start3A_843 : memref<1x800x32xf32, #tpu.memory_space<vmem>> -> memref<800x32xf32, #tpu.memory_space<vmem>>
    tpu.enqueue_dma source(%dma_start3A_844 : memref<800x32xf32, #tpu.memory_space<vmem>>) target(%dma_start3A_840 : memref<800x32xf32, #tpu.memory_space<hbm>>) target_semaphore(%arg15 : memref<!tpu.dma_semaphore, #tpu.memory_space<semaphore_mem>>)
    %dma_wait3A_845 = arith.constant 2 : i32
    %dma_wait3A_846 = arith.constant 0 : i32
    %dma_wait3A_847 = arith.constant 0 : i32
    %dma_wait3A_848 = tpu.memref_slice %arg7[%dma_wait3A_845, %dma_wait3A_846, %dma_wait3A_847] : memref<4x800x32xf32, #tpu.memory_space<vmem>> -> memref<1x800x32xf32, #tpu.memory_space<vmem>>
    %dma_wait3A_849 = tpu.memref_squeeze %dma_wait3A_848 : memref<1x800x32xf32, #tpu.memory_space<vmem>> -> memref<800x32xf32, #tpu.memory_space<vmem>>
    %dma_wait3A_850 = arith.constant 0 : i32
    %dma_wait3A_851 = tpu.memref_slice %arg5[%add3A_831, %dma_wait3A_850] : memref<819200x32xf32, #tpu.memory_space<hbm>> -> memref<800x32xf32, #tpu.memory_space<hbm>>
    %dma_wait3A_852 = arith.constant 0 : i32
    %dma_wait3A_853 = tpu.memref_slice %arg5[%add3A_831, %dma_wait3A_852] : memref<819200x32xf32, #tpu.memory_space<hbm>> -> memref<800x32xf32, #tpu.memory_space<hbm>>
    %dma_wait3A_854 = arith.constant 0 : i32
    %dma_wait3A_855 = arith.constant 0 : i32
    %dma_wait3A_856 = tpu.memref_slice %arg7[%dma_wait3A_845, %dma_wait3A_854, %dma_wait3A_855] : memref<4x800x32xf32, #tpu.memory_space<vmem>> -> memref<1x800x32xf32, #tpu.memory_space<vmem>>
    %dma_wait3A_857 = tpu.memref_squeeze %dma_wait3A_856 : memref<1x800x32xf32, #tpu.memory_space<vmem>> -> memref<800x32xf32, #tpu.memory_space<vmem>>
    tpu.wait_dma2 semaphore(%arg15 : memref<!tpu.dma_semaphore, #tpu.memory_space<semaphore_mem>>) src(%dma_wait3A_857 : memref<800x32xf32, #tpu.memory_space<vmem>>) dst(%dma_wait3A_853 : memref<800x32xf32, #tpu.memory_space<hbm>>)
    %dma_start3A_858 = arith.constant 2 : i32
    %dma_start3A_859 = arith.constant 0 : i32
    %dma_start3A_860 = arith.constant 0 : i32
    %dma_start3A_861 = tpu.memref_slice %arg7[%dma_start3A_858, %dma_start3A_859, %dma_start3A_860] : memref<4x800x32xf32, #tpu.memory_space<vmem>> -> memref<1x800x32xf32, #tpu.memory_space<vmem>>
    %dma_start3A_862 = tpu.memref_squeeze %dma_start3A_861 : memref<1x800x32xf32, #tpu.memory_space<vmem>> -> memref<800x32xf32, #tpu.memory_space<vmem>>
    %dma_start3A_863 = arith.constant 14400 : i32
    %dma_start3A_864 = tpu.memref_slice %arg6[%dma_start3A_863] : memref<25600xi32, #tpu.memory_space<vmem>> -> memref<800xi32, #tpu.memory_space<vmem>>
    %dma_start3A_865 = arith.constant 0 : i32
    %dma_start3A_866 = arith.constant 0 : i32
    %dma_start3A_867 = tpu.memref_slice %arg4[%dma_start3A_865, %dma_start3A_866] : memref<1000000x32xf32, #tpu.memory_space<hbm>> -> memref<1000000x32xf32, #tpu.memory_space<hbm>>
    tpu.enqueue_indirect_dma source(%dma_start3A_867 : memref<1000000x32xf32, #tpu.memory_space<hbm>>) target(%dma_start3A_862 : memref<800x32xf32, #tpu.memory_space<vmem>>) offsets(%dma_start3A_864 : memref<800xi32, #tpu.memory_space<vmem>>) semaphore(%arg11 : memref<!tpu.dma_semaphore, #tpu.memory_space<semaphore_mem>>)
    %dma_wait3A_868 = arith.constant 3 : i32
    %dma_wait3A_869 = arith.constant 0 : i32
    %dma_wait3A_870 = arith.constant 0 : i32
    %dma_wait3A_871 = tpu.memref_slice %arg7[%dma_wait3A_868, %dma_wait3A_869, %dma_wait3A_870] : memref<4x800x32xf32, #tpu.memory_space<vmem>> -> memref<1x800x32xf32, #tpu.memory_space<vmem>>
    %dma_wait3A_872 = tpu.memref_squeeze %dma_wait3A_871 : memref<1x800x32xf32, #tpu.memory_space<vmem>> -> memref<800x32xf32, #tpu.memory_space<vmem>>
    %dma_wait3A_873 = arith.constant 12000 : i32
    %dma_wait3A_874 = tpu.memref_slice %arg6[%dma_wait3A_873] : memref<25600xi32, #tpu.memory_space<vmem>> -> memref<800xi32, #tpu.memory_space<vmem>>
    %dma_wait3A_875 = arith.constant 0 : i32
    %dma_wait3A_876 = arith.constant 0 : i32
    %dma_wait3A_877 = tpu.memref_slice %arg4[%dma_wait3A_875, %dma_wait3A_876] : memref<1000000x32xf32, #tpu.memory_space<hbm>> -> memref<1000000x32xf32, #tpu.memory_space<hbm>>
    tpu.wait_indirect_dma semaphore(%arg12 : memref<!tpu.dma_semaphore, #tpu.memory_space<semaphore_mem>>) src(%dma_wait3A_877 : memref<1000000x32xf32, #tpu.memory_space<hbm>>) dst(%dma_wait3A_872 : memref<800x32xf32, #tpu.memory_space<vmem>>)
    %scan3A_878 = arith.constant 0 : i32
    %scan3A_879 = arith.constant 0 : i32
    %scan3A_880 = arith.constant 16 : i32
    %scan3A_881 = arith.addi %scan3A_879, %scan3A_880 : i32
    %scan3A_882 = arith.constant 1 : i32
    %scan3A_883 = scf.for %scan3A_1763 = %scan3A_879 to %scan3A_881 step %scan3A_882 iter_args(%scan3A_1764 = %scan3A_878) -> (i32)  : i32 {
      %add3A_1765 = arith.constant 240 : i32
      %add3A_1766 = arith.addi %add3A_1765, %scan3A_1763 : i32
      %get3A = arith.index_cast %add3A_1766 : i32 to index
      %get3A_1767 = tpu.vector_load %arg8[%get3A] {strides = array<i32>} : memref<528xi32, #tpu.memory_space<vmem>>, vector<16xi32>,
      %get3A_1768 = vector.shape_cast %get3A_1767 : vector<16xi32> to vector<16xi32>
      %slice3A = vector.extract_strided_slice %get3A_1768 {offsets = [0], sizes = [1], strides = [1]} : vector<16xi32> to vector<1xi32>
      %squeeze3A = vector.extract %slice3A[0] : i32 from vector<1xi32>
      %while3A = arith.constant 50 : i32
      %while3A_1769 = arith.constant 0 : i32
      %while3A_1770 = arith.subi %while3A, %squeeze3A : i32
      %while3A_1771 = arith.addi %squeeze3A, %while3A_1770 : i32
      %while3A_1772 = arith.constant 1 : i32
      %while3A_1773 = arith.divsi %while3A_1770, %while3A_1772 : i32
      %while3A_1774 = arith.muli %while3A_1773, %while3A_1772 : i32
      %while3A_1775 = arith.addi %squeeze3A, %while3A_1774 : i32
      %while3A_1776 = arith.constant 1 : i32
      %while3A_1777 = scf.for %while3A_1781 = %squeeze3A to %while3A_1775 step %while3A_1776 iter_args(%while3A_1782 = %while3A_1769) -> (i32)  : i32 {
        %mul3A_1783 = arith.constant 50 : i32
        %mul3A_1784 = arith.muli %scan3A_1763, %mul3A_1783 : i32
        %add3A_1785 = arith.addi %mul3A_1784, %while3A_1781 : i32
        %swap3A = arith.constant 3 : i32
        %swap3A_1786 = arith.index_cast %swap3A : i32 to index
        %swap3A_1787 = arith.index_cast %add3A_1785 : i32 to index
        %swap3A_1788 = arith.constant 0 : index
        %swap3A_1789 = tpu.vector_load %arg7[%swap3A_1786, %swap3A_1787, %swap3A_1788] {strides = array<i32>} : memref<4x800x32xf32, #tpu.memory_space<vmem>>, vector<1x1x16xf32>,
        %swap3A_1790 = vector.shape_cast %swap3A_1789 : vector<1x1x16xf32> to vector<16xf32>
        %swap3A_1791 = vector.shape_cast %broadcast_in_dim3A_5 : vector<16xf32> to vector<1x1x16xf32>
        tpu.vector_store %arg7[%swap3A_1786, %swap3A_1787, %swap3A_1788], %swap3A_1791 {strides = array<i32>} : memref<4x800x32xf32, #tpu.memory_space<vmem>>, vector<1x1x16xf32>,
        %mul3A_1792 = arith.constant 50 : i32
        %mul3A_1793 = arith.muli %scan3A_1763, %mul3A_1792 : i32
        %add3A_1794 = arith.addi %mul3A_1793, %while3A_1781 : i32
        %swap3A_1795 = arith.constant 3 : i32
        %swap3A_1796 = arith.index_cast %swap3A_1795 : i32 to index
        %swap3A_1797 = arith.index_cast %add3A_1794 : i32 to index
        %swap3A_1798 = arith.constant 16 : index
        %swap3A_1799 = tpu.vector_load %arg7[%swap3A_1796, %swap3A_1797, %swap3A_1798] {strides = array<i32>} : memref<4x800x32xf32, #tpu.memory_space<vmem>>, vector<1x1x16xf32>,
        %swap3A_1800 = vector.shape_cast %swap3A_1799 : vector<1x1x16xf32> to vector<16xf32>
        %swap3A_1801 = vector.shape_cast %broadcast_in_dim3A_5 : vector<16xf32> to vector<1x1x16xf32>
        tpu.vector_store %arg7[%swap3A_1796, %swap3A_1797, %swap3A_1798], %swap3A_1801 {strides = array<i32>} : memref<4x800x32xf32, #tpu.memory_space<vmem>>, vector<1x1x16xf32>,
        %while3A_1802 = arith.constant 0 : i32
        scf.yield %while3A_1802 : i32
      }
      %while3A_1778 = arith.constant 1 : i32
      %while3A_1779 = scf.for %while3A_1781 = %while3A_1775 to %while3A_1771 step %while3A_1778 iter_args(%while3A_1782 = %while3A_1777) -> (i32)  : i32 {
        %mul3A_1783 = arith.constant 50 : i32
        %mul3A_1784 = arith.muli %scan3A_1763, %mul3A_1783 : i32
        %add3A_1785 = arith.addi %mul3A_1784, %while3A_1781 : i32
        %swap3A = arith.constant 3 : i32
        %swap3A_1786 = arith.index_cast %swap3A : i32 to index
        %swap3A_1787 = arith.index_cast %add3A_1785 : i32 to index
        %swap3A_1788 = arith.constant 0 : index
        %swap3A_1789 = tpu.vector_load %arg7[%swap3A_1786, %swap3A_1787, %swap3A_1788] {strides = array<i32>} : memref<4x800x32xf32, #tpu.memory_space<vmem>>, vector<1x1x16xf32>,
        %swap3A_1790 = vector.shape_cast %swap3A_1789 : vector<1x1x16xf32> to vector<16xf32>
        %swap3A_1791 = vector.shape_cast %broadcast_in_dim3A_5 : vector<16xf32> to vector<1x1x16xf32>
        tpu.vector_store %arg7[%swap3A_1786, %swap3A_1787, %swap3A_1788], %swap3A_1791 {strides = array<i32>} : memref<4x800x32xf32, #tpu.memory_space<vmem>>, vector<1x1x16xf32>,
        %mul3A_1792 = arith.constant 50 : i32
        %mul3A_1793 = arith.muli %scan3A_1763, %mul3A_1792 : i32
        %add3A_1794 = arith.addi %mul3A_1793, %while3A_1781 : i32
        %swap3A_1795 = arith.constant 3 : i32
        %swap3A_1796 = arith.index_cast %swap3A_1795 : i32 to index
        %swap3A_1797 = arith.index_cast %add3A_1794 : i32 to index
        %swap3A_1798 = arith.constant 16 : index
        %swap3A_1799 = tpu.vector_load %arg7[%swap3A_1796, %swap3A_1797, %swap3A_1798] {strides = array<i32>} : memref<4x800x32xf32, #tpu.memory_space<vmem>>, vector<1x1x16xf32>,
        %swap3A_1800 = vector.shape_cast %swap3A_1799 : vector<1x1x16xf32> to vector<16xf32>
        %swap3A_1801 = vector.shape_cast %broadcast_in_dim3A_5 : vector<16xf32> to vector<1x1x16xf32>
        tpu.vector_store %arg7[%swap3A_1796, %swap3A_1797, %swap3A_1798], %swap3A_1801 {strides = array<i32>} : memref<4x800x32xf32, #tpu.memory_space<vmem>>, vector<1x1x16xf32>,
        %while3A_1802 = arith.constant 0 : i32
        scf.yield %while3A_1802 : i32
      }
      %scan3A_1780 = arith.constant 0 : i32
      scf.yield %scan3A_1780 : i32
    }
    %scan3A_884 = arith.constant 16 : i32
    %add3A_885 = arith.constant 12000 : i32
    %add3A_886 = arith.addi %mul3A_2, %add3A_885 : i32
    %dma_start3A_887 = arith.constant 3 : i32
    %dma_start3A_888 = arith.constant 0 : i32
    %dma_start3A_889 = arith.constant 0 : i32
    %dma_start3A_890 = tpu.memref_slice %arg7[%dma_start3A_887, %dma_start3A_888, %dma_start3A_889] : memref<4x800x32xf32, #tpu.memory_space<vmem>> -> memref<1x800x32xf32, #tpu.memory_space<vmem>>
    %dma_start3A_891 = tpu.memref_squeeze %dma_start3A_890 : memref<1x800x32xf32, #tpu.memory_space<vmem>> -> memref<800x32xf32, #tpu.memory_space<vmem>>
    %dma_start3A_892 = arith.constant 0 : i32
    %dma_start3A_893 = tpu.memref_slice %arg5[%add3A_886, %dma_start3A_892] : memref<819200x32xf32, #tpu.memory_space<hbm>> -> memref<800x32xf32, #tpu.memory_space<hbm>>
    %dma_start3A_894 = arith.constant 0 : i32
    %dma_start3A_895 = tpu.memref_slice %arg5[%add3A_886, %dma_start3A_894] : memref<819200x32xf32, #tpu.memory_space<hbm>> -> memref<800x32xf32, #tpu.memory_space<hbm>>
    %dma_start3A_896 = arith.constant 0 : i32
    %dma_start3A_897 = arith.constant 0 : i32
    %dma_start3A_898 = tpu.memref_slice %arg7[%dma_start3A_887, %dma_start3A_896, %dma_start3A_897] : memref<4x800x32xf32, #tpu.memory_space<vmem>> -> memref<1x800x32xf32, #tpu.memory_space<vmem>>
    %dma_start3A_899 = tpu.memref_squeeze %dma_start3A_898 : memref<1x800x32xf32, #tpu.memory_space<vmem>> -> memref<800x32xf32, #tpu.memory_space<vmem>>
    tpu.enqueue_dma source(%dma_start3A_899 : memref<800x32xf32, #tpu.memory_space<vmem>>) target(%dma_start3A_895 : memref<800x32xf32, #tpu.memory_space<hbm>>) target_semaphore(%arg16 : memref<!tpu.dma_semaphore, #tpu.memory_space<semaphore_mem>>)
    %dma_wait3A_900 = arith.constant 3 : i32
    %dma_wait3A_901 = arith.constant 0 : i32
    %dma_wait3A_902 = arith.constant 0 : i32
    %dma_wait3A_903 = tpu.memref_slice %arg7[%dma_wait3A_900, %dma_wait3A_901, %dma_wait3A_902] : memref<4x800x32xf32, #tpu.memory_space<vmem>> -> memref<1x800x32xf32, #tpu.memory_space<vmem>>
    %dma_wait3A_904 = tpu.memref_squeeze %dma_wait3A_903 : memref<1x800x32xf32, #tpu.memory_space<vmem>> -> memref<800x32xf32, #tpu.memory_space<vmem>>
    %dma_wait3A_905 = arith.constant 0 : i32
    %dma_wait3A_906 = tpu.memref_slice %arg5[%add3A_886, %dma_wait3A_905] : memref<819200x32xf32, #tpu.memory_space<hbm>> -> memref<800x32xf32, #tpu.memory_space<hbm>>
    %dma_wait3A_907 = arith.constant 0 : i32
    %dma_wait3A_908 = tpu.memref_slice %arg5[%add3A_886, %dma_wait3A_907] : memref<819200x32xf32, #tpu.memory_space<hbm>> -> memref<800x32xf32, #tpu.memory_space<hbm>>
    %dma_wait3A_909 = arith.constant 0 : i32
    %dma_wait3A_910 = arith.constant 0 : i32
    %dma_wait3A_911 = tpu.memref_slice %arg7[%dma_wait3A_900, %dma_wait3A_909, %dma_wait3A_910] : memref<4x800x32xf32, #tpu.memory_space<vmem>> -> memref<1x800x32xf32, #tpu.memory_space<vmem>>
    %dma_wait3A_912 = tpu.memref_squeeze %dma_wait3A_911 : memref<1x800x32xf32, #tpu.memory_space<vmem>> -> memref<800x32xf32, #tpu.memory_space<vmem>>
    tpu.wait_dma2 semaphore(%arg16 : memref<!tpu.dma_semaphore, #tpu.memory_space<semaphore_mem>>) src(%dma_wait3A_912 : memref<800x32xf32, #tpu.memory_space<vmem>>) dst(%dma_wait3A_908 : memref<800x32xf32, #tpu.memory_space<hbm>>)
    %dma_start3A_913 = arith.constant 3 : i32
    %dma_start3A_914 = arith.constant 0 : i32
    %dma_start3A_915 = arith.constant 0 : i32
    %dma_start3A_916 = tpu.memref_slice %arg7[%dma_start3A_913, %dma_start3A_914, %dma_start3A_915] : memref<4x800x32xf32, #tpu.memory_space<vmem>> -> memref<1x800x32xf32, #tpu.memory_space<vmem>>
    %dma_start3A_917 = tpu.memref_squeeze %dma_start3A_916 : memref<1x800x32xf32, #tpu.memory_space<vmem>> -> memref<800x32xf32, #tpu.memory_space<vmem>>
    %dma_start3A_918 = arith.constant 15200 : i32
    %dma_start3A_919 = tpu.memref_slice %arg6[%dma_start3A_918] : memref<25600xi32, #tpu.memory_space<vmem>> -> memref<800xi32, #tpu.memory_space<vmem>>
    %dma_start3A_920 = arith.constant 0 : i32
    %dma_start3A_921 = arith.constant 0 : i32
    %dma_start3A_922 = tpu.memref_slice %arg4[%dma_start3A_920, %dma_start3A_921] : memref<1000000x32xf32, #tpu.memory_space<hbm>> -> memref<1000000x32xf32, #tpu.memory_space<hbm>>
    tpu.enqueue_indirect_dma source(%dma_start3A_922 : memref<1000000x32xf32, #tpu.memory_space<hbm>>) target(%dma_start3A_917 : memref<800x32xf32, #tpu.memory_space<vmem>>) offsets(%dma_start3A_919 : memref<800xi32, #tpu.memory_space<vmem>>) semaphore(%arg12 : memref<!tpu.dma_semaphore, #tpu.memory_space<semaphore_mem>>)
    %dma_wait3A_923 = arith.constant 0 : i32
    %dma_wait3A_924 = arith.constant 0 : i32
    %dma_wait3A_925 = arith.constant 0 : i32
    %dma_wait3A_926 = tpu.memref_slice %arg7[%dma_wait3A_923, %dma_wait3A_924, %dma_wait3A_925] : memref<4x800x32xf32, #tpu.memory_space<vmem>> -> memref<1x800x32xf32, #tpu.memory_space<vmem>>
    %dma_wait3A_927 = tpu.memref_squeeze %dma_wait3A_926 : memref<1x800x32xf32, #tpu.memory_space<vmem>> -> memref<800x32xf32, #tpu.memory_space<vmem>>
    %dma_wait3A_928 = arith.constant 12800 : i32
    %dma_wait3A_929 = tpu.memref_slice %arg6[%dma_wait3A_928] : memref<25600xi32, #tpu.memory_space<vmem>> -> memref<800xi32, #tpu.memory_space<vmem>>
    %dma_wait3A_930 = arith.constant 0 : i32
    %dma_wait3A_931 = arith.constant 0 : i32
    %dma_wait3A_932 = tpu.memref_slice %arg4[%dma_wait3A_930, %dma_wait3A_931] : memref<1000000x32xf32, #tpu.memory_space<hbm>> -> memref<1000000x32xf32, #tpu.memory_space<hbm>>
    tpu.wait_indirect_dma semaphore(%arg9 : memref<!tpu.dma_semaphore, #tpu.memory_space<semaphore_mem>>) src(%dma_wait3A_932 : memref<1000000x32xf32, #tpu.memory_space<hbm>>) dst(%dma_wait3A_927 : memref<800x32xf32, #tpu.memory_space<vmem>>)
    %scan3A_933 = arith.constant 0 : i32
    %scan3A_934 = arith.constant 0 : i32
    %scan3A_935 = arith.constant 16 : i32
    %scan3A_936 = arith.addi %scan3A_934, %scan3A_935 : i32
    %scan3A_937 = arith.constant 1 : i32
    %scan3A_938 = scf.for %scan3A_1763 = %scan3A_934 to %scan3A_936 step %scan3A_937 iter_args(%scan3A_1764 = %scan3A_933) -> (i32)  : i32 {
      %add3A_1765 = arith.constant 256 : i32
      %add3A_1766 = arith.addi %add3A_1765, %scan3A_1763 : i32
      %get3A = arith.index_cast %add3A_1766 : i32 to index
      %get3A_1767 = tpu.vector_load %arg8[%get3A] {strides = array<i32>} : memref<528xi32, #tpu.memory_space<vmem>>, vector<16xi32>,
      %get3A_1768 = vector.shape_cast %get3A_1767 : vector<16xi32> to vector<16xi32>
      %slice3A = vector.extract_strided_slice %get3A_1768 {offsets = [0], sizes = [1], strides = [1]} : vector<16xi32> to vector<1xi32>
      %squeeze3A = vector.extract %slice3A[0] : i32 from vector<1xi32>
      %while3A = arith.constant 50 : i32
      %while3A_1769 = arith.constant 0 : i32
      %while3A_1770 = arith.subi %while3A, %squeeze3A : i32
      %while3A_1771 = arith.addi %squeeze3A, %while3A_1770 : i32
      %while3A_1772 = arith.constant 1 : i32
      %while3A_1773 = arith.divsi %while3A_1770, %while3A_1772 : i32
      %while3A_1774 = arith.muli %while3A_1773, %while3A_1772 : i32
      %while3A_1775 = arith.addi %squeeze3A, %while3A_1774 : i32
      %while3A_1776 = arith.constant 1 : i32
      %while3A_1777 = scf.for %while3A_1781 = %squeeze3A to %while3A_1775 step %while3A_1776 iter_args(%while3A_1782 = %while3A_1769) -> (i32)  : i32 {
        %mul3A_1783 = arith.constant 50 : i32
        %mul3A_1784 = arith.muli %scan3A_1763, %mul3A_1783 : i32
        %add3A_1785 = arith.addi %mul3A_1784, %while3A_1781 : i32
        %swap3A = arith.constant 0 : i32
        %swap3A_1786 = arith.index_cast %swap3A : i32 to index
        %swap3A_1787 = arith.index_cast %add3A_1785 : i32 to index
        %swap3A_1788 = arith.constant 0 : index
        %swap3A_1789 = tpu.vector_load %arg7[%swap3A_1786, %swap3A_1787, %swap3A_1788] {strides = array<i32>} : memref<4x800x32xf32, #tpu.memory_space<vmem>>, vector<1x1x16xf32>,
        %swap3A_1790 = vector.shape_cast %swap3A_1789 : vector<1x1x16xf32> to vector<16xf32>
        %swap3A_1791 = vector.shape_cast %broadcast_in_dim3A_5 : vector<16xf32> to vector<1x1x16xf32>
        tpu.vector_store %arg7[%swap3A_1786, %swap3A_1787, %swap3A_1788], %swap3A_1791 {strides = array<i32>} : memref<4x800x32xf32, #tpu.memory_space<vmem>>, vector<1x1x16xf32>,
        %mul3A_1792 = arith.constant 50 : i32
        %mul3A_1793 = arith.muli %scan3A_1763, %mul3A_1792 : i32
        %add3A_1794 = arith.addi %mul3A_1793, %while3A_1781 : i32
        %swap3A_1795 = arith.constant 0 : i32
        %swap3A_1796 = arith.index_cast %swap3A_1795 : i32 to index
        %swap3A_1797 = arith.index_cast %add3A_1794 : i32 to index
        %swap3A_1798 = arith.constant 16 : index
        %swap3A_1799 = tpu.vector_load %arg7[%swap3A_1796, %swap3A_1797, %swap3A_1798] {strides = array<i32>} : memref<4x800x32xf32, #tpu.memory_space<vmem>>, vector<1x1x16xf32>,
        %swap3A_1800 = vector.shape_cast %swap3A_1799 : vector<1x1x16xf32> to vector<16xf32>
        %swap3A_1801 = vector.shape_cast %broadcast_in_dim3A_5 : vector<16xf32> to vector<1x1x16xf32>
        tpu.vector_store %arg7[%swap3A_1796, %swap3A_1797, %swap3A_1798], %swap3A_1801 {strides = array<i32>} : memref<4x800x32xf32, #tpu.memory_space<vmem>>, vector<1x1x16xf32>,
        %while3A_1802 = arith.constant 0 : i32
        scf.yield %while3A_1802 : i32
      }
      %while3A_1778 = arith.constant 1 : i32
      %while3A_1779 = scf.for %while3A_1781 = %while3A_1775 to %while3A_1771 step %while3A_1778 iter_args(%while3A_1782 = %while3A_1777) -> (i32)  : i32 {
        %mul3A_1783 = arith.constant 50 : i32
        %mul3A_1784 = arith.muli %scan3A_1763, %mul3A_1783 : i32
        %add3A_1785 = arith.addi %mul3A_1784, %while3A_1781 : i32
        %swap3A = arith.constant 0 : i32
        %swap3A_1786 = arith.index_cast %swap3A : i32 to index
        %swap3A_1787 = arith.index_cast %add3A_1785 : i32 to index
        %swap3A_1788 = arith.constant 0 : index
        %swap3A_1789 = tpu.vector_load %arg7[%swap3A_1786, %swap3A_1787, %swap3A_1788] {strides = array<i32>} : memref<4x800x32xf32, #tpu.memory_space<vmem>>, vector<1x1x16xf32>,
        %swap3A_1790 = vector.shape_cast %swap3A_1789 : vector<1x1x16xf32> to vector<16xf32>
        %swap3A_1791 = vector.shape_cast %broadcast_in_dim3A_5 : vector<16xf32> to vector<1x1x16xf32>
        tpu.vector_store %arg7[%swap3A_1786, %swap3A_1787, %swap3A_1788], %swap3A_1791 {strides = array<i32>} : memref<4x800x32xf32, #tpu.memory_space<vmem>>, vector<1x1x16xf32>,
        %mul3A_1792 = arith.constant 50 : i32
        %mul3A_1793 = arith.muli %scan3A_1763, %mul3A_1792 : i32
        %add3A_1794 = arith.addi %mul3A_1793, %while3A_1781 : i32
        %swap3A_1795 = arith.constant 0 : i32
        %swap3A_1796 = arith.index_cast %swap3A_1795 : i32 to index
        %swap3A_1797 = arith.index_cast %add3A_1794 : i32 to index
        %swap3A_1798 = arith.constant 16 : index
        %swap3A_1799 = tpu.vector_load %arg7[%swap3A_1796, %swap3A_1797, %swap3A_1798] {strides = array<i32>} : memref<4x800x32xf32, #tpu.memory_space<vmem>>, vector<1x1x16xf32>,
        %swap3A_1800 = vector.shape_cast %swap3A_1799 : vector<1x1x16xf32> to vector<16xf32>
        %swap3A_1801 = vector.shape_cast %broadcast_in_dim3A_5 : vector<16xf32> to vector<1x1x16xf32>
        tpu.vector_store %arg7[%swap3A_1796, %swap3A_1797, %swap3A_1798], %swap3A_1801 {strides = array<i32>} : memref<4x800x32xf32, #tpu.memory_space<vmem>>, vector<1x1x16xf32>,
        %while3A_1802 = arith.constant 0 : i32
        scf.yield %while3A_1802 : i32
      }
      %scan3A_1780 = arith.constant 0 : i32
      scf.yield %scan3A_1780 : i32
    }
    %scan3A_939 = arith.constant 16 : i32
    %add3A_940 = arith.constant 12800 : i32
    %add3A_941 = arith.addi %mul3A_2, %add3A_940 : i32
    %dma_start3A_942 = arith.constant 0 : i32
    %dma_start3A_943 = arith.constant 0 : i32
    %dma_start3A_944 = arith.constant 0 : i32
    %dma_start3A_945 = tpu.memref_slice %arg7[%dma_start3A_942, %dma_start3A_943, %dma_start3A_944] : memref<4x800x32xf32, #tpu.memory_space<vmem>> -> memref<1x800x32xf32, #tpu.memory_space<vmem>>
    %dma_start3A_946 = tpu.memref_squeeze %dma_start3A_945 : memref<1x800x32xf32, #tpu.memory_space<vmem>> -> memref<800x32xf32, #tpu.memory_space<vmem>>
    %dma_start3A_947 = arith.constant 0 : i32
    %dma_start3A_948 = tpu.memref_slice %arg5[%add3A_941, %dma_start3A_947] : memref<819200x32xf32, #tpu.memory_space<hbm>> -> memref<800x32xf32, #tpu.memory_space<hbm>>
    %dma_start3A_949 = arith.constant 0 : i32
    %dma_start3A_950 = tpu.memref_slice %arg5[%add3A_941, %dma_start3A_949] : memref<819200x32xf32, #tpu.memory_space<hbm>> -> memref<800x32xf32, #tpu.memory_space<hbm>>
    %dma_start3A_951 = arith.constant 0 : i32
    %dma_start3A_952 = arith.constant 0 : i32
    %dma_start3A_953 = tpu.memref_slice %arg7[%dma_start3A_942, %dma_start3A_951, %dma_start3A_952] : memref<4x800x32xf32, #tpu.memory_space<vmem>> -> memref<1x800x32xf32, #tpu.memory_space<vmem>>
    %dma_start3A_954 = tpu.memref_squeeze %dma_start3A_953 : memref<1x800x32xf32, #tpu.memory_space<vmem>> -> memref<800x32xf32, #tpu.memory_space<vmem>>
    tpu.enqueue_dma source(%dma_start3A_954 : memref<800x32xf32, #tpu.memory_space<vmem>>) target(%dma_start3A_950 : memref<800x32xf32, #tpu.memory_space<hbm>>) target_semaphore(%arg13 : memref<!tpu.dma_semaphore, #tpu.memory_space<semaphore_mem>>)
    %dma_wait3A_955 = arith.constant 0 : i32
    %dma_wait3A_956 = arith.constant 0 : i32
    %dma_wait3A_957 = arith.constant 0 : i32
    %dma_wait3A_958 = tpu.memref_slice %arg7[%dma_wait3A_955, %dma_wait3A_956, %dma_wait3A_957] : memref<4x800x32xf32, #tpu.memory_space<vmem>> -> memref<1x800x32xf32, #tpu.memory_space<vmem>>
    %dma_wait3A_959 = tpu.memref_squeeze %dma_wait3A_958 : memref<1x800x32xf32, #tpu.memory_space<vmem>> -> memref<800x32xf32, #tpu.memory_space<vmem>>
    %dma_wait3A_960 = arith.constant 0 : i32
    %dma_wait3A_961 = tpu.memref_slice %arg5[%add3A_941, %dma_wait3A_960] : memref<819200x32xf32, #tpu.memory_space<hbm>> -> memref<800x32xf32, #tpu.memory_space<hbm>>
    %dma_wait3A_962 = arith.constant 0 : i32
    %dma_wait3A_963 = tpu.memref_slice %arg5[%add3A_941, %dma_wait3A_962] : memref<819200x32xf32, #tpu.memory_space<hbm>> -> memref<800x32xf32, #tpu.memory_space<hbm>>
    %dma_wait3A_964 = arith.constant 0 : i32
    %dma_wait3A_965 = arith.constant 0 : i32
    %dma_wait3A_966 = tpu.memref_slice %arg7[%dma_wait3A_955, %dma_wait3A_964, %dma_wait3A_965] : memref<4x800x32xf32, #tpu.memory_space<vmem>> -> memref<1x800x32xf32, #tpu.memory_space<vmem>>
    %dma_wait3A_967 = tpu.memref_squeeze %dma_wait3A_966 : memref<1x800x32xf32, #tpu.memory_space<vmem>> -> memref<800x32xf32, #tpu.memory_space<vmem>>
    tpu.wait_dma2 semaphore(%arg13 : memref<!tpu.dma_semaphore, #tpu.memory_space<semaphore_mem>>) src(%dma_wait3A_967 : memref<800x32xf32, #tpu.memory_space<vmem>>) dst(%dma_wait3A_963 : memref<800x32xf32, #tpu.memory_space<hbm>>)
    %dma_start3A_968 = arith.constant 0 : i32
    %dma_start3A_969 = arith.constant 0 : i32
    %dma_start3A_970 = arith.constant 0 : i32
    %dma_start3A_971 = tpu.memref_slice %arg7[%dma_start3A_968, %dma_start3A_969, %dma_start3A_970] : memref<4x800x32xf32, #tpu.memory_space<vmem>> -> memref<1x800x32xf32, #tpu.memory_space<vmem>>
    %dma_start3A_972 = tpu.memref_squeeze %dma_start3A_971 : memref<1x800x32xf32, #tpu.memory_space<vmem>> -> memref<800x32xf32, #tpu.memory_space<vmem>>
    %dma_start3A_973 = arith.constant 16000 : i32
    %dma_start3A_974 = tpu.memref_slice %arg6[%dma_start3A_973] : memref<25600xi32, #tpu.memory_space<vmem>> -> memref<800xi32, #tpu.memory_space<vmem>>
    %dma_start3A_975 = arith.constant 0 : i32
    %dma_start3A_976 = arith.constant 0 : i32
    %dma_start3A_977 = tpu.memref_slice %arg4[%dma_start3A_975, %dma_start3A_976] : memref<1000000x32xf32, #tpu.memory_space<hbm>> -> memref<1000000x32xf32, #tpu.memory_space<hbm>>
    tpu.enqueue_indirect_dma source(%dma_start3A_977 : memref<1000000x32xf32, #tpu.memory_space<hbm>>) target(%dma_start3A_972 : memref<800x32xf32, #tpu.memory_space<vmem>>) offsets(%dma_start3A_974 : memref<800xi32, #tpu.memory_space<vmem>>) semaphore(%arg9 : memref<!tpu.dma_semaphore, #tpu.memory_space<semaphore_mem>>)
    %dma_wait3A_978 = arith.constant 1 : i32
    %dma_wait3A_979 = arith.constant 0 : i32
    %dma_wait3A_980 = arith.constant 0 : i32
    %dma_wait3A_981 = tpu.memref_slice %arg7[%dma_wait3A_978, %dma_wait3A_979, %dma_wait3A_980] : memref<4x800x32xf32, #tpu.memory_space<vmem>> -> memref<1x800x32xf32, #tpu.memory_space<vmem>>
    %dma_wait3A_982 = tpu.memref_squeeze %dma_wait3A_981 : memref<1x800x32xf32, #tpu.memory_space<vmem>> -> memref<800x32xf32, #tpu.memory_space<vmem>>
    %dma_wait3A_983 = arith.constant 13600 : i32
    %dma_wait3A_984 = tpu.memref_slice %arg6[%dma_wait3A_983] : memref<25600xi32, #tpu.memory_space<vmem>> -> memref<800xi32, #tpu.memory_space<vmem>>
    %dma_wait3A_985 = arith.constant 0 : i32
    %dma_wait3A_986 = arith.constant 0 : i32
    %dma_wait3A_987 = tpu.memref_slice %arg4[%dma_wait3A_985, %dma_wait3A_986] : memref<1000000x32xf32, #tpu.memory_space<hbm>> -> memref<1000000x32xf32, #tpu.memory_space<hbm>>
    tpu.wait_indirect_dma semaphore(%arg10 : memref<!tpu.dma_semaphore, #tpu.memory_space<semaphore_mem>>) src(%dma_wait3A_987 : memref<1000000x32xf32, #tpu.memory_space<hbm>>) dst(%dma_wait3A_982 : memref<800x32xf32, #tpu.memory_space<vmem>>)
    %scan3A_988 = arith.constant 0 : i32
    %scan3A_989 = arith.constant 0 : i32
    %scan3A_990 = arith.constant 16 : i32
    %scan3A_991 = arith.addi %scan3A_989, %scan3A_990 : i32
    %scan3A_992 = arith.constant 1 : i32
    %scan3A_993 = scf.for %scan3A_1763 = %scan3A_989 to %scan3A_991 step %scan3A_992 iter_args(%scan3A_1764 = %scan3A_988) -> (i32)  : i32 {
      %add3A_1765 = arith.constant 272 : i32
      %add3A_1766 = arith.addi %add3A_1765, %scan3A_1763 : i32
      %get3A = arith.index_cast %add3A_1766 : i32 to index
      %get3A_1767 = tpu.vector_load %arg8[%get3A] {strides = array<i32>} : memref<528xi32, #tpu.memory_space<vmem>>, vector<16xi32>,
      %get3A_1768 = vector.shape_cast %get3A_1767 : vector<16xi32> to vector<16xi32>
      %slice3A = vector.extract_strided_slice %get3A_1768 {offsets = [0], sizes = [1], strides = [1]} : vector<16xi32> to vector<1xi32>
      %squeeze3A = vector.extract %slice3A[0] : i32 from vector<1xi32>
      %while3A = arith.constant 50 : i32
      %while3A_1769 = arith.constant 0 : i32
      %while3A_1770 = arith.subi %while3A, %squeeze3A : i32
      %while3A_1771 = arith.addi %squeeze3A, %while3A_1770 : i32
      %while3A_1772 = arith.constant 1 : i32
      %while3A_1773 = arith.divsi %while3A_1770, %while3A_1772 : i32
      %while3A_1774 = arith.muli %while3A_1773, %while3A_1772 : i32
      %while3A_1775 = arith.addi %squeeze3A, %while3A_1774 : i32
      %while3A_1776 = arith.constant 1 : i32
      %while3A_1777 = scf.for %while3A_1781 = %squeeze3A to %while3A_1775 step %while3A_1776 iter_args(%while3A_1782 = %while3A_1769) -> (i32)  : i32 {
        %mul3A_1783 = arith.constant 50 : i32
        %mul3A_1784 = arith.muli %scan3A_1763, %mul3A_1783 : i32
        %add3A_1785 = arith.addi %mul3A_1784, %while3A_1781 : i32
        %swap3A = arith.constant 1 : i32
        %swap3A_1786 = arith.index_cast %swap3A : i32 to index
        %swap3A_1787 = arith.index_cast %add3A_1785 : i32 to index
        %swap3A_1788 = arith.constant 0 : index
        %swap3A_1789 = tpu.vector_load %arg7[%swap3A_1786, %swap3A_1787, %swap3A_1788] {strides = array<i32>} : memref<4x800x32xf32, #tpu.memory_space<vmem>>, vector<1x1x16xf32>,
        %swap3A_1790 = vector.shape_cast %swap3A_1789 : vector<1x1x16xf32> to vector<16xf32>
        %swap3A_1791 = vector.shape_cast %broadcast_in_dim3A_5 : vector<16xf32> to vector<1x1x16xf32>
        tpu.vector_store %arg7[%swap3A_1786, %swap3A_1787, %swap3A_1788], %swap3A_1791 {strides = array<i32>} : memref<4x800x32xf32, #tpu.memory_space<vmem>>, vector<1x1x16xf32>,
        %mul3A_1792 = arith.constant 50 : i32
        %mul3A_1793 = arith.muli %scan3A_1763, %mul3A_1792 : i32
        %add3A_1794 = arith.addi %mul3A_1793, %while3A_1781 : i32
        %swap3A_1795 = arith.constant 1 : i32
        %swap3A_1796 = arith.index_cast %swap3A_1795 : i32 to index
        %swap3A_1797 = arith.index_cast %add3A_1794 : i32 to index
        %swap3A_1798 = arith.constant 16 : index
        %swap3A_1799 = tpu.vector_load %arg7[%swap3A_1796, %swap3A_1797, %swap3A_1798] {strides = array<i32>} : memref<4x800x32xf32, #tpu.memory_space<vmem>>, vector<1x1x16xf32>,
        %swap3A_1800 = vector.shape_cast %swap3A_1799 : vector<1x1x16xf32> to vector<16xf32>
        %swap3A_1801 = vector.shape_cast %broadcast_in_dim3A_5 : vector<16xf32> to vector<1x1x16xf32>
        tpu.vector_store %arg7[%swap3A_1796, %swap3A_1797, %swap3A_1798], %swap3A_1801 {strides = array<i32>} : memref<4x800x32xf32, #tpu.memory_space<vmem>>, vector<1x1x16xf32>,
        %while3A_1802 = arith.constant 0 : i32
        scf.yield %while3A_1802 : i32
      }
      %while3A_1778 = arith.constant 1 : i32
      %while3A_1779 = scf.for %while3A_1781 = %while3A_1775 to %while3A_1771 step %while3A_1778 iter_args(%while3A_1782 = %while3A_1777) -> (i32)  : i32 {
        %mul3A_1783 = arith.constant 50 : i32
        %mul3A_1784 = arith.muli %scan3A_1763, %mul3A_1783 : i32
        %add3A_1785 = arith.addi %mul3A_1784, %while3A_1781 : i32
        %swap3A = arith.constant 1 : i32
        %swap3A_1786 = arith.index_cast %swap3A : i32 to index
        %swap3A_1787 = arith.index_cast %add3A_1785 : i32 to index
        %swap3A_1788 = arith.constant 0 : index
        %swap3A_1789 = tpu.vector_load %arg7[%swap3A_1786, %swap3A_1787, %swap3A_1788] {strides = array<i32>} : memref<4x800x32xf32, #tpu.memory_space<vmem>>, vector<1x1x16xf32>,
        %swap3A_1790 = vector.shape_cast %swap3A_1789 : vector<1x1x16xf32> to vector<16xf32>
        %swap3A_1791 = vector.shape_cast %broadcast_in_dim3A_5 : vector<16xf32> to vector<1x1x16xf32>
        tpu.vector_store %arg7[%swap3A_1786, %swap3A_1787, %swap3A_1788], %swap3A_1791 {strides = array<i32>} : memref<4x800x32xf32, #tpu.memory_space<vmem>>, vector<1x1x16xf32>,
        %mul3A_1792 = arith.constant 50 : i32
        %mul3A_1793 = arith.muli %scan3A_1763, %mul3A_1792 : i32
        %add3A_1794 = arith.addi %mul3A_1793, %while3A_1781 : i32
        %swap3A_1795 = arith.constant 1 : i32
        %swap3A_1796 = arith.index_cast %swap3A_1795 : i32 to index
        %swap3A_1797 = arith.index_cast %add3A_1794 : i32 to index
        %swap3A_1798 = arith.constant 16 : index
        %swap3A_1799 = tpu.vector_load %arg7[%swap3A_1796, %swap3A_1797, %swap3A_1798] {strides = array<i32>} : memref<4x800x32xf32, #tpu.memory_space<vmem>>, vector<1x1x16xf32>,
        %swap3A_1800 = vector.shape_cast %swap3A_1799 : vector<1x1x16xf32> to vector<16xf32>
        %swap3A_1801 = vector.shape_cast %broadcast_in_dim3A_5 : vector<16xf32> to vector<1x1x16xf32>
        tpu.vector_store %arg7[%swap3A_1796, %swap3A_1797, %swap3A_1798], %swap3A_1801 {strides = array<i32>} : memref<4x800x32xf32, #tpu.memory_space<vmem>>, vector<1x1x16xf32>,
        %while3A_1802 = arith.constant 0 : i32
        scf.yield %while3A_1802 : i32
      }
      %scan3A_1780 = arith.constant 0 : i32
      scf.yield %scan3A_1780 : i32
    }
    %scan3A_994 = arith.constant 16 : i32
    %add3A_995 = arith.constant 13600 : i32
    %add3A_996 = arith.addi %mul3A_2, %add3A_995 : i32
    %dma_start3A_997 = arith.constant 1 : i32
    %dma_start3A_998 = arith.constant 0 : i32
    %dma_start3A_999 = arith.constant 0 : i32
    %dma_start3A_1000 = tpu.memref_slice %arg7[%dma_start3A_997, %dma_start3A_998, %dma_start3A_999] : memref<4x800x32xf32, #tpu.memory_space<vmem>> -> memref<1x800x32xf32, #tpu.memory_space<vmem>>
    %dma_start3A_1001 = tpu.memref_squeeze %dma_start3A_1000 : memref<1x800x32xf32, #tpu.memory_space<vmem>> -> memref<800x32xf32, #tpu.memory_space<vmem>>
    %dma_start3A_1002 = arith.constant 0 : i32
    %dma_start3A_1003 = tpu.memref_slice %arg5[%add3A_996, %dma_start3A_1002] : memref<819200x32xf32, #tpu.memory_space<hbm>> -> memref<800x32xf32, #tpu.memory_space<hbm>>
    %dma_start3A_1004 = arith.constant 0 : i32
    %dma_start3A_1005 = tpu.memref_slice %arg5[%add3A_996, %dma_start3A_1004] : memref<819200x32xf32, #tpu.memory_space<hbm>> -> memref<800x32xf32, #tpu.memory_space<hbm>>
    %dma_start3A_1006 = arith.constant 0 : i32
    %dma_start3A_1007 = arith.constant 0 : i32
    %dma_start3A_1008 = tpu.memref_slice %arg7[%dma_start3A_997, %dma_start3A_1006, %dma_start3A_1007] : memref<4x800x32xf32, #tpu.memory_space<vmem>> -> memref<1x800x32xf32, #tpu.memory_space<vmem>>
    %dma_start3A_1009 = tpu.memref_squeeze %dma_start3A_1008 : memref<1x800x32xf32, #tpu.memory_space<vmem>> -> memref<800x32xf32, #tpu.memory_space<vmem>>
    tpu.enqueue_dma source(%dma_start3A_1009 : memref<800x32xf32, #tpu.memory_space<vmem>>) target(%dma_start3A_1005 : memref<800x32xf32, #tpu.memory_space<hbm>>) target_semaphore(%arg14 : memref<!tpu.dma_semaphore, #tpu.memory_space<semaphore_mem>>)
    %dma_wait3A_1010 = arith.constant 1 : i32
    %dma_wait3A_1011 = arith.constant 0 : i32
    %dma_wait3A_1012 = arith.constant 0 : i32
    %dma_wait3A_1013 = tpu.memref_slice %arg7[%dma_wait3A_1010, %dma_wait3A_1011, %dma_wait3A_1012] : memref<4x800x32xf32, #tpu.memory_space<vmem>> -> memref<1x800x32xf32, #tpu.memory_space<vmem>>
    %dma_wait3A_1014 = tpu.memref_squeeze %dma_wait3A_1013 : memref<1x800x32xf32, #tpu.memory_space<vmem>> -> memref<800x32xf32, #tpu.memory_space<vmem>>
    %dma_wait3A_1015 = arith.constant 0 : i32
    %dma_wait3A_1016 = tpu.memref_slice %arg5[%add3A_996, %dma_wait3A_1015] : memref<819200x32xf32, #tpu.memory_space<hbm>> -> memref<800x32xf32, #tpu.memory_space<hbm>>
    %dma_wait3A_1017 = arith.constant 0 : i32
    %dma_wait3A_1018 = tpu.memref_slice %arg5[%add3A_996, %dma_wait3A_1017] : memref<819200x32xf32, #tpu.memory_space<hbm>> -> memref<800x32xf32, #tpu.memory_space<hbm>>
    %dma_wait3A_1019 = arith.constant 0 : i32
    %dma_wait3A_1020 = arith.constant 0 : i32
    %dma_wait3A_1021 = tpu.memref_slice %arg7[%dma_wait3A_1010, %dma_wait3A_1019, %dma_wait3A_1020] : memref<4x800x32xf32, #tpu.memory_space<vmem>> -> memref<1x800x32xf32, #tpu.memory_space<vmem>>
    %dma_wait3A_1022 = tpu.memref_squeeze %dma_wait3A_1021 : memref<1x800x32xf32, #tpu.memory_space<vmem>> -> memref<800x32xf32, #tpu.memory_space<vmem>>
    tpu.wait_dma2 semaphore(%arg14 : memref<!tpu.dma_semaphore, #tpu.memory_space<semaphore_mem>>) src(%dma_wait3A_1022 : memref<800x32xf32, #tpu.memory_space<vmem>>) dst(%dma_wait3A_1018 : memref<800x32xf32, #tpu.memory_space<hbm>>)
    %dma_start3A_1023 = arith.constant 1 : i32
    %dma_start3A_1024 = arith.constant 0 : i32
    %dma_start3A_1025 = arith.constant 0 : i32
    %dma_start3A_1026 = tpu.memref_slice %arg7[%dma_start3A_1023, %dma_start3A_1024, %dma_start3A_1025] : memref<4x800x32xf32, #tpu.memory_space<vmem>> -> memref<1x800x32xf32, #tpu.memory_space<vmem>>
    %dma_start3A_1027 = tpu.memref_squeeze %dma_start3A_1026 : memref<1x800x32xf32, #tpu.memory_space<vmem>> -> memref<800x32xf32, #tpu.memory_space<vmem>>
    %dma_start3A_1028 = arith.constant 16800 : i32
    %dma_start3A_1029 = tpu.memref_slice %arg6[%dma_start3A_1028] : memref<25600xi32, #tpu.memory_space<vmem>> -> memref<800xi32, #tpu.memory_space<vmem>>
    %dma_start3A_1030 = arith.constant 0 : i32
    %dma_start3A_1031 = arith.constant 0 : i32
    %dma_start3A_1032 = tpu.memref_slice %arg4[%dma_start3A_1030, %dma_start3A_1031] : memref<1000000x32xf32, #tpu.memory_space<hbm>> -> memref<1000000x32xf32, #tpu.memory_space<hbm>>
    tpu.enqueue_indirect_dma source(%dma_start3A_1032 : memref<1000000x32xf32, #tpu.memory_space<hbm>>) target(%dma_start3A_1027 : memref<800x32xf32, #tpu.memory_space<vmem>>) offsets(%dma_start3A_1029 : memref<800xi32, #tpu.memory_space<vmem>>) semaphore(%arg10 : memref<!tpu.dma_semaphore, #tpu.memory_space<semaphore_mem>>)
    %dma_wait3A_1033 = arith.constant 2 : i32
    %dma_wait3A_1034 = arith.constant 0 : i32
    %dma_wait3A_1035 = arith.constant 0 : i32
    %dma_wait3A_1036 = tpu.memref_slice %arg7[%dma_wait3A_1033, %dma_wait3A_1034, %dma_wait3A_1035] : memref<4x800x32xf32, #tpu.memory_space<vmem>> -> memref<1x800x32xf32, #tpu.memory_space<vmem>>
    %dma_wait3A_1037 = tpu.memref_squeeze %dma_wait3A_1036 : memref<1x800x32xf32, #tpu.memory_space<vmem>> -> memref<800x32xf32, #tpu.memory_space<vmem>>
    %dma_wait3A_1038 = arith.constant 14400 : i32
    %dma_wait3A_1039 = tpu.memref_slice %arg6[%dma_wait3A_1038] : memref<25600xi32, #tpu.memory_space<vmem>> -> memref<800xi32, #tpu.memory_space<vmem>>
    %dma_wait3A_1040 = arith.constant 0 : i32
    %dma_wait3A_1041 = arith.constant 0 : i32
    %dma_wait3A_1042 = tpu.memref_slice %arg4[%dma_wait3A_1040, %dma_wait3A_1041] : memref<1000000x32xf32, #tpu.memory_space<hbm>> -> memref<1000000x32xf32, #tpu.memory_space<hbm>>
    tpu.wait_indirect_dma semaphore(%arg11 : memref<!tpu.dma_semaphore, #tpu.memory_space<semaphore_mem>>) src(%dma_wait3A_1042 : memref<1000000x32xf32, #tpu.memory_space<hbm>>) dst(%dma_wait3A_1037 : memref<800x32xf32, #tpu.memory_space<vmem>>)
    %scan3A_1043 = arith.constant 0 : i32
    %scan3A_1044 = arith.constant 0 : i32
    %scan3A_1045 = arith.constant 16 : i32
    %scan3A_1046 = arith.addi %scan3A_1044, %scan3A_1045 : i32
    %scan3A_1047 = arith.constant 1 : i32
    %scan3A_1048 = scf.for %scan3A_1763 = %scan3A_1044 to %scan3A_1046 step %scan3A_1047 iter_args(%scan3A_1764 = %scan3A_1043) -> (i32)  : i32 {
      %add3A_1765 = arith.constant 288 : i32
      %add3A_1766 = arith.addi %add3A_1765, %scan3A_1763 : i32
      %get3A = arith.index_cast %add3A_1766 : i32 to index
      %get3A_1767 = tpu.vector_load %arg8[%get3A] {strides = array<i32>} : memref<528xi32, #tpu.memory_space<vmem>>, vector<16xi32>,
      %get3A_1768 = vector.shape_cast %get3A_1767 : vector<16xi32> to vector<16xi32>
      %slice3A = vector.extract_strided_slice %get3A_1768 {offsets = [0], sizes = [1], strides = [1]} : vector<16xi32> to vector<1xi32>
      %squeeze3A = vector.extract %slice3A[0] : i32 from vector<1xi32>
      %while3A = arith.constant 50 : i32
      %while3A_1769 = arith.constant 0 : i32
      %while3A_1770 = arith.subi %while3A, %squeeze3A : i32
      %while3A_1771 = arith.addi %squeeze3A, %while3A_1770 : i32
      %while3A_1772 = arith.constant 1 : i32
      %while3A_1773 = arith.divsi %while3A_1770, %while3A_1772 : i32
      %while3A_1774 = arith.muli %while3A_1773, %while3A_1772 : i32
      %while3A_1775 = arith.addi %squeeze3A, %while3A_1774 : i32
      %while3A_1776 = arith.constant 1 : i32
      %while3A_1777 = scf.for %while3A_1781 = %squeeze3A to %while3A_1775 step %while3A_1776 iter_args(%while3A_1782 = %while3A_1769) -> (i32)  : i32 {
        %mul3A_1783 = arith.constant 50 : i32
        %mul3A_1784 = arith.muli %scan3A_1763, %mul3A_1783 : i32
        %add3A_1785 = arith.addi %mul3A_1784, %while3A_1781 : i32
        %swap3A = arith.constant 2 : i32
        %swap3A_1786 = arith.index_cast %swap3A : i32 to index
        %swap3A_1787 = arith.index_cast %add3A_1785 : i32 to index
        %swap3A_1788 = arith.constant 0 : index
        %swap3A_1789 = tpu.vector_load %arg7[%swap3A_1786, %swap3A_1787, %swap3A_1788] {strides = array<i32>} : memref<4x800x32xf32, #tpu.memory_space<vmem>>, vector<1x1x16xf32>,
        %swap3A_1790 = vector.shape_cast %swap3A_1789 : vector<1x1x16xf32> to vector<16xf32>
        %swap3A_1791 = vector.shape_cast %broadcast_in_dim3A_5 : vector<16xf32> to vector<1x1x16xf32>
        tpu.vector_store %arg7[%swap3A_1786, %swap3A_1787, %swap3A_1788], %swap3A_1791 {strides = array<i32>} : memref<4x800x32xf32, #tpu.memory_space<vmem>>, vector<1x1x16xf32>,
        %mul3A_1792 = arith.constant 50 : i32
        %mul3A_1793 = arith.muli %scan3A_1763, %mul3A_1792 : i32
        %add3A_1794 = arith.addi %mul3A_1793, %while3A_1781 : i32
        %swap3A_1795 = arith.constant 2 : i32
        %swap3A_1796 = arith.index_cast %swap3A_1795 : i32 to index
        %swap3A_1797 = arith.index_cast %add3A_1794 : i32 to index
        %swap3A_1798 = arith.constant 16 : index
        %swap3A_1799 = tpu.vector_load %arg7[%swap3A_1796, %swap3A_1797, %swap3A_1798] {strides = array<i32>} : memref<4x800x32xf32, #tpu.memory_space<vmem>>, vector<1x1x16xf32>,
        %swap3A_1800 = vector.shape_cast %swap3A_1799 : vector<1x1x16xf32> to vector<16xf32>
        %swap3A_1801 = vector.shape_cast %broadcast_in_dim3A_5 : vector<16xf32> to vector<1x1x16xf32>
        tpu.vector_store %arg7[%swap3A_1796, %swap3A_1797, %swap3A_1798], %swap3A_1801 {strides = array<i32>} : memref<4x800x32xf32, #tpu.memory_space<vmem>>, vector<1x1x16xf32>,
        %while3A_1802 = arith.constant 0 : i32
        scf.yield %while3A_1802 : i32
      }
      %while3A_1778 = arith.constant 1 : i32
      %while3A_1779 = scf.for %while3A_1781 = %while3A_1775 to %while3A_1771 step %while3A_1778 iter_args(%while3A_1782 = %while3A_1777) -> (i32)  : i32 {
        %mul3A_1783 = arith.constant 50 : i32
        %mul3A_1784 = arith.muli %scan3A_1763, %mul3A_1783 : i32
        %add3A_1785 = arith.addi %mul3A_1784, %while3A_1781 : i32
        %swap3A = arith.constant 2 : i32
        %swap3A_1786 = arith.index_cast %swap3A : i32 to index
        %swap3A_1787 = arith.index_cast %add3A_1785 : i32 to index
        %swap3A_1788 = arith.constant 0 : index
        %swap3A_1789 = tpu.vector_load %arg7[%swap3A_1786, %swap3A_1787, %swap3A_1788] {strides = array<i32>} : memref<4x800x32xf32, #tpu.memory_space<vmem>>, vector<1x1x16xf32>,
        %swap3A_1790 = vector.shape_cast %swap3A_1789 : vector<1x1x16xf32> to vector<16xf32>
        %swap3A_1791 = vector.shape_cast %broadcast_in_dim3A_5 : vector<16xf32> to vector<1x1x16xf32>
        tpu.vector_store %arg7[%swap3A_1786, %swap3A_1787, %swap3A_1788], %swap3A_1791 {strides = array<i32>} : memref<4x800x32xf32, #tpu.memory_space<vmem>>, vector<1x1x16xf32>,
        %mul3A_1792 = arith.constant 50 : i32
        %mul3A_1793 = arith.muli %scan3A_1763, %mul3A_1792 : i32
        %add3A_1794 = arith.addi %mul3A_1793, %while3A_1781 : i32
        %swap3A_1795 = arith.constant 2 : i32
        %swap3A_1796 = arith.index_cast %swap3A_1795 : i32 to index
        %swap3A_1797 = arith.index_cast %add3A_1794 : i32 to index
        %swap3A_1798 = arith.constant 16 : index
        %swap3A_1799 = tpu.vector_load %arg7[%swap3A_1796, %swap3A_1797, %swap3A_1798] {strides = array<i32>} : memref<4x800x32xf32, #tpu.memory_space<vmem>>, vector<1x1x16xf32>,
        %swap3A_1800 = vector.shape_cast %swap3A_1799 : vector<1x1x16xf32> to vector<16xf32>
        %swap3A_1801 = vector.shape_cast %broadcast_in_dim3A_5 : vector<16xf32> to vector<1x1x16xf32>
        tpu.vector_store %arg7[%swap3A_1796, %swap3A_1797, %swap3A_1798], %swap3A_1801 {strides = array<i32>} : memref<4x800x32xf32, #tpu.memory_space<vmem>>, vector<1x1x16xf32>,
        %while3A_1802 = arith.constant 0 : i32
        scf.yield %while3A_1802 : i32
      }
      %scan3A_1780 = arith.constant 0 : i32
      scf.yield %scan3A_1780 : i32
    }
    %scan3A_1049 = arith.constant 16 : i32
    %add3A_1050 = arith.constant 14400 : i32
    %add3A_1051 = arith.addi %mul3A_2, %add3A_1050 : i32
    %dma_start3A_1052 = arith.constant 2 : i32
    %dma_start3A_1053 = arith.constant 0 : i32
    %dma_start3A_1054 = arith.constant 0 : i32
    %dma_start3A_1055 = tpu.memref_slice %arg7[%dma_start3A_1052, %dma_start3A_1053, %dma_start3A_1054] : memref<4x800x32xf32, #tpu.memory_space<vmem>> -> memref<1x800x32xf32, #tpu.memory_space<vmem>>
    %dma_start3A_1056 = tpu.memref_squeeze %dma_start3A_1055 : memref<1x800x32xf32, #tpu.memory_space<vmem>> -> memref<800x32xf32, #tpu.memory_space<vmem>>
    %dma_start3A_1057 = arith.constant 0 : i32
    %dma_start3A_1058 = tpu.memref_slice %arg5[%add3A_1051, %dma_start3A_1057] : memref<819200x32xf32, #tpu.memory_space<hbm>> -> memref<800x32xf32, #tpu.memory_space<hbm>>
    %dma_start3A_1059 = arith.constant 0 : i32
    %dma_start3A_1060 = tpu.memref_slice %arg5[%add3A_1051, %dma_start3A_1059] : memref<819200x32xf32, #tpu.memory_space<hbm>> -> memref<800x32xf32, #tpu.memory_space<hbm>>
    %dma_start3A_1061 = arith.constant 0 : i32
    %dma_start3A_1062 = arith.constant 0 : i32
    %dma_start3A_1063 = tpu.memref_slice %arg7[%dma_start3A_1052, %dma_start3A_1061, %dma_start3A_1062] : memref<4x800x32xf32, #tpu.memory_space<vmem>> -> memref<1x800x32xf32, #tpu.memory_space<vmem>>
    %dma_start3A_1064 = tpu.memref_squeeze %dma_start3A_1063 : memref<1x800x32xf32, #tpu.memory_space<vmem>> -> memref<800x32xf32, #tpu.memory_space<vmem>>
    tpu.enqueue_dma source(%dma_start3A_1064 : memref<800x32xf32, #tpu.memory_space<vmem>>) target(%dma_start3A_1060 : memref<800x32xf32, #tpu.memory_space<hbm>>) target_semaphore(%arg15 : memref<!tpu.dma_semaphore, #tpu.memory_space<semaphore_mem>>)
    %dma_wait3A_1065 = arith.constant 2 : i32
    %dma_wait3A_1066 = arith.constant 0 : i32
    %dma_wait3A_1067 = arith.constant 0 : i32
    %dma_wait3A_1068 = tpu.memref_slice %arg7[%dma_wait3A_1065, %dma_wait3A_1066, %dma_wait3A_1067] : memref<4x800x32xf32, #tpu.memory_space<vmem>> -> memref<1x800x32xf32, #tpu.memory_space<vmem>>
    %dma_wait3A_1069 = tpu.memref_squeeze %dma_wait3A_1068 : memref<1x800x32xf32, #tpu.memory_space<vmem>> -> memref<800x32xf32, #tpu.memory_space<vmem>>
    %dma_wait3A_1070 = arith.constant 0 : i32
    %dma_wait3A_1071 = tpu.memref_slice %arg5[%add3A_1051, %dma_wait3A_1070] : memref<819200x32xf32, #tpu.memory_space<hbm>> -> memref<800x32xf32, #tpu.memory_space<hbm>>
    %dma_wait3A_1072 = arith.constant 0 : i32
    %dma_wait3A_1073 = tpu.memref_slice %arg5[%add3A_1051, %dma_wait3A_1072] : memref<819200x32xf32, #tpu.memory_space<hbm>> -> memref<800x32xf32, #tpu.memory_space<hbm>>
    %dma_wait3A_1074 = arith.constant 0 : i32
    %dma_wait3A_1075 = arith.constant 0 : i32
    %dma_wait3A_1076 = tpu.memref_slice %arg7[%dma_wait3A_1065, %dma_wait3A_1074, %dma_wait3A_1075] : memref<4x800x32xf32, #tpu.memory_space<vmem>> -> memref<1x800x32xf32, #tpu.memory_space<vmem>>
    %dma_wait3A_1077 = tpu.memref_squeeze %dma_wait3A_1076 : memref<1x800x32xf32, #tpu.memory_space<vmem>> -> memref<800x32xf32, #tpu.memory_space<vmem>>
    tpu.wait_dma2 semaphore(%arg15 : memref<!tpu.dma_semaphore, #tpu.memory_space<semaphore_mem>>) src(%dma_wait3A_1077 : memref<800x32xf32, #tpu.memory_space<vmem>>) dst(%dma_wait3A_1073 : memref<800x32xf32, #tpu.memory_space<hbm>>)
    %dma_start3A_1078 = arith.constant 2 : i32
    %dma_start3A_1079 = arith.constant 0 : i32
    %dma_start3A_1080 = arith.constant 0 : i32
    %dma_start3A_1081 = tpu.memref_slice %arg7[%dma_start3A_1078, %dma_start3A_1079, %dma_start3A_1080] : memref<4x800x32xf32, #tpu.memory_space<vmem>> -> memref<1x800x32xf32, #tpu.memory_space<vmem>>
    %dma_start3A_1082 = tpu.memref_squeeze %dma_start3A_1081 : memref<1x800x32xf32, #tpu.memory_space<vmem>> -> memref<800x32xf32, #tpu.memory_space<vmem>>
    %dma_start3A_1083 = arith.constant 17600 : i32
    %dma_start3A_1084 = tpu.memref_slice %arg6[%dma_start3A_1083] : memref<25600xi32, #tpu.memory_space<vmem>> -> memref<800xi32, #tpu.memory_space<vmem>>
    %dma_start3A_1085 = arith.constant 0 : i32
    %dma_start3A_1086 = arith.constant 0 : i32
    %dma_start3A_1087 = tpu.memref_slice %arg4[%dma_start3A_1085, %dma_start3A_1086] : memref<1000000x32xf32, #tpu.memory_space<hbm>> -> memref<1000000x32xf32, #tpu.memory_space<hbm>>
    tpu.enqueue_indirect_dma source(%dma_start3A_1087 : memref<1000000x32xf32, #tpu.memory_space<hbm>>) target(%dma_start3A_1082 : memref<800x32xf32, #tpu.memory_space<vmem>>) offsets(%dma_start3A_1084 : memref<800xi32, #tpu.memory_space<vmem>>) semaphore(%arg11 : memref<!tpu.dma_semaphore, #tpu.memory_space<semaphore_mem>>)
    %dma_wait3A_1088 = arith.constant 3 : i32
    %dma_wait3A_1089 = arith.constant 0 : i32
    %dma_wait3A_1090 = arith.constant 0 : i32
    %dma_wait3A_1091 = tpu.memref_slice %arg7[%dma_wait3A_1088, %dma_wait3A_1089, %dma_wait3A_1090] : memref<4x800x32xf32, #tpu.memory_space<vmem>> -> memref<1x800x32xf32, #tpu.memory_space<vmem>>
    %dma_wait3A_1092 = tpu.memref_squeeze %dma_wait3A_1091 : memref<1x800x32xf32, #tpu.memory_space<vmem>> -> memref<800x32xf32, #tpu.memory_space<vmem>>
    %dma_wait3A_1093 = arith.constant 15200 : i32
    %dma_wait3A_1094 = tpu.memref_slice %arg6[%dma_wait3A_1093] : memref<25600xi32, #tpu.memory_space<vmem>> -> memref<800xi32, #tpu.memory_space<vmem>>
    %dma_wait3A_1095 = arith.constant 0 : i32
    %dma_wait3A_1096 = arith.constant 0 : i32
    %dma_wait3A_1097 = tpu.memref_slice %arg4[%dma_wait3A_1095, %dma_wait3A_1096] : memref<1000000x32xf32, #tpu.memory_space<hbm>> -> memref<1000000x32xf32, #tpu.memory_space<hbm>>
    tpu.wait_indirect_dma semaphore(%arg12 : memref<!tpu.dma_semaphore, #tpu.memory_space<semaphore_mem>>) src(%dma_wait3A_1097 : memref<1000000x32xf32, #tpu.memory_space<hbm>>) dst(%dma_wait3A_1092 : memref<800x32xf32, #tpu.memory_space<vmem>>)
    %scan3A_1098 = arith.constant 0 : i32
    %scan3A_1099 = arith.constant 0 : i32
    %scan3A_1100 = arith.constant 16 : i32
    %scan3A_1101 = arith.addi %scan3A_1099, %scan3A_1100 : i32
    %scan3A_1102 = arith.constant 1 : i32
    %scan3A_1103 = scf.for %scan3A_1763 = %scan3A_1099 to %scan3A_1101 step %scan3A_1102 iter_args(%scan3A_1764 = %scan3A_1098) -> (i32)  : i32 {
      %add3A_1765 = arith.constant 304 : i32
      %add3A_1766 = arith.addi %add3A_1765, %scan3A_1763 : i32
      %get3A = arith.index_cast %add3A_1766 : i32 to index
      %get3A_1767 = tpu.vector_load %arg8[%get3A] {strides = array<i32>} : memref<528xi32, #tpu.memory_space<vmem>>, vector<16xi32>,
      %get3A_1768 = vector.shape_cast %get3A_1767 : vector<16xi32> to vector<16xi32>
      %slice3A = vector.extract_strided_slice %get3A_1768 {offsets = [0], sizes = [1], strides = [1]} : vector<16xi32> to vector<1xi32>
      %squeeze3A = vector.extract %slice3A[0] : i32 from vector<1xi32>
      %while3A = arith.constant 50 : i32
      %while3A_1769 = arith.constant 0 : i32
      %while3A_1770 = arith.subi %while3A, %squeeze3A : i32
      %while3A_1771 = arith.addi %squeeze3A, %while3A_1770 : i32
      %while3A_1772 = arith.constant 1 : i32
      %while3A_1773 = arith.divsi %while3A_1770, %while3A_1772 : i32
      %while3A_1774 = arith.muli %while3A_1773, %while3A_1772 : i32
      %while3A_1775 = arith.addi %squeeze3A, %while3A_1774 : i32
      %while3A_1776 = arith.constant 1 : i32
      %while3A_1777 = scf.for %while3A_1781 = %squeeze3A to %while3A_1775 step %while3A_1776 iter_args(%while3A_1782 = %while3A_1769) -> (i32)  : i32 {
        %mul3A_1783 = arith.constant 50 : i32
        %mul3A_1784 = arith.muli %scan3A_1763, %mul3A_1783 : i32
        %add3A_1785 = arith.addi %mul3A_1784, %while3A_1781 : i32
        %swap3A = arith.constant 3 : i32
        %swap3A_1786 = arith.index_cast %swap3A : i32 to index
        %swap3A_1787 = arith.index_cast %add3A_1785 : i32 to index
        %swap3A_1788 = arith.constant 0 : index
        %swap3A_1789 = tpu.vector_load %arg7[%swap3A_1786, %swap3A_1787, %swap3A_1788] {strides = array<i32>} : memref<4x800x32xf32, #tpu.memory_space<vmem>>, vector<1x1x16xf32>,
        %swap3A_1790 = vector.shape_cast %swap3A_1789 : vector<1x1x16xf32> to vector<16xf32>
        %swap3A_1791 = vector.shape_cast %broadcast_in_dim3A_5 : vector<16xf32> to vector<1x1x16xf32>
        tpu.vector_store %arg7[%swap3A_1786, %swap3A_1787, %swap3A_1788], %swap3A_1791 {strides = array<i32>} : memref<4x800x32xf32, #tpu.memory_space<vmem>>, vector<1x1x16xf32>,
        %mul3A_1792 = arith.constant 50 : i32
        %mul3A_1793 = arith.muli %scan3A_1763, %mul3A_1792 : i32
        %add3A_1794 = arith.addi %mul3A_1793, %while3A_1781 : i32
        %swap3A_1795 = arith.constant 3 : i32
        %swap3A_1796 = arith.index_cast %swap3A_1795 : i32 to index
        %swap3A_1797 = arith.index_cast %add3A_1794 : i32 to index
        %swap3A_1798 = arith.constant 16 : index
        %swap3A_1799 = tpu.vector_load %arg7[%swap3A_1796, %swap3A_1797, %swap3A_1798] {strides = array<i32>} : memref<4x800x32xf32, #tpu.memory_space<vmem>>, vector<1x1x16xf32>,
        %swap3A_1800 = vector.shape_cast %swap3A_1799 : vector<1x1x16xf32> to vector<16xf32>
        %swap3A_1801 = vector.shape_cast %broadcast_in_dim3A_5 : vector<16xf32> to vector<1x1x16xf32>
        tpu.vector_store %arg7[%swap3A_1796, %swap3A_1797, %swap3A_1798], %swap3A_1801 {strides = array<i32>} : memref<4x800x32xf32, #tpu.memory_space<vmem>>, vector<1x1x16xf32>,
        %while3A_1802 = arith.constant 0 : i32
        scf.yield %while3A_1802 : i32
      }
      %while3A_1778 = arith.constant 1 : i32
      %while3A_1779 = scf.for %while3A_1781 = %while3A_1775 to %while3A_1771 step %while3A_1778 iter_args(%while3A_1782 = %while3A_1777) -> (i32)  : i32 {
        %mul3A_1783 = arith.constant 50 : i32
        %mul3A_1784 = arith.muli %scan3A_1763, %mul3A_1783 : i32
        %add3A_1785 = arith.addi %mul3A_1784, %while3A_1781 : i32
        %swap3A = arith.constant 3 : i32
        %swap3A_1786 = arith.index_cast %swap3A : i32 to index
        %swap3A_1787 = arith.index_cast %add3A_1785 : i32 to index
        %swap3A_1788 = arith.constant 0 : index
        %swap3A_1789 = tpu.vector_load %arg7[%swap3A_1786, %swap3A_1787, %swap3A_1788] {strides = array<i32>} : memref<4x800x32xf32, #tpu.memory_space<vmem>>, vector<1x1x16xf32>,
        %swap3A_1790 = vector.shape_cast %swap3A_1789 : vector<1x1x16xf32> to vector<16xf32>
        %swap3A_1791 = vector.shape_cast %broadcast_in_dim3A_5 : vector<16xf32> to vector<1x1x16xf32>
        tpu.vector_store %arg7[%swap3A_1786, %swap3A_1787, %swap3A_1788], %swap3A_1791 {strides = array<i32>} : memref<4x800x32xf32, #tpu.memory_space<vmem>>, vector<1x1x16xf32>,
        %mul3A_1792 = arith.constant 50 : i32
        %mul3A_1793 = arith.muli %scan3A_1763, %mul3A_1792 : i32
        %add3A_1794 = arith.addi %mul3A_1793, %while3A_1781 : i32
        %swap3A_1795 = arith.constant 3 : i32
        %swap3A_1796 = arith.index_cast %swap3A_1795 : i32 to index
        %swap3A_1797 = arith.index_cast %add3A_1794 : i32 to index
        %swap3A_1798 = arith.constant 16 : index
        %swap3A_1799 = tpu.vector_load %arg7[%swap3A_1796, %swap3A_1797, %swap3A_1798] {strides = array<i32>} : memref<4x800x32xf32, #tpu.memory_space<vmem>>, vector<1x1x16xf32>,
        %swap3A_1800 = vector.shape_cast %swap3A_1799 : vector<1x1x16xf32> to vector<16xf32>
        %swap3A_1801 = vector.shape_cast %broadcast_in_dim3A_5 : vector<16xf32> to vector<1x1x16xf32>
        tpu.vector_store %arg7[%swap3A_1796, %swap3A_1797, %swap3A_1798], %swap3A_1801 {strides = array<i32>} : memref<4x800x32xf32, #tpu.memory_space<vmem>>, vector<1x1x16xf32>,
        %while3A_1802 = arith.constant 0 : i32
        scf.yield %while3A_1802 : i32
      }
      %scan3A_1780 = arith.constant 0 : i32
      scf.yield %scan3A_1780 : i32
    }
    %scan3A_1104 = arith.constant 16 : i32
    %add3A_1105 = arith.constant 15200 : i32
    %add3A_1106 = arith.addi %mul3A_2, %add3A_1105 : i32
    %dma_start3A_1107 = arith.constant 3 : i32
    %dma_start3A_1108 = arith.constant 0 : i32
    %dma_start3A_1109 = arith.constant 0 : i32
    %dma_start3A_1110 = tpu.memref_slice %arg7[%dma_start3A_1107, %dma_start3A_1108, %dma_start3A_1109] : memref<4x800x32xf32, #tpu.memory_space<vmem>> -> memref<1x800x32xf32, #tpu.memory_space<vmem>>
    %dma_start3A_1111 = tpu.memref_squeeze %dma_start3A_1110 : memref<1x800x32xf32, #tpu.memory_space<vmem>> -> memref<800x32xf32, #tpu.memory_space<vmem>>
    %dma_start3A_1112 = arith.constant 0 : i32
    %dma_start3A_1113 = tpu.memref_slice %arg5[%add3A_1106, %dma_start3A_1112] : memref<819200x32xf32, #tpu.memory_space<hbm>> -> memref<800x32xf32, #tpu.memory_space<hbm>>
    %dma_start3A_1114 = arith.constant 0 : i32
    %dma_start3A_1115 = tpu.memref_slice %arg5[%add3A_1106, %dma_start3A_1114] : memref<819200x32xf32, #tpu.memory_space<hbm>> -> memref<800x32xf32, #tpu.memory_space<hbm>>
    %dma_start3A_1116 = arith.constant 0 : i32
    %dma_start3A_1117 = arith.constant 0 : i32
    %dma_start3A_1118 = tpu.memref_slice %arg7[%dma_start3A_1107, %dma_start3A_1116, %dma_start3A_1117] : memref<4x800x32xf32, #tpu.memory_space<vmem>> -> memref<1x800x32xf32, #tpu.memory_space<vmem>>
    %dma_start3A_1119 = tpu.memref_squeeze %dma_start3A_1118 : memref<1x800x32xf32, #tpu.memory_space<vmem>> -> memref<800x32xf32, #tpu.memory_space<vmem>>
    tpu.enqueue_dma source(%dma_start3A_1119 : memref<800x32xf32, #tpu.memory_space<vmem>>) target(%dma_start3A_1115 : memref<800x32xf32, #tpu.memory_space<hbm>>) target_semaphore(%arg16 : memref<!tpu.dma_semaphore, #tpu.memory_space<semaphore_mem>>)
    %dma_wait3A_1120 = arith.constant 3 : i32
    %dma_wait3A_1121 = arith.constant 0 : i32
    %dma_wait3A_1122 = arith.constant 0 : i32
    %dma_wait3A_1123 = tpu.memref_slice %arg7[%dma_wait3A_1120, %dma_wait3A_1121, %dma_wait3A_1122] : memref<4x800x32xf32, #tpu.memory_space<vmem>> -> memref<1x800x32xf32, #tpu.memory_space<vmem>>
    %dma_wait3A_1124 = tpu.memref_squeeze %dma_wait3A_1123 : memref<1x800x32xf32, #tpu.memory_space<vmem>> -> memref<800x32xf32, #tpu.memory_space<vmem>>
    %dma_wait3A_1125 = arith.constant 0 : i32
    %dma_wait3A_1126 = tpu.memref_slice %arg5[%add3A_1106, %dma_wait3A_1125] : memref<819200x32xf32, #tpu.memory_space<hbm>> -> memref<800x32xf32, #tpu.memory_space<hbm>>
    %dma_wait3A_1127 = arith.constant 0 : i32
    %dma_wait3A_1128 = tpu.memref_slice %arg5[%add3A_1106, %dma_wait3A_1127] : memref<819200x32xf32, #tpu.memory_space<hbm>> -> memref<800x32xf32, #tpu.memory_space<hbm>>
    %dma_wait3A_1129 = arith.constant 0 : i32
    %dma_wait3A_1130 = arith.constant 0 : i32
    %dma_wait3A_1131 = tpu.memref_slice %arg7[%dma_wait3A_1120, %dma_wait3A_1129, %dma_wait3A_1130] : memref<4x800x32xf32, #tpu.memory_space<vmem>> -> memref<1x800x32xf32, #tpu.memory_space<vmem>>
    %dma_wait3A_1132 = tpu.memref_squeeze %dma_wait3A_1131 : memref<1x800x32xf32, #tpu.memory_space<vmem>> -> memref<800x32xf32, #tpu.memory_space<vmem>>
    tpu.wait_dma2 semaphore(%arg16 : memref<!tpu.dma_semaphore, #tpu.memory_space<semaphore_mem>>) src(%dma_wait3A_1132 : memref<800x32xf32, #tpu.memory_space<vmem>>) dst(%dma_wait3A_1128 : memref<800x32xf32, #tpu.memory_space<hbm>>)
    %dma_start3A_1133 = arith.constant 3 : i32
    %dma_start3A_1134 = arith.constant 0 : i32
    %dma_start3A_1135 = arith.constant 0 : i32
    %dma_start3A_1136 = tpu.memref_slice %arg7[%dma_start3A_1133, %dma_start3A_1134, %dma_start3A_1135] : memref<4x800x32xf32, #tpu.memory_space<vmem>> -> memref<1x800x32xf32, #tpu.memory_space<vmem>>
    %dma_start3A_1137 = tpu.memref_squeeze %dma_start3A_1136 : memref<1x800x32xf32, #tpu.memory_space<vmem>> -> memref<800x32xf32, #tpu.memory_space<vmem>>
    %dma_start3A_1138 = arith.constant 18400 : i32
    %dma_start3A_1139 = tpu.memref_slice %arg6[%dma_start3A_1138] : memref<25600xi32, #tpu.memory_space<vmem>> -> memref<800xi32, #tpu.memory_space<vmem>>
    %dma_start3A_1140 = arith.constant 0 : i32
    %dma_start3A_1141 = arith.constant 0 : i32
    %dma_start3A_1142 = tpu.memref_slice %arg4[%dma_start3A_1140, %dma_start3A_1141] : memref<1000000x32xf32, #tpu.memory_space<hbm>> -> memref<1000000x32xf32, #tpu.memory_space<hbm>>
    tpu.enqueue_indirect_dma source(%dma_start3A_1142 : memref<1000000x32xf32, #tpu.memory_space<hbm>>) target(%dma_start3A_1137 : memref<800x32xf32, #tpu.memory_space<vmem>>) offsets(%dma_start3A_1139 : memref<800xi32, #tpu.memory_space<vmem>>) semaphore(%arg12 : memref<!tpu.dma_semaphore, #tpu.memory_space<semaphore_mem>>)
    %dma_wait3A_1143 = arith.constant 0 : i32
    %dma_wait3A_1144 = arith.constant 0 : i32
    %dma_wait3A_1145 = arith.constant 0 : i32
    %dma_wait3A_1146 = tpu.memref_slice %arg7[%dma_wait3A_1143, %dma_wait3A_1144, %dma_wait3A_1145] : memref<4x800x32xf32, #tpu.memory_space<vmem>> -> memref<1x800x32xf32, #tpu.memory_space<vmem>>
    %dma_wait3A_1147 = tpu.memref_squeeze %dma_wait3A_1146 : memref<1x800x32xf32, #tpu.memory_space<vmem>> -> memref<800x32xf32, #tpu.memory_space<vmem>>
    %dma_wait3A_1148 = arith.constant 16000 : i32
    %dma_wait3A_1149 = tpu.memref_slice %arg6[%dma_wait3A_1148] : memref<25600xi32, #tpu.memory_space<vmem>> -> memref<800xi32, #tpu.memory_space<vmem>>
    %dma_wait3A_1150 = arith.constant 0 : i32
    %dma_wait3A_1151 = arith.constant 0 : i32
    %dma_wait3A_1152 = tpu.memref_slice %arg4[%dma_wait3A_1150, %dma_wait3A_1151] : memref<1000000x32xf32, #tpu.memory_space<hbm>> -> memref<1000000x32xf32, #tpu.memory_space<hbm>>
    tpu.wait_indirect_dma semaphore(%arg9 : memref<!tpu.dma_semaphore, #tpu.memory_space<semaphore_mem>>) src(%dma_wait3A_1152 : memref<1000000x32xf32, #tpu.memory_space<hbm>>) dst(%dma_wait3A_1147 : memref<800x32xf32, #tpu.memory_space<vmem>>)
    %scan3A_1153 = arith.constant 0 : i32
    %scan3A_1154 = arith.constant 0 : i32
    %scan3A_1155 = arith.constant 16 : i32
    %scan3A_1156 = arith.addi %scan3A_1154, %scan3A_1155 : i32
    %scan3A_1157 = arith.constant 1 : i32
    %scan3A_1158 = scf.for %scan3A_1763 = %scan3A_1154 to %scan3A_1156 step %scan3A_1157 iter_args(%scan3A_1764 = %scan3A_1153) -> (i32)  : i32 {
      %add3A_1765 = arith.constant 320 : i32
      %add3A_1766 = arith.addi %add3A_1765, %scan3A_1763 : i32
      %get3A = arith.index_cast %add3A_1766 : i32 to index
      %get3A_1767 = tpu.vector_load %arg8[%get3A] {strides = array<i32>} : memref<528xi32, #tpu.memory_space<vmem>>, vector<16xi32>,
      %get3A_1768 = vector.shape_cast %get3A_1767 : vector<16xi32> to vector<16xi32>
      %slice3A = vector.extract_strided_slice %get3A_1768 {offsets = [0], sizes = [1], strides = [1]} : vector<16xi32> to vector<1xi32>
      %squeeze3A = vector.extract %slice3A[0] : i32 from vector<1xi32>
      %while3A = arith.constant 50 : i32
      %while3A_1769 = arith.constant 0 : i32
      %while3A_1770 = arith.subi %while3A, %squeeze3A : i32
      %while3A_1771 = arith.addi %squeeze3A, %while3A_1770 : i32
      %while3A_1772 = arith.constant 1 : i32
      %while3A_1773 = arith.divsi %while3A_1770, %while3A_1772 : i32
      %while3A_1774 = arith.muli %while3A_1773, %while3A_1772 : i32
      %while3A_1775 = arith.addi %squeeze3A, %while3A_1774 : i32
      %while3A_1776 = arith.constant 1 : i32
      %while3A_1777 = scf.for %while3A_1781 = %squeeze3A to %while3A_1775 step %while3A_1776 iter_args(%while3A_1782 = %while3A_1769) -> (i32)  : i32 {
        %mul3A_1783 = arith.constant 50 : i32
        %mul3A_1784 = arith.muli %scan3A_1763, %mul3A_1783 : i32
        %add3A_1785 = arith.addi %mul3A_1784, %while3A_1781 : i32
        %swap3A = arith.constant 0 : i32
        %swap3A_1786 = arith.index_cast %swap3A : i32 to index
        %swap3A_1787 = arith.index_cast %add3A_1785 : i32 to index
        %swap3A_1788 = arith.constant 0 : index
        %swap3A_1789 = tpu.vector_load %arg7[%swap3A_1786, %swap3A_1787, %swap3A_1788] {strides = array<i32>} : memref<4x800x32xf32, #tpu.memory_space<vmem>>, vector<1x1x16xf32>,
        %swap3A_1790 = vector.shape_cast %swap3A_1789 : vector<1x1x16xf32> to vector<16xf32>
        %swap3A_1791 = vector.shape_cast %broadcast_in_dim3A_5 : vector<16xf32> to vector<1x1x16xf32>
        tpu.vector_store %arg7[%swap3A_1786, %swap3A_1787, %swap3A_1788], %swap3A_1791 {strides = array<i32>} : memref<4x800x32xf32, #tpu.memory_space<vmem>>, vector<1x1x16xf32>,
        %mul3A_1792 = arith.constant 50 : i32
        %mul3A_1793 = arith.muli %scan3A_1763, %mul3A_1792 : i32
        %add3A_1794 = arith.addi %mul3A_1793, %while3A_1781 : i32
        %swap3A_1795 = arith.constant 0 : i32
        %swap3A_1796 = arith.index_cast %swap3A_1795 : i32 to index
        %swap3A_1797 = arith.index_cast %add3A_1794 : i32 to index
        %swap3A_1798 = arith.constant 16 : index
        %swap3A_1799 = tpu.vector_load %arg7[%swap3A_1796, %swap3A_1797, %swap3A_1798] {strides = array<i32>} : memref<4x800x32xf32, #tpu.memory_space<vmem>>, vector<1x1x16xf32>,
        %swap3A_1800 = vector.shape_cast %swap3A_1799 : vector<1x1x16xf32> to vector<16xf32>
        %swap3A_1801 = vector.shape_cast %broadcast_in_dim3A_5 : vector<16xf32> to vector<1x1x16xf32>
        tpu.vector_store %arg7[%swap3A_1796, %swap3A_1797, %swap3A_1798], %swap3A_1801 {strides = array<i32>} : memref<4x800x32xf32, #tpu.memory_space<vmem>>, vector<1x1x16xf32>,
        %while3A_1802 = arith.constant 0 : i32
        scf.yield %while3A_1802 : i32
      }
      %while3A_1778 = arith.constant 1 : i32
      %while3A_1779 = scf.for %while3A_1781 = %while3A_1775 to %while3A_1771 step %while3A_1778 iter_args(%while3A_1782 = %while3A_1777) -> (i32)  : i32 {
        %mul3A_1783 = arith.constant 50 : i32
        %mul3A_1784 = arith.muli %scan3A_1763, %mul3A_1783 : i32
        %add3A_1785 = arith.addi %mul3A_1784, %while3A_1781 : i32
        %swap3A = arith.constant 0 : i32
        %swap3A_1786 = arith.index_cast %swap3A : i32 to index
        %swap3A_1787 = arith.index_cast %add3A_1785 : i32 to index
        %swap3A_1788 = arith.constant 0 : index
        %swap3A_1789 = tpu.vector_load %arg7[%swap3A_1786, %swap3A_1787, %swap3A_1788] {strides = array<i32>} : memref<4x800x32xf32, #tpu.memory_space<vmem>>, vector<1x1x16xf32>,
        %swap3A_1790 = vector.shape_cast %swap3A_1789 : vector<1x1x16xf32> to vector<16xf32>
        %swap3A_1791 = vector.shape_cast %broadcast_in_dim3A_5 : vector<16xf32> to vector<1x1x16xf32>
        tpu.vector_store %arg7[%swap3A_1786, %swap3A_1787, %swap3A_1788], %swap3A_1791 {strides = array<i32>} : memref<4x800x32xf32, #tpu.memory_space<vmem>>, vector<1x1x16xf32>,
        %mul3A_1792 = arith.constant 50 : i32
        %mul3A_1793 = arith.muli %scan3A_1763, %mul3A_1792 : i32
        %add3A_1794 = arith.addi %mul3A_1793, %while3A_1781 : i32
        %swap3A_1795 = arith.constant 0 : i32
        %swap3A_1796 = arith.index_cast %swap3A_1795 : i32 to index
        %swap3A_1797 = arith.index_cast %add3A_1794 : i32 to index
        %swap3A_1798 = arith.constant 16 : index
        %swap3A_1799 = tpu.vector_load %arg7[%swap3A_1796, %swap3A_1797, %swap3A_1798] {strides = array<i32>} : memref<4x800x32xf32, #tpu.memory_space<vmem>>, vector<1x1x16xf32>,
        %swap3A_1800 = vector.shape_cast %swap3A_1799 : vector<1x1x16xf32> to vector<16xf32>
        %swap3A_1801 = vector.shape_cast %broadcast_in_dim3A_5 : vector<16xf32> to vector<1x1x16xf32>
        tpu.vector_store %arg7[%swap3A_1796, %swap3A_1797, %swap3A_1798], %swap3A_1801 {strides = array<i32>} : memref<4x800x32xf32, #tpu.memory_space<vmem>>, vector<1x1x16xf32>,
        %while3A_1802 = arith.constant 0 : i32
        scf.yield %while3A_1802 : i32
      }
      %scan3A_1780 = arith.constant 0 : i32
      scf.yield %scan3A_1780 : i32
    }
    %scan3A_1159 = arith.constant 16 : i32
    %add3A_1160 = arith.constant 16000 : i32
    %add3A_1161 = arith.addi %mul3A_2, %add3A_1160 : i32
    %dma_start3A_1162 = arith.constant 0 : i32
    %dma_start3A_1163 = arith.constant 0 : i32
    %dma_start3A_1164 = arith.constant 0 : i32
    %dma_start3A_1165 = tpu.memref_slice %arg7[%dma_start3A_1162, %dma_start3A_1163, %dma_start3A_1164] : memref<4x800x32xf32, #tpu.memory_space<vmem>> -> memref<1x800x32xf32, #tpu.memory_space<vmem>>
    %dma_start3A_1166 = tpu.memref_squeeze %dma_start3A_1165 : memref<1x800x32xf32, #tpu.memory_space<vmem>> -> memref<800x32xf32, #tpu.memory_space<vmem>>
    %dma_start3A_1167 = arith.constant 0 : i32
    %dma_start3A_1168 = tpu.memref_slice %arg5[%add3A_1161, %dma_start3A_1167] : memref<819200x32xf32, #tpu.memory_space<hbm>> -> memref<800x32xf32, #tpu.memory_space<hbm>>
    %dma_start3A_1169 = arith.constant 0 : i32
    %dma_start3A_1170 = tpu.memref_slice %arg5[%add3A_1161, %dma_start3A_1169] : memref<819200x32xf32, #tpu.memory_space<hbm>> -> memref<800x32xf32, #tpu.memory_space<hbm>>
    %dma_start3A_1171 = arith.constant 0 : i32
    %dma_start3A_1172 = arith.constant 0 : i32
    %dma_start3A_1173 = tpu.memref_slice %arg7[%dma_start3A_1162, %dma_start3A_1171, %dma_start3A_1172] : memref<4x800x32xf32, #tpu.memory_space<vmem>> -> memref<1x800x32xf32, #tpu.memory_space<vmem>>
    %dma_start3A_1174 = tpu.memref_squeeze %dma_start3A_1173 : memref<1x800x32xf32, #tpu.memory_space<vmem>> -> memref<800x32xf32, #tpu.memory_space<vmem>>
    tpu.enqueue_dma source(%dma_start3A_1174 : memref<800x32xf32, #tpu.memory_space<vmem>>) target(%dma_start3A_1170 : memref<800x32xf32, #tpu.memory_space<hbm>>) target_semaphore(%arg13 : memref<!tpu.dma_semaphore, #tpu.memory_space<semaphore_mem>>)
    %dma_wait3A_1175 = arith.constant 0 : i32
    %dma_wait3A_1176 = arith.constant 0 : i32
    %dma_wait3A_1177 = arith.constant 0 : i32
    %dma_wait3A_1178 = tpu.memref_slice %arg7[%dma_wait3A_1175, %dma_wait3A_1176, %dma_wait3A_1177] : memref<4x800x32xf32, #tpu.memory_space<vmem>> -> memref<1x800x32xf32, #tpu.memory_space<vmem>>
    %dma_wait3A_1179 = tpu.memref_squeeze %dma_wait3A_1178 : memref<1x800x32xf32, #tpu.memory_space<vmem>> -> memref<800x32xf32, #tpu.memory_space<vmem>>
    %dma_wait3A_1180 = arith.constant 0 : i32
    %dma_wait3A_1181 = tpu.memref_slice %arg5[%add3A_1161, %dma_wait3A_1180] : memref<819200x32xf32, #tpu.memory_space<hbm>> -> memref<800x32xf32, #tpu.memory_space<hbm>>
    %dma_wait3A_1182 = arith.constant 0 : i32
    %dma_wait3A_1183 = tpu.memref_slice %arg5[%add3A_1161, %dma_wait3A_1182] : memref<819200x32xf32, #tpu.memory_space<hbm>> -> memref<800x32xf32, #tpu.memory_space<hbm>>
    %dma_wait3A_1184 = arith.constant 0 : i32
    %dma_wait3A_1185 = arith.constant 0 : i32
    %dma_wait3A_1186 = tpu.memref_slice %arg7[%dma_wait3A_1175, %dma_wait3A_1184, %dma_wait3A_1185] : memref<4x800x32xf32, #tpu.memory_space<vmem>> -> memref<1x800x32xf32, #tpu.memory_space<vmem>>
    %dma_wait3A_1187 = tpu.memref_squeeze %dma_wait3A_1186 : memref<1x800x32xf32, #tpu.memory_space<vmem>> -> memref<800x32xf32, #tpu.memory_space<vmem>>
    tpu.wait_dma2 semaphore(%arg13 : memref<!tpu.dma_semaphore, #tpu.memory_space<semaphore_mem>>) src(%dma_wait3A_1187 : memref<800x32xf32, #tpu.memory_space<vmem>>) dst(%dma_wait3A_1183 : memref<800x32xf32, #tpu.memory_space<hbm>>)
    %dma_start3A_1188 = arith.constant 0 : i32
    %dma_start3A_1189 = arith.constant 0 : i32
    %dma_start3A_1190 = arith.constant 0 : i32
    %dma_start3A_1191 = tpu.memref_slice %arg7[%dma_start3A_1188, %dma_start3A_1189, %dma_start3A_1190] : memref<4x800x32xf32, #tpu.memory_space<vmem>> -> memref<1x800x32xf32, #tpu.memory_space<vmem>>
    %dma_start3A_1192 = tpu.memref_squeeze %dma_start3A_1191 : memref<1x800x32xf32, #tpu.memory_space<vmem>> -> memref<800x32xf32, #tpu.memory_space<vmem>>
    %dma_start3A_1193 = arith.constant 19200 : i32
    %dma_start3A_1194 = tpu.memref_slice %arg6[%dma_start3A_1193] : memref<25600xi32, #tpu.memory_space<vmem>> -> memref<800xi32, #tpu.memory_space<vmem>>
    %dma_start3A_1195 = arith.constant 0 : i32
    %dma_start3A_1196 = arith.constant 0 : i32
    %dma_start3A_1197 = tpu.memref_slice %arg4[%dma_start3A_1195, %dma_start3A_1196] : memref<1000000x32xf32, #tpu.memory_space<hbm>> -> memref<1000000x32xf32, #tpu.memory_space<hbm>>
    tpu.enqueue_indirect_dma source(%dma_start3A_1197 : memref<1000000x32xf32, #tpu.memory_space<hbm>>) target(%dma_start3A_1192 : memref<800x32xf32, #tpu.memory_space<vmem>>) offsets(%dma_start3A_1194 : memref<800xi32, #tpu.memory_space<vmem>>) semaphore(%arg9 : memref<!tpu.dma_semaphore, #tpu.memory_space<semaphore_mem>>)
    %dma_wait3A_1198 = arith.constant 1 : i32
    %dma_wait3A_1199 = arith.constant 0 : i32
    %dma_wait3A_1200 = arith.constant 0 : i32
    %dma_wait3A_1201 = tpu.memref_slice %arg7[%dma_wait3A_1198, %dma_wait3A_1199, %dma_wait3A_1200] : memref<4x800x32xf32, #tpu.memory_space<vmem>> -> memref<1x800x32xf32, #tpu.memory_space<vmem>>
    %dma_wait3A_1202 = tpu.memref_squeeze %dma_wait3A_1201 : memref<1x800x32xf32, #tpu.memory_space<vmem>> -> memref<800x32xf32, #tpu.memory_space<vmem>>
    %dma_wait3A_1203 = arith.constant 16800 : i32
    %dma_wait3A_1204 = tpu.memref_slice %arg6[%dma_wait3A_1203] : memref<25600xi32, #tpu.memory_space<vmem>> -> memref<800xi32, #tpu.memory_space<vmem>>
    %dma_wait3A_1205 = arith.constant 0 : i32
    %dma_wait3A_1206 = arith.constant 0 : i32
    %dma_wait3A_1207 = tpu.memref_slice %arg4[%dma_wait3A_1205, %dma_wait3A_1206] : memref<1000000x32xf32, #tpu.memory_space<hbm>> -> memref<1000000x32xf32, #tpu.memory_space<hbm>>
    tpu.wait_indirect_dma semaphore(%arg10 : memref<!tpu.dma_semaphore, #tpu.memory_space<semaphore_mem>>) src(%dma_wait3A_1207 : memref<1000000x32xf32, #tpu.memory_space<hbm>>) dst(%dma_wait3A_1202 : memref<800x32xf32, #tpu.memory_space<vmem>>)
    %scan3A_1208 = arith.constant 0 : i32
    %scan3A_1209 = arith.constant 0 : i32
    %scan3A_1210 = arith.constant 16 : i32
    %scan3A_1211 = arith.addi %scan3A_1209, %scan3A_1210 : i32
    %scan3A_1212 = arith.constant 1 : i32
    %scan3A_1213 = scf.for %scan3A_1763 = %scan3A_1209 to %scan3A_1211 step %scan3A_1212 iter_args(%scan3A_1764 = %scan3A_1208) -> (i32)  : i32 {
      %add3A_1765 = arith.constant 336 : i32
      %add3A_1766 = arith.addi %add3A_1765, %scan3A_1763 : i32
      %get3A = arith.index_cast %add3A_1766 : i32 to index
      %get3A_1767 = tpu.vector_load %arg8[%get3A] {strides = array<i32>} : memref<528xi32, #tpu.memory_space<vmem>>, vector<16xi32>,
      %get3A_1768 = vector.shape_cast %get3A_1767 : vector<16xi32> to vector<16xi32>
      %slice3A = vector.extract_strided_slice %get3A_1768 {offsets = [0], sizes = [1], strides = [1]} : vector<16xi32> to vector<1xi32>
      %squeeze3A = vector.extract %slice3A[0] : i32 from vector<1xi32>
      %while3A = arith.constant 50 : i32
      %while3A_1769 = arith.constant 0 : i32
      %while3A_1770 = arith.subi %while3A, %squeeze3A : i32
      %while3A_1771 = arith.addi %squeeze3A, %while3A_1770 : i32
      %while3A_1772 = arith.constant 1 : i32
      %while3A_1773 = arith.divsi %while3A_1770, %while3A_1772 : i32
      %while3A_1774 = arith.muli %while3A_1773, %while3A_1772 : i32
      %while3A_1775 = arith.addi %squeeze3A, %while3A_1774 : i32
      %while3A_1776 = arith.constant 1 : i32
      %while3A_1777 = scf.for %while3A_1781 = %squeeze3A to %while3A_1775 step %while3A_1776 iter_args(%while3A_1782 = %while3A_1769) -> (i32)  : i32 {
        %mul3A_1783 = arith.constant 50 : i32
        %mul3A_1784 = arith.muli %scan3A_1763, %mul3A_1783 : i32
        %add3A_1785 = arith.addi %mul3A_1784, %while3A_1781 : i32
        %swap3A = arith.constant 1 : i32
        %swap3A_1786 = arith.index_cast %swap3A : i32 to index
        %swap3A_1787 = arith.index_cast %add3A_1785 : i32 to index
        %swap3A_1788 = arith.constant 0 : index
        %swap3A_1789 = tpu.vector_load %arg7[%swap3A_1786, %swap3A_1787, %swap3A_1788] {strides = array<i32>} : memref<4x800x32xf32, #tpu.memory_space<vmem>>, vector<1x1x16xf32>,
        %swap3A_1790 = vector.shape_cast %swap3A_1789 : vector<1x1x16xf32> to vector<16xf32>
        %swap3A_1791 = vector.shape_cast %broadcast_in_dim3A_5 : vector<16xf32> to vector<1x1x16xf32>
        tpu.vector_store %arg7[%swap3A_1786, %swap3A_1787, %swap3A_1788], %swap3A_1791 {strides = array<i32>} : memref<4x800x32xf32, #tpu.memory_space<vmem>>, vector<1x1x16xf32>,
        %mul3A_1792 = arith.constant 50 : i32
        %mul3A_1793 = arith.muli %scan3A_1763, %mul3A_1792 : i32
        %add3A_1794 = arith.addi %mul3A_1793, %while3A_1781 : i32
        %swap3A_1795 = arith.constant 1 : i32
        %swap3A_1796 = arith.index_cast %swap3A_1795 : i32 to index
        %swap3A_1797 = arith.index_cast %add3A_1794 : i32 to index
        %swap3A_1798 = arith.constant 16 : index
        %swap3A_1799 = tpu.vector_load %arg7[%swap3A_1796, %swap3A_1797, %swap3A_1798] {strides = array<i32>} : memref<4x800x32xf32, #tpu.memory_space<vmem>>, vector<1x1x16xf32>,
        %swap3A_1800 = vector.shape_cast %swap3A_1799 : vector<1x1x16xf32> to vector<16xf32>
        %swap3A_1801 = vector.shape_cast %broadcast_in_dim3A_5 : vector<16xf32> to vector<1x1x16xf32>
        tpu.vector_store %arg7[%swap3A_1796, %swap3A_1797, %swap3A_1798], %swap3A_1801 {strides = array<i32>} : memref<4x800x32xf32, #tpu.memory_space<vmem>>, vector<1x1x16xf32>,
        %while3A_1802 = arith.constant 0 : i32
        scf.yield %while3A_1802 : i32
      }
      %while3A_1778 = arith.constant 1 : i32
      %while3A_1779 = scf.for %while3A_1781 = %while3A_1775 to %while3A_1771 step %while3A_1778 iter_args(%while3A_1782 = %while3A_1777) -> (i32)  : i32 {
        %mul3A_1783 = arith.constant 50 : i32
        %mul3A_1784 = arith.muli %scan3A_1763, %mul3A_1783 : i32
        %add3A_1785 = arith.addi %mul3A_1784, %while3A_1781 : i32
        %swap3A = arith.constant 1 : i32
        %swap3A_1786 = arith.index_cast %swap3A : i32 to index
        %swap3A_1787 = arith.index_cast %add3A_1785 : i32 to index
        %swap3A_1788 = arith.constant 0 : index
        %swap3A_1789 = tpu.vector_load %arg7[%swap3A_1786, %swap3A_1787, %swap3A_1788] {strides = array<i32>} : memref<4x800x32xf32, #tpu.memory_space<vmem>>, vector<1x1x16xf32>,
        %swap3A_1790 = vector.shape_cast %swap3A_1789 : vector<1x1x16xf32> to vector<16xf32>
        %swap3A_1791 = vector.shape_cast %broadcast_in_dim3A_5 : vector<16xf32> to vector<1x1x16xf32>
        tpu.vector_store %arg7[%swap3A_1786, %swap3A_1787, %swap3A_1788], %swap3A_1791 {strides = array<i32>} : memref<4x800x32xf32, #tpu.memory_space<vmem>>, vector<1x1x16xf32>,
        %mul3A_1792 = arith.constant 50 : i32
        %mul3A_1793 = arith.muli %scan3A_1763, %mul3A_1792 : i32
        %add3A_1794 = arith.addi %mul3A_1793, %while3A_1781 : i32
        %swap3A_1795 = arith.constant 1 : i32
        %swap3A_1796 = arith.index_cast %swap3A_1795 : i32 to index
        %swap3A_1797 = arith.index_cast %add3A_1794 : i32 to index
        %swap3A_1798 = arith.constant 16 : index
        %swap3A_1799 = tpu.vector_load %arg7[%swap3A_1796, %swap3A_1797, %swap3A_1798] {strides = array<i32>} : memref<4x800x32xf32, #tpu.memory_space<vmem>>, vector<1x1x16xf32>,
        %swap3A_1800 = vector.shape_cast %swap3A_1799 : vector<1x1x16xf32> to vector<16xf32>
        %swap3A_1801 = vector.shape_cast %broadcast_in_dim3A_5 : vector<16xf32> to vector<1x1x16xf32>
        tpu.vector_store %arg7[%swap3A_1796, %swap3A_1797, %swap3A_1798], %swap3A_1801 {strides = array<i32>} : memref<4x800x32xf32, #tpu.memory_space<vmem>>, vector<1x1x16xf32>,
        %while3A_1802 = arith.constant 0 : i32
        scf.yield %while3A_1802 : i32
      }
      %scan3A_1780 = arith.constant 0 : i32
      scf.yield %scan3A_1780 : i32
    }
    %scan3A_1214 = arith.constant 16 : i32
    %add3A_1215 = arith.constant 16800 : i32
    %add3A_1216 = arith.addi %mul3A_2, %add3A_1215 : i32
    %dma_start3A_1217 = arith.constant 1 : i32
    %dma_start3A_1218 = arith.constant 0 : i32
    %dma_start3A_1219 = arith.constant 0 : i32
    %dma_start3A_1220 = tpu.memref_slice %arg7[%dma_start3A_1217, %dma_start3A_1218, %dma_start3A_1219] : memref<4x800x32xf32, #tpu.memory_space<vmem>> -> memref<1x800x32xf32, #tpu.memory_space<vmem>>
    %dma_start3A_1221 = tpu.memref_squeeze %dma_start3A_1220 : memref<1x800x32xf32, #tpu.memory_space<vmem>> -> memref<800x32xf32, #tpu.memory_space<vmem>>
    %dma_start3A_1222 = arith.constant 0 : i32
    %dma_start3A_1223 = tpu.memref_slice %arg5[%add3A_1216, %dma_start3A_1222] : memref<819200x32xf32, #tpu.memory_space<hbm>> -> memref<800x32xf32, #tpu.memory_space<hbm>>
    %dma_start3A_1224 = arith.constant 0 : i32
    %dma_start3A_1225 = tpu.memref_slice %arg5[%add3A_1216, %dma_start3A_1224] : memref<819200x32xf32, #tpu.memory_space<hbm>> -> memref<800x32xf32, #tpu.memory_space<hbm>>
    %dma_start3A_1226 = arith.constant 0 : i32
    %dma_start3A_1227 = arith.constant 0 : i32
    %dma_start3A_1228 = tpu.memref_slice %arg7[%dma_start3A_1217, %dma_start3A_1226, %dma_start3A_1227] : memref<4x800x32xf32, #tpu.memory_space<vmem>> -> memref<1x800x32xf32, #tpu.memory_space<vmem>>
    %dma_start3A_1229 = tpu.memref_squeeze %dma_start3A_1228 : memref<1x800x32xf32, #tpu.memory_space<vmem>> -> memref<800x32xf32, #tpu.memory_space<vmem>>
    tpu.enqueue_dma source(%dma_start3A_1229 : memref<800x32xf32, #tpu.memory_space<vmem>>) target(%dma_start3A_1225 : memref<800x32xf32, #tpu.memory_space<hbm>>) target_semaphore(%arg14 : memref<!tpu.dma_semaphore, #tpu.memory_space<semaphore_mem>>)
    %dma_wait3A_1230 = arith.constant 1 : i32
    %dma_wait3A_1231 = arith.constant 0 : i32
    %dma_wait3A_1232 = arith.constant 0 : i32
    %dma_wait3A_1233 = tpu.memref_slice %arg7[%dma_wait3A_1230, %dma_wait3A_1231, %dma_wait3A_1232] : memref<4x800x32xf32, #tpu.memory_space<vmem>> -> memref<1x800x32xf32, #tpu.memory_space<vmem>>
    %dma_wait3A_1234 = tpu.memref_squeeze %dma_wait3A_1233 : memref<1x800x32xf32, #tpu.memory_space<vmem>> -> memref<800x32xf32, #tpu.memory_space<vmem>>
    %dma_wait3A_1235 = arith.constant 0 : i32
    %dma_wait3A_1236 = tpu.memref_slice %arg5[%add3A_1216, %dma_wait3A_1235] : memref<819200x32xf32, #tpu.memory_space<hbm>> -> memref<800x32xf32, #tpu.memory_space<hbm>>
    %dma_wait3A_1237 = arith.constant 0 : i32
    %dma_wait3A_1238 = tpu.memref_slice %arg5[%add3A_1216, %dma_wait3A_1237] : memref<819200x32xf32, #tpu.memory_space<hbm>> -> memref<800x32xf32, #tpu.memory_space<hbm>>
    %dma_wait3A_1239 = arith.constant 0 : i32
    %dma_wait3A_1240 = arith.constant 0 : i32
    %dma_wait3A_1241 = tpu.memref_slice %arg7[%dma_wait3A_1230, %dma_wait3A_1239, %dma_wait3A_1240] : memref<4x800x32xf32, #tpu.memory_space<vmem>> -> memref<1x800x32xf32, #tpu.memory_space<vmem>>
    %dma_wait3A_1242 = tpu.memref_squeeze %dma_wait3A_1241 : memref<1x800x32xf32, #tpu.memory_space<vmem>> -> memref<800x32xf32, #tpu.memory_space<vmem>>
    tpu.wait_dma2 semaphore(%arg14 : memref<!tpu.dma_semaphore, #tpu.memory_space<semaphore_mem>>) src(%dma_wait3A_1242 : memref<800x32xf32, #tpu.memory_space<vmem>>) dst(%dma_wait3A_1238 : memref<800x32xf32, #tpu.memory_space<hbm>>)
    %dma_start3A_1243 = arith.constant 1 : i32
    %dma_start3A_1244 = arith.constant 0 : i32
    %dma_start3A_1245 = arith.constant 0 : i32
    %dma_start3A_1246 = tpu.memref_slice %arg7[%dma_start3A_1243, %dma_start3A_1244, %dma_start3A_1245] : memref<4x800x32xf32, #tpu.memory_space<vmem>> -> memref<1x800x32xf32, #tpu.memory_space<vmem>>
    %dma_start3A_1247 = tpu.memref_squeeze %dma_start3A_1246 : memref<1x800x32xf32, #tpu.memory_space<vmem>> -> memref<800x32xf32, #tpu.memory_space<vmem>>
    %dma_start3A_1248 = arith.constant 20000 : i32
    %dma_start3A_1249 = tpu.memref_slice %arg6[%dma_start3A_1248] : memref<25600xi32, #tpu.memory_space<vmem>> -> memref<800xi32, #tpu.memory_space<vmem>>
    %dma_start3A_1250 = arith.constant 0 : i32
    %dma_start3A_1251 = arith.constant 0 : i32
    %dma_start3A_1252 = tpu.memref_slice %arg4[%dma_start3A_1250, %dma_start3A_1251] : memref<1000000x32xf32, #tpu.memory_space<hbm>> -> memref<1000000x32xf32, #tpu.memory_space<hbm>>
    tpu.enqueue_indirect_dma source(%dma_start3A_1252 : memref<1000000x32xf32, #tpu.memory_space<hbm>>) target(%dma_start3A_1247 : memref<800x32xf32, #tpu.memory_space<vmem>>) offsets(%dma_start3A_1249 : memref<800xi32, #tpu.memory_space<vmem>>) semaphore(%arg10 : memref<!tpu.dma_semaphore, #tpu.memory_space<semaphore_mem>>)
    %dma_wait3A_1253 = arith.constant 2 : i32
    %dma_wait3A_1254 = arith.constant 0 : i32
    %dma_wait3A_1255 = arith.constant 0 : i32
    %dma_wait3A_1256 = tpu.memref_slice %arg7[%dma_wait3A_1253, %dma_wait3A_1254, %dma_wait3A_1255] : memref<4x800x32xf32, #tpu.memory_space<vmem>> -> memref<1x800x32xf32, #tpu.memory_space<vmem>>
    %dma_wait3A_1257 = tpu.memref_squeeze %dma_wait3A_1256 : memref<1x800x32xf32, #tpu.memory_space<vmem>> -> memref<800x32xf32, #tpu.memory_space<vmem>>
    %dma_wait3A_1258 = arith.constant 17600 : i32
    %dma_wait3A_1259 = tpu.memref_slice %arg6[%dma_wait3A_1258] : memref<25600xi32, #tpu.memory_space<vmem>> -> memref<800xi32, #tpu.memory_space<vmem>>
    %dma_wait3A_1260 = arith.constant 0 : i32
    %dma_wait3A_1261 = arith.constant 0 : i32
    %dma_wait3A_1262 = tpu.memref_slice %arg4[%dma_wait3A_1260, %dma_wait3A_1261] : memref<1000000x32xf32, #tpu.memory_space<hbm>> -> memref<1000000x32xf32, #tpu.memory_space<hbm>>
    tpu.wait_indirect_dma semaphore(%arg11 : memref<!tpu.dma_semaphore, #tpu.memory_space<semaphore_mem>>) src(%dma_wait3A_1262 : memref<1000000x32xf32, #tpu.memory_space<hbm>>) dst(%dma_wait3A_1257 : memref<800x32xf32, #tpu.memory_space<vmem>>)
    %scan3A_1263 = arith.constant 0 : i32
    %scan3A_1264 = arith.constant 0 : i32
    %scan3A_1265 = arith.constant 16 : i32
    %scan3A_1266 = arith.addi %scan3A_1264, %scan3A_1265 : i32
    %scan3A_1267 = arith.constant 1 : i32
    %scan3A_1268 = scf.for %scan3A_1763 = %scan3A_1264 to %scan3A_1266 step %scan3A_1267 iter_args(%scan3A_1764 = %scan3A_1263) -> (i32)  : i32 {
      %add3A_1765 = arith.constant 352 : i32
      %add3A_1766 = arith.addi %add3A_1765, %scan3A_1763 : i32
      %get3A = arith.index_cast %add3A_1766 : i32 to index
      %get3A_1767 = tpu.vector_load %arg8[%get3A] {strides = array<i32>} : memref<528xi32, #tpu.memory_space<vmem>>, vector<16xi32>,
      %get3A_1768 = vector.shape_cast %get3A_1767 : vector<16xi32> to vector<16xi32>
      %slice3A = vector.extract_strided_slice %get3A_1768 {offsets = [0], sizes = [1], strides = [1]} : vector<16xi32> to vector<1xi32>
      %squeeze3A = vector.extract %slice3A[0] : i32 from vector<1xi32>
      %while3A = arith.constant 50 : i32
      %while3A_1769 = arith.constant 0 : i32
      %while3A_1770 = arith.subi %while3A, %squeeze3A : i32
      %while3A_1771 = arith.addi %squeeze3A, %while3A_1770 : i32
      %while3A_1772 = arith.constant 1 : i32
      %while3A_1773 = arith.divsi %while3A_1770, %while3A_1772 : i32
      %while3A_1774 = arith.muli %while3A_1773, %while3A_1772 : i32
      %while3A_1775 = arith.addi %squeeze3A, %while3A_1774 : i32
      %while3A_1776 = arith.constant 1 : i32
      %while3A_1777 = scf.for %while3A_1781 = %squeeze3A to %while3A_1775 step %while3A_1776 iter_args(%while3A_1782 = %while3A_1769) -> (i32)  : i32 {
        %mul3A_1783 = arith.constant 50 : i32
        %mul3A_1784 = arith.muli %scan3A_1763, %mul3A_1783 : i32
        %add3A_1785 = arith.addi %mul3A_1784, %while3A_1781 : i32
        %swap3A = arith.constant 2 : i32
        %swap3A_1786 = arith.index_cast %swap3A : i32 to index
        %swap3A_1787 = arith.index_cast %add3A_1785 : i32 to index
        %swap3A_1788 = arith.constant 0 : index
        %swap3A_1789 = tpu.vector_load %arg7[%swap3A_1786, %swap3A_1787, %swap3A_1788] {strides = array<i32>} : memref<4x800x32xf32, #tpu.memory_space<vmem>>, vector<1x1x16xf32>,
        %swap3A_1790 = vector.shape_cast %swap3A_1789 : vector<1x1x16xf32> to vector<16xf32>
        %swap3A_1791 = vector.shape_cast %broadcast_in_dim3A_5 : vector<16xf32> to vector<1x1x16xf32>
        tpu.vector_store %arg7[%swap3A_1786, %swap3A_1787, %swap3A_1788], %swap3A_1791 {strides = array<i32>} : memref<4x800x32xf32, #tpu.memory_space<vmem>>, vector<1x1x16xf32>,
        %mul3A_1792 = arith.constant 50 : i32
        %mul3A_1793 = arith.muli %scan3A_1763, %mul3A_1792 : i32
        %add3A_1794 = arith.addi %mul3A_1793, %while3A_1781 : i32
        %swap3A_1795 = arith.constant 2 : i32
        %swap3A_1796 = arith.index_cast %swap3A_1795 : i32 to index
        %swap3A_1797 = arith.index_cast %add3A_1794 : i32 to index
        %swap3A_1798 = arith.constant 16 : index
        %swap3A_1799 = tpu.vector_load %arg7[%swap3A_1796, %swap3A_1797, %swap3A_1798] {strides = array<i32>} : memref<4x800x32xf32, #tpu.memory_space<vmem>>, vector<1x1x16xf32>,
        %swap3A_1800 = vector.shape_cast %swap3A_1799 : vector<1x1x16xf32> to vector<16xf32>
        %swap3A_1801 = vector.shape_cast %broadcast_in_dim3A_5 : vector<16xf32> to vector<1x1x16xf32>
        tpu.vector_store %arg7[%swap3A_1796, %swap3A_1797, %swap3A_1798], %swap3A_1801 {strides = array<i32>} : memref<4x800x32xf32, #tpu.memory_space<vmem>>, vector<1x1x16xf32>,
        %while3A_1802 = arith.constant 0 : i32
        scf.yield %while3A_1802 : i32
      }
      %while3A_1778 = arith.constant 1 : i32
      %while3A_1779 = scf.for %while3A_1781 = %while3A_1775 to %while3A_1771 step %while3A_1778 iter_args(%while3A_1782 = %while3A_1777) -> (i32)  : i32 {
        %mul3A_1783 = arith.constant 50 : i32
        %mul3A_1784 = arith.muli %scan3A_1763, %mul3A_1783 : i32
        %add3A_1785 = arith.addi %mul3A_1784, %while3A_1781 : i32
        %swap3A = arith.constant 2 : i32
        %swap3A_1786 = arith.index_cast %swap3A : i32 to index
        %swap3A_1787 = arith.index_cast %add3A_1785 : i32 to index
        %swap3A_1788 = arith.constant 0 : index
        %swap3A_1789 = tpu.vector_load %arg7[%swap3A_1786, %swap3A_1787, %swap3A_1788] {strides = array<i32>} : memref<4x800x32xf32, #tpu.memory_space<vmem>>, vector<1x1x16xf32>,
        %swap3A_1790 = vector.shape_cast %swap3A_1789 : vector<1x1x16xf32> to vector<16xf32>
        %swap3A_1791 = vector.shape_cast %broadcast_in_dim3A_5 : vector<16xf32> to vector<1x1x16xf32>
        tpu.vector_store %arg7[%swap3A_1786, %swap3A_1787, %swap3A_1788], %swap3A_1791 {strides = array<i32>} : memref<4x800x32xf32, #tpu.memory_space<vmem>>, vector<1x1x16xf32>,
        %mul3A_1792 = arith.constant 50 : i32
        %mul3A_1793 = arith.muli %scan3A_1763, %mul3A_1792 : i32
        %add3A_1794 = arith.addi %mul3A_1793, %while3A_1781 : i32
        %swap3A_1795 = arith.constant 2 : i32
        %swap3A_1796 = arith.index_cast %swap3A_1795 : i32 to index
        %swap3A_1797 = arith.index_cast %add3A_1794 : i32 to index
        %swap3A_1798 = arith.constant 16 : index
        %swap3A_1799 = tpu.vector_load %arg7[%swap3A_1796, %swap3A_1797, %swap3A_1798] {strides = array<i32>} : memref<4x800x32xf32, #tpu.memory_space<vmem>>, vector<1x1x16xf32>,
        %swap3A_1800 = vector.shape_cast %swap3A_1799 : vector<1x1x16xf32> to vector<16xf32>
        %swap3A_1801 = vector.shape_cast %broadcast_in_dim3A_5 : vector<16xf32> to vector<1x1x16xf32>
        tpu.vector_store %arg7[%swap3A_1796, %swap3A_1797, %swap3A_1798], %swap3A_1801 {strides = array<i32>} : memref<4x800x32xf32, #tpu.memory_space<vmem>>, vector<1x1x16xf32>,
        %while3A_1802 = arith.constant 0 : i32
        scf.yield %while3A_1802 : i32
      }
      %scan3A_1780 = arith.constant 0 : i32
      scf.yield %scan3A_1780 : i32
    }
    %scan3A_1269 = arith.constant 16 : i32
    %add3A_1270 = arith.constant 17600 : i32
    %add3A_1271 = arith.addi %mul3A_2, %add3A_1270 : i32
    %dma_start3A_1272 = arith.constant 2 : i32
    %dma_start3A_1273 = arith.constant 0 : i32
    %dma_start3A_1274 = arith.constant 0 : i32
    %dma_start3A_1275 = tpu.memref_slice %arg7[%dma_start3A_1272, %dma_start3A_1273, %dma_start3A_1274] : memref<4x800x32xf32, #tpu.memory_space<vmem>> -> memref<1x800x32xf32, #tpu.memory_space<vmem>>
    %dma_start3A_1276 = tpu.memref_squeeze %dma_start3A_1275 : memref<1x800x32xf32, #tpu.memory_space<vmem>> -> memref<800x32xf32, #tpu.memory_space<vmem>>
    %dma_start3A_1277 = arith.constant 0 : i32
    %dma_start3A_1278 = tpu.memref_slice %arg5[%add3A_1271, %dma_start3A_1277] : memref<819200x32xf32, #tpu.memory_space<hbm>> -> memref<800x32xf32, #tpu.memory_space<hbm>>
    %dma_start3A_1279 = arith.constant 0 : i32
    %dma_start3A_1280 = tpu.memref_slice %arg5[%add3A_1271, %dma_start3A_1279] : memref<819200x32xf32, #tpu.memory_space<hbm>> -> memref<800x32xf32, #tpu.memory_space<hbm>>
    %dma_start3A_1281 = arith.constant 0 : i32
    %dma_start3A_1282 = arith.constant 0 : i32
    %dma_start3A_1283 = tpu.memref_slice %arg7[%dma_start3A_1272, %dma_start3A_1281, %dma_start3A_1282] : memref<4x800x32xf32, #tpu.memory_space<vmem>> -> memref<1x800x32xf32, #tpu.memory_space<vmem>>
    %dma_start3A_1284 = tpu.memref_squeeze %dma_start3A_1283 : memref<1x800x32xf32, #tpu.memory_space<vmem>> -> memref<800x32xf32, #tpu.memory_space<vmem>>
    tpu.enqueue_dma source(%dma_start3A_1284 : memref<800x32xf32, #tpu.memory_space<vmem>>) target(%dma_start3A_1280 : memref<800x32xf32, #tpu.memory_space<hbm>>) target_semaphore(%arg15 : memref<!tpu.dma_semaphore, #tpu.memory_space<semaphore_mem>>)
    %dma_wait3A_1285 = arith.constant 2 : i32
    %dma_wait3A_1286 = arith.constant 0 : i32
    %dma_wait3A_1287 = arith.constant 0 : i32
    %dma_wait3A_1288 = tpu.memref_slice %arg7[%dma_wait3A_1285, %dma_wait3A_1286, %dma_wait3A_1287] : memref<4x800x32xf32, #tpu.memory_space<vmem>> -> memref<1x800x32xf32, #tpu.memory_space<vmem>>
    %dma_wait3A_1289 = tpu.memref_squeeze %dma_wait3A_1288 : memref<1x800x32xf32, #tpu.memory_space<vmem>> -> memref<800x32xf32, #tpu.memory_space<vmem>>
    %dma_wait3A_1290 = arith.constant 0 : i32
    %dma_wait3A_1291 = tpu.memref_slice %arg5[%add3A_1271, %dma_wait3A_1290] : memref<819200x32xf32, #tpu.memory_space<hbm>> -> memref<800x32xf32, #tpu.memory_space<hbm>>
    %dma_wait3A_1292 = arith.constant 0 : i32
    %dma_wait3A_1293 = tpu.memref_slice %arg5[%add3A_1271, %dma_wait3A_1292] : memref<819200x32xf32, #tpu.memory_space<hbm>> -> memref<800x32xf32, #tpu.memory_space<hbm>>
    %dma_wait3A_1294 = arith.constant 0 : i32
    %dma_wait3A_1295 = arith.constant 0 : i32
    %dma_wait3A_1296 = tpu.memref_slice %arg7[%dma_wait3A_1285, %dma_wait3A_1294, %dma_wait3A_1295] : memref<4x800x32xf32, #tpu.memory_space<vmem>> -> memref<1x800x32xf32, #tpu.memory_space<vmem>>
    %dma_wait3A_1297 = tpu.memref_squeeze %dma_wait3A_1296 : memref<1x800x32xf32, #tpu.memory_space<vmem>> -> memref<800x32xf32, #tpu.memory_space<vmem>>
    tpu.wait_dma2 semaphore(%arg15 : memref<!tpu.dma_semaphore, #tpu.memory_space<semaphore_mem>>) src(%dma_wait3A_1297 : memref<800x32xf32, #tpu.memory_space<vmem>>) dst(%dma_wait3A_1293 : memref<800x32xf32, #tpu.memory_space<hbm>>)
    %dma_start3A_1298 = arith.constant 2 : i32
    %dma_start3A_1299 = arith.constant 0 : i32
    %dma_start3A_1300 = arith.constant 0 : i32
    %dma_start3A_1301 = tpu.memref_slice %arg7[%dma_start3A_1298, %dma_start3A_1299, %dma_start3A_1300] : memref<4x800x32xf32, #tpu.memory_space<vmem>> -> memref<1x800x32xf32, #tpu.memory_space<vmem>>
    %dma_start3A_1302 = tpu.memref_squeeze %dma_start3A_1301 : memref<1x800x32xf32, #tpu.memory_space<vmem>> -> memref<800x32xf32, #tpu.memory_space<vmem>>
    %dma_start3A_1303 = arith.constant 20800 : i32
    %dma_start3A_1304 = tpu.memref_slice %arg6[%dma_start3A_1303] : memref<25600xi32, #tpu.memory_space<vmem>> -> memref<800xi32, #tpu.memory_space<vmem>>
    %dma_start3A_1305 = arith.constant 0 : i32
    %dma_start3A_1306 = arith.constant 0 : i32
    %dma_start3A_1307 = tpu.memref_slice %arg4[%dma_start3A_1305, %dma_start3A_1306] : memref<1000000x32xf32, #tpu.memory_space<hbm>> -> memref<1000000x32xf32, #tpu.memory_space<hbm>>
    tpu.enqueue_indirect_dma source(%dma_start3A_1307 : memref<1000000x32xf32, #tpu.memory_space<hbm>>) target(%dma_start3A_1302 : memref<800x32xf32, #tpu.memory_space<vmem>>) offsets(%dma_start3A_1304 : memref<800xi32, #tpu.memory_space<vmem>>) semaphore(%arg11 : memref<!tpu.dma_semaphore, #tpu.memory_space<semaphore_mem>>)
    %dma_wait3A_1308 = arith.constant 3 : i32
    %dma_wait3A_1309 = arith.constant 0 : i32
    %dma_wait3A_1310 = arith.constant 0 : i32
    %dma_wait3A_1311 = tpu.memref_slice %arg7[%dma_wait3A_1308, %dma_wait3A_1309, %dma_wait3A_1310] : memref<4x800x32xf32, #tpu.memory_space<vmem>> -> memref<1x800x32xf32, #tpu.memory_space<vmem>>
    %dma_wait3A_1312 = tpu.memref_squeeze %dma_wait3A_1311 : memref<1x800x32xf32, #tpu.memory_space<vmem>> -> memref<800x32xf32, #tpu.memory_space<vmem>>
    %dma_wait3A_1313 = arith.constant 18400 : i32
    %dma_wait3A_1314 = tpu.memref_slice %arg6[%dma_wait3A_1313] : memref<25600xi32, #tpu.memory_space<vmem>> -> memref<800xi32, #tpu.memory_space<vmem>>
    %dma_wait3A_1315 = arith.constant 0 : i32
    %dma_wait3A_1316 = arith.constant 0 : i32
    %dma_wait3A_1317 = tpu.memref_slice %arg4[%dma_wait3A_1315, %dma_wait3A_1316] : memref<1000000x32xf32, #tpu.memory_space<hbm>> -> memref<1000000x32xf32, #tpu.memory_space<hbm>>
    tpu.wait_indirect_dma semaphore(%arg12 : memref<!tpu.dma_semaphore, #tpu.memory_space<semaphore_mem>>) src(%dma_wait3A_1317 : memref<1000000x32xf32, #tpu.memory_space<hbm>>) dst(%dma_wait3A_1312 : memref<800x32xf32, #tpu.memory_space<vmem>>)
    %scan3A_1318 = arith.constant 0 : i32
    %scan3A_1319 = arith.constant 0 : i32
    %scan3A_1320 = arith.constant 16 : i32
    %scan3A_1321 = arith.addi %scan3A_1319, %scan3A_1320 : i32
    %scan3A_1322 = arith.constant 1 : i32
    %scan3A_1323 = scf.for %scan3A_1763 = %scan3A_1319 to %scan3A_1321 step %scan3A_1322 iter_args(%scan3A_1764 = %scan3A_1318) -> (i32)  : i32 {
      %add3A_1765 = arith.constant 368 : i32
      %add3A_1766 = arith.addi %add3A_1765, %scan3A_1763 : i32
      %get3A = arith.index_cast %add3A_1766 : i32 to index
      %get3A_1767 = tpu.vector_load %arg8[%get3A] {strides = array<i32>} : memref<528xi32, #tpu.memory_space<vmem>>, vector<16xi32>,
      %get3A_1768 = vector.shape_cast %get3A_1767 : vector<16xi32> to vector<16xi32>
      %slice3A = vector.extract_strided_slice %get3A_1768 {offsets = [0], sizes = [1], strides = [1]} : vector<16xi32> to vector<1xi32>
      %squeeze3A = vector.extract %slice3A[0] : i32 from vector<1xi32>
      %while3A = arith.constant 50 : i32
      %while3A_1769 = arith.constant 0 : i32
      %while3A_1770 = arith.subi %while3A, %squeeze3A : i32
      %while3A_1771 = arith.addi %squeeze3A, %while3A_1770 : i32
      %while3A_1772 = arith.constant 1 : i32
      %while3A_1773 = arith.divsi %while3A_1770, %while3A_1772 : i32
      %while3A_1774 = arith.muli %while3A_1773, %while3A_1772 : i32
      %while3A_1775 = arith.addi %squeeze3A, %while3A_1774 : i32
      %while3A_1776 = arith.constant 1 : i32
      %while3A_1777 = scf.for %while3A_1781 = %squeeze3A to %while3A_1775 step %while3A_1776 iter_args(%while3A_1782 = %while3A_1769) -> (i32)  : i32 {
        %mul3A_1783 = arith.constant 50 : i32
        %mul3A_1784 = arith.muli %scan3A_1763, %mul3A_1783 : i32
        %add3A_1785 = arith.addi %mul3A_1784, %while3A_1781 : i32
        %swap3A = arith.constant 3 : i32
        %swap3A_1786 = arith.index_cast %swap3A : i32 to index
        %swap3A_1787 = arith.index_cast %add3A_1785 : i32 to index
        %swap3A_1788 = arith.constant 0 : index
        %swap3A_1789 = tpu.vector_load %arg7[%swap3A_1786, %swap3A_1787, %swap3A_1788] {strides = array<i32>} : memref<4x800x32xf32, #tpu.memory_space<vmem>>, vector<1x1x16xf32>,
        %swap3A_1790 = vector.shape_cast %swap3A_1789 : vector<1x1x16xf32> to vector<16xf32>
        %swap3A_1791 = vector.shape_cast %broadcast_in_dim3A_5 : vector<16xf32> to vector<1x1x16xf32>
        tpu.vector_store %arg7[%swap3A_1786, %swap3A_1787, %swap3A_1788], %swap3A_1791 {strides = array<i32>} : memref<4x800x32xf32, #tpu.memory_space<vmem>>, vector<1x1x16xf32>,
        %mul3A_1792 = arith.constant 50 : i32
        %mul3A_1793 = arith.muli %scan3A_1763, %mul3A_1792 : i32
        %add3A_1794 = arith.addi %mul3A_1793, %while3A_1781 : i32
        %swap3A_1795 = arith.constant 3 : i32
        %swap3A_1796 = arith.index_cast %swap3A_1795 : i32 to index
        %swap3A_1797 = arith.index_cast %add3A_1794 : i32 to index
        %swap3A_1798 = arith.constant 16 : index
        %swap3A_1799 = tpu.vector_load %arg7[%swap3A_1796, %swap3A_1797, %swap3A_1798] {strides = array<i32>} : memref<4x800x32xf32, #tpu.memory_space<vmem>>, vector<1x1x16xf32>,
        %swap3A_1800 = vector.shape_cast %swap3A_1799 : vector<1x1x16xf32> to vector<16xf32>
        %swap3A_1801 = vector.shape_cast %broadcast_in_dim3A_5 : vector<16xf32> to vector<1x1x16xf32>
        tpu.vector_store %arg7[%swap3A_1796, %swap3A_1797, %swap3A_1798], %swap3A_1801 {strides = array<i32>} : memref<4x800x32xf32, #tpu.memory_space<vmem>>, vector<1x1x16xf32>,
        %while3A_1802 = arith.constant 0 : i32
        scf.yield %while3A_1802 : i32
      }
      %while3A_1778 = arith.constant 1 : i32
      %while3A_1779 = scf.for %while3A_1781 = %while3A_1775 to %while3A_1771 step %while3A_1778 iter_args(%while3A_1782 = %while3A_1777) -> (i32)  : i32 {
        %mul3A_1783 = arith.constant 50 : i32
        %mul3A_1784 = arith.muli %scan3A_1763, %mul3A_1783 : i32
        %add3A_1785 = arith.addi %mul3A_1784, %while3A_1781 : i32
        %swap3A = arith.constant 3 : i32
        %swap3A_1786 = arith.index_cast %swap3A : i32 to index
        %swap3A_1787 = arith.index_cast %add3A_1785 : i32 to index
        %swap3A_1788 = arith.constant 0 : index
        %swap3A_1789 = tpu.vector_load %arg7[%swap3A_1786, %swap3A_1787, %swap3A_1788] {strides = array<i32>} : memref<4x800x32xf32, #tpu.memory_space<vmem>>, vector<1x1x16xf32>,
        %swap3A_1790 = vector.shape_cast %swap3A_1789 : vector<1x1x16xf32> to vector<16xf32>
        %swap3A_1791 = vector.shape_cast %broadcast_in_dim3A_5 : vector<16xf32> to vector<1x1x16xf32>
        tpu.vector_store %arg7[%swap3A_1786, %swap3A_1787, %swap3A_1788], %swap3A_1791 {strides = array<i32>} : memref<4x800x32xf32, #tpu.memory_space<vmem>>, vector<1x1x16xf32>,
        %mul3A_1792 = arith.constant 50 : i32
        %mul3A_1793 = arith.muli %scan3A_1763, %mul3A_1792 : i32
        %add3A_1794 = arith.addi %mul3A_1793, %while3A_1781 : i32
        %swap3A_1795 = arith.constant 3 : i32
        %swap3A_1796 = arith.index_cast %swap3A_1795 : i32 to index
        %swap3A_1797 = arith.index_cast %add3A_1794 : i32 to index
        %swap3A_1798 = arith.constant 16 : index
        %swap3A_1799 = tpu.vector_load %arg7[%swap3A_1796, %swap3A_1797, %swap3A_1798] {strides = array<i32>} : memref<4x800x32xf32, #tpu.memory_space<vmem>>, vector<1x1x16xf32>,
        %swap3A_1800 = vector.shape_cast %swap3A_1799 : vector<1x1x16xf32> to vector<16xf32>
        %swap3A_1801 = vector.shape_cast %broadcast_in_dim3A_5 : vector<16xf32> to vector<1x1x16xf32>
        tpu.vector_store %arg7[%swap3A_1796, %swap3A_1797, %swap3A_1798], %swap3A_1801 {strides = array<i32>} : memref<4x800x32xf32, #tpu.memory_space<vmem>>, vector<1x1x16xf32>,
        %while3A_1802 = arith.constant 0 : i32
        scf.yield %while3A_1802 : i32
      }
      %scan3A_1780 = arith.constant 0 : i32
      scf.yield %scan3A_1780 : i32
    }
    %scan3A_1324 = arith.constant 16 : i32
    %add3A_1325 = arith.constant 18400 : i32
    %add3A_1326 = arith.addi %mul3A_2, %add3A_1325 : i32
    %dma_start3A_1327 = arith.constant 3 : i32
    %dma_start3A_1328 = arith.constant 0 : i32
    %dma_start3A_1329 = arith.constant 0 : i32
    %dma_start3A_1330 = tpu.memref_slice %arg7[%dma_start3A_1327, %dma_start3A_1328, %dma_start3A_1329] : memref<4x800x32xf32, #tpu.memory_space<vmem>> -> memref<1x800x32xf32, #tpu.memory_space<vmem>>
    %dma_start3A_1331 = tpu.memref_squeeze %dma_start3A_1330 : memref<1x800x32xf32, #tpu.memory_space<vmem>> -> memref<800x32xf32, #tpu.memory_space<vmem>>
    %dma_start3A_1332 = arith.constant 0 : i32
    %dma_start3A_1333 = tpu.memref_slice %arg5[%add3A_1326, %dma_start3A_1332] : memref<819200x32xf32, #tpu.memory_space<hbm>> -> memref<800x32xf32, #tpu.memory_space<hbm>>
    %dma_start3A_1334 = arith.constant 0 : i32
    %dma_start3A_1335 = tpu.memref_slice %arg5[%add3A_1326, %dma_start3A_1334] : memref<819200x32xf32, #tpu.memory_space<hbm>> -> memref<800x32xf32, #tpu.memory_space<hbm>>
    %dma_start3A_1336 = arith.constant 0 : i32
    %dma_start3A_1337 = arith.constant 0 : i32
    %dma_start3A_1338 = tpu.memref_slice %arg7[%dma_start3A_1327, %dma_start3A_1336, %dma_start3A_1337] : memref<4x800x32xf32, #tpu.memory_space<vmem>> -> memref<1x800x32xf32, #tpu.memory_space<vmem>>
    %dma_start3A_1339 = tpu.memref_squeeze %dma_start3A_1338 : memref<1x800x32xf32, #tpu.memory_space<vmem>> -> memref<800x32xf32, #tpu.memory_space<vmem>>
    tpu.enqueue_dma source(%dma_start3A_1339 : memref<800x32xf32, #tpu.memory_space<vmem>>) target(%dma_start3A_1335 : memref<800x32xf32, #tpu.memory_space<hbm>>) target_semaphore(%arg16 : memref<!tpu.dma_semaphore, #tpu.memory_space<semaphore_mem>>)
    %dma_wait3A_1340 = arith.constant 3 : i32
    %dma_wait3A_1341 = arith.constant 0 : i32
    %dma_wait3A_1342 = arith.constant 0 : i32
    %dma_wait3A_1343 = tpu.memref_slice %arg7[%dma_wait3A_1340, %dma_wait3A_1341, %dma_wait3A_1342] : memref<4x800x32xf32, #tpu.memory_space<vmem>> -> memref<1x800x32xf32, #tpu.memory_space<vmem>>
    %dma_wait3A_1344 = tpu.memref_squeeze %dma_wait3A_1343 : memref<1x800x32xf32, #tpu.memory_space<vmem>> -> memref<800x32xf32, #tpu.memory_space<vmem>>
    %dma_wait3A_1345 = arith.constant 0 : i32
    %dma_wait3A_1346 = tpu.memref_slice %arg5[%add3A_1326, %dma_wait3A_1345] : memref<819200x32xf32, #tpu.memory_space<hbm>> -> memref<800x32xf32, #tpu.memory_space<hbm>>
    %dma_wait3A_1347 = arith.constant 0 : i32
    %dma_wait3A_1348 = tpu.memref_slice %arg5[%add3A_1326, %dma_wait3A_1347] : memref<819200x32xf32, #tpu.memory_space<hbm>> -> memref<800x32xf32, #tpu.memory_space<hbm>>
    %dma_wait3A_1349 = arith.constant 0 : i32
    %dma_wait3A_1350 = arith.constant 0 : i32
    %dma_wait3A_1351 = tpu.memref_slice %arg7[%dma_wait3A_1340, %dma_wait3A_1349, %dma_wait3A_1350] : memref<4x800x32xf32, #tpu.memory_space<vmem>> -> memref<1x800x32xf32, #tpu.memory_space<vmem>>
    %dma_wait3A_1352 = tpu.memref_squeeze %dma_wait3A_1351 : memref<1x800x32xf32, #tpu.memory_space<vmem>> -> memref<800x32xf32, #tpu.memory_space<vmem>>
    tpu.wait_dma2 semaphore(%arg16 : memref<!tpu.dma_semaphore, #tpu.memory_space<semaphore_mem>>) src(%dma_wait3A_1352 : memref<800x32xf32, #tpu.memory_space<vmem>>) dst(%dma_wait3A_1348 : memref<800x32xf32, #tpu.memory_space<hbm>>)
    %dma_start3A_1353 = arith.constant 3 : i32
    %dma_start3A_1354 = arith.constant 0 : i32
    %dma_start3A_1355 = arith.constant 0 : i32
    %dma_start3A_1356 = tpu.memref_slice %arg7[%dma_start3A_1353, %dma_start3A_1354, %dma_start3A_1355] : memref<4x800x32xf32, #tpu.memory_space<vmem>> -> memref<1x800x32xf32, #tpu.memory_space<vmem>>
    %dma_start3A_1357 = tpu.memref_squeeze %dma_start3A_1356 : memref<1x800x32xf32, #tpu.memory_space<vmem>> -> memref<800x32xf32, #tpu.memory_space<vmem>>
    %dma_start3A_1358 = arith.constant 21600 : i32
    %dma_start3A_1359 = tpu.memref_slice %arg6[%dma_start3A_1358] : memref<25600xi32, #tpu.memory_space<vmem>> -> memref<800xi32, #tpu.memory_space<vmem>>
    %dma_start3A_1360 = arith.constant 0 : i32
    %dma_start3A_1361 = arith.constant 0 : i32
    %dma_start3A_1362 = tpu.memref_slice %arg4[%dma_start3A_1360, %dma_start3A_1361] : memref<1000000x32xf32, #tpu.memory_space<hbm>> -> memref<1000000x32xf32, #tpu.memory_space<hbm>>
    tpu.enqueue_indirect_dma source(%dma_start3A_1362 : memref<1000000x32xf32, #tpu.memory_space<hbm>>) target(%dma_start3A_1357 : memref<800x32xf32, #tpu.memory_space<vmem>>) offsets(%dma_start3A_1359 : memref<800xi32, #tpu.memory_space<vmem>>) semaphore(%arg12 : memref<!tpu.dma_semaphore, #tpu.memory_space<semaphore_mem>>)
    %dma_wait3A_1363 = arith.constant 0 : i32
    %dma_wait3A_1364 = arith.constant 0 : i32
    %dma_wait3A_1365 = arith.constant 0 : i32
    %dma_wait3A_1366 = tpu.memref_slice %arg7[%dma_wait3A_1363, %dma_wait3A_1364, %dma_wait3A_1365] : memref<4x800x32xf32, #tpu.memory_space<vmem>> -> memref<1x800x32xf32, #tpu.memory_space<vmem>>
    %dma_wait3A_1367 = tpu.memref_squeeze %dma_wait3A_1366 : memref<1x800x32xf32, #tpu.memory_space<vmem>> -> memref<800x32xf32, #tpu.memory_space<vmem>>
    %dma_wait3A_1368 = arith.constant 19200 : i32
    %dma_wait3A_1369 = tpu.memref_slice %arg6[%dma_wait3A_1368] : memref<25600xi32, #tpu.memory_space<vmem>> -> memref<800xi32, #tpu.memory_space<vmem>>
    %dma_wait3A_1370 = arith.constant 0 : i32
    %dma_wait3A_1371 = arith.constant 0 : i32
    %dma_wait3A_1372 = tpu.memref_slice %arg4[%dma_wait3A_1370, %dma_wait3A_1371] : memref<1000000x32xf32, #tpu.memory_space<hbm>> -> memref<1000000x32xf32, #tpu.memory_space<hbm>>
    tpu.wait_indirect_dma semaphore(%arg9 : memref<!tpu.dma_semaphore, #tpu.memory_space<semaphore_mem>>) src(%dma_wait3A_1372 : memref<1000000x32xf32, #tpu.memory_space<hbm>>) dst(%dma_wait3A_1367 : memref<800x32xf32, #tpu.memory_space<vmem>>)
    %scan3A_1373 = arith.constant 0 : i32
    %scan3A_1374 = arith.constant 0 : i32
    %scan3A_1375 = arith.constant 16 : i32
    %scan3A_1376 = arith.addi %scan3A_1374, %scan3A_1375 : i32
    %scan3A_1377 = arith.constant 1 : i32
    %scan3A_1378 = scf.for %scan3A_1763 = %scan3A_1374 to %scan3A_1376 step %scan3A_1377 iter_args(%scan3A_1764 = %scan3A_1373) -> (i32)  : i32 {
      %add3A_1765 = arith.constant 384 : i32
      %add3A_1766 = arith.addi %add3A_1765, %scan3A_1763 : i32
      %get3A = arith.index_cast %add3A_1766 : i32 to index
      %get3A_1767 = tpu.vector_load %arg8[%get3A] {strides = array<i32>} : memref<528xi32, #tpu.memory_space<vmem>>, vector<16xi32>,
      %get3A_1768 = vector.shape_cast %get3A_1767 : vector<16xi32> to vector<16xi32>
      %slice3A = vector.extract_strided_slice %get3A_1768 {offsets = [0], sizes = [1], strides = [1]} : vector<16xi32> to vector<1xi32>
      %squeeze3A = vector.extract %slice3A[0] : i32 from vector<1xi32>
      %while3A = arith.constant 50 : i32
      %while3A_1769 = arith.constant 0 : i32
      %while3A_1770 = arith.subi %while3A, %squeeze3A : i32
      %while3A_1771 = arith.addi %squeeze3A, %while3A_1770 : i32
      %while3A_1772 = arith.constant 1 : i32
      %while3A_1773 = arith.divsi %while3A_1770, %while3A_1772 : i32
      %while3A_1774 = arith.muli %while3A_1773, %while3A_1772 : i32
      %while3A_1775 = arith.addi %squeeze3A, %while3A_1774 : i32
      %while3A_1776 = arith.constant 1 : i32
      %while3A_1777 = scf.for %while3A_1781 = %squeeze3A to %while3A_1775 step %while3A_1776 iter_args(%while3A_1782 = %while3A_1769) -> (i32)  : i32 {
        %mul3A_1783 = arith.constant 50 : i32
        %mul3A_1784 = arith.muli %scan3A_1763, %mul3A_1783 : i32
        %add3A_1785 = arith.addi %mul3A_1784, %while3A_1781 : i32
        %swap3A = arith.constant 0 : i32
        %swap3A_1786 = arith.index_cast %swap3A : i32 to index
        %swap3A_1787 = arith.index_cast %add3A_1785 : i32 to index
        %swap3A_1788 = arith.constant 0 : index
        %swap3A_1789 = tpu.vector_load %arg7[%swap3A_1786, %swap3A_1787, %swap3A_1788] {strides = array<i32>} : memref<4x800x32xf32, #tpu.memory_space<vmem>>, vector<1x1x16xf32>,
        %swap3A_1790 = vector.shape_cast %swap3A_1789 : vector<1x1x16xf32> to vector<16xf32>
        %swap3A_1791 = vector.shape_cast %broadcast_in_dim3A_5 : vector<16xf32> to vector<1x1x16xf32>
        tpu.vector_store %arg7[%swap3A_1786, %swap3A_1787, %swap3A_1788], %swap3A_1791 {strides = array<i32>} : memref<4x800x32xf32, #tpu.memory_space<vmem>>, vector<1x1x16xf32>,
        %mul3A_1792 = arith.constant 50 : i32
        %mul3A_1793 = arith.muli %scan3A_1763, %mul3A_1792 : i32
        %add3A_1794 = arith.addi %mul3A_1793, %while3A_1781 : i32
        %swap3A_1795 = arith.constant 0 : i32
        %swap3A_1796 = arith.index_cast %swap3A_1795 : i32 to index
        %swap3A_1797 = arith.index_cast %add3A_1794 : i32 to index
        %swap3A_1798 = arith.constant 16 : index
        %swap3A_1799 = tpu.vector_load %arg7[%swap3A_1796, %swap3A_1797, %swap3A_1798] {strides = array<i32>} : memref<4x800x32xf32, #tpu.memory_space<vmem>>, vector<1x1x16xf32>,
        %swap3A_1800 = vector.shape_cast %swap3A_1799 : vector<1x1x16xf32> to vector<16xf32>
        %swap3A_1801 = vector.shape_cast %broadcast_in_dim3A_5 : vector<16xf32> to vector<1x1x16xf32>
        tpu.vector_store %arg7[%swap3A_1796, %swap3A_1797, %swap3A_1798], %swap3A_1801 {strides = array<i32>} : memref<4x800x32xf32, #tpu.memory_space<vmem>>, vector<1x1x16xf32>,
        %while3A_1802 = arith.constant 0 : i32
        scf.yield %while3A_1802 : i32
      }
      %while3A_1778 = arith.constant 1 : i32
      %while3A_1779 = scf.for %while3A_1781 = %while3A_1775 to %while3A_1771 step %while3A_1778 iter_args(%while3A_1782 = %while3A_1777) -> (i32)  : i32 {
        %mul3A_1783 = arith.constant 50 : i32
        %mul3A_1784 = arith.muli %scan3A_1763, %mul3A_1783 : i32
        %add3A_1785 = arith.addi %mul3A_1784, %while3A_1781 : i32
        %swap3A = arith.constant 0 : i32
        %swap3A_1786 = arith.index_cast %swap3A : i32 to index
        %swap3A_1787 = arith.index_cast %add3A_1785 : i32 to index
        %swap3A_1788 = arith.constant 0 : index
        %swap3A_1789 = tpu.vector_load %arg7[%swap3A_1786, %swap3A_1787, %swap3A_1788] {strides = array<i32>} : memref<4x800x32xf32, #tpu.memory_space<vmem>>, vector<1x1x16xf32>,
        %swap3A_1790 = vector.shape_cast %swap3A_1789 : vector<1x1x16xf32> to vector<16xf32>
        %swap3A_1791 = vector.shape_cast %broadcast_in_dim3A_5 : vector<16xf32> to vector<1x1x16xf32>
        tpu.vector_store %arg7[%swap3A_1786, %swap3A_1787, %swap3A_1788], %swap3A_1791 {strides = array<i32>} : memref<4x800x32xf32, #tpu.memory_space<vmem>>, vector<1x1x16xf32>,
        %mul3A_1792 = arith.constant 50 : i32
        %mul3A_1793 = arith.muli %scan3A_1763, %mul3A_1792 : i32
        %add3A_1794 = arith.addi %mul3A_1793, %while3A_1781 : i32
        %swap3A_1795 = arith.constant 0 : i32
        %swap3A_1796 = arith.index_cast %swap3A_1795 : i32 to index
        %swap3A_1797 = arith.index_cast %add3A_1794 : i32 to index
        %swap3A_1798 = arith.constant 16 : index
        %swap3A_1799 = tpu.vector_load %arg7[%swap3A_1796, %swap3A_1797, %swap3A_1798] {strides = array<i32>} : memref<4x800x32xf32, #tpu.memory_space<vmem>>, vector<1x1x16xf32>,
        %swap3A_1800 = vector.shape_cast %swap3A_1799 : vector<1x1x16xf32> to vector<16xf32>
        %swap3A_1801 = vector.shape_cast %broadcast_in_dim3A_5 : vector<16xf32> to vector<1x1x16xf32>
        tpu.vector_store %arg7[%swap3A_1796, %swap3A_1797, %swap3A_1798], %swap3A_1801 {strides = array<i32>} : memref<4x800x32xf32, #tpu.memory_space<vmem>>, vector<1x1x16xf32>,
        %while3A_1802 = arith.constant 0 : i32
        scf.yield %while3A_1802 : i32
      }
      %scan3A_1780 = arith.constant 0 : i32
      scf.yield %scan3A_1780 : i32
    }
    %scan3A_1379 = arith.constant 16 : i32
    %add3A_1380 = arith.constant 19200 : i32
    %add3A_1381 = arith.addi %mul3A_2, %add3A_1380 : i32
    %dma_start3A_1382 = arith.constant 0 : i32
    %dma_start3A_1383 = arith.constant 0 : i32
    %dma_start3A_1384 = arith.constant 0 : i32
    %dma_start3A_1385 = tpu.memref_slice %arg7[%dma_start3A_1382, %dma_start3A_1383, %dma_start3A_1384] : memref<4x800x32xf32, #tpu.memory_space<vmem>> -> memref<1x800x32xf32, #tpu.memory_space<vmem>>
    %dma_start3A_1386 = tpu.memref_squeeze %dma_start3A_1385 : memref<1x800x32xf32, #tpu.memory_space<vmem>> -> memref<800x32xf32, #tpu.memory_space<vmem>>
    %dma_start3A_1387 = arith.constant 0 : i32
    %dma_start3A_1388 = tpu.memref_slice %arg5[%add3A_1381, %dma_start3A_1387] : memref<819200x32xf32, #tpu.memory_space<hbm>> -> memref<800x32xf32, #tpu.memory_space<hbm>>
    %dma_start3A_1389 = arith.constant 0 : i32
    %dma_start3A_1390 = tpu.memref_slice %arg5[%add3A_1381, %dma_start3A_1389] : memref<819200x32xf32, #tpu.memory_space<hbm>> -> memref<800x32xf32, #tpu.memory_space<hbm>>
    %dma_start3A_1391 = arith.constant 0 : i32
    %dma_start3A_1392 = arith.constant 0 : i32
    %dma_start3A_1393 = tpu.memref_slice %arg7[%dma_start3A_1382, %dma_start3A_1391, %dma_start3A_1392] : memref<4x800x32xf32, #tpu.memory_space<vmem>> -> memref<1x800x32xf32, #tpu.memory_space<vmem>>
    %dma_start3A_1394 = tpu.memref_squeeze %dma_start3A_1393 : memref<1x800x32xf32, #tpu.memory_space<vmem>> -> memref<800x32xf32, #tpu.memory_space<vmem>>
    tpu.enqueue_dma source(%dma_start3A_1394 : memref<800x32xf32, #tpu.memory_space<vmem>>) target(%dma_start3A_1390 : memref<800x32xf32, #tpu.memory_space<hbm>>) target_semaphore(%arg13 : memref<!tpu.dma_semaphore, #tpu.memory_space<semaphore_mem>>)
    %dma_wait3A_1395 = arith.constant 0 : i32
    %dma_wait3A_1396 = arith.constant 0 : i32
    %dma_wait3A_1397 = arith.constant 0 : i32
    %dma_wait3A_1398 = tpu.memref_slice %arg7[%dma_wait3A_1395, %dma_wait3A_1396, %dma_wait3A_1397] : memref<4x800x32xf32, #tpu.memory_space<vmem>> -> memref<1x800x32xf32, #tpu.memory_space<vmem>>
    %dma_wait3A_1399 = tpu.memref_squeeze %dma_wait3A_1398 : memref<1x800x32xf32, #tpu.memory_space<vmem>> -> memref<800x32xf32, #tpu.memory_space<vmem>>
    %dma_wait3A_1400 = arith.constant 0 : i32
    %dma_wait3A_1401 = tpu.memref_slice %arg5[%add3A_1381, %dma_wait3A_1400] : memref<819200x32xf32, #tpu.memory_space<hbm>> -> memref<800x32xf32, #tpu.memory_space<hbm>>
    %dma_wait3A_1402 = arith.constant 0 : i32
    %dma_wait3A_1403 = tpu.memref_slice %arg5[%add3A_1381, %dma_wait3A_1402] : memref<819200x32xf32, #tpu.memory_space<hbm>> -> memref<800x32xf32, #tpu.memory_space<hbm>>
    %dma_wait3A_1404 = arith.constant 0 : i32
    %dma_wait3A_1405 = arith.constant 0 : i32
    %dma_wait3A_1406 = tpu.memref_slice %arg7[%dma_wait3A_1395, %dma_wait3A_1404, %dma_wait3A_1405] : memref<4x800x32xf32, #tpu.memory_space<vmem>> -> memref<1x800x32xf32, #tpu.memory_space<vmem>>
    %dma_wait3A_1407 = tpu.memref_squeeze %dma_wait3A_1406 : memref<1x800x32xf32, #tpu.memory_space<vmem>> -> memref<800x32xf32, #tpu.memory_space<vmem>>
    tpu.wait_dma2 semaphore(%arg13 : memref<!tpu.dma_semaphore, #tpu.memory_space<semaphore_mem>>) src(%dma_wait3A_1407 : memref<800x32xf32, #tpu.memory_space<vmem>>) dst(%dma_wait3A_1403 : memref<800x32xf32, #tpu.memory_space<hbm>>)
    %dma_start3A_1408 = arith.constant 0 : i32
    %dma_start3A_1409 = arith.constant 0 : i32
    %dma_start3A_1410 = arith.constant 0 : i32
    %dma_start3A_1411 = tpu.memref_slice %arg7[%dma_start3A_1408, %dma_start3A_1409, %dma_start3A_1410] : memref<4x800x32xf32, #tpu.memory_space<vmem>> -> memref<1x800x32xf32, #tpu.memory_space<vmem>>
    %dma_start3A_1412 = tpu.memref_squeeze %dma_start3A_1411 : memref<1x800x32xf32, #tpu.memory_space<vmem>> -> memref<800x32xf32, #tpu.memory_space<vmem>>
    %dma_start3A_1413 = arith.constant 22400 : i32
    %dma_start3A_1414 = tpu.memref_slice %arg6[%dma_start3A_1413] : memref<25600xi32, #tpu.memory_space<vmem>> -> memref<800xi32, #tpu.memory_space<vmem>>
    %dma_start3A_1415 = arith.constant 0 : i32
    %dma_start3A_1416 = arith.constant 0 : i32
    %dma_start3A_1417 = tpu.memref_slice %arg4[%dma_start3A_1415, %dma_start3A_1416] : memref<1000000x32xf32, #tpu.memory_space<hbm>> -> memref<1000000x32xf32, #tpu.memory_space<hbm>>
    tpu.enqueue_indirect_dma source(%dma_start3A_1417 : memref<1000000x32xf32, #tpu.memory_space<hbm>>) target(%dma_start3A_1412 : memref<800x32xf32, #tpu.memory_space<vmem>>) offsets(%dma_start3A_1414 : memref<800xi32, #tpu.memory_space<vmem>>) semaphore(%arg9 : memref<!tpu.dma_semaphore, #tpu.memory_space<semaphore_mem>>)
    %dma_wait3A_1418 = arith.constant 1 : i32
    %dma_wait3A_1419 = arith.constant 0 : i32
    %dma_wait3A_1420 = arith.constant 0 : i32
    %dma_wait3A_1421 = tpu.memref_slice %arg7[%dma_wait3A_1418, %dma_wait3A_1419, %dma_wait3A_1420] : memref<4x800x32xf32, #tpu.memory_space<vmem>> -> memref<1x800x32xf32, #tpu.memory_space<vmem>>
    %dma_wait3A_1422 = tpu.memref_squeeze %dma_wait3A_1421 : memref<1x800x32xf32, #tpu.memory_space<vmem>> -> memref<800x32xf32, #tpu.memory_space<vmem>>
    %dma_wait3A_1423 = arith.constant 20000 : i32
    %dma_wait3A_1424 = tpu.memref_slice %arg6[%dma_wait3A_1423] : memref<25600xi32, #tpu.memory_space<vmem>> -> memref<800xi32, #tpu.memory_space<vmem>>
    %dma_wait3A_1425 = arith.constant 0 : i32
    %dma_wait3A_1426 = arith.constant 0 : i32
    %dma_wait3A_1427 = tpu.memref_slice %arg4[%dma_wait3A_1425, %dma_wait3A_1426] : memref<1000000x32xf32, #tpu.memory_space<hbm>> -> memref<1000000x32xf32, #tpu.memory_space<hbm>>
    tpu.wait_indirect_dma semaphore(%arg10 : memref<!tpu.dma_semaphore, #tpu.memory_space<semaphore_mem>>) src(%dma_wait3A_1427 : memref<1000000x32xf32, #tpu.memory_space<hbm>>) dst(%dma_wait3A_1422 : memref<800x32xf32, #tpu.memory_space<vmem>>)
    %scan3A_1428 = arith.constant 0 : i32
    %scan3A_1429 = arith.constant 0 : i32
    %scan3A_1430 = arith.constant 16 : i32
    %scan3A_1431 = arith.addi %scan3A_1429, %scan3A_1430 : i32
    %scan3A_1432 = arith.constant 1 : i32
    %scan3A_1433 = scf.for %scan3A_1763 = %scan3A_1429 to %scan3A_1431 step %scan3A_1432 iter_args(%scan3A_1764 = %scan3A_1428) -> (i32)  : i32 {
      %add3A_1765 = arith.constant 400 : i32
      %add3A_1766 = arith.addi %add3A_1765, %scan3A_1763 : i32
      %get3A = arith.index_cast %add3A_1766 : i32 to index
      %get3A_1767 = tpu.vector_load %arg8[%get3A] {strides = array<i32>} : memref<528xi32, #tpu.memory_space<vmem>>, vector<16xi32>,
      %get3A_1768 = vector.shape_cast %get3A_1767 : vector<16xi32> to vector<16xi32>
      %slice3A = vector.extract_strided_slice %get3A_1768 {offsets = [0], sizes = [1], strides = [1]} : vector<16xi32> to vector<1xi32>
      %squeeze3A = vector.extract %slice3A[0] : i32 from vector<1xi32>
      %while3A = arith.constant 50 : i32
      %while3A_1769 = arith.constant 0 : i32
      %while3A_1770 = arith.subi %while3A, %squeeze3A : i32
      %while3A_1771 = arith.addi %squeeze3A, %while3A_1770 : i32
      %while3A_1772 = arith.constant 1 : i32
      %while3A_1773 = arith.divsi %while3A_1770, %while3A_1772 : i32
      %while3A_1774 = arith.muli %while3A_1773, %while3A_1772 : i32
      %while3A_1775 = arith.addi %squeeze3A, %while3A_1774 : i32
      %while3A_1776 = arith.constant 1 : i32
      %while3A_1777 = scf.for %while3A_1781 = %squeeze3A to %while3A_1775 step %while3A_1776 iter_args(%while3A_1782 = %while3A_1769) -> (i32)  : i32 {
        %mul3A_1783 = arith.constant 50 : i32
        %mul3A_1784 = arith.muli %scan3A_1763, %mul3A_1783 : i32
        %add3A_1785 = arith.addi %mul3A_1784, %while3A_1781 : i32
        %swap3A = arith.constant 1 : i32
        %swap3A_1786 = arith.index_cast %swap3A : i32 to index
        %swap3A_1787 = arith.index_cast %add3A_1785 : i32 to index
        %swap3A_1788 = arith.constant 0 : index
        %swap3A_1789 = tpu.vector_load %arg7[%swap3A_1786, %swap3A_1787, %swap3A_1788] {strides = array<i32>} : memref<4x800x32xf32, #tpu.memory_space<vmem>>, vector<1x1x16xf32>,
        %swap3A_1790 = vector.shape_cast %swap3A_1789 : vector<1x1x16xf32> to vector<16xf32>
        %swap3A_1791 = vector.shape_cast %broadcast_in_dim3A_5 : vector<16xf32> to vector<1x1x16xf32>
        tpu.vector_store %arg7[%swap3A_1786, %swap3A_1787, %swap3A_1788], %swap3A_1791 {strides = array<i32>} : memref<4x800x32xf32, #tpu.memory_space<vmem>>, vector<1x1x16xf32>,
        %mul3A_1792 = arith.constant 50 : i32
        %mul3A_1793 = arith.muli %scan3A_1763, %mul3A_1792 : i32
        %add3A_1794 = arith.addi %mul3A_1793, %while3A_1781 : i32
        %swap3A_1795 = arith.constant 1 : i32
        %swap3A_1796 = arith.index_cast %swap3A_1795 : i32 to index
        %swap3A_1797 = arith.index_cast %add3A_1794 : i32 to index
        %swap3A_1798 = arith.constant 16 : index
        %swap3A_1799 = tpu.vector_load %arg7[%swap3A_1796, %swap3A_1797, %swap3A_1798] {strides = array<i32>} : memref<4x800x32xf32, #tpu.memory_space<vmem>>, vector<1x1x16xf32>,
        %swap3A_1800 = vector.shape_cast %swap3A_1799 : vector<1x1x16xf32> to vector<16xf32>
        %swap3A_1801 = vector.shape_cast %broadcast_in_dim3A_5 : vector<16xf32> to vector<1x1x16xf32>
        tpu.vector_store %arg7[%swap3A_1796, %swap3A_1797, %swap3A_1798], %swap3A_1801 {strides = array<i32>} : memref<4x800x32xf32, #tpu.memory_space<vmem>>, vector<1x1x16xf32>,
        %while3A_1802 = arith.constant 0 : i32
        scf.yield %while3A_1802 : i32
      }
      %while3A_1778 = arith.constant 1 : i32
      %while3A_1779 = scf.for %while3A_1781 = %while3A_1775 to %while3A_1771 step %while3A_1778 iter_args(%while3A_1782 = %while3A_1777) -> (i32)  : i32 {
        %mul3A_1783 = arith.constant 50 : i32
        %mul3A_1784 = arith.muli %scan3A_1763, %mul3A_1783 : i32
        %add3A_1785 = arith.addi %mul3A_1784, %while3A_1781 : i32
        %swap3A = arith.constant 1 : i32
        %swap3A_1786 = arith.index_cast %swap3A : i32 to index
        %swap3A_1787 = arith.index_cast %add3A_1785 : i32 to index
        %swap3A_1788 = arith.constant 0 : index
        %swap3A_1789 = tpu.vector_load %arg7[%swap3A_1786, %swap3A_1787, %swap3A_1788] {strides = array<i32>} : memref<4x800x32xf32, #tpu.memory_space<vmem>>, vector<1x1x16xf32>,
        %swap3A_1790 = vector.shape_cast %swap3A_1789 : vector<1x1x16xf32> to vector<16xf32>
        %swap3A_1791 = vector.shape_cast %broadcast_in_dim3A_5 : vector<16xf32> to vector<1x1x16xf32>
        tpu.vector_store %arg7[%swap3A_1786, %swap3A_1787, %swap3A_1788], %swap3A_1791 {strides = array<i32>} : memref<4x800x32xf32, #tpu.memory_space<vmem>>, vector<1x1x16xf32>,
        %mul3A_1792 = arith.constant 50 : i32
        %mul3A_1793 = arith.muli %scan3A_1763, %mul3A_1792 : i32
        %add3A_1794 = arith.addi %mul3A_1793, %while3A_1781 : i32
        %swap3A_1795 = arith.constant 1 : i32
        %swap3A_1796 = arith.index_cast %swap3A_1795 : i32 to index
        %swap3A_1797 = arith.index_cast %add3A_1794 : i32 to index
        %swap3A_1798 = arith.constant 16 : index
        %swap3A_1799 = tpu.vector_load %arg7[%swap3A_1796, %swap3A_1797, %swap3A_1798] {strides = array<i32>} : memref<4x800x32xf32, #tpu.memory_space<vmem>>, vector<1x1x16xf32>,
        %swap3A_1800 = vector.shape_cast %swap3A_1799 : vector<1x1x16xf32> to vector<16xf32>
        %swap3A_1801 = vector.shape_cast %broadcast_in_dim3A_5 : vector<16xf32> to vector<1x1x16xf32>
        tpu.vector_store %arg7[%swap3A_1796, %swap3A_1797, %swap3A_1798], %swap3A_1801 {strides = array<i32>} : memref<4x800x32xf32, #tpu.memory_space<vmem>>, vector<1x1x16xf32>,
        %while3A_1802 = arith.constant 0 : i32
        scf.yield %while3A_1802 : i32
      }
      %scan3A_1780 = arith.constant 0 : i32
      scf.yield %scan3A_1780 : i32
    }
    %scan3A_1434 = arith.constant 16 : i32
    %add3A_1435 = arith.constant 20000 : i32
    %add3A_1436 = arith.addi %mul3A_2, %add3A_1435 : i32
    %dma_start3A_1437 = arith.constant 1 : i32
    %dma_start3A_1438 = arith.constant 0 : i32
    %dma_start3A_1439 = arith.constant 0 : i32
    %dma_start3A_1440 = tpu.memref_slice %arg7[%dma_start3A_1437, %dma_start3A_1438, %dma_start3A_1439] : memref<4x800x32xf32, #tpu.memory_space<vmem>> -> memref<1x800x32xf32, #tpu.memory_space<vmem>>
    %dma_start3A_1441 = tpu.memref_squeeze %dma_start3A_1440 : memref<1x800x32xf32, #tpu.memory_space<vmem>> -> memref<800x32xf32, #tpu.memory_space<vmem>>
    %dma_start3A_1442 = arith.constant 0 : i32
    %dma_start3A_1443 = tpu.memref_slice %arg5[%add3A_1436, %dma_start3A_1442] : memref<819200x32xf32, #tpu.memory_space<hbm>> -> memref<800x32xf32, #tpu.memory_space<hbm>>
    %dma_start3A_1444 = arith.constant 0 : i32
    %dma_start3A_1445 = tpu.memref_slice %arg5[%add3A_1436, %dma_start3A_1444] : memref<819200x32xf32, #tpu.memory_space<hbm>> -> memref<800x32xf32, #tpu.memory_space<hbm>>
    %dma_start3A_1446 = arith.constant 0 : i32
    %dma_start3A_1447 = arith.constant 0 : i32
    %dma_start3A_1448 = tpu.memref_slice %arg7[%dma_start3A_1437, %dma_start3A_1446, %dma_start3A_1447] : memref<4x800x32xf32, #tpu.memory_space<vmem>> -> memref<1x800x32xf32, #tpu.memory_space<vmem>>
    %dma_start3A_1449 = tpu.memref_squeeze %dma_start3A_1448 : memref<1x800x32xf32, #tpu.memory_space<vmem>> -> memref<800x32xf32, #tpu.memory_space<vmem>>
    tpu.enqueue_dma source(%dma_start3A_1449 : memref<800x32xf32, #tpu.memory_space<vmem>>) target(%dma_start3A_1445 : memref<800x32xf32, #tpu.memory_space<hbm>>) target_semaphore(%arg14 : memref<!tpu.dma_semaphore, #tpu.memory_space<semaphore_mem>>)
    %dma_wait3A_1450 = arith.constant 1 : i32
    %dma_wait3A_1451 = arith.constant 0 : i32
    %dma_wait3A_1452 = arith.constant 0 : i32
    %dma_wait3A_1453 = tpu.memref_slice %arg7[%dma_wait3A_1450, %dma_wait3A_1451, %dma_wait3A_1452] : memref<4x800x32xf32, #tpu.memory_space<vmem>> -> memref<1x800x32xf32, #tpu.memory_space<vmem>>
    %dma_wait3A_1454 = tpu.memref_squeeze %dma_wait3A_1453 : memref<1x800x32xf32, #tpu.memory_space<vmem>> -> memref<800x32xf32, #tpu.memory_space<vmem>>
    %dma_wait3A_1455 = arith.constant 0 : i32
    %dma_wait3A_1456 = tpu.memref_slice %arg5[%add3A_1436, %dma_wait3A_1455] : memref<819200x32xf32, #tpu.memory_space<hbm>> -> memref<800x32xf32, #tpu.memory_space<hbm>>
    %dma_wait3A_1457 = arith.constant 0 : i32
    %dma_wait3A_1458 = tpu.memref_slice %arg5[%add3A_1436, %dma_wait3A_1457] : memref<819200x32xf32, #tpu.memory_space<hbm>> -> memref<800x32xf32, #tpu.memory_space<hbm>>
    %dma_wait3A_1459 = arith.constant 0 : i32
    %dma_wait3A_1460 = arith.constant 0 : i32
    %dma_wait3A_1461 = tpu.memref_slice %arg7[%dma_wait3A_1450, %dma_wait3A_1459, %dma_wait3A_1460] : memref<4x800x32xf32, #tpu.memory_space<vmem>> -> memref<1x800x32xf32, #tpu.memory_space<vmem>>
    %dma_wait3A_1462 = tpu.memref_squeeze %dma_wait3A_1461 : memref<1x800x32xf32, #tpu.memory_space<vmem>> -> memref<800x32xf32, #tpu.memory_space<vmem>>
    tpu.wait_dma2 semaphore(%arg14 : memref<!tpu.dma_semaphore, #tpu.memory_space<semaphore_mem>>) src(%dma_wait3A_1462 : memref<800x32xf32, #tpu.memory_space<vmem>>) dst(%dma_wait3A_1458 : memref<800x32xf32, #tpu.memory_space<hbm>>)
    %dma_start3A_1463 = arith.constant 1 : i32
    %dma_start3A_1464 = arith.constant 0 : i32
    %dma_start3A_1465 = arith.constant 0 : i32
    %dma_start3A_1466 = tpu.memref_slice %arg7[%dma_start3A_1463, %dma_start3A_1464, %dma_start3A_1465] : memref<4x800x32xf32, #tpu.memory_space<vmem>> -> memref<1x800x32xf32, #tpu.memory_space<vmem>>
    %dma_start3A_1467 = tpu.memref_squeeze %dma_start3A_1466 : memref<1x800x32xf32, #tpu.memory_space<vmem>> -> memref<800x32xf32, #tpu.memory_space<vmem>>
    %dma_start3A_1468 = arith.constant 23200 : i32
    %dma_start3A_1469 = tpu.memref_slice %arg6[%dma_start3A_1468] : memref<25600xi32, #tpu.memory_space<vmem>> -> memref<800xi32, #tpu.memory_space<vmem>>
    %dma_start3A_1470 = arith.constant 0 : i32
    %dma_start3A_1471 = arith.constant 0 : i32
    %dma_start3A_1472 = tpu.memref_slice %arg4[%dma_start3A_1470, %dma_start3A_1471] : memref<1000000x32xf32, #tpu.memory_space<hbm>> -> memref<1000000x32xf32, #tpu.memory_space<hbm>>
    tpu.enqueue_indirect_dma source(%dma_start3A_1472 : memref<1000000x32xf32, #tpu.memory_space<hbm>>) target(%dma_start3A_1467 : memref<800x32xf32, #tpu.memory_space<vmem>>) offsets(%dma_start3A_1469 : memref<800xi32, #tpu.memory_space<vmem>>) semaphore(%arg10 : memref<!tpu.dma_semaphore, #tpu.memory_space<semaphore_mem>>)
    %dma_wait3A_1473 = arith.constant 2 : i32
    %dma_wait3A_1474 = arith.constant 0 : i32
    %dma_wait3A_1475 = arith.constant 0 : i32
    %dma_wait3A_1476 = tpu.memref_slice %arg7[%dma_wait3A_1473, %dma_wait3A_1474, %dma_wait3A_1475] : memref<4x800x32xf32, #tpu.memory_space<vmem>> -> memref<1x800x32xf32, #tpu.memory_space<vmem>>
    %dma_wait3A_1477 = tpu.memref_squeeze %dma_wait3A_1476 : memref<1x800x32xf32, #tpu.memory_space<vmem>> -> memref<800x32xf32, #tpu.memory_space<vmem>>
    %dma_wait3A_1478 = arith.constant 20800 : i32
    %dma_wait3A_1479 = tpu.memref_slice %arg6[%dma_wait3A_1478] : memref<25600xi32, #tpu.memory_space<vmem>> -> memref<800xi32, #tpu.memory_space<vmem>>
    %dma_wait3A_1480 = arith.constant 0 : i32
    %dma_wait3A_1481 = arith.constant 0 : i32
    %dma_wait3A_1482 = tpu.memref_slice %arg4[%dma_wait3A_1480, %dma_wait3A_1481] : memref<1000000x32xf32, #tpu.memory_space<hbm>> -> memref<1000000x32xf32, #tpu.memory_space<hbm>>
    tpu.wait_indirect_dma semaphore(%arg11 : memref<!tpu.dma_semaphore, #tpu.memory_space<semaphore_mem>>) src(%dma_wait3A_1482 : memref<1000000x32xf32, #tpu.memory_space<hbm>>) dst(%dma_wait3A_1477 : memref<800x32xf32, #tpu.memory_space<vmem>>)
    %scan3A_1483 = arith.constant 0 : i32
    %scan3A_1484 = arith.constant 0 : i32
    %scan3A_1485 = arith.constant 16 : i32
    %scan3A_1486 = arith.addi %scan3A_1484, %scan3A_1485 : i32
    %scan3A_1487 = arith.constant 1 : i32
    %scan3A_1488 = scf.for %scan3A_1763 = %scan3A_1484 to %scan3A_1486 step %scan3A_1487 iter_args(%scan3A_1764 = %scan3A_1483) -> (i32)  : i32 {
      %add3A_1765 = arith.constant 416 : i32
      %add3A_1766 = arith.addi %add3A_1765, %scan3A_1763 : i32
      %get3A = arith.index_cast %add3A_1766 : i32 to index
      %get3A_1767 = tpu.vector_load %arg8[%get3A] {strides = array<i32>} : memref<528xi32, #tpu.memory_space<vmem>>, vector<16xi32>,
      %get3A_1768 = vector.shape_cast %get3A_1767 : vector<16xi32> to vector<16xi32>
      %slice3A = vector.extract_strided_slice %get3A_1768 {offsets = [0], sizes = [1], strides = [1]} : vector<16xi32> to vector<1xi32>
      %squeeze3A = vector.extract %slice3A[0] : i32 from vector<1xi32>
      %while3A = arith.constant 50 : i32
      %while3A_1769 = arith.constant 0 : i32
      %while3A_1770 = arith.subi %while3A, %squeeze3A : i32
      %while3A_1771 = arith.addi %squeeze3A, %while3A_1770 : i32
      %while3A_1772 = arith.constant 1 : i32
      %while3A_1773 = arith.divsi %while3A_1770, %while3A_1772 : i32
      %while3A_1774 = arith.muli %while3A_1773, %while3A_1772 : i32
      %while3A_1775 = arith.addi %squeeze3A, %while3A_1774 : i32
      %while3A_1776 = arith.constant 1 : i32
      %while3A_1777 = scf.for %while3A_1781 = %squeeze3A to %while3A_1775 step %while3A_1776 iter_args(%while3A_1782 = %while3A_1769) -> (i32)  : i32 {
        %mul3A_1783 = arith.constant 50 : i32
        %mul3A_1784 = arith.muli %scan3A_1763, %mul3A_1783 : i32
        %add3A_1785 = arith.addi %mul3A_1784, %while3A_1781 : i32
        %swap3A = arith.constant 2 : i32
        %swap3A_1786 = arith.index_cast %swap3A : i32 to index
        %swap3A_1787 = arith.index_cast %add3A_1785 : i32 to index
        %swap3A_1788 = arith.constant 0 : index
        %swap3A_1789 = tpu.vector_load %arg7[%swap3A_1786, %swap3A_1787, %swap3A_1788] {strides = array<i32>} : memref<4x800x32xf32, #tpu.memory_space<vmem>>, vector<1x1x16xf32>,
        %swap3A_1790 = vector.shape_cast %swap3A_1789 : vector<1x1x16xf32> to vector<16xf32>
        %swap3A_1791 = vector.shape_cast %broadcast_in_dim3A_5 : vector<16xf32> to vector<1x1x16xf32>
        tpu.vector_store %arg7[%swap3A_1786, %swap3A_1787, %swap3A_1788], %swap3A_1791 {strides = array<i32>} : memref<4x800x32xf32, #tpu.memory_space<vmem>>, vector<1x1x16xf32>,
        %mul3A_1792 = arith.constant 50 : i32
        %mul3A_1793 = arith.muli %scan3A_1763, %mul3A_1792 : i32
        %add3A_1794 = arith.addi %mul3A_1793, %while3A_1781 : i32
        %swap3A_1795 = arith.constant 2 : i32
        %swap3A_1796 = arith.index_cast %swap3A_1795 : i32 to index
        %swap3A_1797 = arith.index_cast %add3A_1794 : i32 to index
        %swap3A_1798 = arith.constant 16 : index
        %swap3A_1799 = tpu.vector_load %arg7[%swap3A_1796, %swap3A_1797, %swap3A_1798] {strides = array<i32>} : memref<4x800x32xf32, #tpu.memory_space<vmem>>, vector<1x1x16xf32>,
        %swap3A_1800 = vector.shape_cast %swap3A_1799 : vector<1x1x16xf32> to vector<16xf32>
        %swap3A_1801 = vector.shape_cast %broadcast_in_dim3A_5 : vector<16xf32> to vector<1x1x16xf32>
        tpu.vector_store %arg7[%swap3A_1796, %swap3A_1797, %swap3A_1798], %swap3A_1801 {strides = array<i32>} : memref<4x800x32xf32, #tpu.memory_space<vmem>>, vector<1x1x16xf32>,
        %while3A_1802 = arith.constant 0 : i32
        scf.yield %while3A_1802 : i32
      }
      %while3A_1778 = arith.constant 1 : i32
      %while3A_1779 = scf.for %while3A_1781 = %while3A_1775 to %while3A_1771 step %while3A_1778 iter_args(%while3A_1782 = %while3A_1777) -> (i32)  : i32 {
        %mul3A_1783 = arith.constant 50 : i32
        %mul3A_1784 = arith.muli %scan3A_1763, %mul3A_1783 : i32
        %add3A_1785 = arith.addi %mul3A_1784, %while3A_1781 : i32
        %swap3A = arith.constant 2 : i32
        %swap3A_1786 = arith.index_cast %swap3A : i32 to index
        %swap3A_1787 = arith.index_cast %add3A_1785 : i32 to index
        %swap3A_1788 = arith.constant 0 : index
        %swap3A_1789 = tpu.vector_load %arg7[%swap3A_1786, %swap3A_1787, %swap3A_1788] {strides = array<i32>} : memref<4x800x32xf32, #tpu.memory_space<vmem>>, vector<1x1x16xf32>,
        %swap3A_1790 = vector.shape_cast %swap3A_1789 : vector<1x1x16xf32> to vector<16xf32>
        %swap3A_1791 = vector.shape_cast %broadcast_in_dim3A_5 : vector<16xf32> to vector<1x1x16xf32>
        tpu.vector_store %arg7[%swap3A_1786, %swap3A_1787, %swap3A_1788], %swap3A_1791 {strides = array<i32>} : memref<4x800x32xf32, #tpu.memory_space<vmem>>, vector<1x1x16xf32>,
        %mul3A_1792 = arith.constant 50 : i32
        %mul3A_1793 = arith.muli %scan3A_1763, %mul3A_1792 : i32
        %add3A_1794 = arith.addi %mul3A_1793, %while3A_1781 : i32
        %swap3A_1795 = arith.constant 2 : i32
        %swap3A_1796 = arith.index_cast %swap3A_1795 : i32 to index
        %swap3A_1797 = arith.index_cast %add3A_1794 : i32 to index
        %swap3A_1798 = arith.constant 16 : index
        %swap3A_1799 = tpu.vector_load %arg7[%swap3A_1796, %swap3A_1797, %swap3A_1798] {strides = array<i32>} : memref<4x800x32xf32, #tpu.memory_space<vmem>>, vector<1x1x16xf32>,
        %swap3A_1800 = vector.shape_cast %swap3A_1799 : vector<1x1x16xf32> to vector<16xf32>
        %swap3A_1801 = vector.shape_cast %broadcast_in_dim3A_5 : vector<16xf32> to vector<1x1x16xf32>
        tpu.vector_store %arg7[%swap3A_1796, %swap3A_1797, %swap3A_1798], %swap3A_1801 {strides = array<i32>} : memref<4x800x32xf32, #tpu.memory_space<vmem>>, vector<1x1x16xf32>,
        %while3A_1802 = arith.constant 0 : i32
        scf.yield %while3A_1802 : i32
      }
      %scan3A_1780 = arith.constant 0 : i32
      scf.yield %scan3A_1780 : i32
    }
    %scan3A_1489 = arith.constant 16 : i32
    %add3A_1490 = arith.constant 20800 : i32
    %add3A_1491 = arith.addi %mul3A_2, %add3A_1490 : i32
    %dma_start3A_1492 = arith.constant 2 : i32
    %dma_start3A_1493 = arith.constant 0 : i32
    %dma_start3A_1494 = arith.constant 0 : i32
    %dma_start3A_1495 = tpu.memref_slice %arg7[%dma_start3A_1492, %dma_start3A_1493, %dma_start3A_1494] : memref<4x800x32xf32, #tpu.memory_space<vmem>> -> memref<1x800x32xf32, #tpu.memory_space<vmem>>
    %dma_start3A_1496 = tpu.memref_squeeze %dma_start3A_1495 : memref<1x800x32xf32, #tpu.memory_space<vmem>> -> memref<800x32xf32, #tpu.memory_space<vmem>>
    %dma_start3A_1497 = arith.constant 0 : i32
    %dma_start3A_1498 = tpu.memref_slice %arg5[%add3A_1491, %dma_start3A_1497] : memref<819200x32xf32, #tpu.memory_space<hbm>> -> memref<800x32xf32, #tpu.memory_space<hbm>>
    %dma_start3A_1499 = arith.constant 0 : i32
    %dma_start3A_1500 = tpu.memref_slice %arg5[%add3A_1491, %dma_start3A_1499] : memref<819200x32xf32, #tpu.memory_space<hbm>> -> memref<800x32xf32, #tpu.memory_space<hbm>>
    %dma_start3A_1501 = arith.constant 0 : i32
    %dma_start3A_1502 = arith.constant 0 : i32
    %dma_start3A_1503 = tpu.memref_slice %arg7[%dma_start3A_1492, %dma_start3A_1501, %dma_start3A_1502] : memref<4x800x32xf32, #tpu.memory_space<vmem>> -> memref<1x800x32xf32, #tpu.memory_space<vmem>>
    %dma_start3A_1504 = tpu.memref_squeeze %dma_start3A_1503 : memref<1x800x32xf32, #tpu.memory_space<vmem>> -> memref<800x32xf32, #tpu.memory_space<vmem>>
    tpu.enqueue_dma source(%dma_start3A_1504 : memref<800x32xf32, #tpu.memory_space<vmem>>) target(%dma_start3A_1500 : memref<800x32xf32, #tpu.memory_space<hbm>>) target_semaphore(%arg15 : memref<!tpu.dma_semaphore, #tpu.memory_space<semaphore_mem>>)
    %dma_wait3A_1505 = arith.constant 2 : i32
    %dma_wait3A_1506 = arith.constant 0 : i32
    %dma_wait3A_1507 = arith.constant 0 : i32
    %dma_wait3A_1508 = tpu.memref_slice %arg7[%dma_wait3A_1505, %dma_wait3A_1506, %dma_wait3A_1507] : memref<4x800x32xf32, #tpu.memory_space<vmem>> -> memref<1x800x32xf32, #tpu.memory_space<vmem>>
    %dma_wait3A_1509 = tpu.memref_squeeze %dma_wait3A_1508 : memref<1x800x32xf32, #tpu.memory_space<vmem>> -> memref<800x32xf32, #tpu.memory_space<vmem>>
    %dma_wait3A_1510 = arith.constant 0 : i32
    %dma_wait3A_1511 = tpu.memref_slice %arg5[%add3A_1491, %dma_wait3A_1510] : memref<819200x32xf32, #tpu.memory_space<hbm>> -> memref<800x32xf32, #tpu.memory_space<hbm>>
    %dma_wait3A_1512 = arith.constant 0 : i32
    %dma_wait3A_1513 = tpu.memref_slice %arg5[%add3A_1491, %dma_wait3A_1512] : memref<819200x32xf32, #tpu.memory_space<hbm>> -> memref<800x32xf32, #tpu.memory_space<hbm>>
    %dma_wait3A_1514 = arith.constant 0 : i32
    %dma_wait3A_1515 = arith.constant 0 : i32
    %dma_wait3A_1516 = tpu.memref_slice %arg7[%dma_wait3A_1505, %dma_wait3A_1514, %dma_wait3A_1515] : memref<4x800x32xf32, #tpu.memory_space<vmem>> -> memref<1x800x32xf32, #tpu.memory_space<vmem>>
    %dma_wait3A_1517 = tpu.memref_squeeze %dma_wait3A_1516 : memref<1x800x32xf32, #tpu.memory_space<vmem>> -> memref<800x32xf32, #tpu.memory_space<vmem>>
    tpu.wait_dma2 semaphore(%arg15 : memref<!tpu.dma_semaphore, #tpu.memory_space<semaphore_mem>>) src(%dma_wait3A_1517 : memref<800x32xf32, #tpu.memory_space<vmem>>) dst(%dma_wait3A_1513 : memref<800x32xf32, #tpu.memory_space<hbm>>)
    %dma_start3A_1518 = arith.constant 2 : i32
    %dma_start3A_1519 = arith.constant 0 : i32
    %dma_start3A_1520 = arith.constant 0 : i32
    %dma_start3A_1521 = tpu.memref_slice %arg7[%dma_start3A_1518, %dma_start3A_1519, %dma_start3A_1520] : memref<4x800x32xf32, #tpu.memory_space<vmem>> -> memref<1x800x32xf32, #tpu.memory_space<vmem>>
    %dma_start3A_1522 = tpu.memref_squeeze %dma_start3A_1521 : memref<1x800x32xf32, #tpu.memory_space<vmem>> -> memref<800x32xf32, #tpu.memory_space<vmem>>
    %dma_start3A_1523 = arith.constant 24000 : i32
    %dma_start3A_1524 = tpu.memref_slice %arg6[%dma_start3A_1523] : memref<25600xi32, #tpu.memory_space<vmem>> -> memref<800xi32, #tpu.memory_space<vmem>>
    %dma_start3A_1525 = arith.constant 0 : i32
    %dma_start3A_1526 = arith.constant 0 : i32
    %dma_start3A_1527 = tpu.memref_slice %arg4[%dma_start3A_1525, %dma_start3A_1526] : memref<1000000x32xf32, #tpu.memory_space<hbm>> -> memref<1000000x32xf32, #tpu.memory_space<hbm>>
    tpu.enqueue_indirect_dma source(%dma_start3A_1527 : memref<1000000x32xf32, #tpu.memory_space<hbm>>) target(%dma_start3A_1522 : memref<800x32xf32, #tpu.memory_space<vmem>>) offsets(%dma_start3A_1524 : memref<800xi32, #tpu.memory_space<vmem>>) semaphore(%arg11 : memref<!tpu.dma_semaphore, #tpu.memory_space<semaphore_mem>>)
    %dma_wait3A_1528 = arith.constant 3 : i32
    %dma_wait3A_1529 = arith.constant 0 : i32
    %dma_wait3A_1530 = arith.constant 0 : i32
    %dma_wait3A_1531 = tpu.memref_slice %arg7[%dma_wait3A_1528, %dma_wait3A_1529, %dma_wait3A_1530] : memref<4x800x32xf32, #tpu.memory_space<vmem>> -> memref<1x800x32xf32, #tpu.memory_space<vmem>>
    %dma_wait3A_1532 = tpu.memref_squeeze %dma_wait3A_1531 : memref<1x800x32xf32, #tpu.memory_space<vmem>> -> memref<800x32xf32, #tpu.memory_space<vmem>>
    %dma_wait3A_1533 = arith.constant 21600 : i32
    %dma_wait3A_1534 = tpu.memref_slice %arg6[%dma_wait3A_1533] : memref<25600xi32, #tpu.memory_space<vmem>> -> memref<800xi32, #tpu.memory_space<vmem>>
    %dma_wait3A_1535 = arith.constant 0 : i32
    %dma_wait3A_1536 = arith.constant 0 : i32
    %dma_wait3A_1537 = tpu.memref_slice %arg4[%dma_wait3A_1535, %dma_wait3A_1536] : memref<1000000x32xf32, #tpu.memory_space<hbm>> -> memref<1000000x32xf32, #tpu.memory_space<hbm>>
    tpu.wait_indirect_dma semaphore(%arg12 : memref<!tpu.dma_semaphore, #tpu.memory_space<semaphore_mem>>) src(%dma_wait3A_1537 : memref<1000000x32xf32, #tpu.memory_space<hbm>>) dst(%dma_wait3A_1532 : memref<800x32xf32, #tpu.memory_space<vmem>>)
    %scan3A_1538 = arith.constant 0 : i32
    %scan3A_1539 = arith.constant 0 : i32
    %scan3A_1540 = arith.constant 16 : i32
    %scan3A_1541 = arith.addi %scan3A_1539, %scan3A_1540 : i32
    %scan3A_1542 = arith.constant 1 : i32
    %scan3A_1543 = scf.for %scan3A_1763 = %scan3A_1539 to %scan3A_1541 step %scan3A_1542 iter_args(%scan3A_1764 = %scan3A_1538) -> (i32)  : i32 {
      %add3A_1765 = arith.constant 432 : i32
      %add3A_1766 = arith.addi %add3A_1765, %scan3A_1763 : i32
      %get3A = arith.index_cast %add3A_1766 : i32 to index
      %get3A_1767 = tpu.vector_load %arg8[%get3A] {strides = array<i32>} : memref<528xi32, #tpu.memory_space<vmem>>, vector<16xi32>,
      %get3A_1768 = vector.shape_cast %get3A_1767 : vector<16xi32> to vector<16xi32>
      %slice3A = vector.extract_strided_slice %get3A_1768 {offsets = [0], sizes = [1], strides = [1]} : vector<16xi32> to vector<1xi32>
      %squeeze3A = vector.extract %slice3A[0] : i32 from vector<1xi32>
      %while3A = arith.constant 50 : i32
      %while3A_1769 = arith.constant 0 : i32
      %while3A_1770 = arith.subi %while3A, %squeeze3A : i32
      %while3A_1771 = arith.addi %squeeze3A, %while3A_1770 : i32
      %while3A_1772 = arith.constant 1 : i32
      %while3A_1773 = arith.divsi %while3A_1770, %while3A_1772 : i32
      %while3A_1774 = arith.muli %while3A_1773, %while3A_1772 : i32
      %while3A_1775 = arith.addi %squeeze3A, %while3A_1774 : i32
      %while3A_1776 = arith.constant 1 : i32
      %while3A_1777 = scf.for %while3A_1781 = %squeeze3A to %while3A_1775 step %while3A_1776 iter_args(%while3A_1782 = %while3A_1769) -> (i32)  : i32 {
        %mul3A_1783 = arith.constant 50 : i32
        %mul3A_1784 = arith.muli %scan3A_1763, %mul3A_1783 : i32
        %add3A_1785 = arith.addi %mul3A_1784, %while3A_1781 : i32
        %swap3A = arith.constant 3 : i32
        %swap3A_1786 = arith.index_cast %swap3A : i32 to index
        %swap3A_1787 = arith.index_cast %add3A_1785 : i32 to index
        %swap3A_1788 = arith.constant 0 : index
        %swap3A_1789 = tpu.vector_load %arg7[%swap3A_1786, %swap3A_1787, %swap3A_1788] {strides = array<i32>} : memref<4x800x32xf32, #tpu.memory_space<vmem>>, vector<1x1x16xf32>,
        %swap3A_1790 = vector.shape_cast %swap3A_1789 : vector<1x1x16xf32> to vector<16xf32>
        %swap3A_1791 = vector.shape_cast %broadcast_in_dim3A_5 : vector<16xf32> to vector<1x1x16xf32>
        tpu.vector_store %arg7[%swap3A_1786, %swap3A_1787, %swap3A_1788], %swap3A_1791 {strides = array<i32>} : memref<4x800x32xf32, #tpu.memory_space<vmem>>, vector<1x1x16xf32>,
        %mul3A_1792 = arith.constant 50 : i32
        %mul3A_1793 = arith.muli %scan3A_1763, %mul3A_1792 : i32
        %add3A_1794 = arith.addi %mul3A_1793, %while3A_1781 : i32
        %swap3A_1795 = arith.constant 3 : i32
        %swap3A_1796 = arith.index_cast %swap3A_1795 : i32 to index
        %swap3A_1797 = arith.index_cast %add3A_1794 : i32 to index
        %swap3A_1798 = arith.constant 16 : index
        %swap3A_1799 = tpu.vector_load %arg7[%swap3A_1796, %swap3A_1797, %swap3A_1798] {strides = array<i32>} : memref<4x800x32xf32, #tpu.memory_space<vmem>>, vector<1x1x16xf32>,
        %swap3A_1800 = vector.shape_cast %swap3A_1799 : vector<1x1x16xf32> to vector<16xf32>
        %swap3A_1801 = vector.shape_cast %broadcast_in_dim3A_5 : vector<16xf32> to vector<1x1x16xf32>
        tpu.vector_store %arg7[%swap3A_1796, %swap3A_1797, %swap3A_1798], %swap3A_1801 {strides = array<i32>} : memref<4x800x32xf32, #tpu.memory_space<vmem>>, vector<1x1x16xf32>,
        %while3A_1802 = arith.constant 0 : i32
        scf.yield %while3A_1802 : i32
      }
      %while3A_1778 = arith.constant 1 : i32
      %while3A_1779 = scf.for %while3A_1781 = %while3A_1775 to %while3A_1771 step %while3A_1778 iter_args(%while3A_1782 = %while3A_1777) -> (i32)  : i32 {
        %mul3A_1783 = arith.constant 50 : i32
        %mul3A_1784 = arith.muli %scan3A_1763, %mul3A_1783 : i32
        %add3A_1785 = arith.addi %mul3A_1784, %while3A_1781 : i32
        %swap3A = arith.constant 3 : i32
        %swap3A_1786 = arith.index_cast %swap3A : i32 to index
        %swap3A_1787 = arith.index_cast %add3A_1785 : i32 to index
        %swap3A_1788 = arith.constant 0 : index
        %swap3A_1789 = tpu.vector_load %arg7[%swap3A_1786, %swap3A_1787, %swap3A_1788] {strides = array<i32>} : memref<4x800x32xf32, #tpu.memory_space<vmem>>, vector<1x1x16xf32>,
        %swap3A_1790 = vector.shape_cast %swap3A_1789 : vector<1x1x16xf32> to vector<16xf32>
        %swap3A_1791 = vector.shape_cast %broadcast_in_dim3A_5 : vector<16xf32> to vector<1x1x16xf32>
        tpu.vector_store %arg7[%swap3A_1786, %swap3A_1787, %swap3A_1788], %swap3A_1791 {strides = array<i32>} : memref<4x800x32xf32, #tpu.memory_space<vmem>>, vector<1x1x16xf32>,
        %mul3A_1792 = arith.constant 50 : i32
        %mul3A_1793 = arith.muli %scan3A_1763, %mul3A_1792 : i32
        %add3A_1794 = arith.addi %mul3A_1793, %while3A_1781 : i32
        %swap3A_1795 = arith.constant 3 : i32
        %swap3A_1796 = arith.index_cast %swap3A_1795 : i32 to index
        %swap3A_1797 = arith.index_cast %add3A_1794 : i32 to index
        %swap3A_1798 = arith.constant 16 : index
        %swap3A_1799 = tpu.vector_load %arg7[%swap3A_1796, %swap3A_1797, %swap3A_1798] {strides = array<i32>} : memref<4x800x32xf32, #tpu.memory_space<vmem>>, vector<1x1x16xf32>,
        %swap3A_1800 = vector.shape_cast %swap3A_1799 : vector<1x1x16xf32> to vector<16xf32>
        %swap3A_1801 = vector.shape_cast %broadcast_in_dim3A_5 : vector<16xf32> to vector<1x1x16xf32>
        tpu.vector_store %arg7[%swap3A_1796, %swap3A_1797, %swap3A_1798], %swap3A_1801 {strides = array<i32>} : memref<4x800x32xf32, #tpu.memory_space<vmem>>, vector<1x1x16xf32>,
        %while3A_1802 = arith.constant 0 : i32
        scf.yield %while3A_1802 : i32
      }
      %scan3A_1780 = arith.constant 0 : i32
      scf.yield %scan3A_1780 : i32
    }
    %scan3A_1544 = arith.constant 16 : i32
    %add3A_1545 = arith.constant 21600 : i32
    %add3A_1546 = arith.addi %mul3A_2, %add3A_1545 : i32
    %dma_start3A_1547 = arith.constant 3 : i32
    %dma_start3A_1548 = arith.constant 0 : i32
    %dma_start3A_1549 = arith.constant 0 : i32
    %dma_start3A_1550 = tpu.memref_slice %arg7[%dma_start3A_1547, %dma_start3A_1548, %dma_start3A_1549] : memref<4x800x32xf32, #tpu.memory_space<vmem>> -> memref<1x800x32xf32, #tpu.memory_space<vmem>>
    %dma_start3A_1551 = tpu.memref_squeeze %dma_start3A_1550 : memref<1x800x32xf32, #tpu.memory_space<vmem>> -> memref<800x32xf32, #tpu.memory_space<vmem>>
    %dma_start3A_1552 = arith.constant 0 : i32
    %dma_start3A_1553 = tpu.memref_slice %arg5[%add3A_1546, %dma_start3A_1552] : memref<819200x32xf32, #tpu.memory_space<hbm>> -> memref<800x32xf32, #tpu.memory_space<hbm>>
    %dma_start3A_1554 = arith.constant 0 : i32
    %dma_start3A_1555 = tpu.memref_slice %arg5[%add3A_1546, %dma_start3A_1554] : memref<819200x32xf32, #tpu.memory_space<hbm>> -> memref<800x32xf32, #tpu.memory_space<hbm>>
    %dma_start3A_1556 = arith.constant 0 : i32
    %dma_start3A_1557 = arith.constant 0 : i32
    %dma_start3A_1558 = tpu.memref_slice %arg7[%dma_start3A_1547, %dma_start3A_1556, %dma_start3A_1557] : memref<4x800x32xf32, #tpu.memory_space<vmem>> -> memref<1x800x32xf32, #tpu.memory_space<vmem>>
    %dma_start3A_1559 = tpu.memref_squeeze %dma_start3A_1558 : memref<1x800x32xf32, #tpu.memory_space<vmem>> -> memref<800x32xf32, #tpu.memory_space<vmem>>
    tpu.enqueue_dma source(%dma_start3A_1559 : memref<800x32xf32, #tpu.memory_space<vmem>>) target(%dma_start3A_1555 : memref<800x32xf32, #tpu.memory_space<hbm>>) target_semaphore(%arg16 : memref<!tpu.dma_semaphore, #tpu.memory_space<semaphore_mem>>)
    %dma_wait3A_1560 = arith.constant 3 : i32
    %dma_wait3A_1561 = arith.constant 0 : i32
    %dma_wait3A_1562 = arith.constant 0 : i32
    %dma_wait3A_1563 = tpu.memref_slice %arg7[%dma_wait3A_1560, %dma_wait3A_1561, %dma_wait3A_1562] : memref<4x800x32xf32, #tpu.memory_space<vmem>> -> memref<1x800x32xf32, #tpu.memory_space<vmem>>
    %dma_wait3A_1564 = tpu.memref_squeeze %dma_wait3A_1563 : memref<1x800x32xf32, #tpu.memory_space<vmem>> -> memref<800x32xf32, #tpu.memory_space<vmem>>
    %dma_wait3A_1565 = arith.constant 0 : i32
    %dma_wait3A_1566 = tpu.memref_slice %arg5[%add3A_1546, %dma_wait3A_1565] : memref<819200x32xf32, #tpu.memory_space<hbm>> -> memref<800x32xf32, #tpu.memory_space<hbm>>
    %dma_wait3A_1567 = arith.constant 0 : i32
    %dma_wait3A_1568 = tpu.memref_slice %arg5[%add3A_1546, %dma_wait3A_1567] : memref<819200x32xf32, #tpu.memory_space<hbm>> -> memref<800x32xf32, #tpu.memory_space<hbm>>
    %dma_wait3A_1569 = arith.constant 0 : i32
    %dma_wait3A_1570 = arith.constant 0 : i32
    %dma_wait3A_1571 = tpu.memref_slice %arg7[%dma_wait3A_1560, %dma_wait3A_1569, %dma_wait3A_1570] : memref<4x800x32xf32, #tpu.memory_space<vmem>> -> memref<1x800x32xf32, #tpu.memory_space<vmem>>
    %dma_wait3A_1572 = tpu.memref_squeeze %dma_wait3A_1571 : memref<1x800x32xf32, #tpu.memory_space<vmem>> -> memref<800x32xf32, #tpu.memory_space<vmem>>
    tpu.wait_dma2 semaphore(%arg16 : memref<!tpu.dma_semaphore, #tpu.memory_space<semaphore_mem>>) src(%dma_wait3A_1572 : memref<800x32xf32, #tpu.memory_space<vmem>>) dst(%dma_wait3A_1568 : memref<800x32xf32, #tpu.memory_space<hbm>>)
    %dma_start3A_1573 = arith.constant 3 : i32
    %dma_start3A_1574 = arith.constant 0 : i32
    %dma_start3A_1575 = arith.constant 0 : i32
    %dma_start3A_1576 = tpu.memref_slice %arg7[%dma_start3A_1573, %dma_start3A_1574, %dma_start3A_1575] : memref<4x800x32xf32, #tpu.memory_space<vmem>> -> memref<1x800x32xf32, #tpu.memory_space<vmem>>
    %dma_start3A_1577 = tpu.memref_squeeze %dma_start3A_1576 : memref<1x800x32xf32, #tpu.memory_space<vmem>> -> memref<800x32xf32, #tpu.memory_space<vmem>>
    %dma_start3A_1578 = arith.constant 24800 : i32
    %dma_start3A_1579 = tpu.memref_slice %arg6[%dma_start3A_1578] : memref<25600xi32, #tpu.memory_space<vmem>> -> memref<800xi32, #tpu.memory_space<vmem>>
    %dma_start3A_1580 = arith.constant 0 : i32
    %dma_start3A_1581 = arith.constant 0 : i32
    %dma_start3A_1582 = tpu.memref_slice %arg4[%dma_start3A_1580, %dma_start3A_1581] : memref<1000000x32xf32, #tpu.memory_space<hbm>> -> memref<1000000x32xf32, #tpu.memory_space<hbm>>
    tpu.enqueue_indirect_dma source(%dma_start3A_1582 : memref<1000000x32xf32, #tpu.memory_space<hbm>>) target(%dma_start3A_1577 : memref<800x32xf32, #tpu.memory_space<vmem>>) offsets(%dma_start3A_1579 : memref<800xi32, #tpu.memory_space<vmem>>) semaphore(%arg12 : memref<!tpu.dma_semaphore, #tpu.memory_space<semaphore_mem>>)
    %dma_wait3A_1583 = arith.constant 0 : i32
    %dma_wait3A_1584 = arith.constant 0 : i32
    %dma_wait3A_1585 = arith.constant 0 : i32
    %dma_wait3A_1586 = tpu.memref_slice %arg7[%dma_wait3A_1583, %dma_wait3A_1584, %dma_wait3A_1585] : memref<4x800x32xf32, #tpu.memory_space<vmem>> -> memref<1x800x32xf32, #tpu.memory_space<vmem>>
    %dma_wait3A_1587 = tpu.memref_squeeze %dma_wait3A_1586 : memref<1x800x32xf32, #tpu.memory_space<vmem>> -> memref<800x32xf32, #tpu.memory_space<vmem>>
    %dma_wait3A_1588 = arith.constant 22400 : i32
    %dma_wait3A_1589 = tpu.memref_slice %arg6[%dma_wait3A_1588] : memref<25600xi32, #tpu.memory_space<vmem>> -> memref<800xi32, #tpu.memory_space<vmem>>
    %dma_wait3A_1590 = arith.constant 0 : i32
    %dma_wait3A_1591 = arith.constant 0 : i32
    %dma_wait3A_1592 = tpu.memref_slice %arg4[%dma_wait3A_1590, %dma_wait3A_1591] : memref<1000000x32xf32, #tpu.memory_space<hbm>> -> memref<1000000x32xf32, #tpu.memory_space<hbm>>
    tpu.wait_indirect_dma semaphore(%arg9 : memref<!tpu.dma_semaphore, #tpu.memory_space<semaphore_mem>>) src(%dma_wait3A_1592 : memref<1000000x32xf32, #tpu.memory_space<hbm>>) dst(%dma_wait3A_1587 : memref<800x32xf32, #tpu.memory_space<vmem>>)
    %scan3A_1593 = arith.constant 0 : i32
    %scan3A_1594 = arith.constant 0 : i32
    %scan3A_1595 = arith.constant 16 : i32
    %scan3A_1596 = arith.addi %scan3A_1594, %scan3A_1595 : i32
    %scan3A_1597 = arith.constant 1 : i32
    %scan3A_1598 = scf.for %scan3A_1763 = %scan3A_1594 to %scan3A_1596 step %scan3A_1597 iter_args(%scan3A_1764 = %scan3A_1593) -> (i32)  : i32 {
      %add3A_1765 = arith.constant 448 : i32
      %add3A_1766 = arith.addi %add3A_1765, %scan3A_1763 : i32
      %get3A = arith.index_cast %add3A_1766 : i32 to index
      %get3A_1767 = tpu.vector_load %arg8[%get3A] {strides = array<i32>} : memref<528xi32, #tpu.memory_space<vmem>>, vector<16xi32>,
      %get3A_1768 = vector.shape_cast %get3A_1767 : vector<16xi32> to vector<16xi32>
      %slice3A = vector.extract_strided_slice %get3A_1768 {offsets = [0], sizes = [1], strides = [1]} : vector<16xi32> to vector<1xi32>
      %squeeze3A = vector.extract %slice3A[0] : i32 from vector<1xi32>
      %while3A = arith.constant 50 : i32
      %while3A_1769 = arith.constant 0 : i32
      %while3A_1770 = arith.subi %while3A, %squeeze3A : i32
      %while3A_1771 = arith.addi %squeeze3A, %while3A_1770 : i32
      %while3A_1772 = arith.constant 1 : i32
      %while3A_1773 = arith.divsi %while3A_1770, %while3A_1772 : i32
      %while3A_1774 = arith.muli %while3A_1773, %while3A_1772 : i32
      %while3A_1775 = arith.addi %squeeze3A, %while3A_1774 : i32
      %while3A_1776 = arith.constant 1 : i32
      %while3A_1777 = scf.for %while3A_1781 = %squeeze3A to %while3A_1775 step %while3A_1776 iter_args(%while3A_1782 = %while3A_1769) -> (i32)  : i32 {
        %mul3A_1783 = arith.constant 50 : i32
        %mul3A_1784 = arith.muli %scan3A_1763, %mul3A_1783 : i32
        %add3A_1785 = arith.addi %mul3A_1784, %while3A_1781 : i32
        %swap3A = arith.constant 0 : i32
        %swap3A_1786 = arith.index_cast %swap3A : i32 to index
        %swap3A_1787 = arith.index_cast %add3A_1785 : i32 to index
        %swap3A_1788 = arith.constant 0 : index
        %swap3A_1789 = tpu.vector_load %arg7[%swap3A_1786, %swap3A_1787, %swap3A_1788] {strides = array<i32>} : memref<4x800x32xf32, #tpu.memory_space<vmem>>, vector<1x1x16xf32>,
        %swap3A_1790 = vector.shape_cast %swap3A_1789 : vector<1x1x16xf32> to vector<16xf32>
        %swap3A_1791 = vector.shape_cast %broadcast_in_dim3A_5 : vector<16xf32> to vector<1x1x16xf32>
        tpu.vector_store %arg7[%swap3A_1786, %swap3A_1787, %swap3A_1788], %swap3A_1791 {strides = array<i32>} : memref<4x800x32xf32, #tpu.memory_space<vmem>>, vector<1x1x16xf32>,
        %mul3A_1792 = arith.constant 50 : i32
        %mul3A_1793 = arith.muli %scan3A_1763, %mul3A_1792 : i32
        %add3A_1794 = arith.addi %mul3A_1793, %while3A_1781 : i32
        %swap3A_1795 = arith.constant 0 : i32
        %swap3A_1796 = arith.index_cast %swap3A_1795 : i32 to index
        %swap3A_1797 = arith.index_cast %add3A_1794 : i32 to index
        %swap3A_1798 = arith.constant 16 : index
        %swap3A_1799 = tpu.vector_load %arg7[%swap3A_1796, %swap3A_1797, %swap3A_1798] {strides = array<i32>} : memref<4x800x32xf32, #tpu.memory_space<vmem>>, vector<1x1x16xf32>,
        %swap3A_1800 = vector.shape_cast %swap3A_1799 : vector<1x1x16xf32> to vector<16xf32>
        %swap3A_1801 = vector.shape_cast %broadcast_in_dim3A_5 : vector<16xf32> to vector<1x1x16xf32>
        tpu.vector_store %arg7[%swap3A_1796, %swap3A_1797, %swap3A_1798], %swap3A_1801 {strides = array<i32>} : memref<4x800x32xf32, #tpu.memory_space<vmem>>, vector<1x1x16xf32>,
        %while3A_1802 = arith.constant 0 : i32
        scf.yield %while3A_1802 : i32
      }
      %while3A_1778 = arith.constant 1 : i32
      %while3A_1779 = scf.for %while3A_1781 = %while3A_1775 to %while3A_1771 step %while3A_1778 iter_args(%while3A_1782 = %while3A_1777) -> (i32)  : i32 {
        %mul3A_1783 = arith.constant 50 : i32
        %mul3A_1784 = arith.muli %scan3A_1763, %mul3A_1783 : i32
        %add3A_1785 = arith.addi %mul3A_1784, %while3A_1781 : i32
        %swap3A = arith.constant 0 : i32
        %swap3A_1786 = arith.index_cast %swap3A : i32 to index
        %swap3A_1787 = arith.index_cast %add3A_1785 : i32 to index
        %swap3A_1788 = arith.constant 0 : index
        %swap3A_1789 = tpu.vector_load %arg7[%swap3A_1786, %swap3A_1787, %swap3A_1788] {strides = array<i32>} : memref<4x800x32xf32, #tpu.memory_space<vmem>>, vector<1x1x16xf32>,
        %swap3A_1790 = vector.shape_cast %swap3A_1789 : vector<1x1x16xf32> to vector<16xf32>
        %swap3A_1791 = vector.shape_cast %broadcast_in_dim3A_5 : vector<16xf32> to vector<1x1x16xf32>
        tpu.vector_store %arg7[%swap3A_1786, %swap3A_1787, %swap3A_1788], %swap3A_1791 {strides = array<i32>} : memref<4x800x32xf32, #tpu.memory_space<vmem>>, vector<1x1x16xf32>,
        %mul3A_1792 = arith.constant 50 : i32
        %mul3A_1793 = arith.muli %scan3A_1763, %mul3A_1792 : i32
        %add3A_1794 = arith.addi %mul3A_1793, %while3A_1781 : i32
        %swap3A_1795 = arith.constant 0 : i32
        %swap3A_1796 = arith.index_cast %swap3A_1795 : i32 to index
        %swap3A_1797 = arith.index_cast %add3A_1794 : i32 to index
        %swap3A_1798 = arith.constant 16 : index
        %swap3A_1799 = tpu.vector_load %arg7[%swap3A_1796, %swap3A_1797, %swap3A_1798] {strides = array<i32>} : memref<4x800x32xf32, #tpu.memory_space<vmem>>, vector<1x1x16xf32>,
        %swap3A_1800 = vector.shape_cast %swap3A_1799 : vector<1x1x16xf32> to vector<16xf32>
        %swap3A_1801 = vector.shape_cast %broadcast_in_dim3A_5 : vector<16xf32> to vector<1x1x16xf32>
        tpu.vector_store %arg7[%swap3A_1796, %swap3A_1797, %swap3A_1798], %swap3A_1801 {strides = array<i32>} : memref<4x800x32xf32, #tpu.memory_space<vmem>>, vector<1x1x16xf32>,
        %while3A_1802 = arith.constant 0 : i32
        scf.yield %while3A_1802 : i32
      }
      %scan3A_1780 = arith.constant 0 : i32
      scf.yield %scan3A_1780 : i32
    }
    %scan3A_1599 = arith.constant 16 : i32
    %add3A_1600 = arith.constant 22400 : i32
    %add3A_1601 = arith.addi %mul3A_2, %add3A_1600 : i32
    %dma_start3A_1602 = arith.constant 0 : i32
    %dma_start3A_1603 = arith.constant 0 : i32
    %dma_start3A_1604 = arith.constant 0 : i32
    %dma_start3A_1605 = tpu.memref_slice %arg7[%dma_start3A_1602, %dma_start3A_1603, %dma_start3A_1604] : memref<4x800x32xf32, #tpu.memory_space<vmem>> -> memref<1x800x32xf32, #tpu.memory_space<vmem>>
    %dma_start3A_1606 = tpu.memref_squeeze %dma_start3A_1605 : memref<1x800x32xf32, #tpu.memory_space<vmem>> -> memref<800x32xf32, #tpu.memory_space<vmem>>
    %dma_start3A_1607 = arith.constant 0 : i32
    %dma_start3A_1608 = tpu.memref_slice %arg5[%add3A_1601, %dma_start3A_1607] : memref<819200x32xf32, #tpu.memory_space<hbm>> -> memref<800x32xf32, #tpu.memory_space<hbm>>
    %dma_start3A_1609 = arith.constant 0 : i32
    %dma_start3A_1610 = tpu.memref_slice %arg5[%add3A_1601, %dma_start3A_1609] : memref<819200x32xf32, #tpu.memory_space<hbm>> -> memref<800x32xf32, #tpu.memory_space<hbm>>
    %dma_start3A_1611 = arith.constant 0 : i32
    %dma_start3A_1612 = arith.constant 0 : i32
    %dma_start3A_1613 = tpu.memref_slice %arg7[%dma_start3A_1602, %dma_start3A_1611, %dma_start3A_1612] : memref<4x800x32xf32, #tpu.memory_space<vmem>> -> memref<1x800x32xf32, #tpu.memory_space<vmem>>
    %dma_start3A_1614 = tpu.memref_squeeze %dma_start3A_1613 : memref<1x800x32xf32, #tpu.memory_space<vmem>> -> memref<800x32xf32, #tpu.memory_space<vmem>>
    tpu.enqueue_dma source(%dma_start3A_1614 : memref<800x32xf32, #tpu.memory_space<vmem>>) target(%dma_start3A_1610 : memref<800x32xf32, #tpu.memory_space<hbm>>) target_semaphore(%arg13 : memref<!tpu.dma_semaphore, #tpu.memory_space<semaphore_mem>>)
    %dma_wait3A_1615 = arith.constant 1 : i32
    %dma_wait3A_1616 = arith.constant 0 : i32
    %dma_wait3A_1617 = arith.constant 0 : i32
    %dma_wait3A_1618 = tpu.memref_slice %arg7[%dma_wait3A_1615, %dma_wait3A_1616, %dma_wait3A_1617] : memref<4x800x32xf32, #tpu.memory_space<vmem>> -> memref<1x800x32xf32, #tpu.memory_space<vmem>>
    %dma_wait3A_1619 = tpu.memref_squeeze %dma_wait3A_1618 : memref<1x800x32xf32, #tpu.memory_space<vmem>> -> memref<800x32xf32, #tpu.memory_space<vmem>>
    %dma_wait3A_1620 = arith.constant 23200 : i32
    %dma_wait3A_1621 = tpu.memref_slice %arg6[%dma_wait3A_1620] : memref<25600xi32, #tpu.memory_space<vmem>> -> memref<800xi32, #tpu.memory_space<vmem>>
    %dma_wait3A_1622 = arith.constant 0 : i32
    %dma_wait3A_1623 = arith.constant 0 : i32
    %dma_wait3A_1624 = tpu.memref_slice %arg4[%dma_wait3A_1622, %dma_wait3A_1623] : memref<1000000x32xf32, #tpu.memory_space<hbm>> -> memref<1000000x32xf32, #tpu.memory_space<hbm>>
    tpu.wait_indirect_dma semaphore(%arg10 : memref<!tpu.dma_semaphore, #tpu.memory_space<semaphore_mem>>) src(%dma_wait3A_1624 : memref<1000000x32xf32, #tpu.memory_space<hbm>>) dst(%dma_wait3A_1619 : memref<800x32xf32, #tpu.memory_space<vmem>>)
    %scan3A_1625 = arith.constant 0 : i32
    %scan3A_1626 = arith.constant 0 : i32
    %scan3A_1627 = arith.constant 16 : i32
    %scan3A_1628 = arith.addi %scan3A_1626, %scan3A_1627 : i32
    %scan3A_1629 = arith.constant 1 : i32
    %scan3A_1630 = scf.for %scan3A_1763 = %scan3A_1626 to %scan3A_1628 step %scan3A_1629 iter_args(%scan3A_1764 = %scan3A_1625) -> (i32)  : i32 {
      %add3A_1765 = arith.constant 464 : i32
      %add3A_1766 = arith.addi %add3A_1765, %scan3A_1763 : i32
      %get3A = arith.index_cast %add3A_1766 : i32 to index
      %get3A_1767 = tpu.vector_load %arg8[%get3A] {strides = array<i32>} : memref<528xi32, #tpu.memory_space<vmem>>, vector<16xi32>,
      %get3A_1768 = vector.shape_cast %get3A_1767 : vector<16xi32> to vector<16xi32>
      %slice3A = vector.extract_strided_slice %get3A_1768 {offsets = [0], sizes = [1], strides = [1]} : vector<16xi32> to vector<1xi32>
      %squeeze3A = vector.extract %slice3A[0] : i32 from vector<1xi32>
      %while3A = arith.constant 50 : i32
      %while3A_1769 = arith.constant 0 : i32
      %while3A_1770 = arith.subi %while3A, %squeeze3A : i32
      %while3A_1771 = arith.addi %squeeze3A, %while3A_1770 : i32
      %while3A_1772 = arith.constant 1 : i32
      %while3A_1773 = arith.divsi %while3A_1770, %while3A_1772 : i32
      %while3A_1774 = arith.muli %while3A_1773, %while3A_1772 : i32
      %while3A_1775 = arith.addi %squeeze3A, %while3A_1774 : i32
      %while3A_1776 = arith.constant 1 : i32
      %while3A_1777 = scf.for %while3A_1781 = %squeeze3A to %while3A_1775 step %while3A_1776 iter_args(%while3A_1782 = %while3A_1769) -> (i32)  : i32 {
        %mul3A_1783 = arith.constant 50 : i32
        %mul3A_1784 = arith.muli %scan3A_1763, %mul3A_1783 : i32
        %add3A_1785 = arith.addi %mul3A_1784, %while3A_1781 : i32
        %swap3A = arith.constant 1 : i32
        %swap3A_1786 = arith.index_cast %swap3A : i32 to index
        %swap3A_1787 = arith.index_cast %add3A_1785 : i32 to index
        %swap3A_1788 = arith.constant 0 : index
        %swap3A_1789 = tpu.vector_load %arg7[%swap3A_1786, %swap3A_1787, %swap3A_1788] {strides = array<i32>} : memref<4x800x32xf32, #tpu.memory_space<vmem>>, vector<1x1x16xf32>,
        %swap3A_1790 = vector.shape_cast %swap3A_1789 : vector<1x1x16xf32> to vector<16xf32>
        %swap3A_1791 = vector.shape_cast %broadcast_in_dim3A_5 : vector<16xf32> to vector<1x1x16xf32>
        tpu.vector_store %arg7[%swap3A_1786, %swap3A_1787, %swap3A_1788], %swap3A_1791 {strides = array<i32>} : memref<4x800x32xf32, #tpu.memory_space<vmem>>, vector<1x1x16xf32>,
        %mul3A_1792 = arith.constant 50 : i32
        %mul3A_1793 = arith.muli %scan3A_1763, %mul3A_1792 : i32
        %add3A_1794 = arith.addi %mul3A_1793, %while3A_1781 : i32
        %swap3A_1795 = arith.constant 1 : i32
        %swap3A_1796 = arith.index_cast %swap3A_1795 : i32 to index
        %swap3A_1797 = arith.index_cast %add3A_1794 : i32 to index
        %swap3A_1798 = arith.constant 16 : index
        %swap3A_1799 = tpu.vector_load %arg7[%swap3A_1796, %swap3A_1797, %swap3A_1798] {strides = array<i32>} : memref<4x800x32xf32, #tpu.memory_space<vmem>>, vector<1x1x16xf32>,
        %swap3A_1800 = vector.shape_cast %swap3A_1799 : vector<1x1x16xf32> to vector<16xf32>
        %swap3A_1801 = vector.shape_cast %broadcast_in_dim3A_5 : vector<16xf32> to vector<1x1x16xf32>
        tpu.vector_store %arg7[%swap3A_1796, %swap3A_1797, %swap3A_1798], %swap3A_1801 {strides = array<i32>} : memref<4x800x32xf32, #tpu.memory_space<vmem>>, vector<1x1x16xf32>,
        %while3A_1802 = arith.constant 0 : i32
        scf.yield %while3A_1802 : i32
      }
      %while3A_1778 = arith.constant 1 : i32
      %while3A_1779 = scf.for %while3A_1781 = %while3A_1775 to %while3A_1771 step %while3A_1778 iter_args(%while3A_1782 = %while3A_1777) -> (i32)  : i32 {
        %mul3A_1783 = arith.constant 50 : i32
        %mul3A_1784 = arith.muli %scan3A_1763, %mul3A_1783 : i32
        %add3A_1785 = arith.addi %mul3A_1784, %while3A_1781 : i32
        %swap3A = arith.constant 1 : i32
        %swap3A_1786 = arith.index_cast %swap3A : i32 to index
        %swap3A_1787 = arith.index_cast %add3A_1785 : i32 to index
        %swap3A_1788 = arith.constant 0 : index
        %swap3A_1789 = tpu.vector_load %arg7[%swap3A_1786, %swap3A_1787, %swap3A_1788] {strides = array<i32>} : memref<4x800x32xf32, #tpu.memory_space<vmem>>, vector<1x1x16xf32>,
        %swap3A_1790 = vector.shape_cast %swap3A_1789 : vector<1x1x16xf32> to vector<16xf32>
        %swap3A_1791 = vector.shape_cast %broadcast_in_dim3A_5 : vector<16xf32> to vector<1x1x16xf32>
        tpu.vector_store %arg7[%swap3A_1786, %swap3A_1787, %swap3A_1788], %swap3A_1791 {strides = array<i32>} : memref<4x800x32xf32, #tpu.memory_space<vmem>>, vector<1x1x16xf32>,
        %mul3A_1792 = arith.constant 50 : i32
        %mul3A_1793 = arith.muli %scan3A_1763, %mul3A_1792 : i32
        %add3A_1794 = arith.addi %mul3A_1793, %while3A_1781 : i32
        %swap3A_1795 = arith.constant 1 : i32
        %swap3A_1796 = arith.index_cast %swap3A_1795 : i32 to index
        %swap3A_1797 = arith.index_cast %add3A_1794 : i32 to index
        %swap3A_1798 = arith.constant 16 : index
        %swap3A_1799 = tpu.vector_load %arg7[%swap3A_1796, %swap3A_1797, %swap3A_1798] {strides = array<i32>} : memref<4x800x32xf32, #tpu.memory_space<vmem>>, vector<1x1x16xf32>,
        %swap3A_1800 = vector.shape_cast %swap3A_1799 : vector<1x1x16xf32> to vector<16xf32>
        %swap3A_1801 = vector.shape_cast %broadcast_in_dim3A_5 : vector<16xf32> to vector<1x1x16xf32>
        tpu.vector_store %arg7[%swap3A_1796, %swap3A_1797, %swap3A_1798], %swap3A_1801 {strides = array<i32>} : memref<4x800x32xf32, #tpu.memory_space<vmem>>, vector<1x1x16xf32>,
        %while3A_1802 = arith.constant 0 : i32
        scf.yield %while3A_1802 : i32
      }
      %scan3A_1780 = arith.constant 0 : i32
      scf.yield %scan3A_1780 : i32
    }
    %scan3A_1631 = arith.constant 16 : i32
    %add3A_1632 = arith.constant 23200 : i32
    %add3A_1633 = arith.addi %mul3A_2, %add3A_1632 : i32
    %dma_start3A_1634 = arith.constant 1 : i32
    %dma_start3A_1635 = arith.constant 0 : i32
    %dma_start3A_1636 = arith.constant 0 : i32
    %dma_start3A_1637 = tpu.memref_slice %arg7[%dma_start3A_1634, %dma_start3A_1635, %dma_start3A_1636] : memref<4x800x32xf32, #tpu.memory_space<vmem>> -> memref<1x800x32xf32, #tpu.memory_space<vmem>>
    %dma_start3A_1638 = tpu.memref_squeeze %dma_start3A_1637 : memref<1x800x32xf32, #tpu.memory_space<vmem>> -> memref<800x32xf32, #tpu.memory_space<vmem>>
    %dma_start3A_1639 = arith.constant 0 : i32
    %dma_start3A_1640 = tpu.memref_slice %arg5[%add3A_1633, %dma_start3A_1639] : memref<819200x32xf32, #tpu.memory_space<hbm>> -> memref<800x32xf32, #tpu.memory_space<hbm>>
    %dma_start3A_1641 = arith.constant 0 : i32
    %dma_start3A_1642 = tpu.memref_slice %arg5[%add3A_1633, %dma_start3A_1641] : memref<819200x32xf32, #tpu.memory_space<hbm>> -> memref<800x32xf32, #tpu.memory_space<hbm>>
    %dma_start3A_1643 = arith.constant 0 : i32
    %dma_start3A_1644 = arith.constant 0 : i32
    %dma_start3A_1645 = tpu.memref_slice %arg7[%dma_start3A_1634, %dma_start3A_1643, %dma_start3A_1644] : memref<4x800x32xf32, #tpu.memory_space<vmem>> -> memref<1x800x32xf32, #tpu.memory_space<vmem>>
    %dma_start3A_1646 = tpu.memref_squeeze %dma_start3A_1645 : memref<1x800x32xf32, #tpu.memory_space<vmem>> -> memref<800x32xf32, #tpu.memory_space<vmem>>
    tpu.enqueue_dma source(%dma_start3A_1646 : memref<800x32xf32, #tpu.memory_space<vmem>>) target(%dma_start3A_1642 : memref<800x32xf32, #tpu.memory_space<hbm>>) target_semaphore(%arg14 : memref<!tpu.dma_semaphore, #tpu.memory_space<semaphore_mem>>)
    %dma_wait3A_1647 = arith.constant 2 : i32
    %dma_wait3A_1648 = arith.constant 0 : i32
    %dma_wait3A_1649 = arith.constant 0 : i32
    %dma_wait3A_1650 = tpu.memref_slice %arg7[%dma_wait3A_1647, %dma_wait3A_1648, %dma_wait3A_1649] : memref<4x800x32xf32, #tpu.memory_space<vmem>> -> memref<1x800x32xf32, #tpu.memory_space<vmem>>
    %dma_wait3A_1651 = tpu.memref_squeeze %dma_wait3A_1650 : memref<1x800x32xf32, #tpu.memory_space<vmem>> -> memref<800x32xf32, #tpu.memory_space<vmem>>
    %dma_wait3A_1652 = arith.constant 24000 : i32
    %dma_wait3A_1653 = tpu.memref_slice %arg6[%dma_wait3A_1652] : memref<25600xi32, #tpu.memory_space<vmem>> -> memref<800xi32, #tpu.memory_space<vmem>>
    %dma_wait3A_1654 = arith.constant 0 : i32
    %dma_wait3A_1655 = arith.constant 0 : i32
    %dma_wait3A_1656 = tpu.memref_slice %arg4[%dma_wait3A_1654, %dma_wait3A_1655] : memref<1000000x32xf32, #tpu.memory_space<hbm>> -> memref<1000000x32xf32, #tpu.memory_space<hbm>>
    tpu.wait_indirect_dma semaphore(%arg11 : memref<!tpu.dma_semaphore, #tpu.memory_space<semaphore_mem>>) src(%dma_wait3A_1656 : memref<1000000x32xf32, #tpu.memory_space<hbm>>) dst(%dma_wait3A_1651 : memref<800x32xf32, #tpu.memory_space<vmem>>)
    %scan3A_1657 = arith.constant 0 : i32
    %scan3A_1658 = arith.constant 0 : i32
    %scan3A_1659 = arith.constant 16 : i32
    %scan3A_1660 = arith.addi %scan3A_1658, %scan3A_1659 : i32
    %scan3A_1661 = arith.constant 1 : i32
    %scan3A_1662 = scf.for %scan3A_1763 = %scan3A_1658 to %scan3A_1660 step %scan3A_1661 iter_args(%scan3A_1764 = %scan3A_1657) -> (i32)  : i32 {
      %add3A_1765 = arith.constant 480 : i32
      %add3A_1766 = arith.addi %add3A_1765, %scan3A_1763 : i32
      %get3A = arith.index_cast %add3A_1766 : i32 to index
      %get3A_1767 = tpu.vector_load %arg8[%get3A] {strides = array<i32>} : memref<528xi32, #tpu.memory_space<vmem>>, vector<16xi32>,
      %get3A_1768 = vector.shape_cast %get3A_1767 : vector<16xi32> to vector<16xi32>
      %slice3A = vector.extract_strided_slice %get3A_1768 {offsets = [0], sizes = [1], strides = [1]} : vector<16xi32> to vector<1xi32>
      %squeeze3A = vector.extract %slice3A[0] : i32 from vector<1xi32>
      %while3A = arith.constant 50 : i32
      %while3A_1769 = arith.constant 0 : i32
      %while3A_1770 = arith.subi %while3A, %squeeze3A : i32
      %while3A_1771 = arith.addi %squeeze3A, %while3A_1770 : i32
      %while3A_1772 = arith.constant 1 : i32
      %while3A_1773 = arith.divsi %while3A_1770, %while3A_1772 : i32
      %while3A_1774 = arith.muli %while3A_1773, %while3A_1772 : i32
      %while3A_1775 = arith.addi %squeeze3A, %while3A_1774 : i32
      %while3A_1776 = arith.constant 1 : i32
      %while3A_1777 = scf.for %while3A_1781 = %squeeze3A to %while3A_1775 step %while3A_1776 iter_args(%while3A_1782 = %while3A_1769) -> (i32)  : i32 {
        %mul3A_1783 = arith.constant 50 : i32
        %mul3A_1784 = arith.muli %scan3A_1763, %mul3A_1783 : i32
        %add3A_1785 = arith.addi %mul3A_1784, %while3A_1781 : i32
        %swap3A = arith.constant 2 : i32
        %swap3A_1786 = arith.index_cast %swap3A : i32 to index
        %swap3A_1787 = arith.index_cast %add3A_1785 : i32 to index
        %swap3A_1788 = arith.constant 0 : index
        %swap3A_1789 = tpu.vector_load %arg7[%swap3A_1786, %swap3A_1787, %swap3A_1788] {strides = array<i32>} : memref<4x800x32xf32, #tpu.memory_space<vmem>>, vector<1x1x16xf32>,
        %swap3A_1790 = vector.shape_cast %swap3A_1789 : vector<1x1x16xf32> to vector<16xf32>
        %swap3A_1791 = vector.shape_cast %broadcast_in_dim3A_5 : vector<16xf32> to vector<1x1x16xf32>
        tpu.vector_store %arg7[%swap3A_1786, %swap3A_1787, %swap3A_1788], %swap3A_1791 {strides = array<i32>} : memref<4x800x32xf32, #tpu.memory_space<vmem>>, vector<1x1x16xf32>,
        %mul3A_1792 = arith.constant 50 : i32
        %mul3A_1793 = arith.muli %scan3A_1763, %mul3A_1792 : i32
        %add3A_1794 = arith.addi %mul3A_1793, %while3A_1781 : i32
        %swap3A_1795 = arith.constant 2 : i32
        %swap3A_1796 = arith.index_cast %swap3A_1795 : i32 to index
        %swap3A_1797 = arith.index_cast %add3A_1794 : i32 to index
        %swap3A_1798 = arith.constant 16 : index
        %swap3A_1799 = tpu.vector_load %arg7[%swap3A_1796, %swap3A_1797, %swap3A_1798] {strides = array<i32>} : memref<4x800x32xf32, #tpu.memory_space<vmem>>, vector<1x1x16xf32>,
        %swap3A_1800 = vector.shape_cast %swap3A_1799 : vector<1x1x16xf32> to vector<16xf32>
        %swap3A_1801 = vector.shape_cast %broadcast_in_dim3A_5 : vector<16xf32> to vector<1x1x16xf32>
        tpu.vector_store %arg7[%swap3A_1796, %swap3A_1797, %swap3A_1798], %swap3A_1801 {strides = array<i32>} : memref<4x800x32xf32, #tpu.memory_space<vmem>>, vector<1x1x16xf32>,
        %while3A_1802 = arith.constant 0 : i32
        scf.yield %while3A_1802 : i32
      }
      %while3A_1778 = arith.constant 1 : i32
      %while3A_1779 = scf.for %while3A_1781 = %while3A_1775 to %while3A_1771 step %while3A_1778 iter_args(%while3A_1782 = %while3A_1777) -> (i32)  : i32 {
        %mul3A_1783 = arith.constant 50 : i32
        %mul3A_1784 = arith.muli %scan3A_1763, %mul3A_1783 : i32
        %add3A_1785 = arith.addi %mul3A_1784, %while3A_1781 : i32
        %swap3A = arith.constant 2 : i32
        %swap3A_1786 = arith.index_cast %swap3A : i32 to index
        %swap3A_1787 = arith.index_cast %add3A_1785 : i32 to index
        %swap3A_1788 = arith.constant 0 : index
        %swap3A_1789 = tpu.vector_load %arg7[%swap3A_1786, %swap3A_1787, %swap3A_1788] {strides = array<i32>} : memref<4x800x32xf32, #tpu.memory_space<vmem>>, vector<1x1x16xf32>,
        %swap3A_1790 = vector.shape_cast %swap3A_1789 : vector<1x1x16xf32> to vector<16xf32>
        %swap3A_1791 = vector.shape_cast %broadcast_in_dim3A_5 : vector<16xf32> to vector<1x1x16xf32>
        tpu.vector_store %arg7[%swap3A_1786, %swap3A_1787, %swap3A_1788], %swap3A_1791 {strides = array<i32>} : memref<4x800x32xf32, #tpu.memory_space<vmem>>, vector<1x1x16xf32>,
        %mul3A_1792 = arith.constant 50 : i32
        %mul3A_1793 = arith.muli %scan3A_1763, %mul3A_1792 : i32
        %add3A_1794 = arith.addi %mul3A_1793, %while3A_1781 : i32
        %swap3A_1795 = arith.constant 2 : i32
        %swap3A_1796 = arith.index_cast %swap3A_1795 : i32 to index
        %swap3A_1797 = arith.index_cast %add3A_1794 : i32 to index
        %swap3A_1798 = arith.constant 16 : index
        %swap3A_1799 = tpu.vector_load %arg7[%swap3A_1796, %swap3A_1797, %swap3A_1798] {strides = array<i32>} : memref<4x800x32xf32, #tpu.memory_space<vmem>>, vector<1x1x16xf32>,
        %swap3A_1800 = vector.shape_cast %swap3A_1799 : vector<1x1x16xf32> to vector<16xf32>
        %swap3A_1801 = vector.shape_cast %broadcast_in_dim3A_5 : vector<16xf32> to vector<1x1x16xf32>
        tpu.vector_store %arg7[%swap3A_1796, %swap3A_1797, %swap3A_1798], %swap3A_1801 {strides = array<i32>} : memref<4x800x32xf32, #tpu.memory_space<vmem>>, vector<1x1x16xf32>,
        %while3A_1802 = arith.constant 0 : i32
        scf.yield %while3A_1802 : i32
      }
      %scan3A_1780 = arith.constant 0 : i32
      scf.yield %scan3A_1780 : i32
    }
    %scan3A_1663 = arith.constant 16 : i32
    %add3A_1664 = arith.constant 24000 : i32
    %add3A_1665 = arith.addi %mul3A_2, %add3A_1664 : i32
    %dma_start3A_1666 = arith.constant 2 : i32
    %dma_start3A_1667 = arith.constant 0 : i32
    %dma_start3A_1668 = arith.constant 0 : i32
    %dma_start3A_1669 = tpu.memref_slice %arg7[%dma_start3A_1666, %dma_start3A_1667, %dma_start3A_1668] : memref<4x800x32xf32, #tpu.memory_space<vmem>> -> memref<1x800x32xf32, #tpu.memory_space<vmem>>
    %dma_start3A_1670 = tpu.memref_squeeze %dma_start3A_1669 : memref<1x800x32xf32, #tpu.memory_space<vmem>> -> memref<800x32xf32, #tpu.memory_space<vmem>>
    %dma_start3A_1671 = arith.constant 0 : i32
    %dma_start3A_1672 = tpu.memref_slice %arg5[%add3A_1665, %dma_start3A_1671] : memref<819200x32xf32, #tpu.memory_space<hbm>> -> memref<800x32xf32, #tpu.memory_space<hbm>>
    %dma_start3A_1673 = arith.constant 0 : i32
    %dma_start3A_1674 = tpu.memref_slice %arg5[%add3A_1665, %dma_start3A_1673] : memref<819200x32xf32, #tpu.memory_space<hbm>> -> memref<800x32xf32, #tpu.memory_space<hbm>>
    %dma_start3A_1675 = arith.constant 0 : i32
    %dma_start3A_1676 = arith.constant 0 : i32
    %dma_start3A_1677 = tpu.memref_slice %arg7[%dma_start3A_1666, %dma_start3A_1675, %dma_start3A_1676] : memref<4x800x32xf32, #tpu.memory_space<vmem>> -> memref<1x800x32xf32, #tpu.memory_space<vmem>>
    %dma_start3A_1678 = tpu.memref_squeeze %dma_start3A_1677 : memref<1x800x32xf32, #tpu.memory_space<vmem>> -> memref<800x32xf32, #tpu.memory_space<vmem>>
    tpu.enqueue_dma source(%dma_start3A_1678 : memref<800x32xf32, #tpu.memory_space<vmem>>) target(%dma_start3A_1674 : memref<800x32xf32, #tpu.memory_space<hbm>>) target_semaphore(%arg15 : memref<!tpu.dma_semaphore, #tpu.memory_space<semaphore_mem>>)
    %dma_wait3A_1679 = arith.constant 3 : i32
    %dma_wait3A_1680 = arith.constant 0 : i32
    %dma_wait3A_1681 = arith.constant 0 : i32
    %dma_wait3A_1682 = tpu.memref_slice %arg7[%dma_wait3A_1679, %dma_wait3A_1680, %dma_wait3A_1681] : memref<4x800x32xf32, #tpu.memory_space<vmem>> -> memref<1x800x32xf32, #tpu.memory_space<vmem>>
    %dma_wait3A_1683 = tpu.memref_squeeze %dma_wait3A_1682 : memref<1x800x32xf32, #tpu.memory_space<vmem>> -> memref<800x32xf32, #tpu.memory_space<vmem>>
    %dma_wait3A_1684 = arith.constant 24800 : i32
    %dma_wait3A_1685 = tpu.memref_slice %arg6[%dma_wait3A_1684] : memref<25600xi32, #tpu.memory_space<vmem>> -> memref<800xi32, #tpu.memory_space<vmem>>
    %dma_wait3A_1686 = arith.constant 0 : i32
    %dma_wait3A_1687 = arith.constant 0 : i32
    %dma_wait3A_1688 = tpu.memref_slice %arg4[%dma_wait3A_1686, %dma_wait3A_1687] : memref<1000000x32xf32, #tpu.memory_space<hbm>> -> memref<1000000x32xf32, #tpu.memory_space<hbm>>
    tpu.wait_indirect_dma semaphore(%arg12 : memref<!tpu.dma_semaphore, #tpu.memory_space<semaphore_mem>>) src(%dma_wait3A_1688 : memref<1000000x32xf32, #tpu.memory_space<hbm>>) dst(%dma_wait3A_1683 : memref<800x32xf32, #tpu.memory_space<vmem>>)
    %scan3A_1689 = arith.constant 0 : i32
    %scan3A_1690 = arith.constant 0 : i32
    %scan3A_1691 = arith.constant 16 : i32
    %scan3A_1692 = arith.addi %scan3A_1690, %scan3A_1691 : i32
    %scan3A_1693 = arith.constant 1 : i32
    %scan3A_1694 = scf.for %scan3A_1763 = %scan3A_1690 to %scan3A_1692 step %scan3A_1693 iter_args(%scan3A_1764 = %scan3A_1689) -> (i32)  : i32 {
      %add3A_1765 = arith.constant 496 : i32
      %add3A_1766 = arith.addi %add3A_1765, %scan3A_1763 : i32
      %get3A = arith.index_cast %add3A_1766 : i32 to index
      %get3A_1767 = tpu.vector_load %arg8[%get3A] {strides = array<i32>} : memref<528xi32, #tpu.memory_space<vmem>>, vector<16xi32>,
      %get3A_1768 = vector.shape_cast %get3A_1767 : vector<16xi32> to vector<16xi32>
      %slice3A = vector.extract_strided_slice %get3A_1768 {offsets = [0], sizes = [1], strides = [1]} : vector<16xi32> to vector<1xi32>
      %squeeze3A = vector.extract %slice3A[0] : i32 from vector<1xi32>
      %while3A = arith.constant 50 : i32
      %while3A_1769 = arith.constant 0 : i32
      %while3A_1770 = arith.subi %while3A, %squeeze3A : i32
      %while3A_1771 = arith.addi %squeeze3A, %while3A_1770 : i32
      %while3A_1772 = arith.constant 1 : i32
      %while3A_1773 = arith.divsi %while3A_1770, %while3A_1772 : i32
      %while3A_1774 = arith.muli %while3A_1773, %while3A_1772 : i32
      %while3A_1775 = arith.addi %squeeze3A, %while3A_1774 : i32
      %while3A_1776 = arith.constant 1 : i32
      %while3A_1777 = scf.for %while3A_1781 = %squeeze3A to %while3A_1775 step %while3A_1776 iter_args(%while3A_1782 = %while3A_1769) -> (i32)  : i32 {
        %mul3A_1783 = arith.constant 50 : i32
        %mul3A_1784 = arith.muli %scan3A_1763, %mul3A_1783 : i32
        %add3A_1785 = arith.addi %mul3A_1784, %while3A_1781 : i32
        %swap3A = arith.constant 3 : i32
        %swap3A_1786 = arith.index_cast %swap3A : i32 to index
        %swap3A_1787 = arith.index_cast %add3A_1785 : i32 to index
        %swap3A_1788 = arith.constant 0 : index
        %swap3A_1789 = tpu.vector_load %arg7[%swap3A_1786, %swap3A_1787, %swap3A_1788] {strides = array<i32>} : memref<4x800x32xf32, #tpu.memory_space<vmem>>, vector<1x1x16xf32>,
        %swap3A_1790 = vector.shape_cast %swap3A_1789 : vector<1x1x16xf32> to vector<16xf32>
        %swap3A_1791 = vector.shape_cast %broadcast_in_dim3A_5 : vector<16xf32> to vector<1x1x16xf32>
        tpu.vector_store %arg7[%swap3A_1786, %swap3A_1787, %swap3A_1788], %swap3A_1791 {strides = array<i32>} : memref<4x800x32xf32, #tpu.memory_space<vmem>>, vector<1x1x16xf32>,
        %mul3A_1792 = arith.constant 50 : i32
        %mul3A_1793 = arith.muli %scan3A_1763, %mul3A_1792 : i32
        %add3A_1794 = arith.addi %mul3A_1793, %while3A_1781 : i32
        %swap3A_1795 = arith.constant 3 : i32
        %swap3A_1796 = arith.index_cast %swap3A_1795 : i32 to index
        %swap3A_1797 = arith.index_cast %add3A_1794 : i32 to index
        %swap3A_1798 = arith.constant 16 : index
        %swap3A_1799 = tpu.vector_load %arg7[%swap3A_1796, %swap3A_1797, %swap3A_1798] {strides = array<i32>} : memref<4x800x32xf32, #tpu.memory_space<vmem>>, vector<1x1x16xf32>,
        %swap3A_1800 = vector.shape_cast %swap3A_1799 : vector<1x1x16xf32> to vector<16xf32>
        %swap3A_1801 = vector.shape_cast %broadcast_in_dim3A_5 : vector<16xf32> to vector<1x1x16xf32>
        tpu.vector_store %arg7[%swap3A_1796, %swap3A_1797, %swap3A_1798], %swap3A_1801 {strides = array<i32>} : memref<4x800x32xf32, #tpu.memory_space<vmem>>, vector<1x1x16xf32>,
        %while3A_1802 = arith.constant 0 : i32
        scf.yield %while3A_1802 : i32
      }
      %while3A_1778 = arith.constant 1 : i32
      %while3A_1779 = scf.for %while3A_1781 = %while3A_1775 to %while3A_1771 step %while3A_1778 iter_args(%while3A_1782 = %while3A_1777) -> (i32)  : i32 {
        %mul3A_1783 = arith.constant 50 : i32
        %mul3A_1784 = arith.muli %scan3A_1763, %mul3A_1783 : i32
        %add3A_1785 = arith.addi %mul3A_1784, %while3A_1781 : i32
        %swap3A = arith.constant 3 : i32
        %swap3A_1786 = arith.index_cast %swap3A : i32 to index
        %swap3A_1787 = arith.index_cast %add3A_1785 : i32 to index
        %swap3A_1788 = arith.constant 0 : index
        %swap3A_1789 = tpu.vector_load %arg7[%swap3A_1786, %swap3A_1787, %swap3A_1788] {strides = array<i32>} : memref<4x800x32xf32, #tpu.memory_space<vmem>>, vector<1x1x16xf32>,
        %swap3A_1790 = vector.shape_cast %swap3A_1789 : vector<1x1x16xf32> to vector<16xf32>
        %swap3A_1791 = vector.shape_cast %broadcast_in_dim3A_5 : vector<16xf32> to vector<1x1x16xf32>
        tpu.vector_store %arg7[%swap3A_1786, %swap3A_1787, %swap3A_1788], %swap3A_1791 {strides = array<i32>} : memref<4x800x32xf32, #tpu.memory_space<vmem>>, vector<1x1x16xf32>,
        %mul3A_1792 = arith.constant 50 : i32
        %mul3A_1793 = arith.muli %scan3A_1763, %mul3A_1792 : i32
        %add3A_1794 = arith.addi %mul3A_1793, %while3A_1781 : i32
        %swap3A_1795 = arith.constant 3 : i32
        %swap3A_1796 = arith.index_cast %swap3A_1795 : i32 to index
        %swap3A_1797 = arith.index_cast %add3A_1794 : i32 to index
        %swap3A_1798 = arith.constant 16 : index
        %swap3A_1799 = tpu.vector_load %arg7[%swap3A_1796, %swap3A_1797, %swap3A_1798] {strides = array<i32>} : memref<4x800x32xf32, #tpu.memory_space<vmem>>, vector<1x1x16xf32>,
        %swap3A_1800 = vector.shape_cast %swap3A_1799 : vector<1x1x16xf32> to vector<16xf32>
        %swap3A_1801 = vector.shape_cast %broadcast_in_dim3A_5 : vector<16xf32> to vector<1x1x16xf32>
        tpu.vector_store %arg7[%swap3A_1796, %swap3A_1797, %swap3A_1798], %swap3A_1801 {strides = array<i32>} : memref<4x800x32xf32, #tpu.memory_space<vmem>>, vector<1x1x16xf32>,
        %while3A_1802 = arith.constant 0 : i32
        scf.yield %while3A_1802 : i32
      }
      %scan3A_1780 = arith.constant 0 : i32
      scf.yield %scan3A_1780 : i32
    }
    %scan3A_1695 = arith.constant 16 : i32
    %add3A_1696 = arith.constant 24800 : i32
    %add3A_1697 = arith.addi %mul3A_2, %add3A_1696 : i32
    %dma_start3A_1698 = arith.constant 3 : i32
    %dma_start3A_1699 = arith.constant 0 : i32
    %dma_start3A_1700 = arith.constant 0 : i32
    %dma_start3A_1701 = tpu.memref_slice %arg7[%dma_start3A_1698, %dma_start3A_1699, %dma_start3A_1700] : memref<4x800x32xf32, #tpu.memory_space<vmem>> -> memref<1x800x32xf32, #tpu.memory_space<vmem>>
    %dma_start3A_1702 = tpu.memref_squeeze %dma_start3A_1701 : memref<1x800x32xf32, #tpu.memory_space<vmem>> -> memref<800x32xf32, #tpu.memory_space<vmem>>
    %dma_start3A_1703 = arith.constant 0 : i32
    %dma_start3A_1704 = tpu.memref_slice %arg5[%add3A_1697, %dma_start3A_1703] : memref<819200x32xf32, #tpu.memory_space<hbm>> -> memref<800x32xf32, #tpu.memory_space<hbm>>
    %dma_start3A_1705 = arith.constant 0 : i32
    %dma_start3A_1706 = tpu.memref_slice %arg5[%add3A_1697, %dma_start3A_1705] : memref<819200x32xf32, #tpu.memory_space<hbm>> -> memref<800x32xf32, #tpu.memory_space<hbm>>
    %dma_start3A_1707 = arith.constant 0 : i32
    %dma_start3A_1708 = arith.constant 0 : i32
    %dma_start3A_1709 = tpu.memref_slice %arg7[%dma_start3A_1698, %dma_start3A_1707, %dma_start3A_1708] : memref<4x800x32xf32, #tpu.memory_space<vmem>> -> memref<1x800x32xf32, #tpu.memory_space<vmem>>
    %dma_start3A_1710 = tpu.memref_squeeze %dma_start3A_1709 : memref<1x800x32xf32, #tpu.memory_space<vmem>> -> memref<800x32xf32, #tpu.memory_space<vmem>>
    tpu.enqueue_dma source(%dma_start3A_1710 : memref<800x32xf32, #tpu.memory_space<vmem>>) target(%dma_start3A_1706 : memref<800x32xf32, #tpu.memory_space<hbm>>) target_semaphore(%arg16 : memref<!tpu.dma_semaphore, #tpu.memory_space<semaphore_mem>>)
    %dma_wait3A_1711 = arith.constant 0 : i32
    %dma_wait3A_1712 = arith.constant 0 : i32
    %dma_wait3A_1713 = arith.constant 0 : i32
    %dma_wait3A_1714 = tpu.memref_slice %arg7[%dma_wait3A_1711, %dma_wait3A_1712, %dma_wait3A_1713] : memref<4x800x32xf32, #tpu.memory_space<vmem>> -> memref<1x800x32xf32, #tpu.memory_space<vmem>>
    %dma_wait3A_1715 = tpu.memref_squeeze %dma_wait3A_1714 : memref<1x800x32xf32, #tpu.memory_space<vmem>> -> memref<800x32xf32, #tpu.memory_space<vmem>>
    %dma_wait3A_1716 = arith.constant 0 : i32
    %dma_wait3A_1717 = tpu.memref_slice %arg5[%add3A_1601, %dma_wait3A_1716] : memref<819200x32xf32, #tpu.memory_space<hbm>> -> memref<800x32xf32, #tpu.memory_space<hbm>>
    %dma_wait3A_1718 = arith.constant 0 : i32
    %dma_wait3A_1719 = tpu.memref_slice %arg5[%add3A_1601, %dma_wait3A_1718] : memref<819200x32xf32, #tpu.memory_space<hbm>> -> memref<800x32xf32, #tpu.memory_space<hbm>>
    %dma_wait3A_1720 = arith.constant 0 : i32
    %dma_wait3A_1721 = arith.constant 0 : i32
    %dma_wait3A_1722 = tpu.memref_slice %arg7[%dma_wait3A_1711, %dma_wait3A_1720, %dma_wait3A_1721] : memref<4x800x32xf32, #tpu.memory_space<vmem>> -> memref<1x800x32xf32, #tpu.memory_space<vmem>>
    %dma_wait3A_1723 = tpu.memref_squeeze %dma_wait3A_1722 : memref<1x800x32xf32, #tpu.memory_space<vmem>> -> memref<800x32xf32, #tpu.memory_space<vmem>>
    tpu.wait_dma2 semaphore(%arg13 : memref<!tpu.dma_semaphore, #tpu.memory_space<semaphore_mem>>) src(%dma_wait3A_1723 : memref<800x32xf32, #tpu.memory_space<vmem>>) dst(%dma_wait3A_1719 : memref<800x32xf32, #tpu.memory_space<hbm>>)
    %dma_wait3A_1724 = arith.constant 1 : i32
    %dma_wait3A_1725 = arith.constant 0 : i32
    %dma_wait3A_1726 = arith.constant 0 : i32
    %dma_wait3A_1727 = tpu.memref_slice %arg7[%dma_wait3A_1724, %dma_wait3A_1725, %dma_wait3A_1726] : memref<4x800x32xf32, #tpu.memory_space<vmem>> -> memref<1x800x32xf32, #tpu.memory_space<vmem>>
    %dma_wait3A_1728 = tpu.memref_squeeze %dma_wait3A_1727 : memref<1x800x32xf32, #tpu.memory_space<vmem>> -> memref<800x32xf32, #tpu.memory_space<vmem>>
    %dma_wait3A_1729 = arith.constant 0 : i32
    %dma_wait3A_1730 = tpu.memref_slice %arg5[%add3A_1633, %dma_wait3A_1729] : memref<819200x32xf32, #tpu.memory_space<hbm>> -> memref<800x32xf32, #tpu.memory_space<hbm>>
    %dma_wait3A_1731 = arith.constant 0 : i32
    %dma_wait3A_1732 = tpu.memref_slice %arg5[%add3A_1633, %dma_wait3A_1731] : memref<819200x32xf32, #tpu.memory_space<hbm>> -> memref<800x32xf32, #tpu.memory_space<hbm>>
    %dma_wait3A_1733 = arith.constant 0 : i32
    %dma_wait3A_1734 = arith.constant 0 : i32
    %dma_wait3A_1735 = tpu.memref_slice %arg7[%dma_wait3A_1724, %dma_wait3A_1733, %dma_wait3A_1734] : memref<4x800x32xf32, #tpu.memory_space<vmem>> -> memref<1x800x32xf32, #tpu.memory_space<vmem>>
    %dma_wait3A_1736 = tpu.memref_squeeze %dma_wait3A_1735 : memref<1x800x32xf32, #tpu.memory_space<vmem>> -> memref<800x32xf32, #tpu.memory_space<vmem>>
    tpu.wait_dma2 semaphore(%arg14 : memref<!tpu.dma_semaphore, #tpu.memory_space<semaphore_mem>>) src(%dma_wait3A_1736 : memref<800x32xf32, #tpu.memory_space<vmem>>) dst(%dma_wait3A_1732 : memref<800x32xf32, #tpu.memory_space<hbm>>)
    %dma_wait3A_1737 = arith.constant 2 : i32
    %dma_wait3A_1738 = arith.constant 0 : i32
    %dma_wait3A_1739 = arith.constant 0 : i32
    %dma_wait3A_1740 = tpu.memref_slice %arg7[%dma_wait3A_1737, %dma_wait3A_1738, %dma_wait3A_1739] : memref<4x800x32xf32, #tpu.memory_space<vmem>> -> memref<1x800x32xf32, #tpu.memory_space<vmem>>
    %dma_wait3A_1741 = tpu.memref_squeeze %dma_wait3A_1740 : memref<1x800x32xf32, #tpu.memory_space<vmem>> -> memref<800x32xf32, #tpu.memory_space<vmem>>
    %dma_wait3A_1742 = arith.constant 0 : i32
    %dma_wait3A_1743 = tpu.memref_slice %arg5[%add3A_1665, %dma_wait3A_1742] : memref<819200x32xf32, #tpu.memory_space<hbm>> -> memref<800x32xf32, #tpu.memory_space<hbm>>
    %dma_wait3A_1744 = arith.constant 0 : i32
    %dma_wait3A_1745 = tpu.memref_slice %arg5[%add3A_1665, %dma_wait3A_1744] : memref<819200x32xf32, #tpu.memory_space<hbm>> -> memref<800x32xf32, #tpu.memory_space<hbm>>
    %dma_wait3A_1746 = arith.constant 0 : i32
    %dma_wait3A_1747 = arith.constant 0 : i32
    %dma_wait3A_1748 = tpu.memref_slice %arg7[%dma_wait3A_1737, %dma_wait3A_1746, %dma_wait3A_1747] : memref<4x800x32xf32, #tpu.memory_space<vmem>> -> memref<1x800x32xf32, #tpu.memory_space<vmem>>
    %dma_wait3A_1749 = tpu.memref_squeeze %dma_wait3A_1748 : memref<1x800x32xf32, #tpu.memory_space<vmem>> -> memref<800x32xf32, #tpu.memory_space<vmem>>
    tpu.wait_dma2 semaphore(%arg15 : memref<!tpu.dma_semaphore, #tpu.memory_space<semaphore_mem>>) src(%dma_wait3A_1749 : memref<800x32xf32, #tpu.memory_space<vmem>>) dst(%dma_wait3A_1745 : memref<800x32xf32, #tpu.memory_space<hbm>>)
    %dma_wait3A_1750 = arith.constant 3 : i32
    %dma_wait3A_1751 = arith.constant 0 : i32
    %dma_wait3A_1752 = arith.constant 0 : i32
    %dma_wait3A_1753 = tpu.memref_slice %arg7[%dma_wait3A_1750, %dma_wait3A_1751, %dma_wait3A_1752] : memref<4x800x32xf32, #tpu.memory_space<vmem>> -> memref<1x800x32xf32, #tpu.memory_space<vmem>>
    %dma_wait3A_1754 = tpu.memref_squeeze %dma_wait3A_1753 : memref<1x800x32xf32, #tpu.memory_space<vmem>> -> memref<800x32xf32, #tpu.memory_space<vmem>>
    %dma_wait3A_1755 = arith.constant 0 : i32
    %dma_wait3A_1756 = tpu.memref_slice %arg5[%add3A_1697, %dma_wait3A_1755] : memref<819200x32xf32, #tpu.memory_space<hbm>> -> memref<800x32xf32, #tpu.memory_space<hbm>>
    %dma_wait3A_1757 = arith.constant 0 : i32
    %dma_wait3A_1758 = tpu.memref_slice %arg5[%add3A_1697, %dma_wait3A_1757] : memref<819200x32xf32, #tpu.memory_space<hbm>> -> memref<800x32xf32, #tpu.memory_space<hbm>>
    %dma_wait3A_1759 = arith.constant 0 : i32
    %dma_wait3A_1760 = arith.constant 0 : i32
    %dma_wait3A_1761 = tpu.memref_slice %arg7[%dma_wait3A_1750, %dma_wait3A_1759, %dma_wait3A_1760] : memref<4x800x32xf32, #tpu.memory_space<vmem>> -> memref<1x800x32xf32, #tpu.memory_space<vmem>>
    %dma_wait3A_1762 = tpu.memref_squeeze %dma_wait3A_1761 : memref<1x800x32xf32, #tpu.memory_space<vmem>> -> memref<800x32xf32, #tpu.memory_space<vmem>>
    tpu.wait_dma2 semaphore(%arg16 : memref<!tpu.dma_semaphore, #tpu.memory_space<semaphore_mem>>) src(%dma_wait3A_1762 : memref<800x32xf32, #tpu.memory_space<vmem>>) dst(%dma_wait3A_1758 : memref<800x32xf32, #tpu.memory_space<hbm>>)
    return
  }
}

</mosaic_0001>

<sc_bundles>
// kernel: kernel.3.cloned.1.call-start
scs
__scs_entry_jumppad:
0x0: {  	(pc) =	sbr.rel $0x88, $3  }
0x1: {  	(tag) =	ssettag $0x0;
	lr =	simm.s32 $0x1  }
0x2: {  	[smem:$0x3F9E] =	sst lr;
	_ =	strace $0xD0000000  }
0x3: {  	_ = 	snop  }
0x4: {  	_ = 	snop  }
0x5: {  	_ = 	snop  }
0x6: {  	_ = 	snop  }
0x7: {  	_ = 	snop  }
__scs_overlays_trampoline_lowered:
0x8: {  	[smem:$0x3FAD] =	sst s0  }
0x9: {  	[smem:$0x3FAE] =	sst s1  }
0xa: {  	[smem:$0x3FAF] =	sst s2  }
0xb: {  	[smem:$0x3FB0] =	sst s3  }
0xc: {  	[smem:$0x3FB1] =	sst s4  }
0xd: {  	[smem:$0x3FB2] =	sst s5  }
0xe: {  	[smem:$0x3FB3] =	sst s6  }
0xf: {  	[smem:$0x3FB4] =	sst s7  }
0x10: {  	[smem:$0x3FB5] =	sst s8  }
0x11: {  	[smem:$0x3FB6] =	sst s9;
	s0 =	simm.s32 @!p0 $0x0  }
0x12: {  	s1 =	sld [smem:$0x3F9C];
	s0 =	simm.s32 @p0 $0x1  }
0x13: {  	[smem:$0x3FB7] =	sst s0;
	s0 =	simm.s32 @!p1 $0x0  }
0x14: {  	s2 =	sld [smem:$0x3F9B];
	s0 =	simm.s32 @p1 $0x1  }
0x15: {  	[smem:$0x3FB8] =	sst s0;
	s0 =	simm.s32 @!p2 $0x0  }
0x16: {  	s3 =	sld [smem:$0x3FDB];
	s0 =	simm.s32 @p2 $0x1  }
0x17: {  	s4 =	simm.s32 $0x1BF5;
	[smem:$0x3FBA] =	sst s0  }
0x18: {  	s0 =	sld [smem:$0x3F9D];
	_ =	swait.ge [sflag:s4], $0x0  }
0x19: {  	s7 =	sld [smem:$0x3F9E]  }
0x1a: {  	s8 =	sadd.s32 $0xFFFFE003, lr  }
0x1b: {  	s9 =	sadd.s32 $0xFFFFFEF7, lr;
	s5 =	simm.s32 $0xFFFFFFFF;
	p2 =	slt.u32 s8, $0xFFFFF086  }
0x1c: {  	p1 =	slt.u32 s9, $0xF7A;
	s5 =	simm.s32 @!p2 $0x0  }
0x1d: {  	s5 =	simm.s32 @p1 $0x1;
	p0 =	seq.s32 s7, s2  }
0x1e: {  	s7 =	smul.u32 @!p0 $0xF7A, s2;
	p2 =	seq.s32 @!p0 s5, $0x0  }
0x1f: {  	s9 =	smul.u32 $0xF7A, s1;
	s8 =	simm.s32 @!p0 $0x1BF5;
	p2 =	por !p2, p0  }
0x20: {  	[sflag:s8] =	ssyncset.s32 @!p0 $0xFFFFF086;
	s6 =	sadd.s32 @!p0 s3, s7;
	s7 =	simm.s32 @!p0 $0x108  }
0x21: {  	s3 =	sadd.s32 s3, s9;
	s6 =	sadd.s32 @!p0 $0x88, s6;
	s7 =	simm.s32 @p2 $0x1082  }
0x22: {  	[simem:s7], [sflag:s8] =	dma.local @!p0 [hbm:s6], $0xF7A  }
0x23: {  	s9 =	sor.u32 $0xD0000000, s2;
	s6 =	simm.s32 $0x108;
	_ =	swait.ge @!p0 [sflag:s8], $0x0  }
0x24: {  	s3 =	sadd.s32 $0x88, s3;
	s6 =	simm.s32 @!p1 $0x1082;
	[sflag:s4] =	ssyncset.s32 $0xFFFFF086  }
0x25: {  	[simem:s6], [sflag:s4] =	dma.local [hbm:s3], $0xF7A  }
0x26: {  	[smem:$0x3F9E] =	sst s1;
	(tag) =	ssettag s2;
	_ =	strace s9  }
0x27: {  	s1 =	sld [smem:$0x3FAE]  }
0x28: {  	s2 =	sld [smem:$0x3FAF]  }
0x29: {  	s4 =	sld [smem:$0x3FB1]  }
0x2a: {  	p0 =	seq.s32 s5, $0x0;
	s5 =	sld [smem:$0x3FB2]  }
0x2b: {  	s6 =	sld [smem:$0x3FB3]  }
0x2c: {  	s7 =	sld [smem:$0x3FB4]  }
0x2d: {  	s3 =	simm.s32 $0x108;
	s8 =	sld [smem:$0x3FB5]  }
0x2e: {  	s3 =	simm.s32 @!p0 $0x1082;
	s9 =	sld [smem:$0x3FB6]  }
0x2f: {  	lr =	sadd.s32 s0, s3;
	s0 =	sld [smem:$0x3FAD]  }
0x30: {  	s3 =	sld [smem:$0x3FB0]  }
0x31: {  	[smem:$0x3FB9] =	sst s10  }
0x32: {  	s10 =	sld [smem:$0x3FB7];
	_ =	sdelay $0x3  }
0x33: {  	p0 =	seq.s32 s10, $0x1;
	s10 =	sld [smem:$0x3FB9];
	_ =	sdelay $0x3  }
0x34: {  	[smem:$0x3FB9] =	sst s10  }
0x35: {  	s10 =	sld [smem:$0x3FB8];
	_ =	sdelay $0x3  }
0x36: {  	p1 =	seq.s32 s10, $0x1;
	s10 =	sld [smem:$0x3FB9];
	_ =	sdelay $0x3  }
0x37: {  	[smem:$0x3FB9] =	sst s10  }
0x38: {  	s10 =	sld [smem:$0x3FBA]  }
0x39: {  	_ = 	snop;
	(pc) =	sbr.ind lr, $3  }
0x3a: {  	_ = 	snop  }
0x3b: {  	_ = 	snop  }
0x3c: {  	p2 =	seq.s32 s10, $0x1;
	s10 =	sld [smem:$0x3FB9]  }
0x3d: {  	_ =	shalt  }
0x3e: {  	_ =	shalt  }
0x3f: {  	_ =	shalt  }
0x40: {  	_ =	shalt  }
0x41: {  	_ =	shalt  }
0x42: {  	_ =	shalt  }
0x43: {  	_ =	shalt  }
0x44: {  	_ =	shalt  }
0x45: {  	_ =	shalt  }
0x46: {  	_ =	shalt  }
0x47: {  	_ =	shalt  }
0x48: {  	_ =	shalt  }
0x49: {  	_ =	shalt  }
0x4a: {  	_ =	shalt  }
0x4b: {  	_ =	shalt  }
0x4c: {  	_ =	shalt  }
0x4d: {  	_ =	shalt  }
0x4e: {  	_ =	shalt  }
0x4f: {  	_ =	shalt  }
0x50: {  	_ =	shalt  }
0x51: {  	_ =	shalt  }
0x52: {  	_ =	shalt  }
0x53: {  	_ =	shalt  }
0x54: {  	_ =	shalt  }
0x55: {  	_ =	shalt  }
0x56: {  	_ =	shalt  }
0x57: {  	_ =	shalt  }
0x58: {  	_ =	shalt  }
0x59: {  	_ =	shalt  }
0x5a: {  	_ =	shalt  }
0x5b: {  	_ =	shalt  }
0x5c: {  	_ =	shalt  }
0x5d: {  	_ =	shalt  }
0x5e: {  	_ =	shalt  }
0x5f: {  	_ =	shalt  }
0x60: {  	_ =	shalt  }
0x61: {  	_ =	shalt  }
0x62: {  	_ =	shalt  }
0x63: {  	_ =	shalt  }
0x64: {  	_ =	shalt  }
0x65: {  	_ =	shalt  }
0x66: {  	_ =	shalt  }
0x67: {  	_ =	shalt  }
0x68: {  	_ =	shalt  }
0x69: {  	_ =	shalt  }
0x6a: {  	_ =	shalt  }
0x6b: {  	_ =	shalt  }
0x6c: {  	_ =	shalt  }
0x6d: {  	_ =	shalt  }
0x6e: {  	_ =	shalt  }
0x6f: {  	_ =	shalt  }
0x70: {  	_ =	shalt  }
0x71: {  	_ =	shalt  }
0x72: {  	_ =	shalt  }
0x73: {  	_ =	shalt  }
0x74: {  	_ =	shalt  }
0x75: {  	_ =	shalt  }
0x76: {  	_ =	shalt  }
0x77: {  	_ =	shalt  }
0x78: {  	_ =	shalt  }
0x79: {  	_ =	shalt  }
0x7a: {  	_ =	shalt  }
0x7b: {  	_ =	shalt  }
0x7c: {  	_ =	shalt  }
0x7d: {  	_ =	shalt  }
0x7e: {  	_ =	shalt  }
0x7f: {  	_ =	shalt  }
0x80: {  	_ =	shalt  }
0x81: {  	_ =	shalt  }
0x82: {  	_ =	shalt  }
0x83: {  	_ =	shalt  }
0x84: {  	_ =	shalt  }
0x85: {  	_ =	shalt  }
0x86: {  	_ =	shalt  }
0x87: {  	_ =	shalt  }
.Lfunc_end0:
.L_simem_size_0:
called_computation.1_lowered:
.L_overlay_start_0:
0x88: {  	s2 =	sld [smem:$0x3FD9]  }
0x89: {  	s3 =	sld [smem:$0x3FFE];
	_ =	sdelay $0x1  }
0x8a: {  	s1 =	srdreg.scid  }
0x8b: {  	s0 =	sand.u32 $0x1, s1  }
0x8c: {  	s17 =	sshll.u32 s0, $0xA;
	s2 =	sadd.s32 s3, s2  }
0x8d: {  	s2 =	sadd.s32 s2, s17  }
0x8e: {  	[smem:$0x3FC5] =	sst s2  }
0x8f: {  	_ = 	snop  }
0x90: {  	s2 =	sld [smem:$0x3FC8]  }
0x91: {  	s18 =	sld [smem:$0x3FD0];
	(tm) =	ssettm $0x1  }
0x92: {  	s4 =	sld [smem:$0x3FFB];
	_ =	sdelay $0x3  }
0x93: {  	_ =	strace s4  }
0x94: {  	s4 =	sld [smem:$0x3FFC];
	_ =	sdelay $0x3  }
0x95: {  	_ =	strace s4  }
0x96: {  	s4 =	sld [smem:$0x3FFD];
	_ =	sdelay $0x3  }
0x97: {  	_ =	strace s4  }
0x98: {  	_ =	strace $0x8FFFFFFF  }
0x99: {  	s19 =	sld [smem:$0x3FDB];
	_ =	sdelay $0x1  }
0x9a: {  	s5 =	simm.s32 $_scs_section_size  }
0x9b: {  	s6 =	simm.s32 $_size__tile_overlayer_lowered;
	s7 =	simm.s32 $_tile_overlayer_lowered  }
0x9c: {  	s22 =	simm.s32 $0x1BFF;
	s21 =	sshll.u32 s7, $0x1;
	s4 =	sadd.s32 s5, s19  }
0x9d: {  	s8 =	simm.s32 $0x0;
	s20 =	sshll.u32 s6, $0x1;
	s6 =	sadd.s32 s21, s4  }
0x9e: {  	[timem:s8], [sflag:s22] =	dma.local [hbm:s6], s20  }
0x9f: {  	_ =	swait.ge [sflag:s22], s20  }
0xa0: {  	s5 =	ssub.s32 $0x0, s20;
	[sflag:s22] =	ssyncset.done $0x0  }
0xa1: {  	[sflag:s22] =	ssyncadd.s32 s5;
	_ =	sdelay $0x1  }
0xa2: {  	s23 =	simm.s32 $0x1B8B  }
0xa3: {  	_ =	swait.ge [sflag:s23], $0x1  }
0xa4: {  	[sflag:s23] =	ssyncset.done $0x0  }
0xa5: {  	s25 =	simm.s32 $0x1B8E;
	s24 =	sld [smem:$0x3FFE];
	[sflag:s23] =	ssyncadd.s32 $0xFFFFFFFF  }
0xa6: {  	s26 =	simm.s32 $execute0_lowered;
	[smem:$0x3FD2] =	sst s25  }
0xa7: {  	s6 =	sshll.u32 s26, $0x1;
	_ =	strace $0x80000046;
	[dreg:$0x1] =	wrdreg $0xFFFFFFFF  }
0xa8: {  	s28 =	simm.s32 $_size_execute0_lowered;
	s4 =	sadd.s32 s4, s6;
	[dreg:$0x0] =	wrdreg $0x0  }
0xa9: {  	s6 =	sshll.u32 s28, $0x1;
	[dreg:$0x2] =	wrdreg s4  }
0xaa: {  	[dreg:$0x3] =	wrdreg s6  }
0xab: {  	[dreg:$0x4] =	wrdreg $0xC0  }
0xac: {  	_ =	task [dreg:s8], $0x5FFFF  }
0xad: {  	[dreg:$0x1] =	wrdreg $0xFFFFFFFF  }
0xae: {  	[dreg:$0x0] =	wrdreg $0x60  }
0xaf: {  	[dreg:$0x2] =	wrdreg s24  }
0xb0: {  	[dreg:$0x3] =	wrdreg s2  }
0xb1: {  	[dreg:$0x4] =	wrdreg s18  }
0xb2: {  	[dreg:$0x5] =	wrdreg $0x9  }
0xb3: {  	_ =	task.clear_ibuf [dreg:s8], $0x6FFFF;
	_ =	strace $0x90000046  }
0xb4: {  	s29 =	simm.s32 $0x9;
	_ =	strace $0x80000048  }
0xb5: {  	_ =	swait.ge [sflag:s29], $0x1  }
0xb6: {  	[sflag:s29] =	ssyncadd.s32 $0xFFFFFFFF  }
0xb7: {  	_ =	strace $0x90000048  }
0xb8: {  	_ =	sfence  }
0xb9: {  	s30 =	sld [smem:$0x0];
	_ =	sdelay $0x2  }
0xba: {  	s31 =	sshll.u32 s1, $0xD;
	s1 =	sshrl.u32 s1, $0x2  }
0xbb: {  	s3 =	sand.u32 $0x4000, s31;
	s1 =	sadd.s32 s1, s30  }
0xbc: {  	s0 =	sor.u32 s3, s0;
	s1 =	sshll.u32 s1, $0x11  }
0xbd: {  	s0 =	sor.u32 s1, s0  }
0xbe: {  	s0 =	sadd.s32 $0x8F2B, s0  }
0xbf: {  	[sflag:s0] =	ssyncadd.remote.s32 $0x1  }
0xc0: {  	_ =	sfence.sel $0xFFFF  }
0xc1: {  	[dreg:$0x0] =	wrdreg $0xFFFFFFFF;
	(pc) =	sbr.abs _section_cstart, $3  }
0xc2: {  	[dreg:$0x1] =	wrdreg $0xFFFFFFFF  }
0xc3: {  	_ =	task.clear_ibuf [dreg:s8], $0x2FFFF;
	_ =	strace $0x9FFFFFFF  }
0xc4: {  	(tm) =	ssettm $0x7FFFFFFF  }
0xc5: {  	_ =	shalt  }
tec
execute0_lowered:
.L_overlay_start_1:
0x0: {  	(tag) =	ssettag $0x1  }
0x1: {  	s0 =	rddreg [dreg:$0x0]  }
0x2: {  	s1 =	srdreg.scid;
	s2 =	stileid.u32  }
0x3: {  	s4 =	rddreg [dreg:$0x1];
	s1 =	sand.u32 $0x1, s1;
	s2 =	sshll.u32 s2, $0x1  }
0x4: {  	s5 =	rddreg [dreg:$0x2];
	s6 =	sor.u32 s1, s2;
	s2 =	simm.s32 $0x0  }
0x5: {  	s28 =	ssub.s32 $0x2, s1;
	s3 =	smul.u32 $0xC80, s6;
	[smem:$0x7FF] =	sst s2  }
0x6: {  	s29 =	smul.u32 $0xC8000, s6;
	s8 =	sshrl.u32 s28, $0x1;
	s9 =	sshll.u32 s6, $0x6  }
0x7: {  	s6 =	smul.u32 $0x19000, s6;
	_ =	strace $0x80000047;
	s10 =	ssub.s32 s28, s8  }
0x8: {  	s30 =	sadd.s32 s4, s9;
	s7 =	sadd.s32 s3, s0;
	s31 =	sshrl.u32 s29, $0x3  }
0x9: {  	[dreg:$0x4] =	wrdreg s30;
	s4 =	sadd.s32 $0xA00, s7;
	s8 =	sadd.s32 s5, s31  }
0xa: {  	s3 =	sadd.s32 $0xF42E00, s0;
	[dreg:$0x5] =	wrdreg s4;
	s0 =	sadd.s32 $0x1900, s8  }
0xb: {  	s6 =	sadd.s32 s5, s6;
	s5 =	sadd.s32 $0x2580, s8;
	[dreg:$0x6] =	wrdreg s0  }
0xc: {  	s7 =	sadd.s32 $0x3200, s8;
	[dreg:$0x7] =	wrdreg s5  }
0xd: {  	s9 =	sadd.s32 $0x3E80, s8;
	[dreg:$0x8] =	wrdreg s7  }
0xe: {  	s11 =	sadd.s32 $0x4B00, s8;
	[dreg:$0x9] =	wrdreg s9  }
0xf: {  	s12 =	sadd.s32 $0x5780, s8;
	[dreg:$0xa] =	wrdreg s11  }
0x10: {  	s13 =	sadd.s32 $0x6400, s8;
	[dreg:$0xb] =	wrdreg s12  }
0x11: {  	s14 =	sadd.s32 $0x7080, s8;
	[dreg:$0xc] =	wrdreg s13  }
0x12: {  	s15 =	sadd.s32 $0x7D00, s8;
	[dreg:$0xd] =	wrdreg s14  }
0x13: {  	s16 =	sadd.s32 $0x8980, s8;
	[dreg:$0xe] =	wrdreg s15  }
0x14: {  	s17 =	sadd.s32 $0x9600, s8;
	[dreg:$0xf] =	wrdreg s16  }
0x15: {  	s18 =	sadd.s32 $0xA280, s8;
	[dreg:$0x10] =	wrdreg s17  }
0x16: {  	s19 =	sadd.s32 $0xAF00, s8;
	[dreg:$0x11] =	wrdreg s18  }
0x17: {  	s20 =	sadd.s32 $0xBB80, s8;
	[dreg:$0x12] =	wrdreg s19  }
0x18: {  	s21 =	sadd.s32 $0xC800, s8;
	[dreg:$0x13] =	wrdreg s20  }
0x19: {  	s22 =	sadd.s32 $0xD480, s8;
	[dreg:$0x14] =	wrdreg s21  }
0x1a: {  	s23 =	sadd.s32 $0xE100, s8;
	[dreg:$0x15] =	wrdreg s22  }
0x1b: {  	s24 =	sadd.s32 $0xED80, s8;
	[dreg:$0x16] =	wrdreg s23  }
0x1c: {  	s25 =	sadd.s32 $0xFA00, s8;
	[dreg:$0x17] =	wrdreg s24  }
0x1d: {  	s26 =	sadd.s32 $0x10680, s8;
	[dreg:$0x18] =	wrdreg s25  }
0x1e: {  	s28 =	sadd.s32 $0x11300, s8;
	[dreg:$0x19] =	wrdreg s26  }
0x1f: {  	s29 =	sadd.s32 $0x11F80, s8;
	[dreg:$0x1a] =	wrdreg s28  }
0x20: {  	s30 =	sadd.s32 $0x12C00, s8;
	[dreg:$0x1b] =	wrdreg s29  }
0x21: {  	s31 =	sadd.s32 $0x13880, s8;
	s1 =	sadd.s32 $0x14500, s8;
	[dreg:$0x1c] =	wrdreg s30  }
0x22: {  	s4 =	sadd.s32 $0x15E00, s8;
	[dreg:$0x1d] =	wrdreg s31;
	s0 =	sadd.s32 $0x15180, s8  }
0x23: {  	s5 =	sadd.s32 $0x16A80, s8;
	s7 =	sadd.s32 $0x17700, s8;
	s8 =	sadd.s32 $0x18380, s8  }
0x24: {  	s9 =	smax.u32 s10, $0x1;
	s10 =	sadd.s32 $0xC80, s6;
	s11 =	simm.s32 $0x9  }
.Ltmp0:
0x25: {  	s12 =	simm.s32 $0x320;
	s13 =	simm.s32 $0x6400;
	(pc) =	sbr.rel .LBB2_1-.Ltmp0, $4  }
0x26: {  	s14 =	simm.s32 $0xC800;
	s15 =	simm.s32 $0x12C00;
	s16 =	simm.s32 $0x19000  }
0x27: {  	s17 =	simm.s32 $0x1;
	s18 =	simm.s32 $0x5;
	s19 =	simm.s32 $0x2  }
0x28: {  	s20 =	simm.s32 $0x6;
	s21 =	simm.s32 $0x3;
	s22 =	simm.s32 $0x7  }
0x29: {  	v0 =	vimm.f32 $0.0e+00;
	s23 =	simm.s32 $0x4;
	s24 =	simm.s32 $0x8;
	s25 =	simm.s32 $0x0  }
.LBB2_193:
0x2a: {  	[hbm4b:s8+s2] =	stream.linear.scatter [tilespmem:s16], [sflag:$0x8], $0x6400, $0x38;
	[tilespmem:$0x1F610] =	vst v63  }
0x2b: {  	_ =	swait.ge [sflag:s18], $0x6400  }
0x2c: {  	[sflag:s18] =	ssyncset.done $0x0  }
0x2d: {  	[sflag:s18] =	ssyncadd.s32 $0xFFFF9C00  }
0x2e: {  	_ =	swait.ge [sflag:s20], $0x6400  }
0x2f: {  	[sflag:s20] =	ssyncset.done $0x0  }
0x30: {  	s25 =	sadd.s32 $0x1, s25;
	[sflag:s20] =	ssyncadd.s32 $0xFFFF9C00  }
0x31: {  	p0 =	sne.s32 s25, s9;
	_ =	swait.ge [sflag:s22], $0x6400  }
.Ltmp1:
0x32: {  	[sflag:s22] =	ssyncset.done $0x0;
	(pc) =	sbr.rel @!p0 .LBB2_194-.Ltmp1, $4  }
0x33: {  	[sflag:s22] =	ssyncadd.s32 $0xFFFF9C00  }
0x34: {  	_ =	swait.ge [sflag:s24], $0x6400  }
0x35: {  	[sflag:s24] =	ssyncset.done $0x0  }
0x36: {  	[sflag:s24] =	ssyncadd.s32 $0xFFFF9C00  }
.LBB2_1:
0x37: {  	s26 =	rddreg [dreg:$0x4];
	s28 =	simm.s32 $0x1F400  }
0x38: {  	[tilespmem:s28], [sflag:$0x9] =	stream.linear.gather [hbm4b:s26+s2], $0x200, $0x38;
	[tilespmem:$0x1F610] =	vst v63  }
0x39: {  	_ =	swait.ge [sflag:s11], $0x200  }
0x3a: {  	[sflag:s11] =	ssyncset.done $0x0  }
0x3b: {  	s29 =	rddreg [dreg:$0x5];
	[sflag:s11] =	ssyncadd.s32 $0xFFFFFE00  }
0x3c: {  	[tilespmem:s2], [sflag:$0x9] =	stream.linear.gather [hbm4b:s29+s2], $0x6400, $0x38;
	[tilespmem:$0x1F610] =	vst v63  }
0x3d: {  	_ =	swait.ge [sflag:s11], $0x6400  }
0x3e: {  	[sflag:s11] =	ssyncset.done $0x0  }
0x3f: {  	[sflag:s11] =	ssyncadd.s32 $0xFFFF9C00  }
0x40: {  	[tilespmem:s13], [sflag:$0x1] =	stream.indirect.gather [hbm4b:s3+s12], $0x20, s2, s12, $0xb8;
	[tilespmem:$0x1F610] =	vst v63  }
0x41: {  	_ = 	snop  }
0x42: {  	[tilespmem:s14], [sflag:$0x2] =	stream.indirect.gather [hbm4b:s3+s12], $0x20, s12, s12, $0xb8;
	[tilespmem:$0x1F610] =	vst v63  }
0x43: {  	s30 =	simm.s32 $0x640  }
0x44: {  	[tilespmem:s15], [sflag:$0x3] =	stream.indirect.gather [hbm4b:s3+s12], $0x20, s30, s12, $0xb8;
	[tilespmem:$0x1F610] =	vst v63  }
.Ltmp2:
0x45: {  	s31 =	simm.s32 $0x960;
	(pc) =	sbr.rel .LBB2_2-.Ltmp2, $4  }
0x46: {  	[tilespmem:s16], [sflag:$0x4] =	stream.indirect.gather [hbm4b:s3+s12], $0x20, s31, s12, $0xb8;
	[tilespmem:$0x1F610] =	vst v63  }
0x47: {  	_ =	swait.ge [sflag:s17], $0x6400  }
0x48: {  	[sflag:s17] =	ssyncset.done $0x0  }
0x49: {  	s26 =	simm.s32 $0x0;
	s28 =	simm.s32 $0x0;
	[sflag:s17] =	ssyncadd.s32 $0xFFFF9C00  }
.LBB2_5:
0x4a: {  	[tilespmem:s29+$0x0] =	vst v0  }
.LBB2_6:
0x4b: {  	s28 =	sadd.s32 $0x1, s28  }
0x4c: {  	p0 =	sne.s32 s28, $0x10  }
.Ltmp3:
0x4d: {  	_ = 	snop;
	(pc) =	sbr.rel @!p0 .LBB2_7-.Ltmp3, $2  }
0x4e: {  	_ =	sdelay $0x2  }
0x4f: {  	s26 =	sadd.s32 $0x32, s26  }
.LBB2_2:
0x50: {  	v1 =	vld [tilespmem:s28+$0x1F400];
	_ =	sdelay $0x4  }
0x51: {  	(v2sf) =	vpush v1, $0x0;
	_ =	sdelay $0xe  }
0x52: {  	s29 =	spop (v2sf)  }
0x53: {  	p0 =	sgt.s32 s29, $0x31  }
.Ltmp4:
0x54: {  	_ = 	snop;
	(pc) =	sbr.rel @p0 .LBB2_6-.Ltmp4, $1  }
0x55: {  	_ =	sdelay $0x3  }
0x56: {  	s31 =	ssub.s32 $0x32, s29  }
0x57: {  	p0 =	sne.s32 s31, $0x1  }
.Ltmp5:
0x58: {  	s30 =	sadd.s32 s26, s29;
	(pc) =	sbr.rel @!p0 .LBB2_5-.Ltmp5, $4  }
0x59: {  	s30 =	sshll.u32 s30, $0x7  }
0x5a: {  	s29 =	sshra.s32 s30, $0x2  }
0x5b: {  	s29 =	sadd.s32 $0x6410, s29  }
0x5c: {  	s30 =	sadd.s32 $0xFFFFFFFF, s31;
	[tilespmem:s29+$0xFFFFFFF0] =	vst v0  }
.LBB2_4:
0x5d: {  	p0 =	sne.s32 s30, $0x1  }
.Ltmp6:
0x5e: {  	_ = 	snop;
	(pc) =	sbr.rel @p0 .LBB2_4-.Ltmp6, $3  }
0x5f: {  	_ =	sdelay $0x1  }
0x60: {  	s30 =	sadd.s32 $0xFFFFFFFF, s30;
	[tilespmem:s29+$0x0] =	vst v0;
	s29 =	sadd.s32 $0x20, s29  }
0x61: {  	[tilespmem:s29+$0xFFFFFFF0] =	vst v0  }
.Ltmp7:
0x62: {  	_ = 	snop;
	(pc) =	sbr.rel .LBB2_5-.Ltmp7, $1  }
0x63: {  	_ =	sdelay $0x3  }
.LBB2_7:
0x64: {  	s26 =	simm.s32 $0x0  }
0x65: {  	[hbm4b:s6+s26] =	stream.linear.scatter [tilespmem:s13], [sflag:$0x5], $0x6400, $0x38;
	[tilespmem:$0x1F610] =	vst v63  }
0x66: {  	_ =	swait.ge [sflag:s18], $0x6400  }
0x67: {  	[sflag:s18] =	ssyncset.done $0x0  }
.Ltmp8:
0x68: {  	s28 =	simm.s32 $0xC80;
	[sflag:s18] =	ssyncadd.s32 $0xFFFF9C00;
	(pc) =	sbr.rel .LBB2_8-.Ltmp8, $4  }
0x69: {  	[tilespmem:s13], [sflag:$0x1] =	stream.indirect.gather [hbm4b:s3+s12], $0x20, s28, s12, $0xb8;
	[tilespmem:$0x1F610] =	vst v63  }
0x6a: {  	_ =	swait.ge [sflag:s19], $0x6400  }
0x6b: {  	[sflag:s19] =	ssyncset.done $0x0  }
0x6c: {  	s28 =	simm.s32 $0x0;
	[sflag:s19] =	ssyncadd.s32 $0xFFFF9C00  }
.LBB2_11:
0x6d: {  	[tilespmem:s29+$0x10] =	vst v0  }
.LBB2_12:
0x6e: {  	s28 =	sadd.s32 $0x1, s28  }
0x6f: {  	p0 =	sne.s32 s28, $0x10  }
.Ltmp9:
0x70: {  	_ = 	snop;
	(pc) =	sbr.rel @!p0 .LBB2_13-.Ltmp9, $2  }
0x71: {  	_ =	sdelay $0x2  }
0x72: {  	s26 =	sadd.s32 $0x32, s26  }
.LBB2_8:
0x73: {  	s29 =	sand.u32 $0xF, s28  }
0x74: {  	v1 =	vld [tilespmem:s29+$0x1F410];
	_ =	sdelay $0x4  }
0x75: {  	(v2sf) =	vpush v1, $0x0;
	_ =	sdelay $0xe  }
0x76: {  	s29 =	spop (v2sf)  }
0x77: {  	p0 =	sgt.s32 s29, $0x31  }
.Ltmp10:
0x78: {  	_ = 	snop;
	(pc) =	sbr.rel @p0 .LBB2_12-.Ltmp10, $1  }
0x79: {  	_ =	sdelay $0x3  }
0x7a: {  	s31 =	ssub.s32 $0x32, s29  }
0x7b: {  	p0 =	sne.s32 s31, $0x1  }
.Ltmp11:
0x7c: {  	s30 =	sadd.s32 s26, s29;
	(pc) =	sbr.rel @!p0 .LBB2_11-.Ltmp11, $4  }
0x7d: {  	s30 =	sshll.u32 s30, $0x7  }
0x7e: {  	s29 =	sshra.s32 s30, $0x2  }
0x7f: {  	s29 =	sadd.s32 $0xC800, s29  }
0x80: {  	s30 =	sadd.s32 $0xFFFFFFFF, s31;
	[tilespmem:s29+$0x0] =	vst v0  }
.LBB2_10:
0x81: {  	p0 =	sne.s32 s30, $0x1  }
.Ltmp12:
0x82: {  	_ = 	snop;
	(pc) =	sbr.rel @p0 .LBB2_10-.Ltmp12, $3  }
0x83: {  	_ =	sdelay $0x1  }
0x84: {  	s30 =	sadd.s32 $0xFFFFFFFF, s30;
	[tilespmem:s29+$0x10] =	vst v0;
	s29 =	sadd.s32 $0x20, s29  }
0x85: {  	[tilespmem:s29+$0x0] =	vst v0  }
.Ltmp13:
0x86: {  	_ = 	snop;
	(pc) =	sbr.rel .LBB2_11-.Ltmp13, $1  }
0x87: {  	_ =	sdelay $0x3  }
.LBB2_13:
0x88: {  	s26 =	simm.s32 $0x0  }
0x89: {  	[hbm4b:s10+s26] =	stream.linear.scatter [tilespmem:s14], [sflag:$0x6], $0x6400, $0x38;
	[tilespmem:$0x1F610] =	vst v63  }
0x8a: {  	_ =	swait.ge [sflag:s20], $0x6400  }
0x8b: {  	[sflag:s20] =	ssyncset.done $0x0  }
.Ltmp14:
0x8c: {  	s28 =	simm.s32 $0xFA0;
	[sflag:s20] =	ssyncadd.s32 $0xFFFF9C00;
	(pc) =	sbr.rel .LBB2_14-.Ltmp14, $4  }
0x8d: {  	[tilespmem:s14], [sflag:$0x2] =	stream.indirect.gather [hbm4b:s3+s12], $0x20, s28, s12, $0xb8;
	[tilespmem:$0x1F610] =	vst v63  }
0x8e: {  	_ =	swait.ge [sflag:s21], $0x6400  }
0x8f: {  	[sflag:s21] =	ssyncset.done $0x0  }
0x90: {  	s28 =	simm.s32 $0x0;
	[sflag:s21] =	ssyncadd.s32 $0xFFFF9C00  }
.LBB2_17:
0x91: {  	[tilespmem:s29+$0x10] =	vst v0  }
.LBB2_18:
0x92: {  	s28 =	sadd.s32 $0x1, s28  }
0x93: {  	p0 =	sne.s32 s28, $0x10  }
.Ltmp15:
0x94: {  	_ = 	snop;
	(pc) =	sbr.rel @!p0 .LBB2_19-.Ltmp15, $2  }
0x95: {  	_ =	sdelay $0x2  }
0x96: {  	s26 =	sadd.s32 $0x32, s26  }
.LBB2_14:
0x97: {  	s29 =	sand.u32 $0xF, s28  }
0x98: {  	v1 =	vld [tilespmem:s29+$0x1F420];
	_ =	sdelay $0x4  }
0x99: {  	(v2sf) =	vpush v1, $0x0;
	_ =	sdelay $0xe  }
0x9a: {  	s29 =	spop (v2sf)  }
0x9b: {  	p0 =	sgt.s32 s29, $0x31  }
.Ltmp16:
0x9c: {  	_ = 	snop;
	(pc) =	sbr.rel @p0 .LBB2_18-.Ltmp16, $1  }
0x9d: {  	_ =	sdelay $0x3  }
0x9e: {  	s31 =	ssub.s32 $0x32, s29  }
0x9f: {  	p0 =	sne.s32 s31, $0x1  }
.Ltmp17:
0xa0: {  	s30 =	sadd.s32 s26, s29;
	(pc) =	sbr.rel @!p0 .LBB2_17-.Ltmp17, $4  }
0xa1: {  	s30 =	sshll.u32 s30, $0x7  }
0xa2: {  	s29 =	sshra.s32 s30, $0x2  }
0xa3: {  	s29 =	sadd.s32 $0x12C00, s29  }
0xa4: {  	s30 =	sadd.s32 $0xFFFFFFFF, s31;
	[tilespmem:s29+$0x0] =	vst v0  }
.LBB2_16:
0xa5: {  	p0 =	sne.s32 s30, $0x1  }
.Ltmp18:
0xa6: {  	_ = 	snop;
	(pc) =	sbr.rel @p0 .LBB2_16-.Ltmp18, $3  }
0xa7: {  	_ =	sdelay $0x1  }
0xa8: {  	s30 =	sadd.s32 $0xFFFFFFFF, s30;
	[tilespmem:s29+$0x10] =	vst v0;
	s29 =	sadd.s32 $0x20, s29  }
0xa9: {  	[tilespmem:s29+$0x0] =	vst v0  }
.Ltmp19:
0xaa: {  	_ = 	snop;
	(pc) =	sbr.rel .LBB2_17-.Ltmp19, $1  }
0xab: {  	_ =	sdelay $0x3  }
.LBB2_19:
0xac: {  	s26 =	simm.s32 $0x0;
	s28 =	rddreg [dreg:$0x6]  }
0xad: {  	[hbm4b:s28+s26] =	stream.linear.scatter [tilespmem:s15], [sflag:$0x7], $0x6400, $0x38;
	[tilespmem:$0x1F610] =	vst v63  }
0xae: {  	_ =	swait.ge [sflag:s22], $0x6400  }
0xaf: {  	[sflag:s22] =	ssyncset.done $0x0  }
.Ltmp20:
0xb0: {  	s28 =	simm.s32 $0x12C0;
	[sflag:s22] =	ssyncadd.s32 $0xFFFF9C00;
	(pc) =	sbr.rel .LBB2_20-.Ltmp20, $4  }
0xb1: {  	[tilespmem:s15], [sflag:$0x3] =	stream.indirect.gather [hbm4b:s3+s12], $0x20, s28, s12, $0xb8;
	[tilespmem:$0x1F610] =	vst v63  }
0xb2: {  	_ =	swait.ge [sflag:s23], $0x6400  }
0xb3: {  	[sflag:s23] =	ssyncset.done $0x0  }
0xb4: {  	s28 =	simm.s32 $0x0;
	[sflag:s23] =	ssyncadd.s32 $0xFFFF9C00  }
.LBB2_23:
0xb5: {  	[tilespmem:s29+$0x10] =	vst v0  }
.LBB2_24:
0xb6: {  	s28 =	sadd.s32 $0x1, s28  }
0xb7: {  	p0 =	sne.s32 s28, $0x10  }
.Ltmp21:
0xb8: {  	_ = 	snop;
	(pc) =	sbr.rel @!p0 .LBB2_25-.Ltmp21, $2  }
0xb9: {  	_ =	sdelay $0x2  }
0xba: {  	s26 =	sadd.s32 $0x32, s26  }
.LBB2_20:
0xbb: {  	s29 =	sand.u32 $0xF, s28  }
0xbc: {  	v1 =	vld [tilespmem:s29+$0x1F430];
	_ =	sdelay $0x4  }
0xbd: {  	(v2sf) =	vpush v1, $0x0;
	_ =	sdelay $0xe  }
0xbe: {  	s29 =	spop (v2sf)  }
0xbf: {  	p0 =	sgt.s32 s29, $0x31  }
.Ltmp22:
0xc0: {  	_ = 	snop;
	(pc) =	sbr.rel @p0 .LBB2_24-.Ltmp22, $1  }
0xc1: {  	_ =	sdelay $0x3  }
0xc2: {  	s31 =	ssub.s32 $0x32, s29  }
0xc3: {  	p0 =	sne.s32 s31, $0x1  }
.Ltmp23:
0xc4: {  	s30 =	sadd.s32 s26, s29;
	(pc) =	sbr.rel @!p0 .LBB2_23-.Ltmp23, $4  }
0xc5: {  	s30 =	sshll.u32 s30, $0x7  }
0xc6: {  	s29 =	sshra.s32 s30, $0x2  }
0xc7: {  	s29 =	sadd.s32 $0x19000, s29  }
0xc8: {  	s30 =	sadd.s32 $0xFFFFFFFF, s31;
	[tilespmem:s29+$0x0] =	vst v0  }
.LBB2_22:
0xc9: {  	p0 =	sne.s32 s30, $0x1  }
.Ltmp24:
0xca: {  	_ = 	snop;
	(pc) =	sbr.rel @p0 .LBB2_22-.Ltmp24, $3  }
0xcb: {  	_ =	sdelay $0x1  }
0xcc: {  	s30 =	sadd.s32 $0xFFFFFFFF, s30;
	[tilespmem:s29+$0x10] =	vst v0;
	s29 =	sadd.s32 $0x20, s29  }
0xcd: {  	[tilespmem:s29+$0x0] =	vst v0  }
.Ltmp25:
0xce: {  	_ = 	snop;
	(pc) =	sbr.rel .LBB2_23-.Ltmp25, $1  }
0xcf: {  	_ =	sdelay $0x3  }
.LBB2_25:
0xd0: {  	s26 =	simm.s32 $0x0;
	s28 =	rddreg [dreg:$0x7]  }
0xd1: {  	[hbm4b:s28+s26] =	stream.linear.scatter [tilespmem:s16], [sflag:$0x8], $0x6400, $0x38;
	[tilespmem:$0x1F610] =	vst v63  }
0xd2: {  	_ =	swait.ge [sflag:s24], $0x6400  }
0xd3: {  	[sflag:s24] =	ssyncset.done $0x0  }
.Ltmp26:
0xd4: {  	s28 =	simm.s32 $0x15E0;
	[sflag:s24] =	ssyncadd.s32 $0xFFFF9C00;
	(pc) =	sbr.rel .LBB2_26-.Ltmp26, $4  }
0xd5: {  	[tilespmem:s16], [sflag:$0x4] =	stream.indirect.gather [hbm4b:s3+s12], $0x20, s28, s12, $0xb8;
	[tilespmem:$0x1F610] =	vst v63  }
0xd6: {  	_ =	swait.ge [sflag:s17], $0x6400  }
0xd7: {  	[sflag:s17] =	ssyncset.done $0x0  }
0xd8: {  	s28 =	simm.s32 $0x0;
	[sflag:s17] =	ssyncadd.s32 $0xFFFF9C00  }
.LBB2_29:
0xd9: {  	[tilespmem:s29+$0x0] =	vst v0  }
.LBB2_30:
0xda: {  	s28 =	sadd.s32 $0x1, s28  }
0xdb: {  	p0 =	sne.s32 s28, $0x10  }
.Ltmp27:
0xdc: {  	_ = 	snop;
	(pc) =	sbr.rel @!p0 .LBB2_31-.Ltmp27, $2  }
0xdd: {  	_ =	sdelay $0x2  }
0xde: {  	s26 =	sadd.s32 $0x32, s26  }
.LBB2_26:
0xdf: {  	s29 =	sand.u32 $0xF, s28  }
0xe0: {  	v1 =	vld [tilespmem:s29+$0x1F440];
	_ =	sdelay $0x4  }
0xe1: {  	(v2sf) =	vpush v1, $0x0;
	_ =	sdelay $0xe  }
0xe2: {  	s29 =	spop (v2sf)  }
0xe3: {  	p0 =	sgt.s32 s29, $0x31  }
.Ltmp28:
0xe4: {  	_ = 	snop;
	(pc) =	sbr.rel @p0 .LBB2_30-.Ltmp28, $1  }
0xe5: {  	_ =	sdelay $0x3  }
0xe6: {  	s31 =	ssub.s32 $0x32, s29  }
0xe7: {  	p0 =	sne.s32 s31, $0x1  }
.Ltmp29:
0xe8: {  	s30 =	sadd.s32 s26, s29;
	(pc) =	sbr.rel @!p0 .LBB2_29-.Ltmp29, $4  }
0xe9: {  	s30 =	sshll.u32 s30, $0x7  }
0xea: {  	s29 =	sshra.s32 s30, $0x2  }
0xeb: {  	s29 =	sadd.s32 $0x6410, s29  }
0xec: {  	s30 =	sadd.s32 $0xFFFFFFFF, s31;
	[tilespmem:s29+$0xFFFFFFF0] =	vst v0  }
.LBB2_28:
0xed: {  	p0 =	sne.s32 s30, $0x1  }
.Ltmp30:
0xee: {  	_ = 	snop;
	(pc) =	sbr.rel @p0 .LBB2_28-.Ltmp30, $3  }
0xef: {  	_ =	sdelay $0x1  }
0xf0: {  	s30 =	sadd.s32 $0xFFFFFFFF, s30;
	[tilespmem:s29+$0x0] =	vst v0;
	s29 =	sadd.s32 $0x20, s29  }
0xf1: {  	[tilespmem:s29+$0xFFFFFFF0] =	vst v0  }
.Ltmp31:
0xf2: {  	_ = 	snop;
	(pc) =	sbr.rel .LBB2_29-.Ltmp31, $1  }
0xf3: {  	_ =	sdelay $0x3  }
.LBB2_31:
0xf4: {  	s26 =	simm.s32 $0x0;
	s28 =	rddreg [dreg:$0x8]  }
0xf5: {  	[hbm4b:s28+s26] =	stream.linear.scatter [tilespmem:s13], [sflag:$0x5], $0x6400, $0x38;
	[tilespmem:$0x1F610] =	vst v63  }
0xf6: {  	_ =	swait.ge [sflag:s18], $0x6400  }
0xf7: {  	[sflag:s18] =	ssyncset.done $0x0  }
.Ltmp32:
0xf8: {  	s28 =	simm.s32 $0x1900;
	[sflag:s18] =	ssyncadd.s32 $0xFFFF9C00;
	(pc) =	sbr.rel .LBB2_32-.Ltmp32, $4  }
0xf9: {  	[tilespmem:s13], [sflag:$0x1] =	stream.indirect.gather [hbm4b:s3+s12], $0x20, s28, s12, $0xb8;
	[tilespmem:$0x1F610] =	vst v63  }
0xfa: {  	_ =	swait.ge [sflag:s19], $0x6400  }
0xfb: {  	[sflag:s19] =	ssyncset.done $0x0  }
0xfc: {  	s28 =	simm.s32 $0x0;
	[sflag:s19] =	ssyncadd.s32 $0xFFFF9C00  }
.LBB2_35:
0xfd: {  	[tilespmem:s29+$0x10] =	vst v0  }
.LBB2_36:
0xfe: {  	s28 =	sadd.s32 $0x1, s28  }
0xff: {  	p0 =	sne.s32 s28, $0x10  }
.Ltmp33:
0x100: {  	_ = 	snop;
	(pc) =	sbr.rel @!p0 .LBB2_37-.Ltmp33, $2  }
0x101: {  	_ =	sdelay $0x2  }
0x102: {  	s26 =	sadd.s32 $0x32, s26  }
.LBB2_32:
0x103: {  	s29 =	sand.u32 $0xF, s28  }
0x104: {  	v1 =	vld [tilespmem:s29+$0x1F450];
	_ =	sdelay $0x4  }
0x105: {  	(v2sf) =	vpush v1, $0x0;
	_ =	sdelay $0xe  }
0x106: {  	s29 =	spop (v2sf)  }
0x107: {  	p0 =	sgt.s32 s29, $0x31  }
.Ltmp34:
0x108: {  	_ = 	snop;
	(pc) =	sbr.rel @p0 .LBB2_36-.Ltmp34, $1  }
0x109: {  	_ =	sdelay $0x3  }
0x10a: {  	s31 =	ssub.s32 $0x32, s29  }
0x10b: {  	p0 =	sne.s32 s31, $0x1  }
.Ltmp35:
0x10c: {  	s30 =	sadd.s32 s26, s29;
	(pc) =	sbr.rel @!p0 .LBB2_35-.Ltmp35, $4  }
0x10d: {  	s30 =	sshll.u32 s30, $0x7  }
0x10e: {  	s29 =	sshra.s32 s30, $0x2  }
0x10f: {  	s29 =	sadd.s32 $0xC800, s29  }
0x110: {  	s30 =	sadd.s32 $0xFFFFFFFF, s31;
	[tilespmem:s29+$0x0] =	vst v0  }
.LBB2_34:
0x111: {  	p0 =	sne.s32 s30, $0x1  }
.Ltmp36:
0x112: {  	_ = 	snop;
	(pc) =	sbr.rel @p0 .LBB2_34-.Ltmp36, $3  }
0x113: {  	_ =	sdelay $0x1  }
0x114: {  	s30 =	sadd.s32 $0xFFFFFFFF, s30;
	[tilespmem:s29+$0x10] =	vst v0;
	s29 =	sadd.s32 $0x20, s29  }
0x115: {  	[tilespmem:s29+$0x0] =	vst v0  }
.Ltmp37:
0x116: {  	_ = 	snop;
	(pc) =	sbr.rel .LBB2_35-.Ltmp37, $1  }
0x117: {  	_ =	sdelay $0x3  }
.LBB2_37:
0x118: {  	s26 =	simm.s32 $0x0;
	s28 =	rddreg [dreg:$0x9]  }
0x119: {  	[hbm4b:s28+s26] =	stream.linear.scatter [tilespmem:s14], [sflag:$0x6], $0x6400, $0x38;
	[tilespmem:$0x1F610] =	vst v63  }
0x11a: {  	_ =	swait.ge [sflag:s20], $0x6400  }
0x11b: {  	[sflag:s20] =	ssyncset.done $0x0  }
.Ltmp38:
0x11c: {  	s28 =	simm.s32 $0x1C20;
	[sflag:s20] =	ssyncadd.s32 $0xFFFF9C00;
	(pc) =	sbr.rel .LBB2_38-.Ltmp38, $4  }
0x11d: {  	[tilespmem:s14], [sflag:$0x2] =	stream.indirect.gather [hbm4b:s3+s12], $0x20, s28, s12, $0xb8;
	[tilespmem:$0x1F610] =	vst v63  }
0x11e: {  	_ =	swait.ge [sflag:s21], $0x6400  }
0x11f: {  	[sflag:s21] =	ssyncset.done $0x0  }
0x120: {  	s28 =	simm.s32 $0x0;
	[sflag:s21] =	ssyncadd.s32 $0xFFFF9C00  }
.LBB2_41:
0x121: {  	[tilespmem:s29+$0x10] =	vst v0  }
.LBB2_42:
0x122: {  	s28 =	sadd.s32 $0x1, s28  }
0x123: {  	p0 =	sne.s32 s28, $0x10  }
.Ltmp39:
0x124: {  	_ = 	snop;
	(pc) =	sbr.rel @!p0 .LBB2_43-.Ltmp39, $2  }
0x125: {  	_ =	sdelay $0x2  }
0x126: {  	s26 =	sadd.s32 $0x32, s26  }
.LBB2_38:
0x127: {  	s29 =	sand.u32 $0xF, s28  }
0x128: {  	v1 =	vld [tilespmem:s29+$0x1F460];
	_ =	sdelay $0x4  }
0x129: {  	(v2sf) =	vpush v1, $0x0;
	_ =	sdelay $0xe  }
0x12a: {  	s29 =	spop (v2sf)  }
0x12b: {  	p0 =	sgt.s32 s29, $0x31  }
.Ltmp40:
0x12c: {  	_ = 	snop;
	(pc) =	sbr.rel @p0 .LBB2_42-.Ltmp40, $1  }
0x12d: {  	_ =	sdelay $0x3  }
0x12e: {  	s31 =	ssub.s32 $0x32, s29  }
0x12f: {  	p0 =	sne.s32 s31, $0x1  }
.Ltmp41:
0x130: {  	s30 =	sadd.s32 s26, s29;
	(pc) =	sbr.rel @!p0 .LBB2_41-.Ltmp41, $4  }
0x131: {  	s30 =	sshll.u32 s30, $0x7  }
0x132: {  	s29 =	sshra.s32 s30, $0x2  }
0x133: {  	s29 =	sadd.s32 $0x12C00, s29  }
0x134: {  	s30 =	sadd.s32 $0xFFFFFFFF, s31;
	[tilespmem:s29+$0x0] =	vst v0  }
.LBB2_40:
0x135: {  	p0 =	sne.s32 s30, $0x1  }
.Ltmp42:
0x136: {  	_ = 	snop;
	(pc) =	sbr.rel @p0 .LBB2_40-.Ltmp42, $3  }
0x137: {  	_ =	sdelay $0x1  }
0x138: {  	s30 =	sadd.s32 $0xFFFFFFFF, s30;
	[tilespmem:s29+$0x10] =	vst v0;
	s29 =	sadd.s32 $0x20, s29  }
0x139: {  	[tilespmem:s29+$0x0] =	vst v0  }
.Ltmp43:
0x13a: {  	_ = 	snop;
	(pc) =	sbr.rel .LBB2_41-.Ltmp43, $1  }
0x13b: {  	_ =	sdelay $0x3  }
.LBB2_43:
0x13c: {  	s26 =	simm.s32 $0x0;
	s28 =	rddreg [dreg:$0xa]  }
0x13d: {  	[hbm4b:s28+s26] =	stream.linear.scatter [tilespmem:s15], [sflag:$0x7], $0x6400, $0x38;
	[tilespmem:$0x1F610] =	vst v63  }
0x13e: {  	_ =	swait.ge [sflag:s22], $0x6400  }
0x13f: {  	[sflag:s22] =	ssyncset.done $0x0  }
.Ltmp44:
0x140: {  	s28 =	simm.s32 $0x1F40;
	[sflag:s22] =	ssyncadd.s32 $0xFFFF9C00;
	(pc) =	sbr.rel .LBB2_44-.Ltmp44, $4  }
0x141: {  	[tilespmem:s15], [sflag:$0x3] =	stream.indirect.gather [hbm4b:s3+s12], $0x20, s28, s12, $0xb8;
	[tilespmem:$0x1F610] =	vst v63  }
0x142: {  	_ =	swait.ge [sflag:s23], $0x6400  }
0x143: {  	[sflag:s23] =	ssyncset.done $0x0  }
0x144: {  	s28 =	simm.s32 $0x0;
	[sflag:s23] =	ssyncadd.s32 $0xFFFF9C00  }
.LBB2_47:
0x145: {  	[tilespmem:s29+$0x10] =	vst v0  }
.LBB2_48:
0x146: {  	s28 =	sadd.s32 $0x1, s28  }
0x147: {  	p0 =	sne.s32 s28, $0x10  }
.Ltmp45:
0x148: {  	_ = 	snop;
	(pc) =	sbr.rel @!p0 .LBB2_49-.Ltmp45, $2  }
0x149: {  	_ =	sdelay $0x2  }
0x14a: {  	s26 =	sadd.s32 $0x32, s26  }
.LBB2_44:
0x14b: {  	s29 =	sand.u32 $0xF, s28  }
0x14c: {  	v1 =	vld [tilespmem:s29+$0x1F470];
	_ =	sdelay $0x4  }
0x14d: {  	(v2sf) =	vpush v1, $0x0;
	_ =	sdelay $0xe  }
0x14e: {  	s29 =	spop (v2sf)  }
0x14f: {  	p0 =	sgt.s32 s29, $0x31  }
.Ltmp46:
0x150: {  	_ = 	snop;
	(pc) =	sbr.rel @p0 .LBB2_48-.Ltmp46, $1  }
0x151: {  	_ =	sdelay $0x3  }
0x152: {  	s31 =	ssub.s32 $0x32, s29  }
0x153: {  	p0 =	sne.s32 s31, $0x1  }
.Ltmp47:
0x154: {  	s30 =	sadd.s32 s26, s29;
	(pc) =	sbr.rel @!p0 .LBB2_47-.Ltmp47, $4  }
0x155: {  	s30 =	sshll.u32 s30, $0x7  }
0x156: {  	s29 =	sshra.s32 s30, $0x2  }
0x157: {  	s29 =	sadd.s32 $0x19000, s29  }
0x158: {  	s30 =	sadd.s32 $0xFFFFFFFF, s31;
	[tilespmem:s29+$0x0] =	vst v0  }
.LBB2_46:
0x159: {  	p0 =	sne.s32 s30, $0x1  }
.Ltmp48:
0x15a: {  	_ = 	snop;
	(pc) =	sbr.rel @p0 .LBB2_46-.Ltmp48, $3  }
0x15b: {  	_ =	sdelay $0x1  }
0x15c: {  	s30 =	sadd.s32 $0xFFFFFFFF, s30;
	[tilespmem:s29+$0x10] =	vst v0;
	s29 =	sadd.s32 $0x20, s29  }
0x15d: {  	[tilespmem:s29+$0x0] =	vst v0  }
.Ltmp49:
0x15e: {  	_ = 	snop;
	(pc) =	sbr.rel .LBB2_47-.Ltmp49, $1  }
0x15f: {  	_ =	sdelay $0x3  }
.LBB2_49:
0x160: {  	s26 =	simm.s32 $0x0;
	s28 =	rddreg [dreg:$0xb]  }
0x161: {  	[hbm4b:s28+s26] =	stream.linear.scatter [tilespmem:s16], [sflag:$0x8], $0x6400, $0x38;
	[tilespmem:$0x1F610] =	vst v63  }
0x162: {  	_ =	swait.ge [sflag:s24], $0x6400  }
0x163: {  	[sflag:s24] =	ssyncset.done $0x0  }
.Ltmp50:
0x164: {  	s28 =	simm.s32 $0x2260;
	[sflag:s24] =	ssyncadd.s32 $0xFFFF9C00;
	(pc) =	sbr.rel .LBB2_50-.Ltmp50, $4  }
0x165: {  	[tilespmem:s16], [sflag:$0x4] =	stream.indirect.gather [hbm4b:s3+s12], $0x20, s28, s12, $0xb8;
	[tilespmem:$0x1F610] =	vst v63  }
0x166: {  	_ =	swait.ge [sflag:s17], $0x6400  }
0x167: {  	[sflag:s17] =	ssyncset.done $0x0  }
0x168: {  	s28 =	simm.s32 $0x0;
	[sflag:s17] =	ssyncadd.s32 $0xFFFF9C00  }
.LBB2_53:
0x169: {  	[tilespmem:s29+$0x0] =	vst v0  }
.LBB2_54:
0x16a: {  	s28 =	sadd.s32 $0x1, s28  }
0x16b: {  	p0 =	sne.s32 s28, $0x10  }
.Ltmp51:
0x16c: {  	_ = 	snop;
	(pc) =	sbr.rel @!p0 .LBB2_55-.Ltmp51, $2  }
0x16d: {  	_ =	sdelay $0x2  }
0x16e: {  	s26 =	sadd.s32 $0x32, s26  }
.LBB2_50:
0x16f: {  	s29 =	sand.u32 $0xF, s28  }
0x170: {  	v1 =	vld [tilespmem:s29+$0x1F480];
	_ =	sdelay $0x4  }
0x171: {  	(v2sf) =	vpush v1, $0x0;
	_ =	sdelay $0xe  }
0x172: {  	s29 =	spop (v2sf)  }
0x173: {  	p0 =	sgt.s32 s29, $0x31  }
.Ltmp52:
0x174: {  	_ = 	snop;
	(pc) =	sbr.rel @p0 .LBB2_54-.Ltmp52, $1  }
0x175: {  	_ =	sdelay $0x3  }
0x176: {  	s31 =	ssub.s32 $0x32, s29  }
0x177: {  	p0 =	sne.s32 s31, $0x1  }
.Ltmp53:
0x178: {  	s30 =	sadd.s32 s26, s29;
	(pc) =	sbr.rel @!p0 .LBB2_53-.Ltmp53, $4  }
0x179: {  	s30 =	sshll.u32 s30, $0x7  }
0x17a: {  	s29 =	sshra.s32 s30, $0x2  }
0x17b: {  	s29 =	sadd.s32 $0x6410, s29  }
0x17c: {  	s30 =	sadd.s32 $0xFFFFFFFF, s31;
	[tilespmem:s29+$0xFFFFFFF0] =	vst v0  }
.LBB2_52:
0x17d: {  	p0 =	sne.s32 s30, $0x1  }
.Ltmp54:
0x17e: {  	_ = 	snop;
	(pc) =	sbr.rel @p0 .LBB2_52-.Ltmp54, $3  }
0x17f: {  	_ =	sdelay $0x1  }
0x180: {  	s30 =	sadd.s32 $0xFFFFFFFF, s30;
	[tilespmem:s29+$0x0] =	vst v0;
	s29 =	sadd.s32 $0x20, s29  }
0x181: {  	[tilespmem:s29+$0xFFFFFFF0] =	vst v0  }
.Ltmp55:
0x182: {  	_ = 	snop;
	(pc) =	sbr.rel .LBB2_53-.Ltmp55, $1  }
0x183: {  	_ =	sdelay $0x3  }
.LBB2_55:
0x184: {  	s26 =	simm.s32 $0x0;
	s28 =	rddreg [dreg:$0xc]  }
0x185: {  	[hbm4b:s28+s26] =	stream.linear.scatter [tilespmem:s13], [sflag:$0x5], $0x6400, $0x38;
	[tilespmem:$0x1F610] =	vst v63  }
0x186: {  	_ =	swait.ge [sflag:s18], $0x6400  }
0x187: {  	[sflag:s18] =	ssyncset.done $0x0  }
.Ltmp56:
0x188: {  	s28 =	simm.s32 $0x2580;
	[sflag:s18] =	ssyncadd.s32 $0xFFFF9C00;
	(pc) =	sbr.rel .LBB2_56-.Ltmp56, $4  }
0x189: {  	[tilespmem:s13], [sflag:$0x1] =	stream.indirect.gather [hbm4b:s3+s12], $0x20, s28, s12, $0xb8;
	[tilespmem:$0x1F610] =	vst v63  }
0x18a: {  	_ =	swait.ge [sflag:s19], $0x6400  }
0x18b: {  	[sflag:s19] =	ssyncset.done $0x0  }
0x18c: {  	s28 =	simm.s32 $0x0;
	[sflag:s19] =	ssyncadd.s32 $0xFFFF9C00  }
.LBB2_59:
0x18d: {  	[tilespmem:s29+$0x10] =	vst v0  }
.LBB2_60:
0x18e: {  	s28 =	sadd.s32 $0x1, s28  }
0x18f: {  	p0 =	sne.s32 s28, $0x10  }
.Ltmp57:
0x190: {  	_ = 	snop;
	(pc) =	sbr.rel @!p0 .LBB2_61-.Ltmp57, $2  }
0x191: {  	_ =	sdelay $0x2  }
0x192: {  	s26 =	sadd.s32 $0x32, s26  }
.LBB2_56:
0x193: {  	s29 =	sand.u32 $0xF, s28  }
0x194: {  	v1 =	vld [tilespmem:s29+$0x1F490];
	_ =	sdelay $0x4  }
0x195: {  	(v2sf) =	vpush v1, $0x0;
	_ =	sdelay $0xe  }
0x196: {  	s29 =	spop (v2sf)  }
0x197: {  	p0 =	sgt.s32 s29, $0x31  }
.Ltmp58:
0x198: {  	_ = 	snop;
	(pc) =	sbr.rel @p0 .LBB2_60-.Ltmp58, $1  }
0x199: {  	_ =	sdelay $0x3  }
0x19a: {  	s31 =	ssub.s32 $0x32, s29  }
0x19b: {  	p0 =	sne.s32 s31, $0x1  }
.Ltmp59:
0x19c: {  	s30 =	sadd.s32 s26, s29;
	(pc) =	sbr.rel @!p0 .LBB2_59-.Ltmp59, $4  }
0x19d: {  	s30 =	sshll.u32 s30, $0x7  }
0x19e: {  	s29 =	sshra.s32 s30, $0x2  }
0x19f: {  	s29 =	sadd.s32 $0xC800, s29  }
0x1a0: {  	s30 =	sadd.s32 $0xFFFFFFFF, s31;
	[tilespmem:s29+$0x0] =	vst v0  }
.LBB2_58:
0x1a1: {  	p0 =	sne.s32 s30, $0x1  }
.Ltmp60:
0x1a2: {  	_ = 	snop;
	(pc) =	sbr.rel @p0 .LBB2_58-.Ltmp60, $3  }
0x1a3: {  	_ =	sdelay $0x1  }
0x1a4: {  	s30 =	sadd.s32 $0xFFFFFFFF, s30;
	[tilespmem:s29+$0x10] =	vst v0;
	s29 =	sadd.s32 $0x20, s29  }
0x1a5: {  	[tilespmem:s29+$0x0] =	vst v0  }
.Ltmp61:
0x1a6: {  	_ = 	snop;
	(pc) =	sbr.rel .LBB2_59-.Ltmp61, $1  }
0x1a7: {  	_ =	sdelay $0x3  }
.LBB2_61:
0x1a8: {  	s26 =	simm.s32 $0x0;
	s28 =	rddreg [dreg:$0xd]  }
0x1a9: {  	[hbm4b:s28+s26] =	stream.linear.scatter [tilespmem:s14], [sflag:$0x6], $0x6400, $0x38;
	[tilespmem:$0x1F610] =	vst v63  }
0x1aa: {  	_ =	swait.ge [sflag:s20], $0x6400  }
0x1ab: {  	[sflag:s20] =	ssyncset.done $0x0  }
.Ltmp62:
0x1ac: {  	s28 =	simm.s32 $0x28A0;
	[sflag:s20] =	ssyncadd.s32 $0xFFFF9C00;
	(pc) =	sbr.rel .LBB2_62-.Ltmp62, $4  }
0x1ad: {  	[tilespmem:s14], [sflag:$0x2] =	stream.indirect.gather [hbm4b:s3+s12], $0x20, s28, s12, $0xb8;
	[tilespmem:$0x1F610] =	vst v63  }
0x1ae: {  	_ =	swait.ge [sflag:s21], $0x6400  }
0x1af: {  	[sflag:s21] =	ssyncset.done $0x0  }
0x1b0: {  	s28 =	simm.s32 $0x0;
	[sflag:s21] =	ssyncadd.s32 $0xFFFF9C00  }
.LBB2_65:
0x1b1: {  	[tilespmem:s29+$0x10] =	vst v0  }
.LBB2_66:
0x1b2: {  	s28 =	sadd.s32 $0x1, s28  }
0x1b3: {  	p0 =	sne.s32 s28, $0x10  }
.Ltmp63:
0x1b4: {  	_ = 	snop;
	(pc) =	sbr.rel @!p0 .LBB2_67-.Ltmp63, $2  }
0x1b5: {  	_ =	sdelay $0x2  }
0x1b6: {  	s26 =	sadd.s32 $0x32, s26  }
.LBB2_62:
0x1b7: {  	s29 =	sand.u32 $0xF, s28  }
0x1b8: {  	v1 =	vld [tilespmem:s29+$0x1F4A0];
	_ =	sdelay $0x4  }
0x1b9: {  	(v2sf) =	vpush v1, $0x0;
	_ =	sdelay $0xe  }
0x1ba: {  	s29 =	spop (v2sf)  }
0x1bb: {  	p0 =	sgt.s32 s29, $0x31  }
.Ltmp64:
0x1bc: {  	_ = 	snop;
	(pc) =	sbr.rel @p0 .LBB2_66-.Ltmp64, $1  }
0x1bd: {  	_ =	sdelay $0x3  }
0x1be: {  	s31 =	ssub.s32 $0x32, s29  }
0x1bf: {  	p0 =	sne.s32 s31, $0x1  }
.Ltmp65:
0x1c0: {  	s30 =	sadd.s32 s26, s29;
	(pc) =	sbr.rel @!p0 .LBB2_65-.Ltmp65, $4  }
0x1c1: {  	s30 =	sshll.u32 s30, $0x7  }
0x1c2: {  	s29 =	sshra.s32 s30, $0x2  }
0x1c3: {  	s29 =	sadd.s32 $0x12C00, s29  }
0x1c4: {  	s30 =	sadd.s32 $0xFFFFFFFF, s31;
	[tilespmem:s29+$0x0] =	vst v0  }
.LBB2_64:
0x1c5: {  	p0 =	sne.s32 s30, $0x1  }
.Ltmp66:
0x1c6: {  	_ = 	snop;
	(pc) =	sbr.rel @p0 .LBB2_64-.Ltmp66, $3  }
0x1c7: {  	_ =	sdelay $0x1  }
0x1c8: {  	s30 =	sadd.s32 $0xFFFFFFFF, s30;
	[tilespmem:s29+$0x10] =	vst v0;
	s29 =	sadd.s32 $0x20, s29  }
0x1c9: {  	[tilespmem:s29+$0x0] =	vst v0  }
.Ltmp67:
0x1ca: {  	_ = 	snop;
	(pc) =	sbr.rel .LBB2_65-.Ltmp67, $1  }
0x1cb: {  	_ =	sdelay $0x3  }
.LBB2_67:
0x1cc: {  	s26 =	simm.s32 $0x0;
	s28 =	rddreg [dreg:$0xe]  }
0x1cd: {  	[hbm4b:s28+s26] =	stream.linear.scatter [tilespmem:s15], [sflag:$0x7], $0x6400, $0x38;
	[tilespmem:$0x1F610] =	vst v63  }
0x1ce: {  	_ =	swait.ge [sflag:s22], $0x6400  }
0x1cf: {  	[sflag:s22] =	ssyncset.done $0x0  }
.Ltmp68:
0x1d0: {  	s28 =	simm.s32 $0x2BC0;
	[sflag:s22] =	ssyncadd.s32 $0xFFFF9C00;
	(pc) =	sbr.rel .LBB2_68-.Ltmp68, $4  }
0x1d1: {  	[tilespmem:s15], [sflag:$0x3] =	stream.indirect.gather [hbm4b:s3+s12], $0x20, s28, s12, $0xb8;
	[tilespmem:$0x1F610] =	vst v63  }
0x1d2: {  	_ =	swait.ge [sflag:s23], $0x6400  }
0x1d3: {  	[sflag:s23] =	ssyncset.done $0x0  }
0x1d4: {  	s28 =	simm.s32 $0x0;
	[sflag:s23] =	ssyncadd.s32 $0xFFFF9C00  }
.LBB2_71:
0x1d5: {  	[tilespmem:s29+$0x10] =	vst v0  }
.LBB2_72:
0x1d6: {  	s28 =	sadd.s32 $0x1, s28  }
0x1d7: {  	p0 =	sne.s32 s28, $0x10  }
.Ltmp69:
0x1d8: {  	_ = 	snop;
	(pc) =	sbr.rel @!p0 .LBB2_73-.Ltmp69, $2  }
0x1d9: {  	_ =	sdelay $0x2  }
0x1da: {  	s26 =	sadd.s32 $0x32, s26  }
.LBB2_68:
0x1db: {  	s29 =	sand.u32 $0xF, s28  }
0x1dc: {  	v1 =	vld [tilespmem:s29+$0x1F4B0];
	_ =	sdelay $0x4  }
0x1dd: {  	(v2sf) =	vpush v1, $0x0;
	_ =	sdelay $0xe  }
0x1de: {  	s29 =	spop (v2sf)  }
0x1df: {  	p0 =	sgt.s32 s29, $0x31  }
.Ltmp70:
0x1e0: {  	_ = 	snop;
	(pc) =	sbr.rel @p0 .LBB2_72-.Ltmp70, $1  }
0x1e1: {  	_ =	sdelay $0x3  }
0x1e2: {  	s31 =	ssub.s32 $0x32, s29  }
0x1e3: {  	p0 =	sne.s32 s31, $0x1  }
.Ltmp71:
0x1e4: {  	s30 =	sadd.s32 s26, s29;
	(pc) =	sbr.rel @!p0 .LBB2_71-.Ltmp71, $4  }
0x1e5: {  	s30 =	sshll.u32 s30, $0x7  }
0x1e6: {  	s29 =	sshra.s32 s30, $0x2  }
0x1e7: {  	s29 =	sadd.s32 $0x19000, s29  }
0x1e8: {  	s30 =	sadd.s32 $0xFFFFFFFF, s31;
	[tilespmem:s29+$0x0] =	vst v0  }
.LBB2_70:
0x1e9: {  	p0 =	sne.s32 s30, $0x1  }
.Ltmp72:
0x1ea: {  	_ = 	snop;
	(pc) =	sbr.rel @p0 .LBB2_70-.Ltmp72, $3  }
0x1eb: {  	_ =	sdelay $0x1  }
0x1ec: {  	s30 =	sadd.s32 $0xFFFFFFFF, s30;
	[tilespmem:s29+$0x10] =	vst v0;
	s29 =	sadd.s32 $0x20, s29  }
0x1ed: {  	[tilespmem:s29+$0x0] =	vst v0  }
.Ltmp73:
0x1ee: {  	_ = 	snop;
	(pc) =	sbr.rel .LBB2_71-.Ltmp73, $1  }
0x1ef: {  	_ =	sdelay $0x3  }
.LBB2_73:
0x1f0: {  	s26 =	simm.s32 $0x0;
	s28 =	rddreg [dreg:$0xf]  }
0x1f1: {  	[hbm4b:s28+s26] =	stream.linear.scatter [tilespmem:s16], [sflag:$0x8], $0x6400, $0x38;
	[tilespmem:$0x1F610] =	vst v63  }
0x1f2: {  	_ =	swait.ge [sflag:s24], $0x6400  }
0x1f3: {  	[sflag:s24] =	ssyncset.done $0x0  }
.Ltmp74:
0x1f4: {  	s28 =	simm.s32 $0x2EE0;
	[sflag:s24] =	ssyncadd.s32 $0xFFFF9C00;
	(pc) =	sbr.rel .LBB2_74-.Ltmp74, $4  }
0x1f5: {  	[tilespmem:s16], [sflag:$0x4] =	stream.indirect.gather [hbm4b:s3+s12], $0x20, s28, s12, $0xb8;
	[tilespmem:$0x1F610] =	vst v63  }
0x1f6: {  	_ =	swait.ge [sflag:s17], $0x6400  }
0x1f7: {  	[sflag:s17] =	ssyncset.done $0x0  }
0x1f8: {  	s28 =	simm.s32 $0x0;
	[sflag:s17] =	ssyncadd.s32 $0xFFFF9C00  }
.LBB2_77:
0x1f9: {  	[tilespmem:s29+$0x0] =	vst v0  }
.LBB2_78:
0x1fa: {  	s28 =	sadd.s32 $0x1, s28  }
0x1fb: {  	p0 =	sne.s32 s28, $0x10  }
.Ltmp75:
0x1fc: {  	_ = 	snop;
	(pc) =	sbr.rel @!p0 .LBB2_79-.Ltmp75, $2  }
0x1fd: {  	_ =	sdelay $0x2  }
0x1fe: {  	s26 =	sadd.s32 $0x32, s26  }
.LBB2_74:
0x1ff: {  	s29 =	sand.u32 $0xF, s28  }
0x200: {  	v1 =	vld [tilespmem:s29+$0x1F4C0];
	_ =	sdelay $0x4  }
0x201: {  	(v2sf) =	vpush v1, $0x0;
	_ =	sdelay $0xe  }
0x202: {  	s29 =	spop (v2sf)  }
0x203: {  	p0 =	sgt.s32 s29, $0x31  }
.Ltmp76:
0x204: {  	_ = 	snop;
	(pc) =	sbr.rel @p0 .LBB2_78-.Ltmp76, $1  }
0x205: {  	_ =	sdelay $0x3  }
0x206: {  	s31 =	ssub.s32 $0x32, s29  }
0x207: {  	p0 =	sne.s32 s31, $0x1  }
.Ltmp77:
0x208: {  	s30 =	sadd.s32 s26, s29;
	(pc) =	sbr.rel @!p0 .LBB2_77-.Ltmp77, $4  }
0x209: {  	s30 =	sshll.u32 s30, $0x7  }
0x20a: {  	s29 =	sshra.s32 s30, $0x2  }
0x20b: {  	s29 =	sadd.s32 $0x6410, s29  }
0x20c: {  	s30 =	sadd.s32 $0xFFFFFFFF, s31;
	[tilespmem:s29+$0xFFFFFFF0] =	vst v0  }
.LBB2_76:
0x20d: {  	p0 =	sne.s32 s30, $0x1  }
.Ltmp78:
0x20e: {  	_ = 	snop;
	(pc) =	sbr.rel @p0 .LBB2_76-.Ltmp78, $3  }
0x20f: {  	_ =	sdelay $0x1  }
0x210: {  	s30 =	sadd.s32 $0xFFFFFFFF, s30;
	[tilespmem:s29+$0x0] =	vst v0;
	s29 =	sadd.s32 $0x20, s29  }
0x211: {  	[tilespmem:s29+$0xFFFFFFF0] =	vst v0  }
.Ltmp79:
0x212: {  	_ = 	snop;
	(pc) =	sbr.rel .LBB2_77-.Ltmp79, $1  }
0x213: {  	_ =	sdelay $0x3  }
.LBB2_79:
0x214: {  	s26 =	simm.s32 $0x0;
	s28 =	rddreg [dreg:$0x10]  }
0x215: {  	[hbm4b:s28+s26] =	stream.linear.scatter [tilespmem:s13], [sflag:$0x5], $0x6400, $0x38;
	[tilespmem:$0x1F610] =	vst v63  }
0x216: {  	_ =	swait.ge [sflag:s18], $0x6400  }
0x217: {  	[sflag:s18] =	ssyncset.done $0x0  }
.Ltmp80:
0x218: {  	s28 =	simm.s32 $0x3200;
	[sflag:s18] =	ssyncadd.s32 $0xFFFF9C00;
	(pc) =	sbr.rel .LBB2_80-.Ltmp80, $4  }
0x219: {  	[tilespmem:s13], [sflag:$0x1] =	stream.indirect.gather [hbm4b:s3+s12], $0x20, s28, s12, $0xb8;
	[tilespmem:$0x1F610] =	vst v63  }
0x21a: {  	_ =	swait.ge [sflag:s19], $0x6400  }
0x21b: {  	[sflag:s19] =	ssyncset.done $0x0  }
0x21c: {  	s28 =	simm.s32 $0x0;
	[sflag:s19] =	ssyncadd.s32 $0xFFFF9C00  }
.LBB2_83:
0x21d: {  	[tilespmem:s29+$0x10] =	vst v0  }
.LBB2_84:
0x21e: {  	s28 =	sadd.s32 $0x1, s28  }
0x21f: {  	p0 =	sne.s32 s28, $0x10  }
.Ltmp81:
0x220: {  	_ = 	snop;
	(pc) =	sbr.rel @!p0 .LBB2_85-.Ltmp81, $2  }
0x221: {  	_ =	sdelay $0x2  }
0x222: {  	s26 =	sadd.s32 $0x32, s26  }
.LBB2_80:
0x223: {  	s29 =	sand.u32 $0xF, s28  }
0x224: {  	v1 =	vld [tilespmem:s29+$0x1F4D0];
	_ =	sdelay $0x4  }
0x225: {  	(v2sf) =	vpush v1, $0x0;
	_ =	sdelay $0xe  }
0x226: {  	s29 =	spop (v2sf)  }
0x227: {  	p0 =	sgt.s32 s29, $0x31  }
.Ltmp82:
0x228: {  	_ = 	snop;
	(pc) =	sbr.rel @p0 .LBB2_84-.Ltmp82, $1  }
0x229: {  	_ =	sdelay $0x3  }
0x22a: {  	s31 =	ssub.s32 $0x32, s29  }
0x22b: {  	p0 =	sne.s32 s31, $0x1  }
.Ltmp83:
0x22c: {  	s30 =	sadd.s32 s26, s29;
	(pc) =	sbr.rel @!p0 .LBB2_83-.Ltmp83, $4  }
0x22d: {  	s30 =	sshll.u32 s30, $0x7  }
0x22e: {  	s29 =	sshra.s32 s30, $0x2  }
0x22f: {  	s29 =	sadd.s32 $0xC800, s29  }
0x230: {  	s30 =	sadd.s32 $0xFFFFFFFF, s31;
	[tilespmem:s29+$0x0] =	vst v0  }
.LBB2_82:
0x231: {  	p0 =	sne.s32 s30, $0x1  }
.Ltmp84:
0x232: {  	_ = 	snop;
	(pc) =	sbr.rel @p0 .LBB2_82-.Ltmp84, $3  }
0x233: {  	_ =	sdelay $0x1  }
0x234: {  	s30 =	sadd.s32 $0xFFFFFFFF, s30;
	[tilespmem:s29+$0x10] =	vst v0;
	s29 =	sadd.s32 $0x20, s29  }
0x235: {  	[tilespmem:s29+$0x0] =	vst v0  }
.Ltmp85:
0x236: {  	_ = 	snop;
	(pc) =	sbr.rel .LBB2_83-.Ltmp85, $1  }
0x237: {  	_ =	sdelay $0x3  }
.LBB2_85:
0x238: {  	s26 =	simm.s32 $0x0;
	s28 =	rddreg [dreg:$0x11]  }
0x239: {  	[hbm4b:s28+s26] =	stream.linear.scatter [tilespmem:s14], [sflag:$0x6], $0x6400, $0x38;
	[tilespmem:$0x1F610] =	vst v63  }
0x23a: {  	_ =	swait.ge [sflag:s20], $0x6400  }
0x23b: {  	[sflag:s20] =	ssyncset.done $0x0  }
.Ltmp86:
0x23c: {  	s28 =	simm.s32 $0x3520;
	[sflag:s20] =	ssyncadd.s32 $0xFFFF9C00;
	(pc) =	sbr.rel .LBB2_86-.Ltmp86, $4  }
0x23d: {  	[tilespmem:s14], [sflag:$0x2] =	stream.indirect.gather [hbm4b:s3+s12], $0x20, s28, s12, $0xb8;
	[tilespmem:$0x1F610] =	vst v63  }
0x23e: {  	_ =	swait.ge [sflag:s21], $0x6400  }
0x23f: {  	[sflag:s21] =	ssyncset.done $0x0  }
0x240: {  	s28 =	simm.s32 $0x0;
	[sflag:s21] =	ssyncadd.s32 $0xFFFF9C00  }
.LBB2_89:
0x241: {  	[tilespmem:s29+$0x10] =	vst v0  }
.LBB2_90:
0x242: {  	s28 =	sadd.s32 $0x1, s28  }
0x243: {  	p0 =	sne.s32 s28, $0x10  }
.Ltmp87:
0x244: {  	_ = 	snop;
	(pc) =	sbr.rel @!p0 .LBB2_91-.Ltmp87, $2  }
0x245: {  	_ =	sdelay $0x2  }
0x246: {  	s26 =	sadd.s32 $0x32, s26  }
.LBB2_86:
0x247: {  	s29 =	sand.u32 $0xF, s28  }
0x248: {  	v1 =	vld [tilespmem:s29+$0x1F4E0];
	_ =	sdelay $0x4  }
0x249: {  	(v2sf) =	vpush v1, $0x0;
	_ =	sdelay $0xe  }
0x24a: {  	s29 =	spop (v2sf)  }
0x24b: {  	p0 =	sgt.s32 s29, $0x31  }
.Ltmp88:
0x24c: {  	_ = 	snop;
	(pc) =	sbr.rel @p0 .LBB2_90-.Ltmp88, $1  }
0x24d: {  	_ =	sdelay $0x3  }
0x24e: {  	s31 =	ssub.s32 $0x32, s29  }
0x24f: {  	p0 =	sne.s32 s31, $0x1  }
.Ltmp89:
0x250: {  	s30 =	sadd.s32 s26, s29;
	(pc) =	sbr.rel @!p0 .LBB2_89-.Ltmp89, $4  }
0x251: {  	s30 =	sshll.u32 s30, $0x7  }
0x252: {  	s29 =	sshra.s32 s30, $0x2  }
0x253: {  	s29 =	sadd.s32 $0x12C00, s29  }
0x254: {  	s30 =	sadd.s32 $0xFFFFFFFF, s31;
	[tilespmem:s29+$0x0] =	vst v0  }
.LBB2_88:
0x255: {  	p0 =	sne.s32 s30, $0x1  }
.Ltmp90:
0x256: {  	_ = 	snop;
	(pc) =	sbr.rel @p0 .LBB2_88-.Ltmp90, $3  }
0x257: {  	_ =	sdelay $0x1  }
0x258: {  	s30 =	sadd.s32 $0xFFFFFFFF, s30;
	[tilespmem:s29+$0x10] =	vst v0;
	s29 =	sadd.s32 $0x20, s29  }
0x259: {  	[tilespmem:s29+$0x0] =	vst v0  }
.Ltmp91:
0x25a: {  	_ = 	snop;
	(pc) =	sbr.rel .LBB2_89-.Ltmp91, $1  }
0x25b: {  	_ =	sdelay $0x3  }
.LBB2_91:
0x25c: {  	s26 =	simm.s32 $0x0;
	s28 =	rddreg [dreg:$0x12]  }
0x25d: {  	[hbm4b:s28+s26] =	stream.linear.scatter [tilespmem:s15], [sflag:$0x7], $0x6400, $0x38;
	[tilespmem:$0x1F610] =	vst v63  }
0x25e: {  	_ =	swait.ge [sflag:s22], $0x6400  }
0x25f: {  	[sflag:s22] =	ssyncset.done $0x0  }
.Ltmp92:
0x260: {  	s28 =	simm.s32 $0x3840;
	[sflag:s22] =	ssyncadd.s32 $0xFFFF9C00;
	(pc) =	sbr.rel .LBB2_92-.Ltmp92, $4  }
0x261: {  	[tilespmem:s15], [sflag:$0x3] =	stream.indirect.gather [hbm4b:s3+s12], $0x20, s28, s12, $0xb8;
	[tilespmem:$0x1F610] =	vst v63  }
0x262: {  	_ =	swait.ge [sflag:s23], $0x6400  }
0x263: {  	[sflag:s23] =	ssyncset.done $0x0  }
0x264: {  	s28 =	simm.s32 $0x0;
	[sflag:s23] =	ssyncadd.s32 $0xFFFF9C00  }
.LBB2_95:
0x265: {  	[tilespmem:s29+$0x10] =	vst v0  }
.LBB2_96:
0x266: {  	s28 =	sadd.s32 $0x1, s28  }
0x267: {  	p0 =	sne.s32 s28, $0x10  }
.Ltmp93:
0x268: {  	_ = 	snop;
	(pc) =	sbr.rel @!p0 .LBB2_97-.Ltmp93, $2  }
0x269: {  	_ =	sdelay $0x2  }
0x26a: {  	s26 =	sadd.s32 $0x32, s26  }
.LBB2_92:
0x26b: {  	s29 =	sand.u32 $0xF, s28  }
0x26c: {  	v1 =	vld [tilespmem:s29+$0x1F4F0];
	_ =	sdelay $0x4  }
0x26d: {  	(v2sf) =	vpush v1, $0x0;
	_ =	sdelay $0xe  }
0x26e: {  	s29 =	spop (v2sf)  }
0x26f: {  	p0 =	sgt.s32 s29, $0x31  }
.Ltmp94:
0x270: {  	_ = 	snop;
	(pc) =	sbr.rel @p0 .LBB2_96-.Ltmp94, $1  }
0x271: {  	_ =	sdelay $0x3  }
0x272: {  	s31 =	ssub.s32 $0x32, s29  }
0x273: {  	p0 =	sne.s32 s31, $0x1  }
.Ltmp95:
0x274: {  	s30 =	sadd.s32 s26, s29;
	(pc) =	sbr.rel @!p0 .LBB2_95-.Ltmp95, $4  }
0x275: {  	s30 =	sshll.u32 s30, $0x7  }
0x276: {  	s29 =	sshra.s32 s30, $0x2  }
0x277: {  	s29 =	sadd.s32 $0x19000, s29  }
0x278: {  	s30 =	sadd.s32 $0xFFFFFFFF, s31;
	[tilespmem:s29+$0x0] =	vst v0  }
.LBB2_94:
0x279: {  	p0 =	sne.s32 s30, $0x1  }
.Ltmp96:
0x27a: {  	_ = 	snop;
	(pc) =	sbr.rel @p0 .LBB2_94-.Ltmp96, $3  }
0x27b: {  	_ =	sdelay $0x1  }
0x27c: {  	s30 =	sadd.s32 $0xFFFFFFFF, s30;
	[tilespmem:s29+$0x10] =	vst v0;
	s29 =	sadd.s32 $0x20, s29  }
0x27d: {  	[tilespmem:s29+$0x0] =	vst v0  }
.Ltmp97:
0x27e: {  	_ = 	snop;
	(pc) =	sbr.rel .LBB2_95-.Ltmp97, $1  }
0x27f: {  	_ =	sdelay $0x3  }
.LBB2_97:
0x280: {  	s26 =	simm.s32 $0x0;
	s28 =	rddreg [dreg:$0x13]  }
0x281: {  	[hbm4b:s28+s26] =	stream.linear.scatter [tilespmem:s16], [sflag:$0x8], $0x6400, $0x38;
	[tilespmem:$0x1F610] =	vst v63  }
0x282: {  	_ =	swait.ge [sflag:s24], $0x6400  }
0x283: {  	[sflag:s24] =	ssyncset.done $0x0  }
.Ltmp98:
0x284: {  	s28 =	simm.s32 $0x3B60;
	[sflag:s24] =	ssyncadd.s32 $0xFFFF9C00;
	(pc) =	sbr.rel .LBB2_98-.Ltmp98, $4  }
0x285: {  	[tilespmem:s16], [sflag:$0x4] =	stream.indirect.gather [hbm4b:s3+s12], $0x20, s28, s12, $0xb8;
	[tilespmem:$0x1F610] =	vst v63  }
0x286: {  	_ =	swait.ge [sflag:s17], $0x6400  }
0x287: {  	[sflag:s17] =	ssyncset.done $0x0  }
0x288: {  	s28 =	simm.s32 $0x0;
	[sflag:s17] =	ssyncadd.s32 $0xFFFF9C00  }
.LBB2_101:
0x289: {  	[tilespmem:s29+$0x0] =	vst v0  }
.LBB2_102:
0x28a: {  	s28 =	sadd.s32 $0x1, s28  }
0x28b: {  	p0 =	sne.s32 s28, $0x10  }
.Ltmp99:
0x28c: {  	_ = 	snop;
	(pc) =	sbr.rel @!p0 .LBB2_103-.Ltmp99, $2  }
0x28d: {  	_ =	sdelay $0x2  }
0x28e: {  	s26 =	sadd.s32 $0x32, s26  }
.LBB2_98:
0x28f: {  	s29 =	sand.u32 $0xF, s28  }
0x290: {  	v1 =	vld [tilespmem:s29+$0x1F500];
	_ =	sdelay $0x4  }
0x291: {  	(v2sf) =	vpush v1, $0x0;
	_ =	sdelay $0xe  }
0x292: {  	s29 =	spop (v2sf)  }
0x293: {  	p0 =	sgt.s32 s29, $0x31  }
.Ltmp100:
0x294: {  	_ = 	snop;
	(pc) =	sbr.rel @p0 .LBB2_102-.Ltmp100, $1  }
0x295: {  	_ =	sdelay $0x3  }
0x296: {  	s31 =	ssub.s32 $0x32, s29  }
0x297: {  	p0 =	sne.s32 s31, $0x1  }
.Ltmp101:
0x298: {  	s30 =	sadd.s32 s26, s29;
	(pc) =	sbr.rel @!p0 .LBB2_101-.Ltmp101, $4  }
0x299: {  	s30 =	sshll.u32 s30, $0x7  }
0x29a: {  	s29 =	sshra.s32 s30, $0x2  }
0x29b: {  	s29 =	sadd.s32 $0x6410, s29  }
0x29c: {  	s30 =	sadd.s32 $0xFFFFFFFF, s31;
	[tilespmem:s29+$0xFFFFFFF0] =	vst v0  }
.LBB2_100:
0x29d: {  	p0 =	sne.s32 s30, $0x1  }
.Ltmp102:
0x29e: {  	_ = 	snop;
	(pc) =	sbr.rel @p0 .LBB2_100-.Ltmp102, $3  }
0x29f: {  	_ =	sdelay $0x1  }
0x2a0: {  	s30 =	sadd.s32 $0xFFFFFFFF, s30;
	[tilespmem:s29+$0x0] =	vst v0;
	s29 =	sadd.s32 $0x20, s29  }
0x2a1: {  	[tilespmem:s29+$0xFFFFFFF0] =	vst v0  }
.Ltmp103:
0x2a2: {  	_ = 	snop;
	(pc) =	sbr.rel .LBB2_101-.Ltmp103, $1  }
0x2a3: {  	_ =	sdelay $0x3  }
.LBB2_103:
0x2a4: {  	s26 =	simm.s32 $0x0;
	s28 =	rddreg [dreg:$0x14]  }
0x2a5: {  	[hbm4b:s28+s26] =	stream.linear.scatter [tilespmem:s13], [sflag:$0x5], $0x6400, $0x38;
	[tilespmem:$0x1F610] =	vst v63  }
0x2a6: {  	_ =	swait.ge [sflag:s18], $0x6400  }
0x2a7: {  	[sflag:s18] =	ssyncset.done $0x0  }
.Ltmp104:
0x2a8: {  	s28 =	simm.s32 $0x3E80;
	[sflag:s18] =	ssyncadd.s32 $0xFFFF9C00;
	(pc) =	sbr.rel .LBB2_104-.Ltmp104, $4  }
0x2a9: {  	[tilespmem:s13], [sflag:$0x1] =	stream.indirect.gather [hbm4b:s3+s12], $0x20, s28, s12, $0xb8;
	[tilespmem:$0x1F610] =	vst v63  }
0x2aa: {  	_ =	swait.ge [sflag:s19], $0x6400  }
0x2ab: {  	[sflag:s19] =	ssyncset.done $0x0  }
0x2ac: {  	s28 =	simm.s32 $0x0;
	[sflag:s19] =	ssyncadd.s32 $0xFFFF9C00  }
.LBB2_107:
0x2ad: {  	[tilespmem:s29+$0x10] =	vst v0  }
.LBB2_108:
0x2ae: {  	s28 =	sadd.s32 $0x1, s28  }
0x2af: {  	p0 =	sne.s32 s28, $0x10  }
.Ltmp105:
0x2b0: {  	_ = 	snop;
	(pc) =	sbr.rel @!p0 .LBB2_109-.Ltmp105, $2  }
0x2b1: {  	_ =	sdelay $0x2  }
0x2b2: {  	s26 =	sadd.s32 $0x32, s26  }
.LBB2_104:
0x2b3: {  	s29 =	sand.u32 $0xF, s28  }
0x2b4: {  	v1 =	vld [tilespmem:s29+$0x1F510];
	_ =	sdelay $0x4  }
0x2b5: {  	(v2sf) =	vpush v1, $0x0;
	_ =	sdelay $0xe  }
0x2b6: {  	s29 =	spop (v2sf)  }
0x2b7: {  	p0 =	sgt.s32 s29, $0x31  }
.Ltmp106:
0x2b8: {  	_ = 	snop;
	(pc) =	sbr.rel @p0 .LBB2_108-.Ltmp106, $1  }
0x2b9: {  	_ =	sdelay $0x3  }
0x2ba: {  	s31 =	ssub.s32 $0x32, s29  }
0x2bb: {  	p0 =	sne.s32 s31, $0x1  }
.Ltmp107:
0x2bc: {  	s30 =	sadd.s32 s26, s29;
	(pc) =	sbr.rel @!p0 .LBB2_107-.Ltmp107, $4  }
0x2bd: {  	s30 =	sshll.u32 s30, $0x7  }
0x2be: {  	s29 =	sshra.s32 s30, $0x2  }
0x2bf: {  	s29 =	sadd.s32 $0xC800, s29  }
0x2c0: {  	s30 =	sadd.s32 $0xFFFFFFFF, s31;
	[tilespmem:s29+$0x0] =	vst v0  }
.LBB2_106:
0x2c1: {  	p0 =	sne.s32 s30, $0x1  }
.Ltmp108:
0x2c2: {  	_ = 	snop;
	(pc) =	sbr.rel @p0 .LBB2_106-.Ltmp108, $3  }
0x2c3: {  	_ =	sdelay $0x1  }
0x2c4: {  	s30 =	sadd.s32 $0xFFFFFFFF, s30;
	[tilespmem:s29+$0x10] =	vst v0;
	s29 =	sadd.s32 $0x20, s29  }
0x2c5: {  	[tilespmem:s29+$0x0] =	vst v0  }
.Ltmp109:
0x2c6: {  	_ = 	snop;
	(pc) =	sbr.rel .LBB2_107-.Ltmp109, $1  }
0x2c7: {  	_ =	sdelay $0x3  }
.LBB2_109:
0x2c8: {  	s26 =	simm.s32 $0x0;
	s28 =	rddreg [dreg:$0x15]  }
0x2c9: {  	[hbm4b:s28+s26] =	stream.linear.scatter [tilespmem:s14], [sflag:$0x6], $0x6400, $0x38;
	[tilespmem:$0x1F610] =	vst v63  }
0x2ca: {  	_ =	swait.ge [sflag:s20], $0x6400  }
0x2cb: {  	[sflag:s20] =	ssyncset.done $0x0  }
.Ltmp110:
0x2cc: {  	s28 =	simm.s32 $0x41A0;
	[sflag:s20] =	ssyncadd.s32 $0xFFFF9C00;
	(pc) =	sbr.rel .LBB2_110-.Ltmp110, $4  }
0x2cd: {  	[tilespmem:s14], [sflag:$0x2] =	stream.indirect.gather [hbm4b:s3+s12], $0x20, s28, s12, $0xb8;
	[tilespmem:$0x1F610] =	vst v63  }
0x2ce: {  	_ =	swait.ge [sflag:s21], $0x6400  }
0x2cf: {  	[sflag:s21] =	ssyncset.done $0x0  }
0x2d0: {  	s28 =	simm.s32 $0x0;
	[sflag:s21] =	ssyncadd.s32 $0xFFFF9C00  }
.LBB2_113:
0x2d1: {  	[tilespmem:s29+$0x10] =	vst v0  }
.LBB2_114:
0x2d2: {  	s28 =	sadd.s32 $0x1, s28  }
0x2d3: {  	p0 =	sne.s32 s28, $0x10  }
.Ltmp111:
0x2d4: {  	_ = 	snop;
	(pc) =	sbr.rel @!p0 .LBB2_115-.Ltmp111, $2  }
0x2d5: {  	_ =	sdelay $0x2  }
0x2d6: {  	s26 =	sadd.s32 $0x32, s26  }
.LBB2_110:
0x2d7: {  	s29 =	sand.u32 $0xF, s28  }
0x2d8: {  	v1 =	vld [tilespmem:s29+$0x1F520];
	_ =	sdelay $0x4  }
0x2d9: {  	(v2sf) =	vpush v1, $0x0;
	_ =	sdelay $0xe  }
0x2da: {  	s29 =	spop (v2sf)  }
0x2db: {  	p0 =	sgt.s32 s29, $0x31  }
.Ltmp112:
0x2dc: {  	_ = 	snop;
	(pc) =	sbr.rel @p0 .LBB2_114-.Ltmp112, $1  }
0x2dd: {  	_ =	sdelay $0x3  }
0x2de: {  	s31 =	ssub.s32 $0x32, s29  }
0x2df: {  	p0 =	sne.s32 s31, $0x1  }
.Ltmp113:
0x2e0: {  	s30 =	sadd.s32 s26, s29;
	(pc) =	sbr.rel @!p0 .LBB2_113-.Ltmp113, $4  }
0x2e1: {  	s30 =	sshll.u32 s30, $0x7  }
0x2e2: {  	s29 =	sshra.s32 s30, $0x2  }
0x2e3: {  	s29 =	sadd.s32 $0x12C00, s29  }
0x2e4: {  	s30 =	sadd.s32 $0xFFFFFFFF, s31;
	[tilespmem:s29+$0x0] =	vst v0  }
.LBB2_112:
0x2e5: {  	p0 =	sne.s32 s30, $0x1  }
.Ltmp114:
0x2e6: {  	_ = 	snop;
	(pc) =	sbr.rel @p0 .LBB2_112-.Ltmp114, $3  }
0x2e7: {  	_ =	sdelay $0x1  }
0x2e8: {  	s30 =	sadd.s32 $0xFFFFFFFF, s30;
	[tilespmem:s29+$0x10] =	vst v0;
	s29 =	sadd.s32 $0x20, s29  }
0x2e9: {  	[tilespmem:s29+$0x0] =	vst v0  }
.Ltmp115:
0x2ea: {  	_ = 	snop;
	(pc) =	sbr.rel .LBB2_113-.Ltmp115, $1  }
0x2eb: {  	_ =	sdelay $0x3  }
.LBB2_115:
0x2ec: {  	s26 =	simm.s32 $0x0;
	s28 =	rddreg [dreg:$0x16]  }
0x2ed: {  	[hbm4b:s28+s26] =	stream.linear.scatter [tilespmem:s15], [sflag:$0x7], $0x6400, $0x38;
	[tilespmem:$0x1F610] =	vst v63  }
0x2ee: {  	_ =	swait.ge [sflag:s22], $0x6400  }
0x2ef: {  	[sflag:s22] =	ssyncset.done $0x0  }
.Ltmp116:
0x2f0: {  	s28 =	simm.s32 $0x44C0;
	[sflag:s22] =	ssyncadd.s32 $0xFFFF9C00;
	(pc) =	sbr.rel .LBB2_116-.Ltmp116, $4  }
0x2f1: {  	[tilespmem:s15], [sflag:$0x3] =	stream.indirect.gather [hbm4b:s3+s12], $0x20, s28, s12, $0xb8;
	[tilespmem:$0x1F610] =	vst v63  }
0x2f2: {  	_ =	swait.ge [sflag:s23], $0x6400  }
0x2f3: {  	[sflag:s23] =	ssyncset.done $0x0  }
0x2f4: {  	s28 =	simm.s32 $0x0;
	[sflag:s23] =	ssyncadd.s32 $0xFFFF9C00  }
.LBB2_119:
0x2f5: {  	[tilespmem:s29+$0x10] =	vst v0  }
.LBB2_120:
0x2f6: {  	s28 =	sadd.s32 $0x1, s28  }
0x2f7: {  	p0 =	sne.s32 s28, $0x10  }
.Ltmp117:
0x2f8: {  	_ = 	snop;
	(pc) =	sbr.rel @!p0 .LBB2_121-.Ltmp117, $2  }
0x2f9: {  	_ =	sdelay $0x2  }
0x2fa: {  	s26 =	sadd.s32 $0x32, s26  }
.LBB2_116:
0x2fb: {  	s29 =	sand.u32 $0xF, s28  }
0x2fc: {  	v1 =	vld [tilespmem:s29+$0x1F530];
	_ =	sdelay $0x4  }
0x2fd: {  	(v2sf) =	vpush v1, $0x0;
	_ =	sdelay $0xe  }
0x2fe: {  	s29 =	spop (v2sf)  }
0x2ff: {  	p0 =	sgt.s32 s29, $0x31  }
.Ltmp118:
0x300: {  	_ = 	snop;
	(pc) =	sbr.rel @p0 .LBB2_120-.Ltmp118, $1  }
0x301: {  	_ =	sdelay $0x3  }
0x302: {  	s31 =	ssub.s32 $0x32, s29  }
0x303: {  	p0 =	sne.s32 s31, $0x1  }
.Ltmp119:
0x304: {  	s30 =	sadd.s32 s26, s29;
	(pc) =	sbr.rel @!p0 .LBB2_119-.Ltmp119, $4  }
0x305: {  	s30 =	sshll.u32 s30, $0x7  }
0x306: {  	s29 =	sshra.s32 s30, $0x2  }
0x307: {  	s29 =	sadd.s32 $0x19000, s29  }
0x308: {  	s30 =	sadd.s32 $0xFFFFFFFF, s31;
	[tilespmem:s29+$0x0] =	vst v0  }
.LBB2_118:
0x309: {  	p0 =	sne.s32 s30, $0x1  }
.Ltmp120:
0x30a: {  	_ = 	snop;
	(pc) =	sbr.rel @p0 .LBB2_118-.Ltmp120, $3  }
0x30b: {  	_ =	sdelay $0x1  }
0x30c: {  	s30 =	sadd.s32 $0xFFFFFFFF, s30;
	[tilespmem:s29+$0x10] =	vst v0;
	s29 =	sadd.s32 $0x20, s29  }
0x30d: {  	[tilespmem:s29+$0x0] =	vst v0  }
.Ltmp121:
0x30e: {  	_ = 	snop;
	(pc) =	sbr.rel .LBB2_119-.Ltmp121, $1  }
0x30f: {  	_ =	sdelay $0x3  }
.LBB2_121:
0x310: {  	s26 =	simm.s32 $0x0;
	s28 =	rddreg [dreg:$0x17]  }
0x311: {  	[hbm4b:s28+s26] =	stream.linear.scatter [tilespmem:s16], [sflag:$0x8], $0x6400, $0x38;
	[tilespmem:$0x1F610] =	vst v63  }
0x312: {  	_ =	swait.ge [sflag:s24], $0x6400  }
0x313: {  	[sflag:s24] =	ssyncset.done $0x0  }
.Ltmp122:
0x314: {  	s28 =	simm.s32 $0x47E0;
	[sflag:s24] =	ssyncadd.s32 $0xFFFF9C00;
	(pc) =	sbr.rel .LBB2_122-.Ltmp122, $4  }
0x315: {  	[tilespmem:s16], [sflag:$0x4] =	stream.indirect.gather [hbm4b:s3+s12], $0x20, s28, s12, $0xb8;
	[tilespmem:$0x1F610] =	vst v63  }
0x316: {  	_ =	swait.ge [sflag:s17], $0x6400  }
0x317: {  	[sflag:s17] =	ssyncset.done $0x0  }
0x318: {  	s28 =	simm.s32 $0x0;
	[sflag:s17] =	ssyncadd.s32 $0xFFFF9C00  }
.LBB2_125:
0x319: {  	[tilespmem:s29+$0x0] =	vst v0  }
.LBB2_126:
0x31a: {  	s28 =	sadd.s32 $0x1, s28  }
0x31b: {  	p0 =	sne.s32 s28, $0x10  }
.Ltmp123:
0x31c: {  	_ = 	snop;
	(pc) =	sbr.rel @!p0 .LBB2_127-.Ltmp123, $2  }
0x31d: {  	_ =	sdelay $0x2  }
0x31e: {  	s26 =	sadd.s32 $0x32, s26  }
.LBB2_122:
0x31f: {  	s29 =	sand.u32 $0xF, s28  }
0x320: {  	v1 =	vld [tilespmem:s29+$0x1F540];
	_ =	sdelay $0x4  }
0x321: {  	(v2sf) =	vpush v1, $0x0;
	_ =	sdelay $0xe  }
0x322: {  	s29 =	spop (v2sf)  }
0x323: {  	p0 =	sgt.s32 s29, $0x31  }
.Ltmp124:
0x324: {  	_ = 	snop;
	(pc) =	sbr.rel @p0 .LBB2_126-.Ltmp124, $1  }
0x325: {  	_ =	sdelay $0x3  }
0x326: {  	s31 =	ssub.s32 $0x32, s29  }
0x327: {  	p0 =	sne.s32 s31, $0x1  }
.Ltmp125:
0x328: {  	s30 =	sadd.s32 s26, s29;
	(pc) =	sbr.rel @!p0 .LBB2_125-.Ltmp125, $4  }
0x329: {  	s30 =	sshll.u32 s30, $0x7  }
0x32a: {  	s29 =	sshra.s32 s30, $0x2  }
0x32b: {  	s29 =	sadd.s32 $0x6410, s29  }
0x32c: {  	s30 =	sadd.s32 $0xFFFFFFFF, s31;
	[tilespmem:s29+$0xFFFFFFF0] =	vst v0  }
.LBB2_124:
0x32d: {  	p0 =	sne.s32 s30, $0x1  }
.Ltmp126:
0x32e: {  	_ = 	snop;
	(pc) =	sbr.rel @p0 .LBB2_124-.Ltmp126, $3  }
0x32f: {  	_ =	sdelay $0x1  }
0x330: {  	s30 =	sadd.s32 $0xFFFFFFFF, s30;
	[tilespmem:s29+$0x0] =	vst v0;
	s29 =	sadd.s32 $0x20, s29  }
0x331: {  	[tilespmem:s29+$0xFFFFFFF0] =	vst v0  }
.Ltmp127:
0x332: {  	_ = 	snop;
	(pc) =	sbr.rel .LBB2_125-.Ltmp127, $1  }
0x333: {  	_ =	sdelay $0x3  }
.LBB2_127:
0x334: {  	s26 =	simm.s32 $0x0;
	s28 =	rddreg [dreg:$0x18]  }
0x335: {  	[hbm4b:s28+s26] =	stream.linear.scatter [tilespmem:s13], [sflag:$0x5], $0x6400, $0x38;
	[tilespmem:$0x1F610] =	vst v63  }
0x336: {  	_ =	swait.ge [sflag:s18], $0x6400  }
0x337: {  	[sflag:s18] =	ssyncset.done $0x0  }
.Ltmp128:
0x338: {  	s28 =	simm.s32 $0x4B00;
	[sflag:s18] =	ssyncadd.s32 $0xFFFF9C00;
	(pc) =	sbr.rel .LBB2_128-.Ltmp128, $4  }
0x339: {  	[tilespmem:s13], [sflag:$0x1] =	stream.indirect.gather [hbm4b:s3+s12], $0x20, s28, s12, $0xb8;
	[tilespmem:$0x1F610] =	vst v63  }
0x33a: {  	_ =	swait.ge [sflag:s19], $0x6400  }
0x33b: {  	[sflag:s19] =	ssyncset.done $0x0  }
0x33c: {  	s28 =	simm.s32 $0x0;
	[sflag:s19] =	ssyncadd.s32 $0xFFFF9C00  }
.LBB2_131:
0x33d: {  	[tilespmem:s29+$0x10] =	vst v0  }
.LBB2_132:
0x33e: {  	s28 =	sadd.s32 $0x1, s28  }
0x33f: {  	p0 =	sne.s32 s28, $0x10  }
.Ltmp129:
0x340: {  	_ = 	snop;
	(pc) =	sbr.rel @!p0 .LBB2_133-.Ltmp129, $2  }
0x341: {  	_ =	sdelay $0x2  }
0x342: {  	s26 =	sadd.s32 $0x32, s26  }
.LBB2_128:
0x343: {  	s29 =	sand.u32 $0xF, s28  }
0x344: {  	v1 =	vld [tilespmem:s29+$0x1F550];
	_ =	sdelay $0x4  }
0x345: {  	(v2sf) =	vpush v1, $0x0;
	_ =	sdelay $0xe  }
0x346: {  	s29 =	spop (v2sf)  }
0x347: {  	p0 =	sgt.s32 s29, $0x31  }
.Ltmp130:
0x348: {  	_ = 	snop;
	(pc) =	sbr.rel @p0 .LBB2_132-.Ltmp130, $1  }
0x349: {  	_ =	sdelay $0x3  }
0x34a: {  	s31 =	ssub.s32 $0x32, s29  }
0x34b: {  	p0 =	sne.s32 s31, $0x1  }
.Ltmp131:
0x34c: {  	s30 =	sadd.s32 s26, s29;
	(pc) =	sbr.rel @!p0 .LBB2_131-.Ltmp131, $4  }
0x34d: {  	s30 =	sshll.u32 s30, $0x7  }
0x34e: {  	s29 =	sshra.s32 s30, $0x2  }
0x34f: {  	s29 =	sadd.s32 $0xC800, s29  }
0x350: {  	s30 =	sadd.s32 $0xFFFFFFFF, s31;
	[tilespmem:s29+$0x0] =	vst v0  }
.LBB2_130:
0x351: {  	p0 =	sne.s32 s30, $0x1  }
.Ltmp132:
0x352: {  	_ = 	snop;
	(pc) =	sbr.rel @p0 .LBB2_130-.Ltmp132, $3  }
0x353: {  	_ =	sdelay $0x1  }
0x354: {  	s30 =	sadd.s32 $0xFFFFFFFF, s30;
	[tilespmem:s29+$0x10] =	vst v0;
	s29 =	sadd.s32 $0x20, s29  }
0x355: {  	[tilespmem:s29+$0x0] =	vst v0  }
.Ltmp133:
0x356: {  	_ = 	snop;
	(pc) =	sbr.rel .LBB2_131-.Ltmp133, $1  }
0x357: {  	_ =	sdelay $0x3  }
.LBB2_133:
0x358: {  	s26 =	simm.s32 $0x0;
	s28 =	rddreg [dreg:$0x19]  }
0x359: {  	[hbm4b:s28+s26] =	stream.linear.scatter [tilespmem:s14], [sflag:$0x6], $0x6400, $0x38;
	[tilespmem:$0x1F610] =	vst v63  }
0x35a: {  	_ =	swait.ge [sflag:s20], $0x6400  }
0x35b: {  	[sflag:s20] =	ssyncset.done $0x0  }
.Ltmp134:
0x35c: {  	s28 =	simm.s32 $0x4E20;
	[sflag:s20] =	ssyncadd.s32 $0xFFFF9C00;
	(pc) =	sbr.rel .LBB2_134-.Ltmp134, $4  }
0x35d: {  	[tilespmem:s14], [sflag:$0x2] =	stream.indirect.gather [hbm4b:s3+s12], $0x20, s28, s12, $0xb8;
	[tilespmem:$0x1F610] =	vst v63  }
0x35e: {  	_ =	swait.ge [sflag:s21], $0x6400  }
0x35f: {  	[sflag:s21] =	ssyncset.done $0x0  }
0x360: {  	s28 =	simm.s32 $0x0;
	[sflag:s21] =	ssyncadd.s32 $0xFFFF9C00  }
.LBB2_137:
0x361: {  	[tilespmem:s29+$0x10] =	vst v0  }
.LBB2_138:
0x362: {  	s28 =	sadd.s32 $0x1, s28  }
0x363: {  	p0 =	sne.s32 s28, $0x10  }
.Ltmp135:
0x364: {  	_ = 	snop;
	(pc) =	sbr.rel @!p0 .LBB2_139-.Ltmp135, $2  }
0x365: {  	_ =	sdelay $0x2  }
0x366: {  	s26 =	sadd.s32 $0x32, s26  }
.LBB2_134:
0x367: {  	s29 =	sand.u32 $0xF, s28  }
0x368: {  	v1 =	vld [tilespmem:s29+$0x1F560];
	_ =	sdelay $0x4  }
0x369: {  	(v2sf) =	vpush v1, $0x0;
	_ =	sdelay $0xe  }
0x36a: {  	s29 =	spop (v2sf)  }
0x36b: {  	p0 =	sgt.s32 s29, $0x31  }
.Ltmp136:
0x36c: {  	_ = 	snop;
	(pc) =	sbr.rel @p0 .LBB2_138-.Ltmp136, $1  }
0x36d: {  	_ =	sdelay $0x3  }
0x36e: {  	s31 =	ssub.s32 $0x32, s29  }
0x36f: {  	p0 =	sne.s32 s31, $0x1  }
.Ltmp137:
0x370: {  	s30 =	sadd.s32 s26, s29;
	(pc) =	sbr.rel @!p0 .LBB2_137-.Ltmp137, $4  }
0x371: {  	s30 =	sshll.u32 s30, $0x7  }
0x372: {  	s29 =	sshra.s32 s30, $0x2  }
0x373: {  	s29 =	sadd.s32 $0x12C00, s29  }
0x374: {  	s30 =	sadd.s32 $0xFFFFFFFF, s31;
	[tilespmem:s29+$0x0] =	vst v0  }
.LBB2_136:
0x375: {  	p0 =	sne.s32 s30, $0x1  }
.Ltmp138:
0x376: {  	_ = 	snop;
	(pc) =	sbr.rel @p0 .LBB2_136-.Ltmp138, $3  }
0x377: {  	_ =	sdelay $0x1  }
0x378: {  	s30 =	sadd.s32 $0xFFFFFFFF, s30;
	[tilespmem:s29+$0x10] =	vst v0;
	s29 =	sadd.s32 $0x20, s29  }
0x379: {  	[tilespmem:s29+$0x0] =	vst v0  }
.Ltmp139:
0x37a: {  	_ = 	snop;
	(pc) =	sbr.rel .LBB2_137-.Ltmp139, $1  }
0x37b: {  	_ =	sdelay $0x3  }
.LBB2_139:
0x37c: {  	s26 =	simm.s32 $0x0;
	s28 =	rddreg [dreg:$0x1a]  }
0x37d: {  	[hbm4b:s28+s26] =	stream.linear.scatter [tilespmem:s15], [sflag:$0x7], $0x6400, $0x38;
	[tilespmem:$0x1F610] =	vst v63  }
0x37e: {  	_ =	swait.ge [sflag:s22], $0x6400  }
0x37f: {  	[sflag:s22] =	ssyncset.done $0x0  }
.Ltmp140:
0x380: {  	s28 =	simm.s32 $0x5140;
	[sflag:s22] =	ssyncadd.s32 $0xFFFF9C00;
	(pc) =	sbr.rel .LBB2_140-.Ltmp140, $4  }
0x381: {  	[tilespmem:s15], [sflag:$0x3] =	stream.indirect.gather [hbm4b:s3+s12], $0x20, s28, s12, $0xb8;
	[tilespmem:$0x1F610] =	vst v63  }
0x382: {  	_ =	swait.ge [sflag:s23], $0x6400  }
0x383: {  	[sflag:s23] =	ssyncset.done $0x0  }
0x384: {  	s28 =	simm.s32 $0x0;
	[sflag:s23] =	ssyncadd.s32 $0xFFFF9C00  }
.LBB2_143:
0x385: {  	[tilespmem:s29+$0x10] =	vst v0  }
.LBB2_144:
0x386: {  	s28 =	sadd.s32 $0x1, s28  }
0x387: {  	p0 =	sne.s32 s28, $0x10  }
.Ltmp141:
0x388: {  	_ = 	snop;
	(pc) =	sbr.rel @!p0 .LBB2_145-.Ltmp141, $2  }
0x389: {  	_ =	sdelay $0x2  }
0x38a: {  	s26 =	sadd.s32 $0x32, s26  }
.LBB2_140:
0x38b: {  	s29 =	sand.u32 $0xF, s28  }
0x38c: {  	v1 =	vld [tilespmem:s29+$0x1F570];
	_ =	sdelay $0x4  }
0x38d: {  	(v2sf) =	vpush v1, $0x0;
	_ =	sdelay $0xe  }
0x38e: {  	s29 =	spop (v2sf)  }
0x38f: {  	p0 =	sgt.s32 s29, $0x31  }
.Ltmp142:
0x390: {  	_ = 	snop;
	(pc) =	sbr.rel @p0 .LBB2_144-.Ltmp142, $1  }
0x391: {  	_ =	sdelay $0x3  }
0x392: {  	s31 =	ssub.s32 $0x32, s29  }
0x393: {  	p0 =	sne.s32 s31, $0x1  }
.Ltmp143:
0x394: {  	s30 =	sadd.s32 s26, s29;
	(pc) =	sbr.rel @!p0 .LBB2_143-.Ltmp143, $4  }
0x395: {  	s30 =	sshll.u32 s30, $0x7  }
0x396: {  	s29 =	sshra.s32 s30, $0x2  }
0x397: {  	s29 =	sadd.s32 $0x19000, s29  }
0x398: {  	s30 =	sadd.s32 $0xFFFFFFFF, s31;
	[tilespmem:s29+$0x0] =	vst v0  }
.LBB2_142:
0x399: {  	p0 =	sne.s32 s30, $0x1  }
.Ltmp144:
0x39a: {  	_ = 	snop;
	(pc) =	sbr.rel @p0 .LBB2_142-.Ltmp144, $3  }
0x39b: {  	_ =	sdelay $0x1  }
0x39c: {  	s30 =	sadd.s32 $0xFFFFFFFF, s30;
	[tilespmem:s29+$0x10] =	vst v0;
	s29 =	sadd.s32 $0x20, s29  }
0x39d: {  	[tilespmem:s29+$0x0] =	vst v0  }
.Ltmp145:
0x39e: {  	_ = 	snop;
	(pc) =	sbr.rel .LBB2_143-.Ltmp145, $1  }
0x39f: {  	_ =	sdelay $0x3  }
.LBB2_145:
0x3a0: {  	s26 =	simm.s32 $0x0;
	s28 =	rddreg [dreg:$0x1b]  }
0x3a1: {  	[hbm4b:s28+s26] =	stream.linear.scatter [tilespmem:s16], [sflag:$0x8], $0x6400, $0x38;
	[tilespmem:$0x1F610] =	vst v63  }
0x3a2: {  	_ =	swait.ge [sflag:s24], $0x6400  }
0x3a3: {  	[sflag:s24] =	ssyncset.done $0x0  }
.Ltmp146:
0x3a4: {  	s28 =	simm.s32 $0x5460;
	[sflag:s24] =	ssyncadd.s32 $0xFFFF9C00;
	(pc) =	sbr.rel .LBB2_146-.Ltmp146, $4  }
0x3a5: {  	[tilespmem:s16], [sflag:$0x4] =	stream.indirect.gather [hbm4b:s3+s12], $0x20, s28, s12, $0xb8;
	[tilespmem:$0x1F610] =	vst v63  }
0x3a6: {  	_ =	swait.ge [sflag:s17], $0x6400  }
0x3a7: {  	[sflag:s17] =	ssyncset.done $0x0  }
0x3a8: {  	s28 =	simm.s32 $0x0;
	[sflag:s17] =	ssyncadd.s32 $0xFFFF9C00  }
.LBB2_149:
0x3a9: {  	[tilespmem:s29+$0x0] =	vst v0  }
.LBB2_150:
0x3aa: {  	s28 =	sadd.s32 $0x1, s28  }
0x3ab: {  	p0 =	sne.s32 s28, $0x10  }
.Ltmp147:
0x3ac: {  	_ = 	snop;
	(pc) =	sbr.rel @!p0 .LBB2_151-.Ltmp147, $2  }
0x3ad: {  	_ =	sdelay $0x2  }
0x3ae: {  	s26 =	sadd.s32 $0x32, s26  }
.LBB2_146:
0x3af: {  	s29 =	sand.u32 $0xF, s28  }
0x3b0: {  	v1 =	vld [tilespmem:s29+$0x1F580];
	_ =	sdelay $0x4  }
0x3b1: {  	(v2sf) =	vpush v1, $0x0;
	_ =	sdelay $0xe  }
0x3b2: {  	s29 =	spop (v2sf)  }
0x3b3: {  	p0 =	sgt.s32 s29, $0x31  }
.Ltmp148:
0x3b4: {  	_ = 	snop;
	(pc) =	sbr.rel @p0 .LBB2_150-.Ltmp148, $1  }
0x3b5: {  	_ =	sdelay $0x3  }
0x3b6: {  	s31 =	ssub.s32 $0x32, s29  }
0x3b7: {  	p0 =	sne.s32 s31, $0x1  }
.Ltmp149:
0x3b8: {  	s30 =	sadd.s32 s26, s29;
	(pc) =	sbr.rel @!p0 .LBB2_149-.Ltmp149, $4  }
0x3b9: {  	s30 =	sshll.u32 s30, $0x7  }
0x3ba: {  	s29 =	sshra.s32 s30, $0x2  }
0x3bb: {  	s29 =	sadd.s32 $0x6410, s29  }
0x3bc: {  	s30 =	sadd.s32 $0xFFFFFFFF, s31;
	[tilespmem:s29+$0xFFFFFFF0] =	vst v0  }
.LBB2_148:
0x3bd: {  	p0 =	sne.s32 s30, $0x1  }
.Ltmp150:
0x3be: {  	_ = 	snop;
	(pc) =	sbr.rel @p0 .LBB2_148-.Ltmp150, $3  }
0x3bf: {  	_ =	sdelay $0x1  }
0x3c0: {  	s30 =	sadd.s32 $0xFFFFFFFF, s30;
	[tilespmem:s29+$0x0] =	vst v0;
	s29 =	sadd.s32 $0x20, s29  }
0x3c1: {  	[tilespmem:s29+$0xFFFFFFF0] =	vst v0  }
.Ltmp151:
0x3c2: {  	_ = 	snop;
	(pc) =	sbr.rel .LBB2_149-.Ltmp151, $1  }
0x3c3: {  	_ =	sdelay $0x3  }
.LBB2_151:
0x3c4: {  	s26 =	simm.s32 $0x0;
	s28 =	rddreg [dreg:$0x1c]  }
0x3c5: {  	[hbm4b:s28+s26] =	stream.linear.scatter [tilespmem:s13], [sflag:$0x5], $0x6400, $0x38;
	[tilespmem:$0x1F610] =	vst v63  }
0x3c6: {  	_ =	swait.ge [sflag:s18], $0x6400  }
0x3c7: {  	[sflag:s18] =	ssyncset.done $0x0  }
.Ltmp152:
0x3c8: {  	s28 =	simm.s32 $0x5780;
	[sflag:s18] =	ssyncadd.s32 $0xFFFF9C00;
	(pc) =	sbr.rel .LBB2_152-.Ltmp152, $4  }
0x3c9: {  	[tilespmem:s13], [sflag:$0x1] =	stream.indirect.gather [hbm4b:s3+s12], $0x20, s28, s12, $0xb8;
	[tilespmem:$0x1F610] =	vst v63  }
0x3ca: {  	_ =	swait.ge [sflag:s19], $0x6400  }
0x3cb: {  	[sflag:s19] =	ssyncset.done $0x0  }
0x3cc: {  	s28 =	simm.s32 $0x0;
	[sflag:s19] =	ssyncadd.s32 $0xFFFF9C00  }
.LBB2_155:
0x3cd: {  	[tilespmem:s29+$0x10] =	vst v0  }
.LBB2_156:
0x3ce: {  	s28 =	sadd.s32 $0x1, s28  }
0x3cf: {  	p0 =	sne.s32 s28, $0x10  }
.Ltmp153:
0x3d0: {  	_ = 	snop;
	(pc) =	sbr.rel @!p0 .LBB2_157-.Ltmp153, $2  }
0x3d1: {  	_ =	sdelay $0x2  }
0x3d2: {  	s26 =	sadd.s32 $0x32, s26  }
.LBB2_152:
0x3d3: {  	s29 =	sand.u32 $0xF, s28  }
0x3d4: {  	v1 =	vld [tilespmem:s29+$0x1F590];
	_ =	sdelay $0x4  }
0x3d5: {  	(v2sf) =	vpush v1, $0x0;
	_ =	sdelay $0xe  }
0x3d6: {  	s29 =	spop (v2sf)  }
0x3d7: {  	p0 =	sgt.s32 s29, $0x31  }
.Ltmp154:
0x3d8: {  	_ = 	snop;
	(pc) =	sbr.rel @p0 .LBB2_156-.Ltmp154, $1  }
0x3d9: {  	_ =	sdelay $0x3  }
0x3da: {  	s31 =	ssub.s32 $0x32, s29  }
0x3db: {  	p0 =	sne.s32 s31, $0x1  }
.Ltmp155:
0x3dc: {  	s30 =	sadd.s32 s26, s29;
	(pc) =	sbr.rel @!p0 .LBB2_155-.Ltmp155, $4  }
0x3dd: {  	s30 =	sshll.u32 s30, $0x7  }
0x3de: {  	s29 =	sshra.s32 s30, $0x2  }
0x3df: {  	s29 =	sadd.s32 $0xC800, s29  }
0x3e0: {  	s30 =	sadd.s32 $0xFFFFFFFF, s31;
	[tilespmem:s29+$0x0] =	vst v0  }
.LBB2_154:
0x3e1: {  	p0 =	sne.s32 s30, $0x1  }
.Ltmp156:
0x3e2: {  	_ = 	snop;
	(pc) =	sbr.rel @p0 .LBB2_154-.Ltmp156, $3  }
0x3e3: {  	_ =	sdelay $0x1  }
0x3e4: {  	s30 =	sadd.s32 $0xFFFFFFFF, s30;
	[tilespmem:s29+$0x10] =	vst v0;
	s29 =	sadd.s32 $0x20, s29  }
0x3e5: {  	[tilespmem:s29+$0x0] =	vst v0  }
.Ltmp157:
0x3e6: {  	_ = 	snop;
	(pc) =	sbr.rel .LBB2_155-.Ltmp157, $1  }
0x3e7: {  	_ =	sdelay $0x3  }
.LBB2_157:
0x3e8: {  	s26 =	simm.s32 $0x0;
	s28 =	rddreg [dreg:$0x1d]  }
0x3e9: {  	[hbm4b:s28+s26] =	stream.linear.scatter [tilespmem:s14], [sflag:$0x6], $0x6400, $0x38;
	[tilespmem:$0x1F610] =	vst v63  }
0x3ea: {  	_ =	swait.ge [sflag:s20], $0x6400  }
0x3eb: {  	[sflag:s20] =	ssyncset.done $0x0  }
.Ltmp158:
0x3ec: {  	s28 =	simm.s32 $0x5AA0;
	[sflag:s20] =	ssyncadd.s32 $0xFFFF9C00;
	(pc) =	sbr.rel .LBB2_158-.Ltmp158, $4  }
0x3ed: {  	[tilespmem:s14], [sflag:$0x2] =	stream.indirect.gather [hbm4b:s3+s12], $0x20, s28, s12, $0xb8;
	[tilespmem:$0x1F610] =	vst v63  }
0x3ee: {  	_ =	swait.ge [sflag:s21], $0x6400  }
0x3ef: {  	[sflag:s21] =	ssyncset.done $0x0  }
0x3f0: {  	s28 =	simm.s32 $0x0;
	[sflag:s21] =	ssyncadd.s32 $0xFFFF9C00  }
.LBB2_161:
0x3f1: {  	[tilespmem:s29+$0x10] =	vst v0  }
.LBB2_162:
0x3f2: {  	s28 =	sadd.s32 $0x1, s28  }
0x3f3: {  	p0 =	sne.s32 s28, $0x10  }
.Ltmp159:
0x3f4: {  	_ = 	snop;
	(pc) =	sbr.rel @!p0 .LBB2_163-.Ltmp159, $2  }
0x3f5: {  	_ =	sdelay $0x2  }
0x3f6: {  	s26 =	sadd.s32 $0x32, s26  }
.LBB2_158:
0x3f7: {  	s29 =	sand.u32 $0xF, s28  }
0x3f8: {  	v1 =	vld [tilespmem:s29+$0x1F5A0];
	_ =	sdelay $0x4  }
0x3f9: {  	(v2sf) =	vpush v1, $0x0;
	_ =	sdelay $0xe  }
0x3fa: {  	s29 =	spop (v2sf)  }
0x3fb: {  	p0 =	sgt.s32 s29, $0x31  }
.Ltmp160:
0x3fc: {  	_ = 	snop;
	(pc) =	sbr.rel @p0 .LBB2_162-.Ltmp160, $1  }
0x3fd: {  	_ =	sdelay $0x3  }
0x3fe: {  	s31 =	ssub.s32 $0x32, s29  }
0x3ff: {  	p0 =	sne.s32 s31, $0x1  }
.Ltmp161:
0x400: {  	s30 =	sadd.s32 s26, s29;
	(pc) =	sbr.rel @!p0 .LBB2_161-.Ltmp161, $4  }
0x401: {  	s30 =	sshll.u32 s30, $0x7  }
0x402: {  	s29 =	sshra.s32 s30, $0x2  }
0x403: {  	s29 =	sadd.s32 $0x12C00, s29  }
0x404: {  	s30 =	sadd.s32 $0xFFFFFFFF, s31;
	[tilespmem:s29+$0x0] =	vst v0  }
.LBB2_160:
0x405: {  	p0 =	sne.s32 s30, $0x1  }
.Ltmp162:
0x406: {  	_ = 	snop;
	(pc) =	sbr.rel @p0 .LBB2_160-.Ltmp162, $3  }
0x407: {  	_ =	sdelay $0x1  }
0x408: {  	s30 =	sadd.s32 $0xFFFFFFFF, s30;
	[tilespmem:s29+$0x10] =	vst v0;
	s29 =	sadd.s32 $0x20, s29  }
0x409: {  	[tilespmem:s29+$0x0] =	vst v0  }
.Ltmp163:
0x40a: {  	_ = 	snop;
	(pc) =	sbr.rel .LBB2_161-.Ltmp163, $1  }
0x40b: {  	_ =	sdelay $0x3  }
.LBB2_163:
0x40c: {  	s26 =	simm.s32 $0x0  }
0x40d: {  	[hbm4b:s1+s26] =	stream.linear.scatter [tilespmem:s15], [sflag:$0x7], $0x6400, $0x38;
	[tilespmem:$0x1F610] =	vst v63  }
0x40e: {  	_ =	swait.ge [sflag:s22], $0x6400  }
0x40f: {  	[sflag:s22] =	ssyncset.done $0x0  }
.Ltmp164:
0x410: {  	s28 =	simm.s32 $0x5DC0;
	[sflag:s22] =	ssyncadd.s32 $0xFFFF9C00;
	(pc) =	sbr.rel .LBB2_164-.Ltmp164, $4  }
0x411: {  	[tilespmem:s15], [sflag:$0x3] =	stream.indirect.gather [hbm4b:s3+s12], $0x20, s28, s12, $0xb8;
	[tilespmem:$0x1F610] =	vst v63  }
0x412: {  	_ =	swait.ge [sflag:s23], $0x6400  }
0x413: {  	[sflag:s23] =	ssyncset.done $0x0  }
0x414: {  	s28 =	simm.s32 $0x0;
	[sflag:s23] =	ssyncadd.s32 $0xFFFF9C00  }
.LBB2_167:
0x415: {  	[tilespmem:s29+$0x10] =	vst v0  }
.LBB2_168:
0x416: {  	s28 =	sadd.s32 $0x1, s28  }
0x417: {  	p0 =	sne.s32 s28, $0x10  }
.Ltmp165:
0x418: {  	_ = 	snop;
	(pc) =	sbr.rel @!p0 .LBB2_169-.Ltmp165, $2  }
0x419: {  	_ =	sdelay $0x2  }
0x41a: {  	s26 =	sadd.s32 $0x32, s26  }
.LBB2_164:
0x41b: {  	s29 =	sand.u32 $0xF, s28  }
0x41c: {  	v1 =	vld [tilespmem:s29+$0x1F5B0];
	_ =	sdelay $0x4  }
0x41d: {  	(v2sf) =	vpush v1, $0x0;
	_ =	sdelay $0xe  }
0x41e: {  	s29 =	spop (v2sf)  }
0x41f: {  	p0 =	sgt.s32 s29, $0x31  }
.Ltmp166:
0x420: {  	_ = 	snop;
	(pc) =	sbr.rel @p0 .LBB2_168-.Ltmp166, $1  }
0x421: {  	_ =	sdelay $0x3  }
0x422: {  	s31 =	ssub.s32 $0x32, s29  }
0x423: {  	p0 =	sne.s32 s31, $0x1  }
.Ltmp167:
0x424: {  	s30 =	sadd.s32 s26, s29;
	(pc) =	sbr.rel @!p0 .LBB2_167-.Ltmp167, $4  }
0x425: {  	s30 =	sshll.u32 s30, $0x7  }
0x426: {  	s29 =	sshra.s32 s30, $0x2  }
0x427: {  	s29 =	sadd.s32 $0x19000, s29  }
0x428: {  	s30 =	sadd.s32 $0xFFFFFFFF, s31;
	[tilespmem:s29+$0x0] =	vst v0  }
.LBB2_166:
0x429: {  	p0 =	sne.s32 s30, $0x1  }
.Ltmp168:
0x42a: {  	_ = 	snop;
	(pc) =	sbr.rel @p0 .LBB2_166-.Ltmp168, $3  }
0x42b: {  	_ =	sdelay $0x1  }
0x42c: {  	s30 =	sadd.s32 $0xFFFFFFFF, s30;
	[tilespmem:s29+$0x10] =	vst v0;
	s29 =	sadd.s32 $0x20, s29  }
0x42d: {  	[tilespmem:s29+$0x0] =	vst v0  }
.Ltmp169:
0x42e: {  	_ = 	snop;
	(pc) =	sbr.rel .LBB2_167-.Ltmp169, $1  }
0x42f: {  	_ =	sdelay $0x3  }
.LBB2_169:
0x430: {  	s26 =	simm.s32 $0x0  }
0x431: {  	[hbm4b:s0+s26] =	stream.linear.scatter [tilespmem:s16], [sflag:$0x8], $0x6400, $0x38;
	[tilespmem:$0x1F610] =	vst v63  }
0x432: {  	_ =	swait.ge [sflag:s24], $0x6400  }
0x433: {  	[sflag:s24] =	ssyncset.done $0x0  }
.Ltmp170:
0x434: {  	s28 =	simm.s32 $0x60E0;
	[sflag:s24] =	ssyncadd.s32 $0xFFFF9C00;
	(pc) =	sbr.rel .LBB2_170-.Ltmp170, $4  }
0x435: {  	[tilespmem:s16], [sflag:$0x4] =	stream.indirect.gather [hbm4b:s3+s12], $0x20, s28, s12, $0xb8;
	[tilespmem:$0x1F610] =	vst v63  }
0x436: {  	_ =	swait.ge [sflag:s17], $0x6400  }
0x437: {  	[sflag:s17] =	ssyncset.done $0x0  }
0x438: {  	s28 =	simm.s32 $0x0;
	[sflag:s17] =	ssyncadd.s32 $0xFFFF9C00  }
.LBB2_173:
0x439: {  	[tilespmem:s29+$0x0] =	vst v0  }
.LBB2_174:
0x43a: {  	s28 =	sadd.s32 $0x1, s28  }
0x43b: {  	p0 =	sne.s32 s28, $0x10  }
.Ltmp171:
0x43c: {  	_ = 	snop;
	(pc) =	sbr.rel @!p0 .LBB2_175-.Ltmp171, $2  }
0x43d: {  	_ =	sdelay $0x2  }
0x43e: {  	s26 =	sadd.s32 $0x32, s26  }
.LBB2_170:
0x43f: {  	s29 =	sand.u32 $0xF, s28  }
0x440: {  	v1 =	vld [tilespmem:s29+$0x1F5C0];
	_ =	sdelay $0x4  }
0x441: {  	(v2sf) =	vpush v1, $0x0;
	_ =	sdelay $0xe  }
0x442: {  	s29 =	spop (v2sf)  }
0x443: {  	p0 =	sgt.s32 s29, $0x31  }
.Ltmp172:
0x444: {  	_ = 	snop;
	(pc) =	sbr.rel @p0 .LBB2_174-.Ltmp172, $1  }
0x445: {  	_ =	sdelay $0x3  }
0x446: {  	s31 =	ssub.s32 $0x32, s29  }
0x447: {  	p0 =	sne.s32 s31, $0x1  }
.Ltmp173:
0x448: {  	s30 =	sadd.s32 s26, s29;
	(pc) =	sbr.rel @!p0 .LBB2_173-.Ltmp173, $4  }
0x449: {  	s30 =	sshll.u32 s30, $0x7  }
0x44a: {  	s29 =	sshra.s32 s30, $0x2  }
0x44b: {  	s29 =	sadd.s32 $0x6410, s29  }
0x44c: {  	s30 =	sadd.s32 $0xFFFFFFFF, s31;
	[tilespmem:s29+$0xFFFFFFF0] =	vst v0  }
.LBB2_172:
0x44d: {  	p0 =	sne.s32 s30, $0x1  }
.Ltmp174:
0x44e: {  	_ = 	snop;
	(pc) =	sbr.rel @p0 .LBB2_172-.Ltmp174, $3  }
0x44f: {  	_ =	sdelay $0x1  }
0x450: {  	s30 =	sadd.s32 $0xFFFFFFFF, s30;
	[tilespmem:s29+$0x0] =	vst v0;
	s29 =	sadd.s32 $0x20, s29  }
0x451: {  	[tilespmem:s29+$0xFFFFFFF0] =	vst v0  }
.Ltmp175:
0x452: {  	_ = 	snop;
	(pc) =	sbr.rel .LBB2_173-.Ltmp175, $1  }
0x453: {  	_ =	sdelay $0x3  }
.LBB2_175:
.Ltmp176:
0x454: {  	s26 =	simm.s32 $0x0;
	(pc) =	sbr.rel .LBB2_176-.Ltmp176, $4  }
0x455: {  	[hbm4b:s4+s26] =	stream.linear.scatter [tilespmem:s13], [sflag:$0x5], $0x6400, $0x38;
	[tilespmem:$0x1F610] =	vst v63  }
0x456: {  	_ =	swait.ge [sflag:s19], $0x6400  }
0x457: {  	[sflag:s19] =	ssyncset.done $0x0  }
0x458: {  	s28 =	simm.s32 $0x0;
	[sflag:s19] =	ssyncadd.s32 $0xFFFF9C00  }
.LBB2_179:
0x459: {  	[tilespmem:s29+$0x10] =	vst v0  }
.LBB2_180:
0x45a: {  	s28 =	sadd.s32 $0x1, s28  }
0x45b: {  	p0 =	sne.s32 s28, $0x10  }
.Ltmp177:
0x45c: {  	_ = 	snop;
	(pc) =	sbr.rel @!p0 .LBB2_181-.Ltmp177, $2  }
0x45d: {  	_ =	sdelay $0x2  }
0x45e: {  	s26 =	sadd.s32 $0x32, s26  }
.LBB2_176:
0x45f: {  	s29 =	sand.u32 $0xF, s28  }
0x460: {  	v1 =	vld [tilespmem:s29+$0x1F5D0];
	_ =	sdelay $0x4  }
0x461: {  	(v2sf) =	vpush v1, $0x0;
	_ =	sdelay $0xe  }
0x462: {  	s29 =	spop (v2sf)  }
0x463: {  	p0 =	sgt.s32 s29, $0x31  }
.Ltmp178:
0x464: {  	_ = 	snop;
	(pc) =	sbr.rel @p0 .LBB2_180-.Ltmp178, $1  }
0x465: {  	_ =	sdelay $0x3  }
0x466: {  	s31 =	ssub.s32 $0x32, s29  }
0x467: {  	p0 =	sne.s32 s31, $0x1  }
.Ltmp179:
0x468: {  	s30 =	sadd.s32 s26, s29;
	(pc) =	sbr.rel @!p0 .LBB2_179-.Ltmp179, $4  }
0x469: {  	s30 =	sshll.u32 s30, $0x7  }
0x46a: {  	s29 =	sshra.s32 s30, $0x2  }
0x46b: {  	s29 =	sadd.s32 $0xC800, s29  }
0x46c: {  	s30 =	sadd.s32 $0xFFFFFFFF, s31;
	[tilespmem:s29+$0x0] =	vst v0  }
.LBB2_178:
0x46d: {  	p0 =	sne.s32 s30, $0x1  }
.Ltmp180:
0x46e: {  	_ = 	snop;
	(pc) =	sbr.rel @p0 .LBB2_178-.Ltmp180, $3  }
0x46f: {  	_ =	sdelay $0x1  }
0x470: {  	s30 =	sadd.s32 $0xFFFFFFFF, s30;
	[tilespmem:s29+$0x10] =	vst v0;
	s29 =	sadd.s32 $0x20, s29  }
0x471: {  	[tilespmem:s29+$0x0] =	vst v0  }
.Ltmp181:
0x472: {  	_ = 	snop;
	(pc) =	sbr.rel .LBB2_179-.Ltmp181, $1  }
0x473: {  	_ =	sdelay $0x3  }
.LBB2_181:
.Ltmp182:
0x474: {  	s26 =	simm.s32 $0x0;
	(pc) =	sbr.rel .LBB2_182-.Ltmp182, $4  }
0x475: {  	[hbm4b:s5+s26] =	stream.linear.scatter [tilespmem:s14], [sflag:$0x6], $0x6400, $0x38;
	[tilespmem:$0x1F610] =	vst v63  }
0x476: {  	_ =	swait.ge [sflag:s21], $0x6400  }
0x477: {  	[sflag:s21] =	ssyncset.done $0x0  }
0x478: {  	s28 =	simm.s32 $0x0;
	[sflag:s21] =	ssyncadd.s32 $0xFFFF9C00  }
.LBB2_185:
0x479: {  	[tilespmem:s29+$0x10] =	vst v0  }
.LBB2_186:
0x47a: {  	s28 =	sadd.s32 $0x1, s28  }
0x47b: {  	p0 =	sne.s32 s28, $0x10  }
.Ltmp183:
0x47c: {  	_ = 	snop;
	(pc) =	sbr.rel @!p0 .LBB2_187-.Ltmp183, $2  }
0x47d: {  	_ =	sdelay $0x2  }
0x47e: {  	s26 =	sadd.s32 $0x32, s26  }
.LBB2_182:
0x47f: {  	s29 =	sand.u32 $0xF, s28  }
0x480: {  	v1 =	vld [tilespmem:s29+$0x1F5E0];
	_ =	sdelay $0x4  }
0x481: {  	(v2sf) =	vpush v1, $0x0;
	_ =	sdelay $0xe  }
0x482: {  	s29 =	spop (v2sf)  }
0x483: {  	p0 =	sgt.s32 s29, $0x31  }
.Ltmp184:
0x484: {  	_ = 	snop;
	(pc) =	sbr.rel @p0 .LBB2_186-.Ltmp184, $1  }
0x485: {  	_ =	sdelay $0x3  }
0x486: {  	s31 =	ssub.s32 $0x32, s29  }
0x487: {  	p0 =	sne.s32 s31, $0x1  }
.Ltmp185:
0x488: {  	s30 =	sadd.s32 s26, s29;
	(pc) =	sbr.rel @!p0 .LBB2_185-.Ltmp185, $4  }
0x489: {  	s30 =	sshll.u32 s30, $0x7  }
0x48a: {  	s29 =	sshra.s32 s30, $0x2  }
0x48b: {  	s29 =	sadd.s32 $0x12C00, s29  }
0x48c: {  	s30 =	sadd.s32 $0xFFFFFFFF, s31;
	[tilespmem:s29+$0x0] =	vst v0  }
.LBB2_184:
0x48d: {  	p0 =	sne.s32 s30, $0x1  }
.Ltmp186:
0x48e: {  	_ = 	snop;
	(pc) =	sbr.rel @p0 .LBB2_184-.Ltmp186, $3  }
0x48f: {  	_ =	sdelay $0x1  }
0x490: {  	s30 =	sadd.s32 $0xFFFFFFFF, s30;
	[tilespmem:s29+$0x10] =	vst v0;
	s29 =	sadd.s32 $0x20, s29  }
0x491: {  	[tilespmem:s29+$0x0] =	vst v0  }
.Ltmp187:
0x492: {  	_ = 	snop;
	(pc) =	sbr.rel .LBB2_185-.Ltmp187, $1  }
0x493: {  	_ =	sdelay $0x3  }
.LBB2_187:
.Ltmp188:
0x494: {  	s26 =	simm.s32 $0x0;
	(pc) =	sbr.rel .LBB2_188-.Ltmp188, $4  }
0x495: {  	[hbm4b:s7+s26] =	stream.linear.scatter [tilespmem:s15], [sflag:$0x7], $0x6400, $0x38;
	[tilespmem:$0x1F610] =	vst v63  }
0x496: {  	_ =	swait.ge [sflag:s23], $0x6400  }
0x497: {  	[sflag:s23] =	ssyncset.done $0x0  }
0x498: {  	s28 =	simm.s32 $0x0;
	[sflag:s23] =	ssyncadd.s32 $0xFFFF9C00  }
.LBB2_191:
0x499: {  	[tilespmem:s29+$0x10] =	vst v0  }
.LBB2_192:
0x49a: {  	s28 =	sadd.s32 $0x1, s28  }
0x49b: {  	p0 =	sne.s32 s28, $0x10  }
.Ltmp189:
0x49c: {  	_ = 	snop;
	(pc) =	sbr.rel @!p0 .LBB2_193-.Ltmp189, $2  }
0x49d: {  	_ =	sdelay $0x2  }
0x49e: {  	s26 =	sadd.s32 $0x32, s26  }
.LBB2_188:
0x49f: {  	s29 =	sand.u32 $0xF, s28  }
0x4a0: {  	v1 =	vld [tilespmem:s29+$0x1F5F0];
	_ =	sdelay $0x4  }
0x4a1: {  	(v2sf) =	vpush v1, $0x0;
	_ =	sdelay $0xe  }
0x4a2: {  	s29 =	spop (v2sf)  }
0x4a3: {  	p0 =	sgt.s32 s29, $0x31  }
.Ltmp190:
0x4a4: {  	_ = 	snop;
	(pc) =	sbr.rel @p0 .LBB2_192-.Ltmp190, $1  }
0x4a5: {  	_ =	sdelay $0x3  }
0x4a6: {  	s31 =	ssub.s32 $0x32, s29  }
0x4a7: {  	p0 =	sne.s32 s31, $0x1  }
.Ltmp191:
0x4a8: {  	s30 =	sadd.s32 s26, s29;
	(pc) =	sbr.rel @!p0 .LBB2_191-.Ltmp191, $4  }
0x4a9: {  	s30 =	sshll.u32 s30, $0x7  }
0x4aa: {  	s29 =	sshra.s32 s30, $0x2  }
0x4ab: {  	s29 =	sadd.s32 $0x19000, s29  }
0x4ac: {  	s30 =	sadd.s32 $0xFFFFFFFF, s31;
	[tilespmem:s29+$0x0] =	vst v0  }
.LBB2_190:
0x4ad: {  	p0 =	sne.s32 s30, $0x1  }
.Ltmp192:
0x4ae: {  	_ = 	snop;
	(pc) =	sbr.rel @p0 .LBB2_190-.Ltmp192, $3  }
0x4af: {  	_ =	sdelay $0x1  }
0x4b0: {  	s30 =	sadd.s32 $0xFFFFFFFF, s30;
	[tilespmem:s29+$0x10] =	vst v0;
	s29 =	sadd.s32 $0x20, s29  }
0x4b1: {  	[tilespmem:s29+$0x0] =	vst v0  }
.Ltmp193:
0x4b2: {  	_ = 	snop;
	(pc) =	sbr.rel .LBB2_191-.Ltmp193, $1  }
0x4b3: {  	_ =	sdelay $0x3  }
.LBB2_194:
0x4b4: {  	_ =	sfence.sel $0x180000  }
0x4b5: {  	[bflag:$0x0] =	sbarrier.arrive $0xFFFF  }
0x4b6: {  	_ =	strace $0x90000047  }
0x4b7: {  	s0 =	stileid.u32;
	[bflag:$0x2] =	sbarrier.arrive $0xFFFF  }
0x4b8: {  	p0 =	sne.s32 s0, $0x0;
	s0 =	rddreg [dreg:$0x3]  }
0x4b9: {  	s0 =	sadd.s32 @!p0 $0x100000, s0  }
0x4ba: {  	[sflag:s0] =	ssyncadd.tile.s32 @!p0 $0x1;
	_ =	shalt  }
.Lfunc_end2:
_tile_overlayer_lowered:
.L_overlay_start_2:
0x4bb: {  	(tag) =	ssettag $0x2  }
0x4bc: {  	s0 =	rddreg [dreg:$0x0];
	s2 =	stileid.u32  }
0x4bd: {  	s1 =	rddreg [dreg:$0x1];
	p0 =	sne.s32 s2, $0x0  }
0x4be: {  	s3 =	rddreg [dreg:$0x2];
	[bflag:$0x3] =	sbarrier.arrive $0xFFFF;
	s2 =	simm.s32 @!p0 $0x1C09  }
0x4bf: {  	[timem:s3], [sflag:s2] =	dma.local @!p0 [hbm:s0], s1  }
0x4c0: {  	s0 =	simm.s32 @!p0 $0x9  }
0x4c1: {  	_ =	swait.ge @!p0 [sflag:s0], s1  }
0x4c2: {  	s1 =	ssub.s32 @!p0 $0x0, s1;
	[sflag:s0] =	ssyncset.done @!p0 $0x0  }
0x4c3: {  	[sflag:s0] =	ssyncadd.s32 @!p0 s1  }
0x4c4: {  	[bflag:$0x3] =	sbarrier.arrive $0xFFFF  }
0x4c5: {  	_ =	shalt  }

// kernel: sparse-core-data-format-call.cloned.1.call-start
scs
called_computation_lowered:
.L_overlay_start_0:
0x0: {  	s2 =	sld [smem:$0x3FD9]  }
0x1: {  	s3 =	sld [smem:$0x3FFE];
	_ =	sdelay $0x1  }
0x2: {  	s1 =	srdreg.scid  }
0x3: {  	s0 =	sand.u32 $0x1, s1  }
0x4: {  	s18 =	sshll.u32 s0, $0xA;
	s2 =	sadd.s32 s3, s2  }
0x5: {  	s2 =	sadd.s32 s2, s18  }
0x6: {  	[smem:$0x3FC5] =	sst s2  }
0x7: {  	_ = 	snop  }
0x8: {  	s2 =	sld [smem:$0x3FD0];
	(tm) =	ssettm $0x1  }
0x9: {  	s19 =	sld [smem:$0x3FFB];
	_ =	sdelay $0x3  }
0xa: {  	_ =	strace s19  }
0xb: {  	s3 =	sld [smem:$0x3FFC];
	_ =	sdelay $0x3  }
0xc: {  	_ =	strace s3  }
0xd: {  	s3 =	sld [smem:$0x3FFD];
	_ =	sdelay $0x3  }
0xe: {  	_ =	strace s3  }
0xf: {  	_ =	strace $0x8FFFFFFF  }
0x10: {  	s20 =	sld [smem:$0x3FDB];
	_ =	sdelay $0x1  }
0x11: {  	s4 =	simm.s32 $_scs_section_size  }
0x12: {  	s5 =	simm.s32 $_size__tile_overlayer_lowered;
	s6 =	simm.s32 $_tile_overlayer_lowered  }
0x13: {  	s23 =	simm.s32 $0x1BFF;
	s22 =	sshll.u32 s6, $0x1;
	s3 =	sadd.s32 s4, s20  }
0x14: {  	s7 =	simm.s32 $0x0;
	s21 =	sshll.u32 s5, $0x1;
	s5 =	sadd.s32 s22, s3  }
0x15: {  	[timem:s7], [sflag:s23] =	dma.local [hbm:s5], s21  }
0x16: {  	_ =	swait.ge [sflag:s23], s21  }
0x17: {  	s4 =	ssub.s32 $0x0, s21;
	[sflag:s23] =	ssyncset.done $0x0  }
0x18: {  	[sflag:s23] =	ssyncadd.s32 s4;
	_ =	sdelay $0x1  }
0x19: {  	s24 =	simm.s32 $0x1B8B  }
0x1a: {  	_ =	swait.ge [sflag:s24], $0x1  }
0x1b: {  	[sflag:s24] =	ssyncset.done $0x0  }
0x1c: {  	s26 =	simm.s32 $0x1B8E;
	s25 =	sld [smem:$0x3FFE];
	[sflag:s24] =	ssyncadd.s32 $0xFFFFFFFF  }
0x1d: {  	s27 =	simm.s32 $execute0_lowered;
	[smem:$0x3FD2] =	sst s26  }
0x1e: {  	s5 =	sshll.u32 s27, $0x1;
	_ =	strace $0x80000049;
	[dreg:$0x1] =	wrdreg $0xFFFFFFFF  }
0x1f: {  	s28 =	simm.s32 $_size_execute0_lowered;
	s3 =	sadd.s32 s3, s5;
	[dreg:$0x0] =	wrdreg $0x0  }
0x20: {  	s5 =	sshll.u32 s28, $0x1;
	[dreg:$0x2] =	wrdreg s3  }
0x21: {  	[dreg:$0x3] =	wrdreg s5  }
0x22: {  	[dreg:$0x4] =	wrdreg $0xC0  }
0x23: {  	_ =	task [dreg:s7], $0x5FFFF  }
0x24: {  	[dreg:$0x1] =	wrdreg $0xFFFFFFFF  }
0x25: {  	[dreg:$0x0] =	wrdreg $0x60  }
0x26: {  	[dreg:$0x2] =	wrdreg s25  }
0x27: {  	[dreg:$0x3] =	wrdreg s2  }
0x28: {  	[dreg:$0x4] =	wrdreg $0x9  }
0x29: {  	_ =	task.clear_ibuf [dreg:s7], $0x5FFFF;
	_ =	strace $0x90000049  }
0x2a: {  	s29 =	simm.s32 $0x9;
	_ =	strace $0x8000004B  }
0x2b: {  	_ =	swait.ge [sflag:s29], $0x1  }
0x2c: {  	[sflag:s29] =	ssyncadd.s32 $0xFFFFFFFF  }
0x2d: {  	_ =	strace $0x9000004B  }
0x2e: {  	_ =	sfence  }
0x2f: {  	s30 =	sld [smem:$0x0];
	_ =	sdelay $0x2  }
0x30: {  	s31 =	sshll.u32 s1, $0xD;
	s1 =	sshrl.u32 s1, $0x2  }
0x31: {  	s3 =	sand.u32 $0x4000, s31;
	s1 =	sadd.s32 s1, s30  }
0x32: {  	s0 =	sor.u32 s3, s0;
	s1 =	sshll.u32 s1, $0x11  }
0x33: {  	s0 =	sor.u32 s1, s0  }
0x34: {  	s0 =	sadd.s32 $0x8F2B, s0  }
0x35: {  	[sflag:s0] =	ssyncadd.remote.s32 $0x1  }
0x36: {  	_ =	sfence.sel $0xFFFF  }
0x37: {  	[dreg:$0x0] =	wrdreg $0xFFFFFFFF;
	(pc) =	sbr.abs _section_cstart, $3  }
0x38: {  	[dreg:$0x1] =	wrdreg $0xFFFFFFFF  }
0x39: {  	_ =	task.clear_ibuf [dreg:s7], $0x2FFFF;
	_ =	strace $0x9FFFFFFF  }
0x3a: {  	(tm) =	ssettm $0x7FFFFFFF  }
0x3b: {  	_ =	shalt  }
tec
execute0_lowered:
.L_overlay_start_1:
0x0: {  	(tag) =	ssettag $0x1  }
0x1: {  	s0 =	srdreg.scid  }
0x2: {  	s1 =	sshll.u32 s0, $0x4  }
0x3: {  	s6 =	rddreg [dreg:$0x0];
	s0 =	stileid.u32;
	s1 =	sand.u32 $0x10, s1  }
0x4: {  	s3 =	rddreg [dreg:$0x1];
	s1 =	sor.u32 s0, s1  }
0x5: {  	s5 =	simm.s32 $0x1;
	s31 =	simm.s32 $0x2;
	s2 =	sshll.u32 s1, $0x7  }
0x6: {  	s15 =	simm.s32 $0x0;
	s8 =	simm.s32 $0x20000;
	s4 =	ssub.s32 $0x4000, s2  }
0x7: {  	s14 =	simm.s32 $0x0;
	s9 =	simm.s32 $0x0;
	s30 =	sand.u32 $0xF80, s4  }
0x8: {  	s10 =	simm.s32 $0x0;
	s11 =	simm.s32 $0x0;
	p0 =	sne.s32 s30, $0x0  }
.Ltmp0:
0x9: {  	s7 =	sshrl.u32 s4, $0xC;
	s5 =	simm.s32 @!p0 $0x0;
	(pc) =	sbr.rel .LBB1_1-.Ltmp0, $4  }
0xa: {  	s13 =	simm.s32 $0x0;
	s1 =	rddreg [dreg:$0x2];
	s5 =	sadd.s32 s5, s7  }
0xb: {  	_ =	strace $0x8000004A;
	s4 =	simm.s32 $0x1;
	s5 =	smul.u32 $0xD, s5  }
0xc: {  	s6 =	sadd.s32 $0xA00, s6;
	s12 =	smov.u32 s2;
	[sflag:s4] =	ssyncpa.u1 $0x0  }
0xd: {  	[sflag:s31] =	ssyncpa.u1 $0x0;
	p0 =	por $0x0, $0x0;
	s7 =	sadd.s32 $0x1, s5  }
.LBB1_4:
0xe: {  	s20 =	sshra.s32 s20, $0x2  }
0xf: {  	s28 =	sand.u32 $0x78, s10;
	s21 =	sshll.u32 s9, $0xE;
	s22 =	sshll.u32 s10, $0x3  }
0x10: {  	s24 =	sshll.u32 s9, $0x7;
	p1 =	sgt.s32 s9, $0x5C0;
	s30 =	sshra.s32 s9, $0x1F  }
0x11: {  	s26 =	sshra.s32 s10, $0x1F;
	s19 =	sadd.s32 s20, s19;
	s21 =	sand.u32 $0xFFFE0000, s21  }
0x12: {  	v5 =	vld [tilespmem:s17+$0xFFFFFFD0];
	[tilespmem:s18+$0x2040 ss:$0x81] =	vst.msk $0xffff, v4;
	s23 =	sand.u32 $0xFFFFFC00, s22;
	s29 =	sand.u32 $0x380, s24;
	s22 =	sand.u32 $0x3C00, s22  }
0x13: {  	v58 =	vld [tilespmem:s17+$0xFFFFFFE0];
	[tilespmem:s18+$0x2850 ss:$0x81] =	vst.msk $0xffff, v3;
	s21 =	sadd.s32 s23, s21;
	s20 =	sor.u32 s28, s22;
	s22 =	smov.u32 s9  }
0x14: {  	v59 =	vld [tilespmem:s17+$0xFFFFFFF0];
	[tilespmem:s18+$0x3060 ss:$0x81] =	vst.msk $0xffff, v2;
	s24 =	sand.u32 s30, s9;
	s21 =	sshrl.u32 s21, $0xE;
	s22 =	simm.s32 @!p1 $0x5C0  }
0x15: {  	v60 =	vld [tilespmem:s17+$0x0];
	[tilespmem:s18+$0x0 ss:$0x81] =	vst.msk $0xffff, v1;
	p1 =	sgt.s32 s10, $0x3F80;
	s31 =	ssub.s32 s22, s24;
	s22 =	smov.u32 s10  }
0x16: {  	v61 =	vld [tilespmem:s17+$0x10];
	[tilespmem:s19+$0x3870 ss:$0x81] =	vst.msk $0xffff, v0;
	s25 =	smulhi.u32 $0x28F5C3, s21;
	s24 =	sand.u32 s26, s10;
	s22 =	simm.s32 @!p1 $0x3F80  }
0x17: {  	v62 =	vld [tilespmem:s17+$0x20];
	s20 =	sor.u32 s29, s20;
	[tilespmem:s19+$0x810 ss:$0x81] =	vst.msk $0xffff, v5;
	s27 =	sadd.s32 $0xFFFFFA40, s31;
	s22 =	ssub.s32 s22, s24  }
0x18: {  	v63 =	vld [tilespmem:s17+$0xFFFFFFC0];
	[tilespmem:s19+$0x1020 ss:$0x81] =	vst.msk $0xffff, v58;
	s18 =	ssub.s32 $0x640, s31;
	s28 =	smul.u32 $0x640, s25;
	s29 =	sadd.s32 $0xFFFFC080, s22  }
0x19: {  	[tilespmem:s19+$0x1830 ss:$0x81] =	vst.msk $0xffff, v59;
	p1 =	sgt.s32 s27, $0x7F;
	s22 =	ssub.s32 $0x4000, s22;
	p2 =	sgt.s32 s29, $0x7F  }
0x1a: {  	s30 =	sand.u32 $0x7, s10;
	[tilespmem:s19+$0x2040 ss:$0x81] =	vst.msk $0xffff, v60;
	s18 =	simm.s32 @p1 $0x0;
	s22 =	simm.s32 @p2 $0x0  }
0x1b: {  	s20 =	sshrl.u32 s20, $0x3;
	[tilespmem:s19+$0x2850 ss:$0x81] =	vst.msk $0xffff, v61;
	s17 =	ssub.s32 s21, s28;
	s18 =	smul.u32 s22, s18  }
0x1c: {  	[tilespmem:s19+$0x3060 ss:$0x81] =	vst.msk $0xffff, v62;
	s20 =	sadd.s32 s3, s20;
	s21 =	sshll.u32 s30, $0x12;
	s17 =	sshll.u32 s17, $0xB  }
0x1d: {  	[tilespmem:s19+$0x0 ss:$0x81] =	vst.msk $0xffff, v63;
	s31 =	sor.u32 $0x400, s21;
	s17 =	sadd.s32 s17, s20;
	s18 =	sand.u32 $0x3FFFFFFF, s18  }
0x1e: {  	[hbm4b:s17+s31] =	stream.strided.scatter [tilespmem:s16], [sflag:$0x2], s18, s8, s31, $0x20;
	[tilespmem:$0x10100] =	vst v63  }
.LBB1_5:
0x1f: {  	p1 =	slt.u32 s13, $0x2  }
0x20: {  	s17 =	smov.u32 s15;
	p2 =	sgt.s32 @!p1 s15, $0x5C0;
	s16 =	sshra.s32 @!p1 s15, $0x1F  }
0x21: {  	p3 =	sgt.s32 @!p1 s14, $0x3F80;
	s18 =	sshra.s32 @!p1 s14, $0x1F;
	p2 =	por !p2, p1  }
0x22: {  	s15 =	sand.u32 @!p1 s16, s15;
	p3 =	por !p3, p1;
	s16 =	smov.u32 s14  }
0x23: {  	s14 =	sand.u32 @!p1 s18, s14;
	s17 =	simm.s32 @p2 $0x5C0;
	s16 =	simm.s32 @p3 $0x3F80  }
0x24: {  	s15 =	ssub.s32 @!p1 s17, s15;
	s14 =	ssub.s32 @!p1 s16, s14  }
0x25: {  	s18 =	smov.u32 s12;
	s16 =	sadd.s32 @!p1 $0xFFFFFA40, s15;
	s17 =	sadd.s32 @!p1 $0xFFFFC080, s14  }
0x26: {  	s15 =	ssub.s32 @!p1 $0x640, s15;
	p2 =	sgt.s32 @!p1 s16, $0x7F;
	p3 =	sgt.s32 @!p1 s17, $0x7F  }
0x27: {  	s14 =	ssub.s32 @!p1 $0x4000, s14;
	p2 =	por !p2, p1;
	p3 =	por !p3, p1  }
0x28: {  	s16 =	sadd.s32 $0x80, s11;
	s15 =	simm.s32 @!p2 $0x0;
	s14 =	simm.s32 @!p3 $0x0  }
0x29: {  	p2 =	sgt.s32 s16, $0x63F;
	s14 =	smul.u32 @!p1 s14, s15;
	s15 =	sadd.s32 $0x1000, s12  }
0x2a: {  	s18 =	smov.u32 @p2 s15  }
0x2b: {  	s16 =	simm.s32 @p2 $0x0;
	p2 =	sgt.s32 s18, $0x3FFF  }
0x2c: {  	s18 =	smov.u32 @p2 s2;
	p2 =	sne.s32 s13, s7  }
.Ltmp1:
0x2d: {  	p0 =	por !p0, !p0;
	s17 =	simm.s32 @!p1 $0x2;
	(pc) =	sbr.rel @!p2 .LBB1_6-.Ltmp1, $4  }
0x2e: {  	s15 =	smov.u32 s9;
	s9 =	smov.u32 s11;
	s14 =	sand.u32 @!p1 $0x3FFFFFFF, s14  }
0x2f: {  	s11 =	smov.u32 s16;
	_ =	swait.ge @!p1 [sflag:s17], s14;
	s19 =	ssub.s32 @!p1 $0x0, s14  }
0x30: {  	s14 =	smov.u32 s10;
	s13 =	sadd.s32 $0x1, s13;
	[sflag:s17] =	ssyncset.done @!p1 $0x0  }
0x31: {  	s10 =	smov.u32 s12;
	s12 =	smov.u32 s18;
	[sflag:s17] =	ssyncadd.s32 @!p1 s19  }
.LBB1_1:
0x32: {  	p1 =	sge.u32 s13, s5  }
0x33: {  	s16 =	sshrl.u32 @!p1 s12, $0x3  }
0x34: {  	s17 =	sshll.u32 @!p1 s11, $0x3;
	s16 =	smul.u32 @!p1 $0x3400, s16  }
0x35: {  	s18 =	sshll.u32 @!p1 s12, $0x7;
	s17 =	sand.u32 @!p1 $0xFFFFFC00, s17  }
0x36: {  	s16 =	sadd.s32 @!p1 s16, s17;
	s17 =	sand.u32 @!p1 $0x380, s18  }
0x37: {  	s18 =	sand.u32 @!p1 $0x7F, s11;
	s16 =	sor.u32 @!p1 s17, s16  }
0x38: {  	s17 =	sor.u32 @!p1 s18, s16  }
0x39: {  	s18 =	smulhi.u32 @!p1 $0x4EC4EC4F, s17;
	_ =	sdelay $0x1  }
0x3a: {  	s16 =	smulhi.u32 @!p1 $0x4EC4EC4F, s16;
	s18 =	sshrl.u32 @!p1 s18, $0x9  }
0x3b: {  	s18 =	smul.u32 @!p1 $0x680, s18  }
0x3c: {  	s31 =	sadd.s32 $0xFFFFFFFF, s13;
	s19 =	sxor.u32 @!p1 $0xFFFFFFFF, s13;
	s16 =	sshrl.u32 @!p1 s16, $0x9  }
0x3d: {  	s19 =	sshll.u32 @!p1 s19, $0xE;
	s16 =	sand.u32 @!p1 $0x3FFF, s16;
	s17 =	ssub.s32 @!p1 s17, s18  }
0x3e: {  	s16 =	smul.u32 @!p1 $0xD0, s16;
	s18 =	sshrl.u32 @!p1 s17, $0x3;
	s17 =	sand.u32 @!p1 $0x7, s17  }
0x3f: {  	s19 =	sand.u32 @!p1 $0x4000, s19;
	s18 =	sadd.s32 @!p1 s6, s18;
	s17 =	sshll.u32 @!p1 s17, $0x12  }
0x40: {  	s16 =	sadd.s32 @!p1 s16, s18;
	s17 =	sor.u32 @!p1 $0x400, s17;
	s18 =	simm.s32 @!p1 $0x3400  }
0x41: {  	[tilespmem:s19], [sflag:$0x1] =	stream.strided.gather @!p1 [hbm4b:s16+s17], $0x4000, s18, s17, $0x38;
	[tilespmem:$0x10100] =	vst v63  }
0x42: {  	p1 =	sge.u32 s31, s5  }
.Ltmp2:
0x43: {  	_ = 	snop;
	(pc) =	sbr.rel @p1 .LBB1_5-.Ltmp2, $1  }
0x44: {  	_ =	sdelay $0x3  }
0x45: {  	s16 =	simm.s32 $0x1  }
0x46: {  	_ =	swait.ge [sflag:s4], $0x4000;
	s16 =	simm.s32 @!p0 $0x0  }
0x47: {  	[sflag:s4] =	ssyncset.done $0x0;
	s17 =	sshll.u32 s16, $0xE  }
0x48: {  	[sflag:s4] =	ssyncadd.s32 $0xFFFFC000;
	s17 =	sor.u32 $0x40, s17  }
0x49: {  	s16 =	smul.u32 $0x10200, s16;
	v0 =	vld [tilespmem:s17+$0x30]  }
0x4a: {  	v1 =	vld [tilespmem:s17+$0xFFFFFFD0]  }
0x4b: {  	s16 =	sshrl.u32 s16, $0x2;
	v5 =	vld [tilespmem:s17+$0xFFFFFFE0]  }
0x4c: {  	v6 =	vld [tilespmem:s17+$0xFFFFFFF0];
	s19 =	sor.u32 $0x8000, s16  }
0x4d: {  	s31 =	sand.u32 $0x1, s13;
	v4 =	vld [tilespmem:s17+$0x0];
	s18 =	sadd.s32 $0x0, s19  }
0x4e: {  	v3 =	vld [tilespmem:s17+$0x10];
	s16 =	smul.u32 $0x10200, s31;
	[tilespmem:s18+$0x3870 ss:$0x81] =	vst.msk $0xffff, v0  }
0x4f: {  	v2 =	vld [tilespmem:s17+$0x20];
	[tilespmem:s18+$0x810 ss:$0x81] =	vst.msk $0xffff, v1  }
0x50: {  	s16 =	sshrl.u32 s16, $0x2;
	v1 =	vld [tilespmem:s17+$0xFFFFFFC0];
	[tilespmem:s18+$0x1020 ss:$0x81] =	vst.msk $0xffff, v5;
	s17 =	sadd.s32 $0x80, s17  }
0x51: {  	s20 =	simm.s32 $0x4;
	s21 =	simm.s32 $0x8;
	s16 =	sor.u32 $0x8000, s16;
	[tilespmem:s18+$0x1830 ss:$0x81] =	vst.msk $0xffff, v6;
	v0 =	vld [tilespmem:s17+$0x30]  }
.LBB1_3:
0x52: {  	p1 =	sne.s32 s21, $0x1FC;
	v5 =	vld [tilespmem:s17+$0xFFFFFFD0];
	[tilespmem:s18+$0x2040 ss:$0x81] =	vst.msk $0xffff, v4  }
0x53: {  	v6 =	vld [tilespmem:s17+$0xFFFFFFE0];
	[tilespmem:s18+$0x2850 ss:$0x81] =	vst.msk $0xffff, v3  }
0x54: {  	s22 =	sshra.s32 s20, $0x2;
	s20 =	smov.u32 s21;
	v7 =	vld [tilespmem:s17+$0xFFFFFFF0];
	[tilespmem:s18+$0x3060 ss:$0x81] =	vst.msk $0xffff, v2  }
.Ltmp3:
0x55: {  	v4 =	vld [tilespmem:s17+$0x0];
	[tilespmem:s18+$0x0 ss:$0x81] =	vst.msk $0xffff, v1;
	s18 =	sadd.s32 s22, s19;
	(pc) =	sbr.rel @p1 .LBB1_3-.Ltmp3, $4  }
0x56: {  	v3 =	vld [tilespmem:s17+$0x10];
	[tilespmem:s18+$0x3870 ss:$0x81] =	vst.msk $0xffff, v0  }
0x57: {  	[tilespmem:s18+$0x810 ss:$0x81] =	vst.msk $0xffff, v5;
	v2 =	vld [tilespmem:s17+$0x20]  }
0x58: {  	v1 =	vld [tilespmem:s17+$0xFFFFFFC0];
	[tilespmem:s18+$0x1020 ss:$0x81] =	vst.msk $0xffff, v6;
	s17 =	sadd.s32 $0x80, s17  }
0x59: {  	s21 =	sadd.s32 $0x4, s21;
	v0 =	vld [tilespmem:s17+$0x30];
	[tilespmem:s18+$0x1830 ss:$0x81] =	vst.msk $0xffff, v7  }
.Ltmp4:
0x5a: {  	_ = 	snop;
	(pc) =	sbr.rel .LBB1_4-.Ltmp4, $1  }
0x5b: {  	_ =	sdelay $0x3  }
.LBB1_6:
0x5c: {  	_ =	sfence.sel $0x180000  }
0x5d: {  	s2 =	simm.s32 $0x1;
	[bflag:$0x0] =	sbarrier.arrive $0xFFFF  }
0x5e: {  	s31 =	simm.s32 $0x2;
	[sflag:s2] =	ssyncpa.u1 $0x1  }
0x5f: {  	[sflag:s31] =	ssyncpa.u1 $0x1  }
0x60: {  	p0 =	sne.s32 s0, $0x0;
	_ =	strace $0x9000004A  }
0x61: {  	s0 =	sadd.s32 @!p0 $0x100000, s1;
	[bflag:$0x2] =	sbarrier.arrive $0xFFFF  }
0x62: {  	[sflag:s0] =	ssyncadd.tile.s32 @!p0 $0x1;
	_ =	shalt  }
.Lfunc_end1:
_tile_overlayer_lowered:
.L_overlay_start_2:
0x63: {  	(tag) =	ssettag $0x2  }
0x64: {  	s0 =	rddreg [dreg:$0x0];
	s2 =	stileid.u32  }
0x65: {  	s1 =	rddreg [dreg:$0x1];
	p0 =	sne.s32 s2, $0x0  }
0x66: {  	s3 =	rddreg [dreg:$0x2];
	[bflag:$0x3] =	sbarrier.arrive $0xFFFF;
	s2 =	simm.s32 @!p0 $0x1C01  }
0x67: {  	[timem:s3], [sflag:s2] =	dma.local @!p0 [hbm:s0], s1  }
0x68: {  	s0 =	simm.s32 @!p0 $0x1  }
0x69: {  	_ =	swait.ge @!p0 [sflag:s0], s1  }
0x6a: {  	s1 =	ssub.s32 @!p0 $0x0, s1;
	[sflag:s0] =	ssyncset.done @!p0 $0x0  }
0x6b: {  	[sflag:s0] =	ssyncadd.s32 @!p0 s1  }
0x6c: {  	[bflag:$0x3] =	sbarrier.arrive $0xFFFF  }
0x6d: {  	_ =	shalt  }

</sc_bundles>
